<compile_context>
chip_gen: v7x
topology: tpu7x:2x2x1
jax: 0.10.2.dev20260603
libtpu: 0.0.44.dev20260713+nightly
codegen_flags: <defaults>
</compile_context>

<pallas_src>
import functools
import jax
import jax.numpy as jnp
from jax import lax
from jax.experimental import pallas as pl
from jax.experimental.pallas import tpu as pltpu
from jax.experimental.pallas import tpu_sc as plsc

NC = 2
NS = 16
NW = NC * NS
D = 128
K = 125
ZR = 32


def _fill_zeros(ref, nrows):
    def body(t, _):
        i = t // (D // 16)
        j = t % (D // 16)
        ref[i, pl.ds(j * 16, 16)] = jnp.zeros((16,), jnp.float32)
        return 0
    lax.fori_loop(0, nrows * (D // 16), body, 0)


def _make_deg_kernel(n_nodes, nchunk):
    rows_per = n_nodes // NS
    mesh = plsc.VectorSubcoreMesh(core_axis_name="c", subcore_axis_name="s")

    @functools.partial(
        pl.kernel,
        out_type=jax.ShapeDtypeStruct((NC, n_nodes, D), jnp.float32),
        mesh=mesh,
        scratch_types=[
            pltpu.VMEM((nchunk, K), jnp.int32),
            pltpu.VMEM((K, D), jnp.float32),
            pltpu.VMEM((ZR, D), jnp.float32),
            pltpu.VMEM_SHARED((n_nodes, D), jnp.float32),
        ],
    )
    def deg_kernel(dst_hbm, out_hbm, dst_loc, ones_v, zbuf, acc):
        cid = lax.axis_index("c")
        sid = lax.axis_index("s")
        wid = cid * NS + sid
        pltpu.sync_copy(dst_hbm.at[wid], dst_loc)

        def fill_ones(t, _):
            i = t // (D // 16)
            j = t % (D // 16)
            ones_v[i, pl.ds(j * 16, 16)] = jnp.ones((16,), jnp.float32)
            return 0
        lax.fori_loop(0, K * (D // 16), fill_ones, 0)
        _fill_zeros(zbuf, ZR)
        for q in range(rows_per // ZR):
            pltpu.sync_copy(zbuf, acc.at[pl.ds(sid * rows_per + q * ZR, ZR)])
        plsc.subcore_barrier()

        def body(j, _):
            pltpu.sync_copy(ones_v, acc.at[dst_loc.at[j]], add=True)
            return 0
        lax.fori_loop(0, nchunk, body, 0)
        plsc.subcore_barrier()
        for q in range(rows_per // ZR):
            r = sid * rows_per + q * ZR
            pltpu.sync_copy(acc.at[pl.ds(r, ZR)], zbuf)
            pltpu.sync_copy(zbuf, out_hbm.at[cid, pl.ds(r, ZR)])

    return deg_kernel


def _make_agg_kernel(n_nodes, nchunk):
    rows_per = n_nodes // NS
    mesh = plsc.VectorSubcoreMesh(core_axis_name="c", subcore_axis_name="s")

    @functools.partial(
        pl.kernel,
        out_type=jax.ShapeDtypeStruct((NC, n_nodes, D), jnp.float32),
        mesh=mesh,
        scratch_types=[
            pltpu.VMEM((nchunk, K), jnp.int32),
            pltpu.VMEM((nchunk, K), jnp.int32),
            pltpu.VMEM((K, D), jnp.float32),
            pltpu.VMEM((ZR, D), jnp.float32),
            pltpu.VMEM_SHARED((n_nodes, D), jnp.float32),
            pltpu.SemaphoreType.DMA,
        ],
    )
    def agg_kernel(hs_hbm, src_hbm, dst_hbm, out_hbm,
                   src_loc, dst_loc, rows, zbuf, acc, sem):
        cid = lax.axis_index("c")
        sid = lax.axis_index("s")
        wid = cid * NS + sid
        pltpu.sync_copy(src_hbm.at[wid], src_loc)
        pltpu.sync_copy(dst_hbm.at[wid], dst_loc)

        _fill_zeros(zbuf, ZR)
        for q in range(rows_per // ZR):
            pltpu.sync_copy(zbuf, acc.at[pl.ds(sid * rows_per + q * ZR, ZR)])
        plsc.subcore_barrier()

        def body(j, _):
            pltpu.async_copy(hs_hbm.at[src_loc.at[j]], rows, sem).wait()
            pltpu.sync_copy(rows, acc.at[dst_loc.at[j]], add=True)
            return 0
        lax.fori_loop(0, nchunk, body, 0)
        plsc.subcore_barrier()
        for q in range(rows_per // ZR):
            r = sid * rows_per + q * ZR
            pltpu.sync_copy(acc.at[pl.ds(r, ZR)], zbuf)
            pltpu.sync_copy(zbuf, out_hbm.at[cid, pl.ds(r, ZR)])

    return agg_kernel


def _tc1(x, w1, degp):
    n, d_out = x.shape[0], w1.shape[1]

    def body(x_ref, w_ref, deg_ref, hs_ref, dis_ref):
        deg = deg_ref[0, :, 0:1] + deg_ref[1, :, 0:1]
        dis = lax.rsqrt(deg + 1.0)
        h = jnp.dot(x_ref[...], w_ref[...],
                    preferred_element_type=jnp.float32)
        hs_ref[...] = dis * h
        dis_ref[...] = dis

    return pl.pallas_call(
        body,
        out_shape=(jax.ShapeDtypeStruct((n, d_out), jnp.float32),
                   jax.ShapeDtypeStruct((n, 1), jnp.float32)),
    )(x, w1, degp)


def _tc2(agg, hs1, dis, b1, w2):
    n, d_out = hs1.shape[0], w2.shape[1]

    def body(agg_ref, hs_ref, dis_ref, b_ref, w_ref, out_ref):
        s = agg_ref[0, :, :] + agg_ref[1, :, :] + hs_ref[...]
        z = jnp.maximum(dis_ref[...] * s + b_ref[...], 0.0)
        h2 = jnp.dot(z, w_ref[...], preferred_element_type=jnp.float32)
        out_ref[...] = dis_ref[...] * h2

    return pl.pallas_call(
        body,
        out_shape=jax.ShapeDtypeStruct((n, d_out), jnp.float32),
    )(agg, hs1, dis, b1, w2)


def _tc3(agg, hs2, dis, b2, wfc, bfc):
    n, d_out = hs2.shape[0], wfc.shape[1]

    def body(agg_ref, hs_ref, dis_ref, b_ref, w_ref, bfc_ref, out_ref):
        s = agg_ref[0, :, :] + agg_ref[1, :, :] + hs_ref[...]
        z = jnp.maximum(dis_ref[...] * s + b_ref[...], 0.0)
        out_ref[...] = jnp.dot(z, w_ref[...],
                               preferred_element_type=jnp.float32) + bfc_ref[...]

    return pl.pallas_call(
        body,
        out_shape=jax.ShapeDtypeStruct((n, d_out), jnp.float32),
    )(agg, hs2, dis, b2, wfc, bfc)


def kernel(x, edge_index, W1, b1, W2, b2, Wfc, bfc):
    n = x.shape[0]
    e = edge_index.shape[1]
    hid2 = W1.shape[1]
    hid = W2.shape[1]
    ncls = Wfc.shape[1]

    npad = ((n + NS * ZR - 1) // (NS * ZR)) * (NS * ZR)
    assert e % (NW * K) == 0 and hid2 == D

    nchunk = e // (NW * K)

    ei = edge_index.astype(jnp.int32)
    src3 = ei[0].reshape(NW, nchunk, K)
    dst3 = ei[1].reshape(NW, nchunk, K)

    x_p = jnp.pad(x, ((0, npad - n), (0, 0)))
    w2_p = jnp.pad(W2, ((0, 0), (0, D - hid)))
    b2r = jnp.pad(b2, (0, D - hid)).reshape(1, D)
    wfc_p = jnp.pad(Wfc, ((0, D - hid), (0, D - ncls)))
    bfc_p = jnp.pad(bfc, (0, D - ncls)).reshape(1, D)
    b1r = b1.reshape(1, hid2)

    degp = _make_deg_kernel(npad, nchunk)(dst3)
    hs1, dis = _tc1(x_p, W1, degp)
    agg1 = _make_agg_kernel(npad, nchunk)(hs1, src3, dst3)
    hs2 = _tc2(agg1, hs1, dis, b1r, w2_p)
    agg2 = _make_agg_kernel(npad, nchunk)(hs2, src3, dst3)
    out = _tc3(agg2, hs2, dis, b2r, wfc_p, bfc_p)
    return out[:n, :ncls]

# --- scband reference (transcript-rebuilt; emitter-appended) ---
"""Pipeline reference for scband-gcn-encoder-3118146257543 (READ-ONLY COPY).

The authoritative reference and input builder live on the scoring server;
editing this copy changes nothing except your own understanding.
"""

import jax, jax.numpy as jnp
import numpy as np

N = 10000
E = 320000
D_IN = 128
HID = 64
NUM_CLASSES = 40


def setup_inputs(seed: int = 0) -> dict:
    key = jax.random.key(seed)
    ks = jax.random.split(key, 8)
    x = jax.random.normal(ks[0], (N, D_IN), dtype=jnp.float32)
    edge_index = jax.random.randint(ks[1], (2, E), 0, N)
    # GCN_Encoder with num_layers=2: convs = [GCNConv(128 -> 2*64=128), GCNConv(128 -> 64)], fc: 64 -> 40
    W1 = jax.random.normal(ks[2], (D_IN, 2 * HID), dtype=jnp.float32) * (1.0 / np.sqrt(D_IN))
    b1 = jnp.zeros((2 * HID,), dtype=jnp.float32)
    W2 = jax.random.normal(ks[3], (2 * HID, HID), dtype=jnp.float32) * (1.0 / np.sqrt(2 * HID))
    b2 = jnp.zeros((HID,), dtype=jnp.float32)
    Wfc = jax.random.normal(ks[4], (HID, NUM_CLASSES), dtype=jnp.float32) * (1.0 / np.sqrt(HID))
    bfc = jnp.zeros((NUM_CLASSES,), dtype=jnp.float32)
    return {"x": x, "edge_index": edge_index, "W1": W1, "b1": b1, "W2": W2, "b2": b2, "Wfc": Wfc, "bfc": bfc}


def _gcn_conv(x, src, dst, norm, W, b):
    # PyG GCNConv: linear transform, then symmetric-normalized scatter-add aggregation, then bias
    h = x @ W
    msg = norm[:, None] * jnp.take(h, src, axis=0)
    out = jnp.zeros((x.shape[0], h.shape[1]), dtype=h.dtype).at[dst].add(msg)
    return out + b


def _norm_and_loops(edge_index, n_nodes):
    loop = jnp.arange(n_nodes, dtype=edge_index.dtype)
    src = jnp.concatenate([edge_index[0], loop])
    dst = jnp.concatenate([edge_index[1], loop])
    deg = jnp.zeros((n_nodes,), dtype=jnp.float32).at[dst].add(1.0)
    dis = jnp.where(deg > 0, deg ** -0.5, 0.0)
    norm = dis[src] * dis[dst]
    return src, dst, norm


def reference(x, edge_index, W1, b1, W2, b2, Wfc, bfc):
    src, dst, norm = _norm_and_loops(edge_index, x.shape[0])
    h = jax.nn.relu(_gcn_conv(x, src, dst, norm, W1, b1))
    h = jax.nn.relu(_gcn_conv(h, src, dst, norm, W2, b2))
    out = h @ Wfc + bfc
    return out

if __name__ == "__main__":
    import jax
    _d = setup_inputs()
    print(jax.jit(kernel)(*tuple(_d.values())))

</pallas_src>

<mosaic_0001>
#map = affine_map<(d0, d1) -> (0, 0, 0)>
module attributes {stable_mosaic.version = 14 : i64} {
  func.func @deg_kernel(%arg0: i32, %arg1: i32, %arg2: memref<32x80x125xi32, #tpu.memory_space<hbm>>, %arg3: memref<2x10240x128xf32, #tpu.memory_space<hbm>>, %arg4: memref<80x125xi32, #tpu.memory_space<vmem>>, %arg5: memref<125x128xf32, #tpu.memory_space<vmem>>, %arg6: memref<32x128xf32, #tpu.memory_space<vmem>>, %arg7: memref<10240x128xf32, #tpu.memory_space<vmem_shared>>) attributes {dimension_semantics = [#tpu.dimension_semantics<core_parallel>, #tpu.dimension_semantics<subcore_parallel>], iteration_bounds = array<i64: 2, 16>, scalar_prefetch = 0 : i64, scratch_operands = 4 : i64, tpu.core_type = #tpu.core_type<sc_vector_subcore>, window_params = [{transform_indices = #map}, {transform_indices = #map}]} {
    %mul3A = arith.constant 16 : i32
    %mul3A_0 = arith.muli %arg0, %mul3A : i32
    %add3A = arith.addi %mul3A_0, %arg1 : i32
    "tpu.region"() ({
      %run_scoped3A = tpu.sem_alloc : memref<!tpu.dma_semaphore, #tpu.memory_space<semaphore_mem>>
      %dma_start3A = arith.constant 0 : i32
      %dma_start3A_182 = arith.constant 0 : i32
      %dma_start3A_183 = tpu.memref_slice %arg2[%add3A, %dma_start3A, %dma_start3A_182] : memref<32x80x125xi32, #tpu.memory_space<hbm>> -> memref<1x80x125xi32, #tpu.memory_space<hbm>>
      %dma_start3A_184 = tpu.memref_squeeze %dma_start3A_183 : memref<1x80x125xi32, #tpu.memory_space<hbm>> -> memref<80x125xi32, #tpu.memory_space<hbm>>
      %dma_start3A_185 = arith.constant 0 : i32
      %dma_start3A_186 = arith.constant 0 : i32
      %dma_start3A_187 = tpu.memref_slice %arg2[%add3A, %dma_start3A_185, %dma_start3A_186] : memref<32x80x125xi32, #tpu.memory_space<hbm>> -> memref<1x80x125xi32, #tpu.memory_space<hbm>>
      %dma_start3A_188 = tpu.memref_squeeze %dma_start3A_187 : memref<1x80x125xi32, #tpu.memory_space<hbm>> -> memref<80x125xi32, #tpu.memory_space<hbm>>
      tpu.enqueue_dma source(%dma_start3A_188 : memref<80x125xi32, #tpu.memory_space<hbm>>) target(%arg4 : memref<80x125xi32, #tpu.memory_space<vmem>>) target_semaphore(%run_scoped3A : memref<!tpu.dma_semaphore, #tpu.memory_space<semaphore_mem>>)
      %dma_wait3A = arith.constant 0 : i32
      %dma_wait3A_189 = arith.constant 0 : i32
      %dma_wait3A_190 = tpu.memref_slice %arg2[%add3A, %dma_wait3A, %dma_wait3A_189] : memref<32x80x125xi32, #tpu.memory_space<hbm>> -> memref<1x80x125xi32, #tpu.memory_space<hbm>>
      %dma_wait3A_191 = tpu.memref_squeeze %dma_wait3A_190 : memref<1x80x125xi32, #tpu.memory_space<hbm>> -> memref<80x125xi32, #tpu.memory_space<hbm>>
      %dma_wait3A_192 = arith.constant 0 : i32
      %dma_wait3A_193 = arith.constant 0 : i32
      %dma_wait3A_194 = tpu.memref_slice %arg2[%add3A, %dma_wait3A_192, %dma_wait3A_193] : memref<32x80x125xi32, #tpu.memory_space<hbm>> -> memref<1x80x125xi32, #tpu.memory_space<hbm>>
      %dma_wait3A_195 = tpu.memref_squeeze %dma_wait3A_194 : memref<1x80x125xi32, #tpu.memory_space<hbm>> -> memref<80x125xi32, #tpu.memory_space<hbm>>
      tpu.wait_dma2 semaphore(%run_scoped3A : memref<!tpu.dma_semaphore, #tpu.memory_space<semaphore_mem>>) src(%dma_wait3A_195 : memref<80x125xi32, #tpu.memory_space<hbm>>) dst(%arg4 : memref<80x125xi32, #tpu.memory_space<vmem>>)
      tpu.yield
    }) : () -> ()
    %scan3A = arith.constant 0 : i32
    %scan3A_1 = arith.constant 0 : i32
    %scan3A_2 = arith.constant 1000 : i32
    %scan3A_3 = arith.addi %scan3A_1, %scan3A_2 : i32
    %scan3A_4 = arith.constant 1 : i32
    %scan3A_5 = scf.for %scan3A_182 = %scan3A_1 to %scan3A_3 step %scan3A_4 iter_args(%scan3A_183 = %scan3A) -> (i32)  : i32 {
      %jit3A = arith.constant 8 : i32
      %div3A = arith.divsi %scan3A_182, %jit3A : i32
      %sign3A = arith.constant 0 : i32
      %sign3A_184 = arith.cmpi sgt, %scan3A_182, %sign3A : i32
      %sign3A_185 = arith.extui %sign3A_184 : i1 to i32
      %sign3A_186 = arith.constant 0 : i32
      %sign3A_187 = arith.cmpi slt, %scan3A_182, %sign3A_186 : i32
      %sign3A_188 = arith.extui %sign3A_187 : i1 to i32
      %sign3A_189 = arith.subi %sign3A_185, %sign3A_188 : i32
      %sign3A_190 = arith.constant 0 : i32
      %sign3A_191 = arith.cmpi sgt, %jit3A, %sign3A_190 : i32
      %sign3A_192 = arith.extui %sign3A_191 : i1 to i32
      %sign3A_193 = arith.constant 0 : i32
      %sign3A_194 = arith.cmpi slt, %jit3A, %sign3A_193 : i32
      %sign3A_195 = arith.extui %sign3A_194 : i1 to i32
      %sign3A_196 = arith.subi %sign3A_192, %sign3A_195 : i32
      %ne3A = arith.cmpi ne, %sign3A_189, %sign3A_196 : i32
      %rem3A = arith.remsi %scan3A_182, %jit3A : i32
      %ne3A_197 = arith.constant 0 : i32
      %ne3A_198 = arith.cmpi ne, %rem3A, %ne3A_197 : i32
      %and3A = arith.andi %ne3A, %ne3A_198 : i1
      %sub3A = arith.constant 1 : i32
      %sub3A_199 = arith.subi %div3A, %sub3A : i32
      %select_n3A = arith.select %and3A, %sub3A_199, %div3A : i32
      %jit3A_200 = arith.constant 8 : i32
      %eq3A = arith.constant 0 : i32
      %eq3A_201 = arith.cmpi eq, %jit3A_200, %eq3A : i32
      %jit3A_202 = arith.constant 1 : i32
      %select_n3A_203 = arith.select %eq3A_201, %jit3A_202, %jit3A_200 : i32
      %rem3A_204 = arith.remsi %scan3A_182, %select_n3A_203 : i32
      %ne3A_205 = arith.constant 0 : i32
      %ne3A_206 = arith.cmpi ne, %rem3A_204, %ne3A_205 : i32
      %lt3A = arith.constant 0 : i32
      %lt3A_207 = arith.cmpi slt, %rem3A_204, %lt3A : i32
      %lt3A_208 = arith.constant 0 : i32
      %lt3A_209 = arith.cmpi slt, %select_n3A_203, %lt3A_208 : i32
      %ne3A_210 = arith.xori %lt3A_207, %lt3A_209 : i1
      %and3A_211 = arith.andi %ne3A_210, %ne3A_206 : i1
      %add3A_212 = arith.addi %rem3A_204, %select_n3A_203 : i32
      %select_n3A_213 = arith.select %and3A_211, %add3A_212, %rem3A_204 : i32
      %broadcast_in_dim3A = arith.constant 1.000000e+00 : f32
      %broadcast_in_dim3A_214 = vector.broadcast %broadcast_in_dim3A : f32 to vector<16xf32>
      %mul3A_215 = arith.constant 16 : i32
      %mul3A_216 = arith.muli %select_n3A_213, %mul3A_215 : i32
      %swap3A = arith.index_cast %select_n3A : i32 to index
      %swap3A_217 = arith.index_cast %mul3A_216 : i32 to index
      %swap3A_218 = tpu.vector_load %arg5[%swap3A, %swap3A_217] {strides = array<i32>} : memref<125x128xf32, #tpu.memory_space<vmem>>, vector<1x16xf32>,
      %swap3A_219 = vector.shape_cast %swap3A_218 : vector<1x16xf32> to vector<16xf32>
      %swap3A_220 = vector.shape_cast %broadcast_in_dim3A_214 : vector<16xf32> to vector<1x16xf32>
      tpu.vector_store %arg5[%swap3A, %swap3A_217], %swap3A_220 {strides = array<i32>} : memref<125x128xf32, #tpu.memory_space<vmem>>, vector<1x16xf32>,
      %scan3A_221 = arith.constant 0 : i32
      scf.yield %scan3A_221 : i32
    }
    %scan3A_6 = arith.constant 1000 : i32
    %scan3A_7 = arith.constant 0 : i32
    %scan3A_8 = arith.constant 0 : i32
    %scan3A_9 = arith.constant 256 : i32
    %scan3A_10 = arith.addi %scan3A_8, %scan3A_9 : i32
    %scan3A_11 = arith.constant 1 : i32
    %scan3A_12 = scf.for %scan3A_182 = %scan3A_8 to %scan3A_10 step %scan3A_11 iter_args(%scan3A_183 = %scan3A_7) -> (i32)  : i32 {
      %jit3A = arith.constant 8 : i32
      %div3A = arith.divsi %scan3A_182, %jit3A : i32
      %sign3A = arith.constant 0 : i32
      %sign3A_184 = arith.cmpi sgt, %scan3A_182, %sign3A : i32
      %sign3A_185 = arith.extui %sign3A_184 : i1 to i32
      %sign3A_186 = arith.constant 0 : i32
      %sign3A_187 = arith.cmpi slt, %scan3A_182, %sign3A_186 : i32
      %sign3A_188 = arith.extui %sign3A_187 : i1 to i32
      %sign3A_189 = arith.subi %sign3A_185, %sign3A_188 : i32
      %sign3A_190 = arith.constant 0 : i32
      %sign3A_191 = arith.cmpi sgt, %jit3A, %sign3A_190 : i32
      %sign3A_192 = arith.extui %sign3A_191 : i1 to i32
      %sign3A_193 = arith.constant 0 : i32
      %sign3A_194 = arith.cmpi slt, %jit3A, %sign3A_193 : i32
      %sign3A_195 = arith.extui %sign3A_194 : i1 to i32
      %sign3A_196 = arith.subi %sign3A_192, %sign3A_195 : i32
      %ne3A = arith.cmpi ne, %sign3A_189, %sign3A_196 : i32
      %rem3A = arith.remsi %scan3A_182, %jit3A : i32
      %ne3A_197 = arith.constant 0 : i32
      %ne3A_198 = arith.cmpi ne, %rem3A, %ne3A_197 : i32
      %and3A = arith.andi %ne3A, %ne3A_198 : i1
      %sub3A = arith.constant 1 : i32
      %sub3A_199 = arith.subi %div3A, %sub3A : i32
      %select_n3A = arith.select %and3A, %sub3A_199, %div3A : i32
      %jit3A_200 = arith.constant 8 : i32
      %eq3A = arith.constant 0 : i32
      %eq3A_201 = arith.cmpi eq, %jit3A_200, %eq3A : i32
      %jit3A_202 = arith.constant 1 : i32
      %select_n3A_203 = arith.select %eq3A_201, %jit3A_202, %jit3A_200 : i32
      %rem3A_204 = arith.remsi %scan3A_182, %select_n3A_203 : i32
      %ne3A_205 = arith.constant 0 : i32
      %ne3A_206 = arith.cmpi ne, %rem3A_204, %ne3A_205 : i32
      %lt3A = arith.constant 0 : i32
      %lt3A_207 = arith.cmpi slt, %rem3A_204, %lt3A : i32
      %lt3A_208 = arith.constant 0 : i32
      %lt3A_209 = arith.cmpi slt, %select_n3A_203, %lt3A_208 : i32
      %ne3A_210 = arith.xori %lt3A_207, %lt3A_209 : i1
      %and3A_211 = arith.andi %ne3A_210, %ne3A_206 : i1
      %add3A_212 = arith.addi %rem3A_204, %select_n3A_203 : i32
      %select_n3A_213 = arith.select %and3A_211, %add3A_212, %rem3A_204 : i32
      %broadcast_in_dim3A = arith.constant 0.000000e+00 : f32
      %broadcast_in_dim3A_214 = vector.broadcast %broadcast_in_dim3A : f32 to vector<16xf32>
      %mul3A_215 = arith.constant 16 : i32
      %mul3A_216 = arith.muli %select_n3A_213, %mul3A_215 : i32
      %swap3A = arith.index_cast %select_n3A : i32 to index
      %swap3A_217 = arith.index_cast %mul3A_216 : i32 to index
      %swap3A_218 = tpu.vector_load %arg6[%swap3A, %swap3A_217] {strides = array<i32>} : memref<32x128xf32, #tpu.memory_space<vmem>>, vector<1x16xf32>,
      %swap3A_219 = vector.shape_cast %swap3A_218 : vector<1x16xf32> to vector<16xf32>
      %swap3A_220 = vector.shape_cast %broadcast_in_dim3A_214 : vector<16xf32> to vector<1x16xf32>
      tpu.vector_store %arg6[%swap3A, %swap3A_217], %swap3A_220 {strides = array<i32>} : memref<32x128xf32, #tpu.memory_space<vmem>>, vector<1x16xf32>,
      %scan3A_221 = arith.constant 0 : i32
      scf.yield %scan3A_221 : i32
    }
    %scan3A_13 = arith.constant 256 : i32
    %mul3A_14 = arith.constant 640 : i32
    %mul3A_15 = arith.muli %arg1, %mul3A_14 : i32
    %add3A_16 = arith.constant 0 : i32
    %add3A_17 = arith.addi %mul3A_15, %add3A_16 : i32
    "tpu.region"() ({
      %run_scoped3A = tpu.sem_alloc : memref<!tpu.dma_semaphore, #tpu.memory_space<semaphore_mem>>
      %dma_start3A = arith.constant 0 : i32
      %dma_start3A_182 = tpu.memref_slice %arg7[%add3A_17, %dma_start3A] : memref<10240x128xf32, #tpu.memory_space<vmem_shared>> -> memref<32x128xf32, #tpu.memory_space<vmem_shared>>
      %dma_start3A_183 = arith.constant 0 : i32
      %dma_start3A_184 = tpu.memref_slice %arg7[%add3A_17, %dma_start3A_183] : memref<10240x128xf32, #tpu.memory_space<vmem_shared>> -> memref<32x128xf32, #tpu.memory_space<vmem_shared>>
      tpu.enqueue_dma source(%arg6 : memref<32x128xf32, #tpu.memory_space<vmem>>) target(%dma_start3A_184 : memref<32x128xf32, #tpu.memory_space<vmem_shared>>) target_semaphore(%run_scoped3A : memref<!tpu.dma_semaphore, #tpu.memory_space<semaphore_mem>>)
      %dma_wait3A = arith.constant 0 : i32
      %dma_wait3A_185 = tpu.memref_slice %arg7[%add3A_17, %dma_wait3A] : memref<10240x128xf32, #tpu.memory_space<vmem_shared>> -> memref<32x128xf32, #tpu.memory_space<vmem_shared>>
      %dma_wait3A_186 = arith.constant 0 : i32
      %dma_wait3A_187 = tpu.memref_slice %arg7[%add3A_17, %dma_wait3A_186] : memref<10240x128xf32, #tpu.memory_space<vmem_shared>> -> memref<32x128xf32, #tpu.memory_space<vmem_shared>>
      tpu.wait_dma2 semaphore(%run_scoped3A : memref<!tpu.dma_semaphore, #tpu.memory_space<semaphore_mem>>) src(%arg6 : memref<32x128xf32, #tpu.memory_space<vmem>>) dst(%dma_wait3A_187 : memref<32x128xf32, #tpu.memory_space<vmem_shared>>)
      tpu.yield
    }) : () -> ()
    %mul3A_18 = arith.constant 640 : i32
    %mul3A_19 = arith.muli %arg1, %mul3A_18 : i32
    %add3A_20 = arith.constant 32 : i32
    %add3A_21 = arith.addi %mul3A_19, %add3A_20 : i32
    "tpu.region"() ({
      %run_scoped3A = tpu.sem_alloc : memref<!tpu.dma_semaphore, #tpu.memory_space<semaphore_mem>>
      %dma_start3A = arith.constant 0 : i32
      %dma_start3A_182 = tpu.memref_slice %arg7[%add3A_21, %dma_start3A] : memref<10240x128xf32, #tpu.memory_space<vmem_shared>> -> memref<32x128xf32, #tpu.memory_space<vmem_shared>>
      %dma_start3A_183 = arith.constant 0 : i32
      %dma_start3A_184 = tpu.memref_slice %arg7[%add3A_21, %dma_start3A_183] : memref<10240x128xf32, #tpu.memory_space<vmem_shared>> -> memref<32x128xf32, #tpu.memory_space<vmem_shared>>
      tpu.enqueue_dma source(%arg6 : memref<32x128xf32, #tpu.memory_space<vmem>>) target(%dma_start3A_184 : memref<32x128xf32, #tpu.memory_space<vmem_shared>>) target_semaphore(%run_scoped3A : memref<!tpu.dma_semaphore, #tpu.memory_space<semaphore_mem>>)
      %dma_wait3A = arith.constant 0 : i32
      %dma_wait3A_185 = tpu.memref_slice %arg7[%add3A_21, %dma_wait3A] : memref<10240x128xf32, #tpu.memory_space<vmem_shared>> -> memref<32x128xf32, #tpu.memory_space<vmem_shared>>
      %dma_wait3A_186 = arith.constant 0 : i32
      %dma_wait3A_187 = tpu.memref_slice %arg7[%add3A_21, %dma_wait3A_186] : memref<10240x128xf32, #tpu.memory_space<vmem_shared>> -> memref<32x128xf32, #tpu.memory_space<vmem_shared>>
      tpu.wait_dma2 semaphore(%run_scoped3A : memref<!tpu.dma_semaphore, #tpu.memory_space<semaphore_mem>>) src(%arg6 : memref<32x128xf32, #tpu.memory_space<vmem>>) dst(%dma_wait3A_187 : memref<32x128xf32, #tpu.memory_space<vmem_shared>>)
      tpu.yield
    }) : () -> ()
    %mul3A_22 = arith.constant 640 : i32
    %mul3A_23 = arith.muli %arg1, %mul3A_22 : i32
    %add3A_24 = arith.constant 64 : i32
    %add3A_25 = arith.addi %mul3A_23, %add3A_24 : i32
    "tpu.region"() ({
      %run_scoped3A = tpu.sem_alloc : memref<!tpu.dma_semaphore, #tpu.memory_space<semaphore_mem>>
      %dma_start3A = arith.constant 0 : i32
      %dma_start3A_182 = tpu.memref_slice %arg7[%add3A_25, %dma_start3A] : memref<10240x128xf32, #tpu.memory_space<vmem_shared>> -> memref<32x128xf32, #tpu.memory_space<vmem_shared>>
      %dma_start3A_183 = arith.constant 0 : i32
      %dma_start3A_184 = tpu.memref_slice %arg7[%add3A_25, %dma_start3A_183] : memref<10240x128xf32, #tpu.memory_space<vmem_shared>> -> memref<32x128xf32, #tpu.memory_space<vmem_shared>>
      tpu.enqueue_dma source(%arg6 : memref<32x128xf32, #tpu.memory_space<vmem>>) target(%dma_start3A_184 : memref<32x128xf32, #tpu.memory_space<vmem_shared>>) target_semaphore(%run_scoped3A : memref<!tpu.dma_semaphore, #tpu.memory_space<semaphore_mem>>)
      %dma_wait3A = arith.constant 0 : i32
      %dma_wait3A_185 = tpu.memref_slice %arg7[%add3A_25, %dma_wait3A] : memref<10240x128xf32, #tpu.memory_space<vmem_shared>> -> memref<32x128xf32, #tpu.memory_space<vmem_shared>>
      %dma_wait3A_186 = arith.constant 0 : i32
      %dma_wait3A_187 = tpu.memref_slice %arg7[%add3A_25, %dma_wait3A_186] : memref<10240x128xf32, #tpu.memory_space<vmem_shared>> -> memref<32x128xf32, #tpu.memory_space<vmem_shared>>
      tpu.wait_dma2 semaphore(%run_scoped3A : memref<!tpu.dma_semaphore, #tpu.memory_space<semaphore_mem>>) src(%arg6 : memref<32x128xf32, #tpu.memory_space<vmem>>) dst(%dma_wait3A_187 : memref<32x128xf32, #tpu.memory_space<vmem_shared>>)
      tpu.yield
    }) : () -> ()
    %mul3A_26 = arith.constant 640 : i32
    %mul3A_27 = arith.muli %arg1, %mul3A_26 : i32
    %add3A_28 = arith.constant 96 : i32
    %add3A_29 = arith.addi %mul3A_27, %add3A_28 : i32
    "tpu.region"() ({
      %run_scoped3A = tpu.sem_alloc : memref<!tpu.dma_semaphore, #tpu.memory_space<semaphore_mem>>
      %dma_start3A = arith.constant 0 : i32
      %dma_start3A_182 = tpu.memref_slice %arg7[%add3A_29, %dma_start3A] : memref<10240x128xf32, #tpu.memory_space<vmem_shared>> -> memref<32x128xf32, #tpu.memory_space<vmem_shared>>
      %dma_start3A_183 = arith.constant 0 : i32
      %dma_start3A_184 = tpu.memref_slice %arg7[%add3A_29, %dma_start3A_183] : memref<10240x128xf32, #tpu.memory_space<vmem_shared>> -> memref<32x128xf32, #tpu.memory_space<vmem_shared>>
      tpu.enqueue_dma source(%arg6 : memref<32x128xf32, #tpu.memory_space<vmem>>) target(%dma_start3A_184 : memref<32x128xf32, #tpu.memory_space<vmem_shared>>) target_semaphore(%run_scoped3A : memref<!tpu.dma_semaphore, #tpu.memory_space<semaphore_mem>>)
      %dma_wait3A = arith.constant 0 : i32
      %dma_wait3A_185 = tpu.memref_slice %arg7[%add3A_29, %dma_wait3A] : memref<10240x128xf32, #tpu.memory_space<vmem_shared>> -> memref<32x128xf32, #tpu.memory_space<vmem_shared>>
      %dma_wait3A_186 = arith.constant 0 : i32
      %dma_wait3A_187 = tpu.memref_slice %arg7[%add3A_29, %dma_wait3A_186] : memref<10240x128xf32, #tpu.memory_space<vmem_shared>> -> memref<32x128xf32, #tpu.memory_space<vmem_shared>>
      tpu.wait_dma2 semaphore(%run_scoped3A : memref<!tpu.dma_semaphore, #tpu.memory_space<semaphore_mem>>) src(%arg6 : memref<32x128xf32, #tpu.memory_space<vmem>>) dst(%dma_wait3A_187 : memref<32x128xf32, #tpu.memory_space<vmem_shared>>)
      tpu.yield
    }) : () -> ()
    %mul3A_30 = arith.constant 640 : i32
    %mul3A_31 = arith.muli %arg1, %mul3A_30 : i32
    %add3A_32 = arith.constant 128 : i32
    %add3A_33 = arith.addi %mul3A_31, %add3A_32 : i32
    "tpu.region"() ({
      %run_scoped3A = tpu.sem_alloc : memref<!tpu.dma_semaphore, #tpu.memory_space<semaphore_mem>>
      %dma_start3A = arith.constant 0 : i32
      %dma_start3A_182 = tpu.memref_slice %arg7[%add3A_33, %dma_start3A] : memref<10240x128xf32, #tpu.memory_space<vmem_shared>> -> memref<32x128xf32, #tpu.memory_space<vmem_shared>>
      %dma_start3A_183 = arith.constant 0 : i32
      %dma_start3A_184 = tpu.memref_slice %arg7[%add3A_33, %dma_start3A_183] : memref<10240x128xf32, #tpu.memory_space<vmem_shared>> -> memref<32x128xf32, #tpu.memory_space<vmem_shared>>
      tpu.enqueue_dma source(%arg6 : memref<32x128xf32, #tpu.memory_space<vmem>>) target(%dma_start3A_184 : memref<32x128xf32, #tpu.memory_space<vmem_shared>>) target_semaphore(%run_scoped3A : memref<!tpu.dma_semaphore, #tpu.memory_space<semaphore_mem>>)
      %dma_wait3A = arith.constant 0 : i32
      %dma_wait3A_185 = tpu.memref_slice %arg7[%add3A_33, %dma_wait3A] : memref<10240x128xf32, #tpu.memory_space<vmem_shared>> -> memref<32x128xf32, #tpu.memory_space<vmem_shared>>
      %dma_wait3A_186 = arith.constant 0 : i32
      %dma_wait3A_187 = tpu.memref_slice %arg7[%add3A_33, %dma_wait3A_186] : memref<10240x128xf32, #tpu.memory_space<vmem_shared>> -> memref<32x128xf32, #tpu.memory_space<vmem_shared>>
      tpu.wait_dma2 semaphore(%run_scoped3A : memref<!tpu.dma_semaphore, #tpu.memory_space<semaphore_mem>>) src(%arg6 : memref<32x128xf32, #tpu.memory_space<vmem>>) dst(%dma_wait3A_187 : memref<32x128xf32, #tpu.memory_space<vmem_shared>>)
      tpu.yield
    }) : () -> ()
    %mul3A_34 = arith.constant 640 : i32
    %mul3A_35 = arith.muli %arg1, %mul3A_34 : i32
    %add3A_36 = arith.constant 160 : i32
    %add3A_37 = arith.addi %mul3A_35, %add3A_36 : i32
    "tpu.region"() ({
      %run_scoped3A = tpu.sem_alloc : memref<!tpu.dma_semaphore, #tpu.memory_space<semaphore_mem>>
      %dma_start3A = arith.constant 0 : i32
      %dma_start3A_182 = tpu.memref_slice %arg7[%add3A_37, %dma_start3A] : memref<10240x128xf32, #tpu.memory_space<vmem_shared>> -> memref<32x128xf32, #tpu.memory_space<vmem_shared>>
      %dma_start3A_183 = arith.constant 0 : i32
      %dma_start3A_184 = tpu.memref_slice %arg7[%add3A_37, %dma_start3A_183] : memref<10240x128xf32, #tpu.memory_space<vmem_shared>> -> memref<32x128xf32, #tpu.memory_space<vmem_shared>>
      tpu.enqueue_dma source(%arg6 : memref<32x128xf32, #tpu.memory_space<vmem>>) target(%dma_start3A_184 : memref<32x128xf32, #tpu.memory_space<vmem_shared>>) target_semaphore(%run_scoped3A : memref<!tpu.dma_semaphore, #tpu.memory_space<semaphore_mem>>)
      %dma_wait3A = arith.constant 0 : i32
      %dma_wait3A_185 = tpu.memref_slice %arg7[%add3A_37, %dma_wait3A] : memref<10240x128xf32, #tpu.memory_space<vmem_shared>> -> memref<32x128xf32, #tpu.memory_space<vmem_shared>>
      %dma_wait3A_186 = arith.constant 0 : i32
      %dma_wait3A_187 = tpu.memref_slice %arg7[%add3A_37, %dma_wait3A_186] : memref<10240x128xf32, #tpu.memory_space<vmem_shared>> -> memref<32x128xf32, #tpu.memory_space<vmem_shared>>
      tpu.wait_dma2 semaphore(%run_scoped3A : memref<!tpu.dma_semaphore, #tpu.memory_space<semaphore_mem>>) src(%arg6 : memref<32x128xf32, #tpu.memory_space<vmem>>) dst(%dma_wait3A_187 : memref<32x128xf32, #tpu.memory_space<vmem_shared>>)
      tpu.yield
    }) : () -> ()
    %mul3A_38 = arith.constant 640 : i32
    %mul3A_39 = arith.muli %arg1, %mul3A_38 : i32
    %add3A_40 = arith.constant 192 : i32
    %add3A_41 = arith.addi %mul3A_39, %add3A_40 : i32
    "tpu.region"() ({
      %run_scoped3A = tpu.sem_alloc : memref<!tpu.dma_semaphore, #tpu.memory_space<semaphore_mem>>
      %dma_start3A = arith.constant 0 : i32
      %dma_start3A_182 = tpu.memref_slice %arg7[%add3A_41, %dma_start3A] : memref<10240x128xf32, #tpu.memory_space<vmem_shared>> -> memref<32x128xf32, #tpu.memory_space<vmem_shared>>
      %dma_start3A_183 = arith.constant 0 : i32
      %dma_start3A_184 = tpu.memref_slice %arg7[%add3A_41, %dma_start3A_183] : memref<10240x128xf32, #tpu.memory_space<vmem_shared>> -> memref<32x128xf32, #tpu.memory_space<vmem_shared>>
      tpu.enqueue_dma source(%arg6 : memref<32x128xf32, #tpu.memory_space<vmem>>) target(%dma_start3A_184 : memref<32x128xf32, #tpu.memory_space<vmem_shared>>) target_semaphore(%run_scoped3A : memref<!tpu.dma_semaphore, #tpu.memory_space<semaphore_mem>>)
      %dma_wait3A = arith.constant 0 : i32
      %dma_wait3A_185 = tpu.memref_slice %arg7[%add3A_41, %dma_wait3A] : memref<10240x128xf32, #tpu.memory_space<vmem_shared>> -> memref<32x128xf32, #tpu.memory_space<vmem_shared>>
      %dma_wait3A_186 = arith.constant 0 : i32
      %dma_wait3A_187 = tpu.memref_slice %arg7[%add3A_41, %dma_wait3A_186] : memref<10240x128xf32, #tpu.memory_space<vmem_shared>> -> memref<32x128xf32, #tpu.memory_space<vmem_shared>>
      tpu.wait_dma2 semaphore(%run_scoped3A : memref<!tpu.dma_semaphore, #tpu.memory_space<semaphore_mem>>) src(%arg6 : memref<32x128xf32, #tpu.memory_space<vmem>>) dst(%dma_wait3A_187 : memref<32x128xf32, #tpu.memory_space<vmem_shared>>)
      tpu.yield
    }) : () -> ()
    %mul3A_42 = arith.constant 640 : i32
    %mul3A_43 = arith.muli %arg1, %mul3A_42 : i32
    %add3A_44 = arith.constant 224 : i32
    %add3A_45 = arith.addi %mul3A_43, %add3A_44 : i32
    "tpu.region"() ({
      %run_scoped3A = tpu.sem_alloc : memref<!tpu.dma_semaphore, #tpu.memory_space<semaphore_mem>>
      %dma_start3A = arith.constant 0 : i32
      %dma_start3A_182 = tpu.memref_slice %arg7[%add3A_45, %dma_start3A] : memref<10240x128xf32, #tpu.memory_space<vmem_shared>> -> memref<32x128xf32, #tpu.memory_space<vmem_shared>>
      %dma_start3A_183 = arith.constant 0 : i32
      %dma_start3A_184 = tpu.memref_slice %arg7[%add3A_45, %dma_start3A_183] : memref<10240x128xf32, #tpu.memory_space<vmem_shared>> -> memref<32x128xf32, #tpu.memory_space<vmem_shared>>
      tpu.enqueue_dma source(%arg6 : memref<32x128xf32, #tpu.memory_space<vmem>>) target(%dma_start3A_184 : memref<32x128xf32, #tpu.memory_space<vmem_shared>>) target_semaphore(%run_scoped3A : memref<!tpu.dma_semaphore, #tpu.memory_space<semaphore_mem>>)
      %dma_wait3A = arith.constant 0 : i32
      %dma_wait3A_185 = tpu.memref_slice %arg7[%add3A_45, %dma_wait3A] : memref<10240x128xf32, #tpu.memory_space<vmem_shared>> -> memref<32x128xf32, #tpu.memory_space<vmem_shared>>
      %dma_wait3A_186 = arith.constant 0 : i32
      %dma_wait3A_187 = tpu.memref_slice %arg7[%add3A_45, %dma_wait3A_186] : memref<10240x128xf32, #tpu.memory_space<vmem_shared>> -> memref<32x128xf32, #tpu.memory_space<vmem_shared>>
      tpu.wait_dma2 semaphore(%run_scoped3A : memref<!tpu.dma_semaphore, #tpu.memory_space<semaphore_mem>>) src(%arg6 : memref<32x128xf32, #tpu.memory_space<vmem>>) dst(%dma_wait3A_187 : memref<32x128xf32, #tpu.memory_space<vmem_shared>>)
      tpu.yield
    }) : () -> ()
    %mul3A_46 = arith.constant 640 : i32
    %mul3A_47 = arith.muli %arg1, %mul3A_46 : i32
    %add3A_48 = arith.constant 256 : i32
    %add3A_49 = arith.addi %mul3A_47, %add3A_48 : i32
    "tpu.region"() ({
      %run_scoped3A = tpu.sem_alloc : memref<!tpu.dma_semaphore, #tpu.memory_space<semaphore_mem>>
      %dma_start3A = arith.constant 0 : i32
      %dma_start3A_182 = tpu.memref_slice %arg7[%add3A_49, %dma_start3A] : memref<10240x128xf32, #tpu.memory_space<vmem_shared>> -> memref<32x128xf32, #tpu.memory_space<vmem_shared>>
      %dma_start3A_183 = arith.constant 0 : i32
      %dma_start3A_184 = tpu.memref_slice %arg7[%add3A_49, %dma_start3A_183] : memref<10240x128xf32, #tpu.memory_space<vmem_shared>> -> memref<32x128xf32, #tpu.memory_space<vmem_shared>>
      tpu.enqueue_dma source(%arg6 : memref<32x128xf32, #tpu.memory_space<vmem>>) target(%dma_start3A_184 : memref<32x128xf32, #tpu.memory_space<vmem_shared>>) target_semaphore(%run_scoped3A : memref<!tpu.dma_semaphore, #tpu.memory_space<semaphore_mem>>)
      %dma_wait3A = arith.constant 0 : i32
      %dma_wait3A_185 = tpu.memref_slice %arg7[%add3A_49, %dma_wait3A] : memref<10240x128xf32, #tpu.memory_space<vmem_shared>> -> memref<32x128xf32, #tpu.memory_space<vmem_shared>>
      %dma_wait3A_186 = arith.constant 0 : i32
      %dma_wait3A_187 = tpu.memref_slice %arg7[%add3A_49, %dma_wait3A_186] : memref<10240x128xf32, #tpu.memory_space<vmem_shared>> -> memref<32x128xf32, #tpu.memory_space<vmem_shared>>
      tpu.wait_dma2 semaphore(%run_scoped3A : memref<!tpu.dma_semaphore, #tpu.memory_space<semaphore_mem>>) src(%arg6 : memref<32x128xf32, #tpu.memory_space<vmem>>) dst(%dma_wait3A_187 : memref<32x128xf32, #tpu.memory_space<vmem_shared>>)
      tpu.yield
    }) : () -> ()
    %mul3A_50 = arith.constant 640 : i32
    %mul3A_51 = arith.muli %arg1, %mul3A_50 : i32
    %add3A_52 = arith.constant 288 : i32
    %add3A_53 = arith.addi %mul3A_51, %add3A_52 : i32
    "tpu.region"() ({
      %run_scoped3A = tpu.sem_alloc : memref<!tpu.dma_semaphore, #tpu.memory_space<semaphore_mem>>
      %dma_start3A = arith.constant 0 : i32
      %dma_start3A_182 = tpu.memref_slice %arg7[%add3A_53, %dma_start3A] : memref<10240x128xf32, #tpu.memory_space<vmem_shared>> -> memref<32x128xf32, #tpu.memory_space<vmem_shared>>
      %dma_start3A_183 = arith.constant 0 : i32
      %dma_start3A_184 = tpu.memref_slice %arg7[%add3A_53, %dma_start3A_183] : memref<10240x128xf32, #tpu.memory_space<vmem_shared>> -> memref<32x128xf32, #tpu.memory_space<vmem_shared>>
      tpu.enqueue_dma source(%arg6 : memref<32x128xf32, #tpu.memory_space<vmem>>) target(%dma_start3A_184 : memref<32x128xf32, #tpu.memory_space<vmem_shared>>) target_semaphore(%run_scoped3A : memref<!tpu.dma_semaphore, #tpu.memory_space<semaphore_mem>>)
      %dma_wait3A = arith.constant 0 : i32
      %dma_wait3A_185 = tpu.memref_slice %arg7[%add3A_53, %dma_wait3A] : memref<10240x128xf32, #tpu.memory_space<vmem_shared>> -> memref<32x128xf32, #tpu.memory_space<vmem_shared>>
      %dma_wait3A_186 = arith.constant 0 : i32
      %dma_wait3A_187 = tpu.memref_slice %arg7[%add3A_53, %dma_wait3A_186] : memref<10240x128xf32, #tpu.memory_space<vmem_shared>> -> memref<32x128xf32, #tpu.memory_space<vmem_shared>>
      tpu.wait_dma2 semaphore(%run_scoped3A : memref<!tpu.dma_semaphore, #tpu.memory_space<semaphore_mem>>) src(%arg6 : memref<32x128xf32, #tpu.memory_space<vmem>>) dst(%dma_wait3A_187 : memref<32x128xf32, #tpu.memory_space<vmem_shared>>)
      tpu.yield
    }) : () -> ()
    %mul3A_54 = arith.constant 640 : i32
    %mul3A_55 = arith.muli %arg1, %mul3A_54 : i32
    %add3A_56 = arith.constant 320 : i32
    %add3A_57 = arith.addi %mul3A_55, %add3A_56 : i32
    "tpu.region"() ({
      %run_scoped3A = tpu.sem_alloc : memref<!tpu.dma_semaphore, #tpu.memory_space<semaphore_mem>>
      %dma_start3A = arith.constant 0 : i32
      %dma_start3A_182 = tpu.memref_slice %arg7[%add3A_57, %dma_start3A] : memref<10240x128xf32, #tpu.memory_space<vmem_shared>> -> memref<32x128xf32, #tpu.memory_space<vmem_shared>>
      %dma_start3A_183 = arith.constant 0 : i32
      %dma_start3A_184 = tpu.memref_slice %arg7[%add3A_57, %dma_start3A_183] : memref<10240x128xf32, #tpu.memory_space<vmem_shared>> -> memref<32x128xf32, #tpu.memory_space<vmem_shared>>
      tpu.enqueue_dma source(%arg6 : memref<32x128xf32, #tpu.memory_space<vmem>>) target(%dma_start3A_184 : memref<32x128xf32, #tpu.memory_space<vmem_shared>>) target_semaphore(%run_scoped3A : memref<!tpu.dma_semaphore, #tpu.memory_space<semaphore_mem>>)
      %dma_wait3A = arith.constant 0 : i32
      %dma_wait3A_185 = tpu.memref_slice %arg7[%add3A_57, %dma_wait3A] : memref<10240x128xf32, #tpu.memory_space<vmem_shared>> -> memref<32x128xf32, #tpu.memory_space<vmem_shared>>
      %dma_wait3A_186 = arith.constant 0 : i32
      %dma_wait3A_187 = tpu.memref_slice %arg7[%add3A_57, %dma_wait3A_186] : memref<10240x128xf32, #tpu.memory_space<vmem_shared>> -> memref<32x128xf32, #tpu.memory_space<vmem_shared>>
      tpu.wait_dma2 semaphore(%run_scoped3A : memref<!tpu.dma_semaphore, #tpu.memory_space<semaphore_mem>>) src(%arg6 : memref<32x128xf32, #tpu.memory_space<vmem>>) dst(%dma_wait3A_187 : memref<32x128xf32, #tpu.memory_space<vmem_shared>>)
      tpu.yield
    }) : () -> ()
    %mul3A_58 = arith.constant 640 : i32
    %mul3A_59 = arith.muli %arg1, %mul3A_58 : i32
    %add3A_60 = arith.constant 352 : i32
    %add3A_61 = arith.addi %mul3A_59, %add3A_60 : i32
    "tpu.region"() ({
      %run_scoped3A = tpu.sem_alloc : memref<!tpu.dma_semaphore, #tpu.memory_space<semaphore_mem>>
      %dma_start3A = arith.constant 0 : i32
      %dma_start3A_182 = tpu.memref_slice %arg7[%add3A_61, %dma_start3A] : memref<10240x128xf32, #tpu.memory_space<vmem_shared>> -> memref<32x128xf32, #tpu.memory_space<vmem_shared>>
      %dma_start3A_183 = arith.constant 0 : i32
      %dma_start3A_184 = tpu.memref_slice %arg7[%add3A_61, %dma_start3A_183] : memref<10240x128xf32, #tpu.memory_space<vmem_shared>> -> memref<32x128xf32, #tpu.memory_space<vmem_shared>>
      tpu.enqueue_dma source(%arg6 : memref<32x128xf32, #tpu.memory_space<vmem>>) target(%dma_start3A_184 : memref<32x128xf32, #tpu.memory_space<vmem_shared>>) target_semaphore(%run_scoped3A : memref<!tpu.dma_semaphore, #tpu.memory_space<semaphore_mem>>)
      %dma_wait3A = arith.constant 0 : i32
      %dma_wait3A_185 = tpu.memref_slice %arg7[%add3A_61, %dma_wait3A] : memref<10240x128xf32, #tpu.memory_space<vmem_shared>> -> memref<32x128xf32, #tpu.memory_space<vmem_shared>>
      %dma_wait3A_186 = arith.constant 0 : i32
      %dma_wait3A_187 = tpu.memref_slice %arg7[%add3A_61, %dma_wait3A_186] : memref<10240x128xf32, #tpu.memory_space<vmem_shared>> -> memref<32x128xf32, #tpu.memory_space<vmem_shared>>
      tpu.wait_dma2 semaphore(%run_scoped3A : memref<!tpu.dma_semaphore, #tpu.memory_space<semaphore_mem>>) src(%arg6 : memref<32x128xf32, #tpu.memory_space<vmem>>) dst(%dma_wait3A_187 : memref<32x128xf32, #tpu.memory_space<vmem_shared>>)
      tpu.yield
    }) : () -> ()
    %mul3A_62 = arith.constant 640 : i32
    %mul3A_63 = arith.muli %arg1, %mul3A_62 : i32
    %add3A_64 = arith.constant 384 : i32
    %add3A_65 = arith.addi %mul3A_63, %add3A_64 : i32
    "tpu.region"() ({
      %run_scoped3A = tpu.sem_alloc : memref<!tpu.dma_semaphore, #tpu.memory_space<semaphore_mem>>
      %dma_start3A = arith.constant 0 : i32
      %dma_start3A_182 = tpu.memref_slice %arg7[%add3A_65, %dma_start3A] : memref<10240x128xf32, #tpu.memory_space<vmem_shared>> -> memref<32x128xf32, #tpu.memory_space<vmem_shared>>
      %dma_start3A_183 = arith.constant 0 : i32
      %dma_start3A_184 = tpu.memref_slice %arg7[%add3A_65, %dma_start3A_183] : memref<10240x128xf32, #tpu.memory_space<vmem_shared>> -> memref<32x128xf32, #tpu.memory_space<vmem_shared>>
      tpu.enqueue_dma source(%arg6 : memref<32x128xf32, #tpu.memory_space<vmem>>) target(%dma_start3A_184 : memref<32x128xf32, #tpu.memory_space<vmem_shared>>) target_semaphore(%run_scoped3A : memref<!tpu.dma_semaphore, #tpu.memory_space<semaphore_mem>>)
      %dma_wait3A = arith.constant 0 : i32
      %dma_wait3A_185 = tpu.memref_slice %arg7[%add3A_65, %dma_wait3A] : memref<10240x128xf32, #tpu.memory_space<vmem_shared>> -> memref<32x128xf32, #tpu.memory_space<vmem_shared>>
      %dma_wait3A_186 = arith.constant 0 : i32
      %dma_wait3A_187 = tpu.memref_slice %arg7[%add3A_65, %dma_wait3A_186] : memref<10240x128xf32, #tpu.memory_space<vmem_shared>> -> memref<32x128xf32, #tpu.memory_space<vmem_shared>>
      tpu.wait_dma2 semaphore(%run_scoped3A : memref<!tpu.dma_semaphore, #tpu.memory_space<semaphore_mem>>) src(%arg6 : memref<32x128xf32, #tpu.memory_space<vmem>>) dst(%dma_wait3A_187 : memref<32x128xf32, #tpu.memory_space<vmem_shared>>)
      tpu.yield
    }) : () -> ()
    %mul3A_66 = arith.constant 640 : i32
    %mul3A_67 = arith.muli %arg1, %mul3A_66 : i32
    %add3A_68 = arith.constant 416 : i32
    %add3A_69 = arith.addi %mul3A_67, %add3A_68 : i32
    "tpu.region"() ({
      %run_scoped3A = tpu.sem_alloc : memref<!tpu.dma_semaphore, #tpu.memory_space<semaphore_mem>>
      %dma_start3A = arith.constant 0 : i32
      %dma_start3A_182 = tpu.memref_slice %arg7[%add3A_69, %dma_start3A] : memref<10240x128xf32, #tpu.memory_space<vmem_shared>> -> memref<32x128xf32, #tpu.memory_space<vmem_shared>>
      %dma_start3A_183 = arith.constant 0 : i32
      %dma_start3A_184 = tpu.memref_slice %arg7[%add3A_69, %dma_start3A_183] : memref<10240x128xf32, #tpu.memory_space<vmem_shared>> -> memref<32x128xf32, #tpu.memory_space<vmem_shared>>
      tpu.enqueue_dma source(%arg6 : memref<32x128xf32, #tpu.memory_space<vmem>>) target(%dma_start3A_184 : memref<32x128xf32, #tpu.memory_space<vmem_shared>>) target_semaphore(%run_scoped3A : memref<!tpu.dma_semaphore, #tpu.memory_space<semaphore_mem>>)
      %dma_wait3A = arith.constant 0 : i32
      %dma_wait3A_185 = tpu.memref_slice %arg7[%add3A_69, %dma_wait3A] : memref<10240x128xf32, #tpu.memory_space<vmem_shared>> -> memref<32x128xf32, #tpu.memory_space<vmem_shared>>
      %dma_wait3A_186 = arith.constant 0 : i32
      %dma_wait3A_187 = tpu.memref_slice %arg7[%add3A_69, %dma_wait3A_186] : memref<10240x128xf32, #tpu.memory_space<vmem_shared>> -> memref<32x128xf32, #tpu.memory_space<vmem_shared>>
      tpu.wait_dma2 semaphore(%run_scoped3A : memref<!tpu.dma_semaphore, #tpu.memory_space<semaphore_mem>>) src(%arg6 : memref<32x128xf32, #tpu.memory_space<vmem>>) dst(%dma_wait3A_187 : memref<32x128xf32, #tpu.memory_space<vmem_shared>>)
      tpu.yield
    }) : () -> ()
    %mul3A_70 = arith.constant 640 : i32
    %mul3A_71 = arith.muli %arg1, %mul3A_70 : i32
    %add3A_72 = arith.constant 448 : i32
    %add3A_73 = arith.addi %mul3A_71, %add3A_72 : i32
    "tpu.region"() ({
      %run_scoped3A = tpu.sem_alloc : memref<!tpu.dma_semaphore, #tpu.memory_space<semaphore_mem>>
      %dma_start3A = arith.constant 0 : i32
      %dma_start3A_182 = tpu.memref_slice %arg7[%add3A_73, %dma_start3A] : memref<10240x128xf32, #tpu.memory_space<vmem_shared>> -> memref<32x128xf32, #tpu.memory_space<vmem_shared>>
      %dma_start3A_183 = arith.constant 0 : i32
      %dma_start3A_184 = tpu.memref_slice %arg7[%add3A_73, %dma_start3A_183] : memref<10240x128xf32, #tpu.memory_space<vmem_shared>> -> memref<32x128xf32, #tpu.memory_space<vmem_shared>>
      tpu.enqueue_dma source(%arg6 : memref<32x128xf32, #tpu.memory_space<vmem>>) target(%dma_start3A_184 : memref<32x128xf32, #tpu.memory_space<vmem_shared>>) target_semaphore(%run_scoped3A : memref<!tpu.dma_semaphore, #tpu.memory_space<semaphore_mem>>)
      %dma_wait3A = arith.constant 0 : i32
      %dma_wait3A_185 = tpu.memref_slice %arg7[%add3A_73, %dma_wait3A] : memref<10240x128xf32, #tpu.memory_space<vmem_shared>> -> memref<32x128xf32, #tpu.memory_space<vmem_shared>>
      %dma_wait3A_186 = arith.constant 0 : i32
      %dma_wait3A_187 = tpu.memref_slice %arg7[%add3A_73, %dma_wait3A_186] : memref<10240x128xf32, #tpu.memory_space<vmem_shared>> -> memref<32x128xf32, #tpu.memory_space<vmem_shared>>
      tpu.wait_dma2 semaphore(%run_scoped3A : memref<!tpu.dma_semaphore, #tpu.memory_space<semaphore_mem>>) src(%arg6 : memref<32x128xf32, #tpu.memory_space<vmem>>) dst(%dma_wait3A_187 : memref<32x128xf32, #tpu.memory_space<vmem_shared>>)
      tpu.yield
    }) : () -> ()
    %mul3A_74 = arith.constant 640 : i32
    %mul3A_75 = arith.muli %arg1, %mul3A_74 : i32
    %add3A_76 = arith.constant 480 : i32
    %add3A_77 = arith.addi %mul3A_75, %add3A_76 : i32
    "tpu.region"() ({
      %run_scoped3A = tpu.sem_alloc : memref<!tpu.dma_semaphore, #tpu.memory_space<semaphore_mem>>
      %dma_start3A = arith.constant 0 : i32
      %dma_start3A_182 = tpu.memref_slice %arg7[%add3A_77, %dma_start3A] : memref<10240x128xf32, #tpu.memory_space<vmem_shared>> -> memref<32x128xf32, #tpu.memory_space<vmem_shared>>
      %dma_start3A_183 = arith.constant 0 : i32
      %dma_start3A_184 = tpu.memref_slice %arg7[%add3A_77, %dma_start3A_183] : memref<10240x128xf32, #tpu.memory_space<vmem_shared>> -> memref<32x128xf32, #tpu.memory_space<vmem_shared>>
      tpu.enqueue_dma source(%arg6 : memref<32x128xf32, #tpu.memory_space<vmem>>) target(%dma_start3A_184 : memref<32x128xf32, #tpu.memory_space<vmem_shared>>) target_semaphore(%run_scoped3A : memref<!tpu.dma_semaphore, #tpu.memory_space<semaphore_mem>>)
      %dma_wait3A = arith.constant 0 : i32
      %dma_wait3A_185 = tpu.memref_slice %arg7[%add3A_77, %dma_wait3A] : memref<10240x128xf32, #tpu.memory_space<vmem_shared>> -> memref<32x128xf32, #tpu.memory_space<vmem_shared>>
      %dma_wait3A_186 = arith.constant 0 : i32
      %dma_wait3A_187 = tpu.memref_slice %arg7[%add3A_77, %dma_wait3A_186] : memref<10240x128xf32, #tpu.memory_space<vmem_shared>> -> memref<32x128xf32, #tpu.memory_space<vmem_shared>>
      tpu.wait_dma2 semaphore(%run_scoped3A : memref<!tpu.dma_semaphore, #tpu.memory_space<semaphore_mem>>) src(%arg6 : memref<32x128xf32, #tpu.memory_space<vmem>>) dst(%dma_wait3A_187 : memref<32x128xf32, #tpu.memory_space<vmem_shared>>)
      tpu.yield
    }) : () -> ()
    %mul3A_78 = arith.constant 640 : i32
    %mul3A_79 = arith.muli %arg1, %mul3A_78 : i32
    %add3A_80 = arith.constant 512 : i32
    %add3A_81 = arith.addi %mul3A_79, %add3A_80 : i32
    "tpu.region"() ({
      %run_scoped3A = tpu.sem_alloc : memref<!tpu.dma_semaphore, #tpu.memory_space<semaphore_mem>>
      %dma_start3A = arith.constant 0 : i32
      %dma_start3A_182 = tpu.memref_slice %arg7[%add3A_81, %dma_start3A] : memref<10240x128xf32, #tpu.memory_space<vmem_shared>> -> memref<32x128xf32, #tpu.memory_space<vmem_shared>>
      %dma_start3A_183 = arith.constant 0 : i32
      %dma_start3A_184 = tpu.memref_slice %arg7[%add3A_81, %dma_start3A_183] : memref<10240x128xf32, #tpu.memory_space<vmem_shared>> -> memref<32x128xf32, #tpu.memory_space<vmem_shared>>
      tpu.enqueue_dma source(%arg6 : memref<32x128xf32, #tpu.memory_space<vmem>>) target(%dma_start3A_184 : memref<32x128xf32, #tpu.memory_space<vmem_shared>>) target_semaphore(%run_scoped3A : memref<!tpu.dma_semaphore, #tpu.memory_space<semaphore_mem>>)
      %dma_wait3A = arith.constant 0 : i32
      %dma_wait3A_185 = tpu.memref_slice %arg7[%add3A_81, %dma_wait3A] : memref<10240x128xf32, #tpu.memory_space<vmem_shared>> -> memref<32x128xf32, #tpu.memory_space<vmem_shared>>
      %dma_wait3A_186 = arith.constant 0 : i32
      %dma_wait3A_187 = tpu.memref_slice %arg7[%add3A_81, %dma_wait3A_186] : memref<10240x128xf32, #tpu.memory_space<vmem_shared>> -> memref<32x128xf32, #tpu.memory_space<vmem_shared>>
      tpu.wait_dma2 semaphore(%run_scoped3A : memref<!tpu.dma_semaphore, #tpu.memory_space<semaphore_mem>>) src(%arg6 : memref<32x128xf32, #tpu.memory_space<vmem>>) dst(%dma_wait3A_187 : memref<32x128xf32, #tpu.memory_space<vmem_shared>>)
      tpu.yield
    }) : () -> ()
    %mul3A_82 = arith.constant 640 : i32
    %mul3A_83 = arith.muli %arg1, %mul3A_82 : i32
    %add3A_84 = arith.constant 544 : i32
    %add3A_85 = arith.addi %mul3A_83, %add3A_84 : i32
    "tpu.region"() ({
      %run_scoped3A = tpu.sem_alloc : memref<!tpu.dma_semaphore, #tpu.memory_space<semaphore_mem>>
      %dma_start3A = arith.constant 0 : i32
      %dma_start3A_182 = tpu.memref_slice %arg7[%add3A_85, %dma_start3A] : memref<10240x128xf32, #tpu.memory_space<vmem_shared>> -> memref<32x128xf32, #tpu.memory_space<vmem_shared>>
      %dma_start3A_183 = arith.constant 0 : i32
      %dma_start3A_184 = tpu.memref_slice %arg7[%add3A_85, %dma_start3A_183] : memref<10240x128xf32, #tpu.memory_space<vmem_shared>> -> memref<32x128xf32, #tpu.memory_space<vmem_shared>>
      tpu.enqueue_dma source(%arg6 : memref<32x128xf32, #tpu.memory_space<vmem>>) target(%dma_start3A_184 : memref<32x128xf32, #tpu.memory_space<vmem_shared>>) target_semaphore(%run_scoped3A : memref<!tpu.dma_semaphore, #tpu.memory_space<semaphore_mem>>)
      %dma_wait3A = arith.constant 0 : i32
      %dma_wait3A_185 = tpu.memref_slice %arg7[%add3A_85, %dma_wait3A] : memref<10240x128xf32, #tpu.memory_space<vmem_shared>> -> memref<32x128xf32, #tpu.memory_space<vmem_shared>>
      %dma_wait3A_186 = arith.constant 0 : i32
      %dma_wait3A_187 = tpu.memref_slice %arg7[%add3A_85, %dma_wait3A_186] : memref<10240x128xf32, #tpu.memory_space<vmem_shared>> -> memref<32x128xf32, #tpu.memory_space<vmem_shared>>
      tpu.wait_dma2 semaphore(%run_scoped3A : memref<!tpu.dma_semaphore, #tpu.memory_space<semaphore_mem>>) src(%arg6 : memref<32x128xf32, #tpu.memory_space<vmem>>) dst(%dma_wait3A_187 : memref<32x128xf32, #tpu.memory_space<vmem_shared>>)
      tpu.yield
    }) : () -> ()
    %mul3A_86 = arith.constant 640 : i32
    %mul3A_87 = arith.muli %arg1, %mul3A_86 : i32
    %add3A_88 = arith.constant 576 : i32
    %add3A_89 = arith.addi %mul3A_87, %add3A_88 : i32
    "tpu.region"() ({
      %run_scoped3A = tpu.sem_alloc : memref<!tpu.dma_semaphore, #tpu.memory_space<semaphore_mem>>
      %dma_start3A = arith.constant 0 : i32
      %dma_start3A_182 = tpu.memref_slice %arg7[%add3A_89, %dma_start3A] : memref<10240x128xf32, #tpu.memory_space<vmem_shared>> -> memref<32x128xf32, #tpu.memory_space<vmem_shared>>
      %dma_start3A_183 = arith.constant 0 : i32
      %dma_start3A_184 = tpu.memref_slice %arg7[%add3A_89, %dma_start3A_183] : memref<10240x128xf32, #tpu.memory_space<vmem_shared>> -> memref<32x128xf32, #tpu.memory_space<vmem_shared>>
      tpu.enqueue_dma source(%arg6 : memref<32x128xf32, #tpu.memory_space<vmem>>) target(%dma_start3A_184 : memref<32x128xf32, #tpu.memory_space<vmem_shared>>) target_semaphore(%run_scoped3A : memref<!tpu.dma_semaphore, #tpu.memory_space<semaphore_mem>>)
      %dma_wait3A = arith.constant 0 : i32
      %dma_wait3A_185 = tpu.memref_slice %arg7[%add3A_89, %dma_wait3A] : memref<10240x128xf32, #tpu.memory_space<vmem_shared>> -> memref<32x128xf32, #tpu.memory_space<vmem_shared>>
      %dma_wait3A_186 = arith.constant 0 : i32
      %dma_wait3A_187 = tpu.memref_slice %arg7[%add3A_89, %dma_wait3A_186] : memref<10240x128xf32, #tpu.memory_space<vmem_shared>> -> memref<32x128xf32, #tpu.memory_space<vmem_shared>>
      tpu.wait_dma2 semaphore(%run_scoped3A : memref<!tpu.dma_semaphore, #tpu.memory_space<semaphore_mem>>) src(%arg6 : memref<32x128xf32, #tpu.memory_space<vmem>>) dst(%dma_wait3A_187 : memref<32x128xf32, #tpu.memory_space<vmem_shared>>)
      tpu.yield
    }) : () -> ()
    %mul3A_90 = arith.constant 640 : i32
    %mul3A_91 = arith.muli %arg1, %mul3A_90 : i32
    %add3A_92 = arith.constant 608 : i32
    %add3A_93 = arith.addi %mul3A_91, %add3A_92 : i32
    "tpu.region"() ({
      %run_scoped3A = tpu.sem_alloc : memref<!tpu.dma_semaphore, #tpu.memory_space<semaphore_mem>>
      %dma_start3A = arith.constant 0 : i32
      %dma_start3A_182 = tpu.memref_slice %arg7[%add3A_93, %dma_start3A] : memref<10240x128xf32, #tpu.memory_space<vmem_shared>> -> memref<32x128xf32, #tpu.memory_space<vmem_shared>>
      %dma_start3A_183 = arith.constant 0 : i32
      %dma_start3A_184 = tpu.memref_slice %arg7[%add3A_93, %dma_start3A_183] : memref<10240x128xf32, #tpu.memory_space<vmem_shared>> -> memref<32x128xf32, #tpu.memory_space<vmem_shared>>
      tpu.enqueue_dma source(%arg6 : memref<32x128xf32, #tpu.memory_space<vmem>>) target(%dma_start3A_184 : memref<32x128xf32, #tpu.memory_space<vmem_shared>>) target_semaphore(%run_scoped3A : memref<!tpu.dma_semaphore, #tpu.memory_space<semaphore_mem>>)
      %dma_wait3A = arith.constant 0 : i32
      %dma_wait3A_185 = tpu.memref_slice %arg7[%add3A_93, %dma_wait3A] : memref<10240x128xf32, #tpu.memory_space<vmem_shared>> -> memref<32x128xf32, #tpu.memory_space<vmem_shared>>
      %dma_wait3A_186 = arith.constant 0 : i32
      %dma_wait3A_187 = tpu.memref_slice %arg7[%add3A_93, %dma_wait3A_186] : memref<10240x128xf32, #tpu.memory_space<vmem_shared>> -> memref<32x128xf32, #tpu.memory_space<vmem_shared>>
      tpu.wait_dma2 semaphore(%run_scoped3A : memref<!tpu.dma_semaphore, #tpu.memory_space<semaphore_mem>>) src(%arg6 : memref<32x128xf32, #tpu.memory_space<vmem>>) dst(%dma_wait3A_187 : memref<32x128xf32, #tpu.memory_space<vmem_shared>>)
      tpu.yield
    }) : () -> ()
    %barrier3A = arith.constant 0 : index
    tpu.barrier barrier_id(%barrier3A)
    %scan3A_94 = arith.constant 0 : i32
    %scan3A_95 = arith.constant 0 : i32
    %scan3A_96 = arith.constant 80 : i32
    %scan3A_97 = arith.addi %scan3A_95, %scan3A_96 : i32
    %scan3A_98 = arith.constant 1 : i32
    %scan3A_99 = scf.for %scan3A_182 = %scan3A_95 to %scan3A_97 step %scan3A_98 iter_args(%scan3A_183 = %scan3A_94) -> (i32)  : i32 {
      "tpu.region"() ({
        %run_scoped3A = tpu.sem_alloc : memref<!tpu.dma_semaphore, #tpu.memory_space<semaphore_mem>>
        %dma_start3A = arith.constant 0 : i32
        %dma_start3A_185 = tpu.memref_slice %arg4[%scan3A_182, %dma_start3A] : memref<80x125xi32, #tpu.memory_space<vmem>> -> memref<1x125xi32, #tpu.memory_space<vmem>>
        %dma_start3A_186 = tpu.memref_squeeze %dma_start3A_185 : memref<1x125xi32, #tpu.memory_space<vmem>> -> memref<125xi32, #tpu.memory_space<vmem>>
        %dma_start3A_187 = arith.constant 0 : i32
        %dma_start3A_188 = arith.constant 0 : i32
        %dma_start3A_189 = tpu.memref_slice %arg7[%dma_start3A_187, %dma_start3A_188] : memref<10240x128xf32, #tpu.memory_space<vmem_shared>> -> memref<10240x128xf32, #tpu.memory_space<vmem_shared>>
        tpu.enqueue_indirect_dma source(%arg5 : memref<125x128xf32, #tpu.memory_space<vmem>>) target(%dma_start3A_189 : memref<10240x128xf32, #tpu.memory_space<vmem_shared>>) offsets(%dma_start3A_186 : memref<125xi32, #tpu.memory_space<vmem>>) semaphore(%run_scoped3A : memref<!tpu.dma_semaphore, #tpu.memory_space<semaphore_mem>>) {add = true}
        %dma_wait3A = arith.constant 0 : i32
        %dma_wait3A_190 = tpu.memref_slice %arg4[%scan3A_182, %dma_wait3A] : memref<80x125xi32, #tpu.memory_space<vmem>> -> memref<1x125xi32, #tpu.memory_space<vmem>>
        %dma_wait3A_191 = tpu.memref_squeeze %dma_wait3A_190 : memref<1x125xi32, #tpu.memory_space<vmem>> -> memref<125xi32, #tpu.memory_space<vmem>>
        %dma_wait3A_192 = arith.constant 0 : i32
        %dma_wait3A_193 = arith.constant 0 : i32
        %dma_wait3A_194 = tpu.memref_slice %arg7[%dma_wait3A_192, %dma_wait3A_193] : memref<10240x128xf32, #tpu.memory_space<vmem_shared>> -> memref<10240x128xf32, #tpu.memory_space<vmem_shared>>
        tpu.wait_indirect_dma semaphore(%run_scoped3A : memref<!tpu.dma_semaphore, #tpu.memory_space<semaphore_mem>>) src(%arg5 : memref<125x128xf32, #tpu.memory_space<vmem>>) dst(%dma_wait3A_194 : memref<10240x128xf32, #tpu.memory_space<vmem_shared>>)
        tpu.yield
      }) : () -> ()
      %scan3A_184 = arith.constant 0 : i32
      scf.yield %scan3A_184 : i32
    }
    %scan3A_100 = arith.constant 80 : i32
    %barrier3A_101 = arith.constant 0 : index
    tpu.barrier barrier_id(%barrier3A_101)
    %mul3A_102 = arith.constant 640 : i32
    %mul3A_103 = arith.muli %arg1, %mul3A_102 : i32
    %add3A_104 = arith.constant 0 : i32
    %add3A_105 = arith.addi %mul3A_103, %add3A_104 : i32
    "tpu.region"() ({
      %run_scoped3A = tpu.sem_alloc : memref<!tpu.dma_semaphore, #tpu.memory_space<semaphore_mem>>
      %dma_start3A = arith.constant 0 : i32
      %dma_start3A_182 = tpu.memref_slice %arg7[%add3A_105, %dma_start3A] : memref<10240x128xf32, #tpu.memory_space<vmem_shared>> -> memref<32x128xf32, #tpu.memory_space<vmem_shared>>
      %dma_start3A_183 = arith.constant 0 : i32
      %dma_start3A_184 = tpu.memref_slice %arg7[%add3A_105, %dma_start3A_183] : memref<10240x128xf32, #tpu.memory_space<vmem_shared>> -> memref<32x128xf32, #tpu.memory_space<vmem_shared>>
      tpu.enqueue_dma source(%dma_start3A_184 : memref<32x128xf32, #tpu.memory_space<vmem_shared>>) target(%arg6 : memref<32x128xf32, #tpu.memory_space<vmem>>) target_semaphore(%run_scoped3A : memref<!tpu.dma_semaphore, #tpu.memory_space<semaphore_mem>>)
      %dma_wait3A = arith.constant 0 : i32
      %dma_wait3A_185 = tpu.memref_slice %arg7[%add3A_105, %dma_wait3A] : memref<10240x128xf32, #tpu.memory_space<vmem_shared>> -> memref<32x128xf32, #tpu.memory_space<vmem_shared>>
      %dma_wait3A_186 = arith.constant 0 : i32
      %dma_wait3A_187 = tpu.memref_slice %arg7[%add3A_105, %dma_wait3A_186] : memref<10240x128xf32, #tpu.memory_space<vmem_shared>> -> memref<32x128xf32, #tpu.memory_space<vmem_shared>>
      tpu.wait_dma2 semaphore(%run_scoped3A : memref<!tpu.dma_semaphore, #tpu.memory_space<semaphore_mem>>) src(%dma_wait3A_187 : memref<32x128xf32, #tpu.memory_space<vmem_shared>>) dst(%arg6 : memref<32x128xf32, #tpu.memory_space<vmem>>)
      tpu.yield
    }) : () -> ()
    "tpu.region"() ({
      %run_scoped3A = tpu.sem_alloc : memref<!tpu.dma_semaphore, #tpu.memory_space<semaphore_mem>>
      %dma_start3A = arith.constant 0 : i32
      %dma_start3A_182 = tpu.memref_slice %arg3[%arg0, %add3A_105, %dma_start3A] : memref<2x10240x128xf32, #tpu.memory_space<hbm>> -> memref<1x32x128xf32, #tpu.memory_space<hbm>>
      %dma_start3A_183 = tpu.memref_squeeze %dma_start3A_182 : memref<1x32x128xf32, #tpu.memory_space<hbm>> -> memref<32x128xf32, #tpu.memory_space<hbm>>
      %dma_start3A_184 = arith.constant 0 : i32
      %dma_start3A_185 = tpu.memref_slice %arg3[%arg0, %add3A_105, %dma_start3A_184] : memref<2x10240x128xf32, #tpu.memory_space<hbm>> -> memref<1x32x128xf32, #tpu.memory_space<hbm>>
      %dma_start3A_186 = tpu.memref_squeeze %dma_start3A_185 : memref<1x32x128xf32, #tpu.memory_space<hbm>> -> memref<32x128xf32, #tpu.memory_space<hbm>>
      tpu.enqueue_dma source(%arg6 : memref<32x128xf32, #tpu.memory_space<vmem>>) target(%dma_start3A_186 : memref<32x128xf32, #tpu.memory_space<hbm>>) target_semaphore(%run_scoped3A : memref<!tpu.dma_semaphore, #tpu.memory_space<semaphore_mem>>)
      %dma_wait3A = arith.constant 0 : i32
      %dma_wait3A_187 = tpu.memref_slice %arg3[%arg0, %add3A_105, %dma_wait3A] : memref<2x10240x128xf32, #tpu.memory_space<hbm>> -> memref<1x32x128xf32, #tpu.memory_space<hbm>>
      %dma_wait3A_188 = tpu.memref_squeeze %dma_wait3A_187 : memref<1x32x128xf32, #tpu.memory_space<hbm>> -> memref<32x128xf32, #tpu.memory_space<hbm>>
      %dma_wait3A_189 = arith.constant 0 : i32
      %dma_wait3A_190 = tpu.memref_slice %arg3[%arg0, %add3A_105, %dma_wait3A_189] : memref<2x10240x128xf32, #tpu.memory_space<hbm>> -> memref<1x32x128xf32, #tpu.memory_space<hbm>>
      %dma_wait3A_191 = tpu.memref_squeeze %dma_wait3A_190 : memref<1x32x128xf32, #tpu.memory_space<hbm>> -> memref<32x128xf32, #tpu.memory_space<hbm>>
      tpu.wait_dma2 semaphore(%run_scoped3A : memref<!tpu.dma_semaphore, #tpu.memory_space<semaphore_mem>>) src(%arg6 : memref<32x128xf32, #tpu.memory_space<vmem>>) dst(%dma_wait3A_191 : memref<32x128xf32, #tpu.memory_space<hbm>>)
      tpu.yield
    }) : () -> ()
    %mul3A_106 = arith.constant 640 : i32
    %mul3A_107 = arith.muli %arg1, %mul3A_106 : i32
    %add3A_108 = arith.constant 32 : i32
    %add3A_109 = arith.addi %mul3A_107, %add3A_108 : i32
    "tpu.region"() ({
      %run_scoped3A = tpu.sem_alloc : memref<!tpu.dma_semaphore, #tpu.memory_space<semaphore_mem>>
      %dma_start3A = arith.constant 0 : i32
      %dma_start3A_182 = tpu.memref_slice %arg7[%add3A_109, %dma_start3A] : memref<10240x128xf32, #tpu.memory_space<vmem_shared>> -> memref<32x128xf32, #tpu.memory_space<vmem_shared>>
      %dma_start3A_183 = arith.constant 0 : i32
      %dma_start3A_184 = tpu.memref_slice %arg7[%add3A_109, %dma_start3A_183] : memref<10240x128xf32, #tpu.memory_space<vmem_shared>> -> memref<32x128xf32, #tpu.memory_space<vmem_shared>>
      tpu.enqueue_dma source(%dma_start3A_184 : memref<32x128xf32, #tpu.memory_space<vmem_shared>>) target(%arg6 : memref<32x128xf32, #tpu.memory_space<vmem>>) target_semaphore(%run_scoped3A : memref<!tpu.dma_semaphore, #tpu.memory_space<semaphore_mem>>)
      %dma_wait3A = arith.constant 0 : i32
      %dma_wait3A_185 = tpu.memref_slice %arg7[%add3A_109, %dma_wait3A] : memref<10240x128xf32, #tpu.memory_space<vmem_shared>> -> memref<32x128xf32, #tpu.memory_space<vmem_shared>>
      %dma_wait3A_186 = arith.constant 0 : i32
      %dma_wait3A_187 = tpu.memref_slice %arg7[%add3A_109, %dma_wait3A_186] : memref<10240x128xf32, #tpu.memory_space<vmem_shared>> -> memref<32x128xf32, #tpu.memory_space<vmem_shared>>
      tpu.wait_dma2 semaphore(%run_scoped3A : memref<!tpu.dma_semaphore, #tpu.memory_space<semaphore_mem>>) src(%dma_wait3A_187 : memref<32x128xf32, #tpu.memory_space<vmem_shared>>) dst(%arg6 : memref<32x128xf32, #tpu.memory_space<vmem>>)
      tpu.yield
    }) : () -> ()
    "tpu.region"() ({
      %run_scoped3A = tpu.sem_alloc : memref<!tpu.dma_semaphore, #tpu.memory_space<semaphore_mem>>
      %dma_start3A = arith.constant 0 : i32
      %dma_start3A_182 = tpu.memref_slice %arg3[%arg0, %add3A_109, %dma_start3A] : memref<2x10240x128xf32, #tpu.memory_space<hbm>> -> memref<1x32x128xf32, #tpu.memory_space<hbm>>
      %dma_start3A_183 = tpu.memref_squeeze %dma_start3A_182 : memref<1x32x128xf32, #tpu.memory_space<hbm>> -> memref<32x128xf32, #tpu.memory_space<hbm>>
      %dma_start3A_184 = arith.constant 0 : i32
      %dma_start3A_185 = tpu.memref_slice %arg3[%arg0, %add3A_109, %dma_start3A_184] : memref<2x10240x128xf32, #tpu.memory_space<hbm>> -> memref<1x32x128xf32, #tpu.memory_space<hbm>>
      %dma_start3A_186 = tpu.memref_squeeze %dma_start3A_185 : memref<1x32x128xf32, #tpu.memory_space<hbm>> -> memref<32x128xf32, #tpu.memory_space<hbm>>
      tpu.enqueue_dma source(%arg6 : memref<32x128xf32, #tpu.memory_space<vmem>>) target(%dma_start3A_186 : memref<32x128xf32, #tpu.memory_space<hbm>>) target_semaphore(%run_scoped3A : memref<!tpu.dma_semaphore, #tpu.memory_space<semaphore_mem>>)
      %dma_wait3A = arith.constant 0 : i32
      %dma_wait3A_187 = tpu.memref_slice %arg3[%arg0, %add3A_109, %dma_wait3A] : memref<2x10240x128xf32, #tpu.memory_space<hbm>> -> memref<1x32x128xf32, #tpu.memory_space<hbm>>
      %dma_wait3A_188 = tpu.memref_squeeze %dma_wait3A_187 : memref<1x32x128xf32, #tpu.memory_space<hbm>> -> memref<32x128xf32, #tpu.memory_space<hbm>>
      %dma_wait3A_189 = arith.constant 0 : i32
      %dma_wait3A_190 = tpu.memref_slice %arg3[%arg0, %add3A_109, %dma_wait3A_189] : memref<2x10240x128xf32, #tpu.memory_space<hbm>> -> memref<1x32x128xf32, #tpu.memory_space<hbm>>
      %dma_wait3A_191 = tpu.memref_squeeze %dma_wait3A_190 : memref<1x32x128xf32, #tpu.memory_space<hbm>> -> memref<32x128xf32, #tpu.memory_space<hbm>>
      tpu.wait_dma2 semaphore(%run_scoped3A : memref<!tpu.dma_semaphore, #tpu.memory_space<semaphore_mem>>) src(%arg6 : memref<32x128xf32, #tpu.memory_space<vmem>>) dst(%dma_wait3A_191 : memref<32x128xf32, #tpu.memory_space<hbm>>)
      tpu.yield
    }) : () -> ()
    %mul3A_110 = arith.constant 640 : i32
    %mul3A_111 = arith.muli %arg1, %mul3A_110 : i32
    %add3A_112 = arith.constant 64 : i32
    %add3A_113 = arith.addi %mul3A_111, %add3A_112 : i32
    "tpu.region"() ({
      %run_scoped3A = tpu.sem_alloc : memref<!tpu.dma_semaphore, #tpu.memory_space<semaphore_mem>>
      %dma_start3A = arith.constant 0 : i32
      %dma_start3A_182 = tpu.memref_slice %arg7[%add3A_113, %dma_start3A] : memref<10240x128xf32, #tpu.memory_space<vmem_shared>> -> memref<32x128xf32, #tpu.memory_space<vmem_shared>>
      %dma_start3A_183 = arith.constant 0 : i32
      %dma_start3A_184 = tpu.memref_slice %arg7[%add3A_113, %dma_start3A_183] : memref<10240x128xf32, #tpu.memory_space<vmem_shared>> -> memref<32x128xf32, #tpu.memory_space<vmem_shared>>
      tpu.enqueue_dma source(%dma_start3A_184 : memref<32x128xf32, #tpu.memory_space<vmem_shared>>) target(%arg6 : memref<32x128xf32, #tpu.memory_space<vmem>>) target_semaphore(%run_scoped3A : memref<!tpu.dma_semaphore, #tpu.memory_space<semaphore_mem>>)
      %dma_wait3A = arith.constant 0 : i32
      %dma_wait3A_185 = tpu.memref_slice %arg7[%add3A_113, %dma_wait3A] : memref<10240x128xf32, #tpu.memory_space<vmem_shared>> -> memref<32x128xf32, #tpu.memory_space<vmem_shared>>
      %dma_wait3A_186 = arith.constant 0 : i32
      %dma_wait3A_187 = tpu.memref_slice %arg7[%add3A_113, %dma_wait3A_186] : memref<10240x128xf32, #tpu.memory_space<vmem_shared>> -> memref<32x128xf32, #tpu.memory_space<vmem_shared>>
      tpu.wait_dma2 semaphore(%run_scoped3A : memref<!tpu.dma_semaphore, #tpu.memory_space<semaphore_mem>>) src(%dma_wait3A_187 : memref<32x128xf32, #tpu.memory_space<vmem_shared>>) dst(%arg6 : memref<32x128xf32, #tpu.memory_space<vmem>>)
      tpu.yield
    }) : () -> ()
    "tpu.region"() ({
      %run_scoped3A = tpu.sem_alloc : memref<!tpu.dma_semaphore, #tpu.memory_space<semaphore_mem>>
      %dma_start3A = arith.constant 0 : i32
      %dma_start3A_182 = tpu.memref_slice %arg3[%arg0, %add3A_113, %dma_start3A] : memref<2x10240x128xf32, #tpu.memory_space<hbm>> -> memref<1x32x128xf32, #tpu.memory_space<hbm>>
      %dma_start3A_183 = tpu.memref_squeeze %dma_start3A_182 : memref<1x32x128xf32, #tpu.memory_space<hbm>> -> memref<32x128xf32, #tpu.memory_space<hbm>>
      %dma_start3A_184 = arith.constant 0 : i32
      %dma_start3A_185 = tpu.memref_slice %arg3[%arg0, %add3A_113, %dma_start3A_184] : memref<2x10240x128xf32, #tpu.memory_space<hbm>> -> memref<1x32x128xf32, #tpu.memory_space<hbm>>
      %dma_start3A_186 = tpu.memref_squeeze %dma_start3A_185 : memref<1x32x128xf32, #tpu.memory_space<hbm>> -> memref<32x128xf32, #tpu.memory_space<hbm>>
      tpu.enqueue_dma source(%arg6 : memref<32x128xf32, #tpu.memory_space<vmem>>) target(%dma_start3A_186 : memref<32x128xf32, #tpu.memory_space<hbm>>) target_semaphore(%run_scoped3A : memref<!tpu.dma_semaphore, #tpu.memory_space<semaphore_mem>>)
      %dma_wait3A = arith.constant 0 : i32
      %dma_wait3A_187 = tpu.memref_slice %arg3[%arg0, %add3A_113, %dma_wait3A] : memref<2x10240x128xf32, #tpu.memory_space<hbm>> -> memref<1x32x128xf32, #tpu.memory_space<hbm>>
      %dma_wait3A_188 = tpu.memref_squeeze %dma_wait3A_187 : memref<1x32x128xf32, #tpu.memory_space<hbm>> -> memref<32x128xf32, #tpu.memory_space<hbm>>
      %dma_wait3A_189 = arith.constant 0 : i32
      %dma_wait3A_190 = tpu.memref_slice %arg3[%arg0, %add3A_113, %dma_wait3A_189] : memref<2x10240x128xf32, #tpu.memory_space<hbm>> -> memref<1x32x128xf32, #tpu.memory_space<hbm>>
      %dma_wait3A_191 = tpu.memref_squeeze %dma_wait3A_190 : memref<1x32x128xf32, #tpu.memory_space<hbm>> -> memref<32x128xf32, #tpu.memory_space<hbm>>
      tpu.wait_dma2 semaphore(%run_scoped3A : memref<!tpu.dma_semaphore, #tpu.memory_space<semaphore_mem>>) src(%arg6 : memref<32x128xf32, #tpu.memory_space<vmem>>) dst(%dma_wait3A_191 : memref<32x128xf32, #tpu.memory_space<hbm>>)
      tpu.yield
    }) : () -> ()
    %mul3A_114 = arith.constant 640 : i32
    %mul3A_115 = arith.muli %arg1, %mul3A_114 : i32
    %add3A_116 = arith.constant 96 : i32
    %add3A_117 = arith.addi %mul3A_115, %add3A_116 : i32
    "tpu.region"() ({
      %run_scoped3A = tpu.sem_alloc : memref<!tpu.dma_semaphore, #tpu.memory_space<semaphore_mem>>
      %dma_start3A = arith.constant 0 : i32
      %dma_start3A_182 = tpu.memref_slice %arg7[%add3A_117, %dma_start3A] : memref<10240x128xf32, #tpu.memory_space<vmem_shared>> -> memref<32x128xf32, #tpu.memory_space<vmem_shared>>
      %dma_start3A_183 = arith.constant 0 : i32
      %dma_start3A_184 = tpu.memref_slice %arg7[%add3A_117, %dma_start3A_183] : memref<10240x128xf32, #tpu.memory_space<vmem_shared>> -> memref<32x128xf32, #tpu.memory_space<vmem_shared>>
      tpu.enqueue_dma source(%dma_start3A_184 : memref<32x128xf32, #tpu.memory_space<vmem_shared>>) target(%arg6 : memref<32x128xf32, #tpu.memory_space<vmem>>) target_semaphore(%run_scoped3A : memref<!tpu.dma_semaphore, #tpu.memory_space<semaphore_mem>>)
      %dma_wait3A = arith.constant 0 : i32
      %dma_wait3A_185 = tpu.memref_slice %arg7[%add3A_117, %dma_wait3A] : memref<10240x128xf32, #tpu.memory_space<vmem_shared>> -> memref<32x128xf32, #tpu.memory_space<vmem_shared>>
      %dma_wait3A_186 = arith.constant 0 : i32
      %dma_wait3A_187 = tpu.memref_slice %arg7[%add3A_117, %dma_wait3A_186] : memref<10240x128xf32, #tpu.memory_space<vmem_shared>> -> memref<32x128xf32, #tpu.memory_space<vmem_shared>>
      tpu.wait_dma2 semaphore(%run_scoped3A : memref<!tpu.dma_semaphore, #tpu.memory_space<semaphore_mem>>) src(%dma_wait3A_187 : memref<32x128xf32, #tpu.memory_space<vmem_shared>>) dst(%arg6 : memref<32x128xf32, #tpu.memory_space<vmem>>)
      tpu.yield
    }) : () -> ()
    "tpu.region"() ({
      %run_scoped3A = tpu.sem_alloc : memref<!tpu.dma_semaphore, #tpu.memory_space<semaphore_mem>>
      %dma_start3A = arith.constant 0 : i32
      %dma_start3A_182 = tpu.memref_slice %arg3[%arg0, %add3A_117, %dma_start3A] : memref<2x10240x128xf32, #tpu.memory_space<hbm>> -> memref<1x32x128xf32, #tpu.memory_space<hbm>>
      %dma_start3A_183 = tpu.memref_squeeze %dma_start3A_182 : memref<1x32x128xf32, #tpu.memory_space<hbm>> -> memref<32x128xf32, #tpu.memory_space<hbm>>
      %dma_start3A_184 = arith.constant 0 : i32
      %dma_start3A_185 = tpu.memref_slice %arg3[%arg0, %add3A_117, %dma_start3A_184] : memref<2x10240x128xf32, #tpu.memory_space<hbm>> -> memref<1x32x128xf32, #tpu.memory_space<hbm>>
      %dma_start3A_186 = tpu.memref_squeeze %dma_start3A_185 : memref<1x32x128xf32, #tpu.memory_space<hbm>> -> memref<32x128xf32, #tpu.memory_space<hbm>>
      tpu.enqueue_dma source(%arg6 : memref<32x128xf32, #tpu.memory_space<vmem>>) target(%dma_start3A_186 : memref<32x128xf32, #tpu.memory_space<hbm>>) target_semaphore(%run_scoped3A : memref<!tpu.dma_semaphore, #tpu.memory_space<semaphore_mem>>)
      %dma_wait3A = arith.constant 0 : i32
      %dma_wait3A_187 = tpu.memref_slice %arg3[%arg0, %add3A_117, %dma_wait3A] : memref<2x10240x128xf32, #tpu.memory_space<hbm>> -> memref<1x32x128xf32, #tpu.memory_space<hbm>>
      %dma_wait3A_188 = tpu.memref_squeeze %dma_wait3A_187 : memref<1x32x128xf32, #tpu.memory_space<hbm>> -> memref<32x128xf32, #tpu.memory_space<hbm>>
      %dma_wait3A_189 = arith.constant 0 : i32
      %dma_wait3A_190 = tpu.memref_slice %arg3[%arg0, %add3A_117, %dma_wait3A_189] : memref<2x10240x128xf32, #tpu.memory_space<hbm>> -> memref<1x32x128xf32, #tpu.memory_space<hbm>>
      %dma_wait3A_191 = tpu.memref_squeeze %dma_wait3A_190 : memref<1x32x128xf32, #tpu.memory_space<hbm>> -> memref<32x128xf32, #tpu.memory_space<hbm>>
      tpu.wait_dma2 semaphore(%run_scoped3A : memref<!tpu.dma_semaphore, #tpu.memory_space<semaphore_mem>>) src(%arg6 : memref<32x128xf32, #tpu.memory_space<vmem>>) dst(%dma_wait3A_191 : memref<32x128xf32, #tpu.memory_space<hbm>>)
      tpu.yield
    }) : () -> ()
    %mul3A_118 = arith.constant 640 : i32
    %mul3A_119 = arith.muli %arg1, %mul3A_118 : i32
    %add3A_120 = arith.constant 128 : i32
    %add3A_121 = arith.addi %mul3A_119, %add3A_120 : i32
    "tpu.region"() ({
      %run_scoped3A = tpu.sem_alloc : memref<!tpu.dma_semaphore, #tpu.memory_space<semaphore_mem>>
      %dma_start3A = arith.constant 0 : i32
      %dma_start3A_182 = tpu.memref_slice %arg7[%add3A_121, %dma_start3A] : memref<10240x128xf32, #tpu.memory_space<vmem_shared>> -> memref<32x128xf32, #tpu.memory_space<vmem_shared>>
      %dma_start3A_183 = arith.constant 0 : i32
      %dma_start3A_184 = tpu.memref_slice %arg7[%add3A_121, %dma_start3A_183] : memref<10240x128xf32, #tpu.memory_space<vmem_shared>> -> memref<32x128xf32, #tpu.memory_space<vmem_shared>>
      tpu.enqueue_dma source(%dma_start3A_184 : memref<32x128xf32, #tpu.memory_space<vmem_shared>>) target(%arg6 : memref<32x128xf32, #tpu.memory_space<vmem>>) target_semaphore(%run_scoped3A : memref<!tpu.dma_semaphore, #tpu.memory_space<semaphore_mem>>)
      %dma_wait3A = arith.constant 0 : i32
      %dma_wait3A_185 = tpu.memref_slice %arg7[%add3A_121, %dma_wait3A] : memref<10240x128xf32, #tpu.memory_space<vmem_shared>> -> memref<32x128xf32, #tpu.memory_space<vmem_shared>>
      %dma_wait3A_186 = arith.constant 0 : i32
      %dma_wait3A_187 = tpu.memref_slice %arg7[%add3A_121, %dma_wait3A_186] : memref<10240x128xf32, #tpu.memory_space<vmem_shared>> -> memref<32x128xf32, #tpu.memory_space<vmem_shared>>
      tpu.wait_dma2 semaphore(%run_scoped3A : memref<!tpu.dma_semaphore, #tpu.memory_space<semaphore_mem>>) src(%dma_wait3A_187 : memref<32x128xf32, #tpu.memory_space<vmem_shared>>) dst(%arg6 : memref<32x128xf32, #tpu.memory_space<vmem>>)
      tpu.yield
    }) : () -> ()
    "tpu.region"() ({
      %run_scoped3A = tpu.sem_alloc : memref<!tpu.dma_semaphore, #tpu.memory_space<semaphore_mem>>
      %dma_start3A = arith.constant 0 : i32
      %dma_start3A_182 = tpu.memref_slice %arg3[%arg0, %add3A_121, %dma_start3A] : memref<2x10240x128xf32, #tpu.memory_space<hbm>> -> memref<1x32x128xf32, #tpu.memory_space<hbm>>
      %dma_start3A_183 = tpu.memref_squeeze %dma_start3A_182 : memref<1x32x128xf32, #tpu.memory_space<hbm>> -> memref<32x128xf32, #tpu.memory_space<hbm>>
      %dma_start3A_184 = arith.constant 0 : i32
      %dma_start3A_185 = tpu.memref_slice %arg3[%arg0, %add3A_121, %dma_start3A_184] : memref<2x10240x128xf32, #tpu.memory_space<hbm>> -> memref<1x32x128xf32, #tpu.memory_space<hbm>>
      %dma_start3A_186 = tpu.memref_squeeze %dma_start3A_185 : memref<1x32x128xf32, #tpu.memory_space<hbm>> -> memref<32x128xf32, #tpu.memory_space<hbm>>
      tpu.enqueue_dma source(%arg6 : memref<32x128xf32, #tpu.memory_space<vmem>>) target(%dma_start3A_186 : memref<32x128xf32, #tpu.memory_space<hbm>>) target_semaphore(%run_scoped3A : memref<!tpu.dma_semaphore, #tpu.memory_space<semaphore_mem>>)
      %dma_wait3A = arith.constant 0 : i32
      %dma_wait3A_187 = tpu.memref_slice %arg3[%arg0, %add3A_121, %dma_wait3A] : memref<2x10240x128xf32, #tpu.memory_space<hbm>> -> memref<1x32x128xf32, #tpu.memory_space<hbm>>
      %dma_wait3A_188 = tpu.memref_squeeze %dma_wait3A_187 : memref<1x32x128xf32, #tpu.memory_space<hbm>> -> memref<32x128xf32, #tpu.memory_space<hbm>>
      %dma_wait3A_189 = arith.constant 0 : i32
      %dma_wait3A_190 = tpu.memref_slice %arg3[%arg0, %add3A_121, %dma_wait3A_189] : memref<2x10240x128xf32, #tpu.memory_space<hbm>> -> memref<1x32x128xf32, #tpu.memory_space<hbm>>
      %dma_wait3A_191 = tpu.memref_squeeze %dma_wait3A_190 : memref<1x32x128xf32, #tpu.memory_space<hbm>> -> memref<32x128xf32, #tpu.memory_space<hbm>>
      tpu.wait_dma2 semaphore(%run_scoped3A : memref<!tpu.dma_semaphore, #tpu.memory_space<semaphore_mem>>) src(%arg6 : memref<32x128xf32, #tpu.memory_space<vmem>>) dst(%dma_wait3A_191 : memref<32x128xf32, #tpu.memory_space<hbm>>)
      tpu.yield
    }) : () -> ()
    %mul3A_122 = arith.constant 640 : i32
    %mul3A_123 = arith.muli %arg1, %mul3A_122 : i32
    %add3A_124 = arith.constant 160 : i32
    %add3A_125 = arith.addi %mul3A_123, %add3A_124 : i32
    "tpu.region"() ({
      %run_scoped3A = tpu.sem_alloc : memref<!tpu.dma_semaphore, #tpu.memory_space<semaphore_mem>>
      %dma_start3A = arith.constant 0 : i32
      %dma_start3A_182 = tpu.memref_slice %arg7[%add3A_125, %dma_start3A] : memref<10240x128xf32, #tpu.memory_space<vmem_shared>> -> memref<32x128xf32, #tpu.memory_space<vmem_shared>>
      %dma_start3A_183 = arith.constant 0 : i32
      %dma_start3A_184 = tpu.memref_slice %arg7[%add3A_125, %dma_start3A_183] : memref<10240x128xf32, #tpu.memory_space<vmem_shared>> -> memref<32x128xf32, #tpu.memory_space<vmem_shared>>
      tpu.enqueue_dma source(%dma_start3A_184 : memref<32x128xf32, #tpu.memory_space<vmem_shared>>) target(%arg6 : memref<32x128xf32, #tpu.memory_space<vmem>>) target_semaphore(%run_scoped3A : memref<!tpu.dma_semaphore, #tpu.memory_space<semaphore_mem>>)
      %dma_wait3A = arith.constant 0 : i32
      %dma_wait3A_185 = tpu.memref_slice %arg7[%add3A_125, %dma_wait3A] : memref<10240x128xf32, #tpu.memory_space<vmem_shared>> -> memref<32x128xf32, #tpu.memory_space<vmem_shared>>
      %dma_wait3A_186 = arith.constant 0 : i32
      %dma_wait3A_187 = tpu.memref_slice %arg7[%add3A_125, %dma_wait3A_186] : memref<10240x128xf32, #tpu.memory_space<vmem_shared>> -> memref<32x128xf32, #tpu.memory_space<vmem_shared>>
      tpu.wait_dma2 semaphore(%run_scoped3A : memref<!tpu.dma_semaphore, #tpu.memory_space<semaphore_mem>>) src(%dma_wait3A_187 : memref<32x128xf32, #tpu.memory_space<vmem_shared>>) dst(%arg6 : memref<32x128xf32, #tpu.memory_space<vmem>>)
      tpu.yield
    }) : () -> ()
    "tpu.region"() ({
      %run_scoped3A = tpu.sem_alloc : memref<!tpu.dma_semaphore, #tpu.memory_space<semaphore_mem>>
      %dma_start3A = arith.constant 0 : i32
      %dma_start3A_182 = tpu.memref_slice %arg3[%arg0, %add3A_125, %dma_start3A] : memref<2x10240x128xf32, #tpu.memory_space<hbm>> -> memref<1x32x128xf32, #tpu.memory_space<hbm>>
      %dma_start3A_183 = tpu.memref_squeeze %dma_start3A_182 : memref<1x32x128xf32, #tpu.memory_space<hbm>> -> memref<32x128xf32, #tpu.memory_space<hbm>>
      %dma_start3A_184 = arith.constant 0 : i32
      %dma_start3A_185 = tpu.memref_slice %arg3[%arg0, %add3A_125, %dma_start3A_184] : memref<2x10240x128xf32, #tpu.memory_space<hbm>> -> memref<1x32x128xf32, #tpu.memory_space<hbm>>
      %dma_start3A_186 = tpu.memref_squeeze %dma_start3A_185 : memref<1x32x128xf32, #tpu.memory_space<hbm>> -> memref<32x128xf32, #tpu.memory_space<hbm>>
      tpu.enqueue_dma source(%arg6 : memref<32x128xf32, #tpu.memory_space<vmem>>) target(%dma_start3A_186 : memref<32x128xf32, #tpu.memory_space<hbm>>) target_semaphore(%run_scoped3A : memref<!tpu.dma_semaphore, #tpu.memory_space<semaphore_mem>>)
      %dma_wait3A = arith.constant 0 : i32
      %dma_wait3A_187 = tpu.memref_slice %arg3[%arg0, %add3A_125, %dma_wait3A] : memref<2x10240x128xf32, #tpu.memory_space<hbm>> -> memref<1x32x128xf32, #tpu.memory_space<hbm>>
      %dma_wait3A_188 = tpu.memref_squeeze %dma_wait3A_187 : memref<1x32x128xf32, #tpu.memory_space<hbm>> -> memref<32x128xf32, #tpu.memory_space<hbm>>
      %dma_wait3A_189 = arith.constant 0 : i32
      %dma_wait3A_190 = tpu.memref_slice %arg3[%arg0, %add3A_125, %dma_wait3A_189] : memref<2x10240x128xf32, #tpu.memory_space<hbm>> -> memref<1x32x128xf32, #tpu.memory_space<hbm>>
      %dma_wait3A_191 = tpu.memref_squeeze %dma_wait3A_190 : memref<1x32x128xf32, #tpu.memory_space<hbm>> -> memref<32x128xf32, #tpu.memory_space<hbm>>
      tpu.wait_dma2 semaphore(%run_scoped3A : memref<!tpu.dma_semaphore, #tpu.memory_space<semaphore_mem>>) src(%arg6 : memref<32x128xf32, #tpu.memory_space<vmem>>) dst(%dma_wait3A_191 : memref<32x128xf32, #tpu.memory_space<hbm>>)
      tpu.yield
    }) : () -> ()
    %mul3A_126 = arith.constant 640 : i32
    %mul3A_127 = arith.muli %arg1, %mul3A_126 : i32
    %add3A_128 = arith.constant 192 : i32
    %add3A_129 = arith.addi %mul3A_127, %add3A_128 : i32
    "tpu.region"() ({
      %run_scoped3A = tpu.sem_alloc : memref<!tpu.dma_semaphore, #tpu.memory_space<semaphore_mem>>
      %dma_start3A = arith.constant 0 : i32
      %dma_start3A_182 = tpu.memref_slice %arg7[%add3A_129, %dma_start3A] : memref<10240x128xf32, #tpu.memory_space<vmem_shared>> -> memref<32x128xf32, #tpu.memory_space<vmem_shared>>
      %dma_start3A_183 = arith.constant 0 : i32
      %dma_start3A_184 = tpu.memref_slice %arg7[%add3A_129, %dma_start3A_183] : memref<10240x128xf32, #tpu.memory_space<vmem_shared>> -> memref<32x128xf32, #tpu.memory_space<vmem_shared>>
      tpu.enqueue_dma source(%dma_start3A_184 : memref<32x128xf32, #tpu.memory_space<vmem_shared>>) target(%arg6 : memref<32x128xf32, #tpu.memory_space<vmem>>) target_semaphore(%run_scoped3A : memref<!tpu.dma_semaphore, #tpu.memory_space<semaphore_mem>>)
      %dma_wait3A = arith.constant 0 : i32
      %dma_wait3A_185 = tpu.memref_slice %arg7[%add3A_129, %dma_wait3A] : memref<10240x128xf32, #tpu.memory_space<vmem_shared>> -> memref<32x128xf32, #tpu.memory_space<vmem_shared>>
      %dma_wait3A_186 = arith.constant 0 : i32
      %dma_wait3A_187 = tpu.memref_slice %arg7[%add3A_129, %dma_wait3A_186] : memref<10240x128xf32, #tpu.memory_space<vmem_shared>> -> memref<32x128xf32, #tpu.memory_space<vmem_shared>>
      tpu.wait_dma2 semaphore(%run_scoped3A : memref<!tpu.dma_semaphore, #tpu.memory_space<semaphore_mem>>) src(%dma_wait3A_187 : memref<32x128xf32, #tpu.memory_space<vmem_shared>>) dst(%arg6 : memref<32x128xf32, #tpu.memory_space<vmem>>)
      tpu.yield
    }) : () -> ()
    "tpu.region"() ({
      %run_scoped3A = tpu.sem_alloc : memref<!tpu.dma_semaphore, #tpu.memory_space<semaphore_mem>>
      %dma_start3A = arith.constant 0 : i32
      %dma_start3A_182 = tpu.memref_slice %arg3[%arg0, %add3A_129, %dma_start3A] : memref<2x10240x128xf32, #tpu.memory_space<hbm>> -> memref<1x32x128xf32, #tpu.memory_space<hbm>>
      %dma_start3A_183 = tpu.memref_squeeze %dma_start3A_182 : memref<1x32x128xf32, #tpu.memory_space<hbm>> -> memref<32x128xf32, #tpu.memory_space<hbm>>
      %dma_start3A_184 = arith.constant 0 : i32
      %dma_start3A_185 = tpu.memref_slice %arg3[%arg0, %add3A_129, %dma_start3A_184] : memref<2x10240x128xf32, #tpu.memory_space<hbm>> -> memref<1x32x128xf32, #tpu.memory_space<hbm>>
      %dma_start3A_186 = tpu.memref_squeeze %dma_start3A_185 : memref<1x32x128xf32, #tpu.memory_space<hbm>> -> memref<32x128xf32, #tpu.memory_space<hbm>>
      tpu.enqueue_dma source(%arg6 : memref<32x128xf32, #tpu.memory_space<vmem>>) target(%dma_start3A_186 : memref<32x128xf32, #tpu.memory_space<hbm>>) target_semaphore(%run_scoped3A : memref<!tpu.dma_semaphore, #tpu.memory_space<semaphore_mem>>)
      %dma_wait3A = arith.constant 0 : i32
      %dma_wait3A_187 = tpu.memref_slice %arg3[%arg0, %add3A_129, %dma_wait3A] : memref<2x10240x128xf32, #tpu.memory_space<hbm>> -> memref<1x32x128xf32, #tpu.memory_space<hbm>>
      %dma_wait3A_188 = tpu.memref_squeeze %dma_wait3A_187 : memref<1x32x128xf32, #tpu.memory_space<hbm>> -> memref<32x128xf32, #tpu.memory_space<hbm>>
      %dma_wait3A_189 = arith.constant 0 : i32
      %dma_wait3A_190 = tpu.memref_slice %arg3[%arg0, %add3A_129, %dma_wait3A_189] : memref<2x10240x128xf32, #tpu.memory_space<hbm>> -> memref<1x32x128xf32, #tpu.memory_space<hbm>>
      %dma_wait3A_191 = tpu.memref_squeeze %dma_wait3A_190 : memref<1x32x128xf32, #tpu.memory_space<hbm>> -> memref<32x128xf32, #tpu.memory_space<hbm>>
      tpu.wait_dma2 semaphore(%run_scoped3A : memref<!tpu.dma_semaphore, #tpu.memory_space<semaphore_mem>>) src(%arg6 : memref<32x128xf32, #tpu.memory_space<vmem>>) dst(%dma_wait3A_191 : memref<32x128xf32, #tpu.memory_space<hbm>>)
      tpu.yield
    }) : () -> ()
    %mul3A_130 = arith.constant 640 : i32
    %mul3A_131 = arith.muli %arg1, %mul3A_130 : i32
    %add3A_132 = arith.constant 224 : i32
    %add3A_133 = arith.addi %mul3A_131, %add3A_132 : i32
    "tpu.region"() ({
      %run_scoped3A = tpu.sem_alloc : memref<!tpu.dma_semaphore, #tpu.memory_space<semaphore_mem>>
      %dma_start3A = arith.constant 0 : i32
      %dma_start3A_182 = tpu.memref_slice %arg7[%add3A_133, %dma_start3A] : memref<10240x128xf32, #tpu.memory_space<vmem_shared>> -> memref<32x128xf32, #tpu.memory_space<vmem_shared>>
      %dma_start3A_183 = arith.constant 0 : i32
      %dma_start3A_184 = tpu.memref_slice %arg7[%add3A_133, %dma_start3A_183] : memref<10240x128xf32, #tpu.memory_space<vmem_shared>> -> memref<32x128xf32, #tpu.memory_space<vmem_shared>>
      tpu.enqueue_dma source(%dma_start3A_184 : memref<32x128xf32, #tpu.memory_space<vmem_shared>>) target(%arg6 : memref<32x128xf32, #tpu.memory_space<vmem>>) target_semaphore(%run_scoped3A : memref<!tpu.dma_semaphore, #tpu.memory_space<semaphore_mem>>)
      %dma_wait3A = arith.constant 0 : i32
      %dma_wait3A_185 = tpu.memref_slice %arg7[%add3A_133, %dma_wait3A] : memref<10240x128xf32, #tpu.memory_space<vmem_shared>> -> memref<32x128xf32, #tpu.memory_space<vmem_shared>>
      %dma_wait3A_186 = arith.constant 0 : i32
      %dma_wait3A_187 = tpu.memref_slice %arg7[%add3A_133, %dma_wait3A_186] : memref<10240x128xf32, #tpu.memory_space<vmem_shared>> -> memref<32x128xf32, #tpu.memory_space<vmem_shared>>
      tpu.wait_dma2 semaphore(%run_scoped3A : memref<!tpu.dma_semaphore, #tpu.memory_space<semaphore_mem>>) src(%dma_wait3A_187 : memref<32x128xf32, #tpu.memory_space<vmem_shared>>) dst(%arg6 : memref<32x128xf32, #tpu.memory_space<vmem>>)
      tpu.yield
    }) : () -> ()
    "tpu.region"() ({
      %run_scoped3A = tpu.sem_alloc : memref<!tpu.dma_semaphore, #tpu.memory_space<semaphore_mem>>
      %dma_start3A = arith.constant 0 : i32
      %dma_start3A_182 = tpu.memref_slice %arg3[%arg0, %add3A_133, %dma_start3A] : memref<2x10240x128xf32, #tpu.memory_space<hbm>> -> memref<1x32x128xf32, #tpu.memory_space<hbm>>
      %dma_start3A_183 = tpu.memref_squeeze %dma_start3A_182 : memref<1x32x128xf32, #tpu.memory_space<hbm>> -> memref<32x128xf32, #tpu.memory_space<hbm>>
      %dma_start3A_184 = arith.constant 0 : i32
      %dma_start3A_185 = tpu.memref_slice %arg3[%arg0, %add3A_133, %dma_start3A_184] : memref<2x10240x128xf32, #tpu.memory_space<hbm>> -> memref<1x32x128xf32, #tpu.memory_space<hbm>>
      %dma_start3A_186 = tpu.memref_squeeze %dma_start3A_185 : memref<1x32x128xf32, #tpu.memory_space<hbm>> -> memref<32x128xf32, #tpu.memory_space<hbm>>
      tpu.enqueue_dma source(%arg6 : memref<32x128xf32, #tpu.memory_space<vmem>>) target(%dma_start3A_186 : memref<32x128xf32, #tpu.memory_space<hbm>>) target_semaphore(%run_scoped3A : memref<!tpu.dma_semaphore, #tpu.memory_space<semaphore_mem>>)
      %dma_wait3A = arith.constant 0 : i32
      %dma_wait3A_187 = tpu.memref_slice %arg3[%arg0, %add3A_133, %dma_wait3A] : memref<2x10240x128xf32, #tpu.memory_space<hbm>> -> memref<1x32x128xf32, #tpu.memory_space<hbm>>
      %dma_wait3A_188 = tpu.memref_squeeze %dma_wait3A_187 : memref<1x32x128xf32, #tpu.memory_space<hbm>> -> memref<32x128xf32, #tpu.memory_space<hbm>>
      %dma_wait3A_189 = arith.constant 0 : i32
      %dma_wait3A_190 = tpu.memref_slice %arg3[%arg0, %add3A_133, %dma_wait3A_189] : memref<2x10240x128xf32, #tpu.memory_space<hbm>> -> memref<1x32x128xf32, #tpu.memory_space<hbm>>
      %dma_wait3A_191 = tpu.memref_squeeze %dma_wait3A_190 : memref<1x32x128xf32, #tpu.memory_space<hbm>> -> memref<32x128xf32, #tpu.memory_space<hbm>>
      tpu.wait_dma2 semaphore(%run_scoped3A : memref<!tpu.dma_semaphore, #tpu.memory_space<semaphore_mem>>) src(%arg6 : memref<32x128xf32, #tpu.memory_space<vmem>>) dst(%dma_wait3A_191 : memref<32x128xf32, #tpu.memory_space<hbm>>)
      tpu.yield
    }) : () -> ()
    %mul3A_134 = arith.constant 640 : i32
    %mul3A_135 = arith.muli %arg1, %mul3A_134 : i32
    %add3A_136 = arith.constant 256 : i32
    %add3A_137 = arith.addi %mul3A_135, %add3A_136 : i32
    "tpu.region"() ({
      %run_scoped3A = tpu.sem_alloc : memref<!tpu.dma_semaphore, #tpu.memory_space<semaphore_mem>>
      %dma_start3A = arith.constant 0 : i32
      %dma_start3A_182 = tpu.memref_slice %arg7[%add3A_137, %dma_start3A] : memref<10240x128xf32, #tpu.memory_space<vmem_shared>> -> memref<32x128xf32, #tpu.memory_space<vmem_shared>>
      %dma_start3A_183 = arith.constant 0 : i32
      %dma_start3A_184 = tpu.memref_slice %arg7[%add3A_137, %dma_start3A_183] : memref<10240x128xf32, #tpu.memory_space<vmem_shared>> -> memref<32x128xf32, #tpu.memory_space<vmem_shared>>
      tpu.enqueue_dma source(%dma_start3A_184 : memref<32x128xf32, #tpu.memory_space<vmem_shared>>) target(%arg6 : memref<32x128xf32, #tpu.memory_space<vmem>>) target_semaphore(%run_scoped3A : memref<!tpu.dma_semaphore, #tpu.memory_space<semaphore_mem>>)
      %dma_wait3A = arith.constant 0 : i32
      %dma_wait3A_185 = tpu.memref_slice %arg7[%add3A_137, %dma_wait3A] : memref<10240x128xf32, #tpu.memory_space<vmem_shared>> -> memref<32x128xf32, #tpu.memory_space<vmem_shared>>
      %dma_wait3A_186 = arith.constant 0 : i32
      %dma_wait3A_187 = tpu.memref_slice %arg7[%add3A_137, %dma_wait3A_186] : memref<10240x128xf32, #tpu.memory_space<vmem_shared>> -> memref<32x128xf32, #tpu.memory_space<vmem_shared>>
      tpu.wait_dma2 semaphore(%run_scoped3A : memref<!tpu.dma_semaphore, #tpu.memory_space<semaphore_mem>>) src(%dma_wait3A_187 : memref<32x128xf32, #tpu.memory_space<vmem_shared>>) dst(%arg6 : memref<32x128xf32, #tpu.memory_space<vmem>>)
      tpu.yield
    }) : () -> ()
    "tpu.region"() ({
      %run_scoped3A = tpu.sem_alloc : memref<!tpu.dma_semaphore, #tpu.memory_space<semaphore_mem>>
      %dma_start3A = arith.constant 0 : i32
      %dma_start3A_182 = tpu.memref_slice %arg3[%arg0, %add3A_137, %dma_start3A] : memref<2x10240x128xf32, #tpu.memory_space<hbm>> -> memref<1x32x128xf32, #tpu.memory_space<hbm>>
      %dma_start3A_183 = tpu.memref_squeeze %dma_start3A_182 : memref<1x32x128xf32, #tpu.memory_space<hbm>> -> memref<32x128xf32, #tpu.memory_space<hbm>>
      %dma_start3A_184 = arith.constant 0 : i32
      %dma_start3A_185 = tpu.memref_slice %arg3[%arg0, %add3A_137, %dma_start3A_184] : memref<2x10240x128xf32, #tpu.memory_space<hbm>> -> memref<1x32x128xf32, #tpu.memory_space<hbm>>
      %dma_start3A_186 = tpu.memref_squeeze %dma_start3A_185 : memref<1x32x128xf32, #tpu.memory_space<hbm>> -> memref<32x128xf32, #tpu.memory_space<hbm>>
      tpu.enqueue_dma source(%arg6 : memref<32x128xf32, #tpu.memory_space<vmem>>) target(%dma_start3A_186 : memref<32x128xf32, #tpu.memory_space<hbm>>) target_semaphore(%run_scoped3A : memref<!tpu.dma_semaphore, #tpu.memory_space<semaphore_mem>>)
      %dma_wait3A = arith.constant 0 : i32
      %dma_wait3A_187 = tpu.memref_slice %arg3[%arg0, %add3A_137, %dma_wait3A] : memref<2x10240x128xf32, #tpu.memory_space<hbm>> -> memref<1x32x128xf32, #tpu.memory_space<hbm>>
      %dma_wait3A_188 = tpu.memref_squeeze %dma_wait3A_187 : memref<1x32x128xf32, #tpu.memory_space<hbm>> -> memref<32x128xf32, #tpu.memory_space<hbm>>
      %dma_wait3A_189 = arith.constant 0 : i32
      %dma_wait3A_190 = tpu.memref_slice %arg3[%arg0, %add3A_137, %dma_wait3A_189] : memref<2x10240x128xf32, #tpu.memory_space<hbm>> -> memref<1x32x128xf32, #tpu.memory_space<hbm>>
      %dma_wait3A_191 = tpu.memref_squeeze %dma_wait3A_190 : memref<1x32x128xf32, #tpu.memory_space<hbm>> -> memref<32x128xf32, #tpu.memory_space<hbm>>
      tpu.wait_dma2 semaphore(%run_scoped3A : memref<!tpu.dma_semaphore, #tpu.memory_space<semaphore_mem>>) src(%arg6 : memref<32x128xf32, #tpu.memory_space<vmem>>) dst(%dma_wait3A_191 : memref<32x128xf32, #tpu.memory_space<hbm>>)
      tpu.yield
    }) : () -> ()
    %mul3A_138 = arith.constant 640 : i32
    %mul3A_139 = arith.muli %arg1, %mul3A_138 : i32
    %add3A_140 = arith.constant 288 : i32
    %add3A_141 = arith.addi %mul3A_139, %add3A_140 : i32
    "tpu.region"() ({
      %run_scoped3A = tpu.sem_alloc : memref<!tpu.dma_semaphore, #tpu.memory_space<semaphore_mem>>
      %dma_start3A = arith.constant 0 : i32
      %dma_start3A_182 = tpu.memref_slice %arg7[%add3A_141, %dma_start3A] : memref<10240x128xf32, #tpu.memory_space<vmem_shared>> -> memref<32x128xf32, #tpu.memory_space<vmem_shared>>
      %dma_start3A_183 = arith.constant 0 : i32
      %dma_start3A_184 = tpu.memref_slice %arg7[%add3A_141, %dma_start3A_183] : memref<10240x128xf32, #tpu.memory_space<vmem_shared>> -> memref<32x128xf32, #tpu.memory_space<vmem_shared>>
      tpu.enqueue_dma source(%dma_start3A_184 : memref<32x128xf32, #tpu.memory_space<vmem_shared>>) target(%arg6 : memref<32x128xf32, #tpu.memory_space<vmem>>) target_semaphore(%run_scoped3A : memref<!tpu.dma_semaphore, #tpu.memory_space<semaphore_mem>>)
      %dma_wait3A = arith.constant 0 : i32
      %dma_wait3A_185 = tpu.memref_slice %arg7[%add3A_141, %dma_wait3A] : memref<10240x128xf32, #tpu.memory_space<vmem_shared>> -> memref<32x128xf32, #tpu.memory_space<vmem_shared>>
      %dma_wait3A_186 = arith.constant 0 : i32
      %dma_wait3A_187 = tpu.memref_slice %arg7[%add3A_141, %dma_wait3A_186] : memref<10240x128xf32, #tpu.memory_space<vmem_shared>> -> memref<32x128xf32, #tpu.memory_space<vmem_shared>>
      tpu.wait_dma2 semaphore(%run_scoped3A : memref<!tpu.dma_semaphore, #tpu.memory_space<semaphore_mem>>) src(%dma_wait3A_187 : memref<32x128xf32, #tpu.memory_space<vmem_shared>>) dst(%arg6 : memref<32x128xf32, #tpu.memory_space<vmem>>)
      tpu.yield
    }) : () -> ()
    "tpu.region"() ({
      %run_scoped3A = tpu.sem_alloc : memref<!tpu.dma_semaphore, #tpu.memory_space<semaphore_mem>>
      %dma_start3A = arith.constant 0 : i32
      %dma_start3A_182 = tpu.memref_slice %arg3[%arg0, %add3A_141, %dma_start3A] : memref<2x10240x128xf32, #tpu.memory_space<hbm>> -> memref<1x32x128xf32, #tpu.memory_space<hbm>>
      %dma_start3A_183 = tpu.memref_squeeze %dma_start3A_182 : memref<1x32x128xf32, #tpu.memory_space<hbm>> -> memref<32x128xf32, #tpu.memory_space<hbm>>
      %dma_start3A_184 = arith.constant 0 : i32
      %dma_start3A_185 = tpu.memref_slice %arg3[%arg0, %add3A_141, %dma_start3A_184] : memref<2x10240x128xf32, #tpu.memory_space<hbm>> -> memref<1x32x128xf32, #tpu.memory_space<hbm>>
      %dma_start3A_186 = tpu.memref_squeeze %dma_start3A_185 : memref<1x32x128xf32, #tpu.memory_space<hbm>> -> memref<32x128xf32, #tpu.memory_space<hbm>>
      tpu.enqueue_dma source(%arg6 : memref<32x128xf32, #tpu.memory_space<vmem>>) target(%dma_start3A_186 : memref<32x128xf32, #tpu.memory_space<hbm>>) target_semaphore(%run_scoped3A : memref<!tpu.dma_semaphore, #tpu.memory_space<semaphore_mem>>)
      %dma_wait3A = arith.constant 0 : i32
      %dma_wait3A_187 = tpu.memref_slice %arg3[%arg0, %add3A_141, %dma_wait3A] : memref<2x10240x128xf32, #tpu.memory_space<hbm>> -> memref<1x32x128xf32, #tpu.memory_space<hbm>>
      %dma_wait3A_188 = tpu.memref_squeeze %dma_wait3A_187 : memref<1x32x128xf32, #tpu.memory_space<hbm>> -> memref<32x128xf32, #tpu.memory_space<hbm>>
      %dma_wait3A_189 = arith.constant 0 : i32
      %dma_wait3A_190 = tpu.memref_slice %arg3[%arg0, %add3A_141, %dma_wait3A_189] : memref<2x10240x128xf32, #tpu.memory_space<hbm>> -> memref<1x32x128xf32, #tpu.memory_space<hbm>>
      %dma_wait3A_191 = tpu.memref_squeeze %dma_wait3A_190 : memref<1x32x128xf32, #tpu.memory_space<hbm>> -> memref<32x128xf32, #tpu.memory_space<hbm>>
      tpu.wait_dma2 semaphore(%run_scoped3A : memref<!tpu.dma_semaphore, #tpu.memory_space<semaphore_mem>>) src(%arg6 : memref<32x128xf32, #tpu.memory_space<vmem>>) dst(%dma_wait3A_191 : memref<32x128xf32, #tpu.memory_space<hbm>>)
      tpu.yield
    }) : () -> ()
    %mul3A_142 = arith.constant 640 : i32
    %mul3A_143 = arith.muli %arg1, %mul3A_142 : i32
    %add3A_144 = arith.constant 320 : i32
    %add3A_145 = arith.addi %mul3A_143, %add3A_144 : i32
    "tpu.region"() ({
      %run_scoped3A = tpu.sem_alloc : memref<!tpu.dma_semaphore, #tpu.memory_space<semaphore_mem>>
      %dma_start3A = arith.constant 0 : i32
      %dma_start3A_182 = tpu.memref_slice %arg7[%add3A_145, %dma_start3A] : memref<10240x128xf32, #tpu.memory_space<vmem_shared>> -> memref<32x128xf32, #tpu.memory_space<vmem_shared>>
      %dma_start3A_183 = arith.constant 0 : i32
      %dma_start3A_184 = tpu.memref_slice %arg7[%add3A_145, %dma_start3A_183] : memref<10240x128xf32, #tpu.memory_space<vmem_shared>> -> memref<32x128xf32, #tpu.memory_space<vmem_shared>>
      tpu.enqueue_dma source(%dma_start3A_184 : memref<32x128xf32, #tpu.memory_space<vmem_shared>>) target(%arg6 : memref<32x128xf32, #tpu.memory_space<vmem>>) target_semaphore(%run_scoped3A : memref<!tpu.dma_semaphore, #tpu.memory_space<semaphore_mem>>)
      %dma_wait3A = arith.constant 0 : i32
      %dma_wait3A_185 = tpu.memref_slice %arg7[%add3A_145, %dma_wait3A] : memref<10240x128xf32, #tpu.memory_space<vmem_shared>> -> memref<32x128xf32, #tpu.memory_space<vmem_shared>>
      %dma_wait3A_186 = arith.constant 0 : i32
      %dma_wait3A_187 = tpu.memref_slice %arg7[%add3A_145, %dma_wait3A_186] : memref<10240x128xf32, #tpu.memory_space<vmem_shared>> -> memref<32x128xf32, #tpu.memory_space<vmem_shared>>
      tpu.wait_dma2 semaphore(%run_scoped3A : memref<!tpu.dma_semaphore, #tpu.memory_space<semaphore_mem>>) src(%dma_wait3A_187 : memref<32x128xf32, #tpu.memory_space<vmem_shared>>) dst(%arg6 : memref<32x128xf32, #tpu.memory_space<vmem>>)
      tpu.yield
    }) : () -> ()
    "tpu.region"() ({
      %run_scoped3A = tpu.sem_alloc : memref<!tpu.dma_semaphore, #tpu.memory_space<semaphore_mem>>
      %dma_start3A = arith.constant 0 : i32
      %dma_start3A_182 = tpu.memref_slice %arg3[%arg0, %add3A_145, %dma_start3A] : memref<2x10240x128xf32, #tpu.memory_space<hbm>> -> memref<1x32x128xf32, #tpu.memory_space<hbm>>
      %dma_start3A_183 = tpu.memref_squeeze %dma_start3A_182 : memref<1x32x128xf32, #tpu.memory_space<hbm>> -> memref<32x128xf32, #tpu.memory_space<hbm>>
      %dma_start3A_184 = arith.constant 0 : i32
      %dma_start3A_185 = tpu.memref_slice %arg3[%arg0, %add3A_145, %dma_start3A_184] : memref<2x10240x128xf32, #tpu.memory_space<hbm>> -> memref<1x32x128xf32, #tpu.memory_space<hbm>>
      %dma_start3A_186 = tpu.memref_squeeze %dma_start3A_185 : memref<1x32x128xf32, #tpu.memory_space<hbm>> -> memref<32x128xf32, #tpu.memory_space<hbm>>
      tpu.enqueue_dma source(%arg6 : memref<32x128xf32, #tpu.memory_space<vmem>>) target(%dma_start3A_186 : memref<32x128xf32, #tpu.memory_space<hbm>>) target_semaphore(%run_scoped3A : memref<!tpu.dma_semaphore, #tpu.memory_space<semaphore_mem>>)
      %dma_wait3A = arith.constant 0 : i32
      %dma_wait3A_187 = tpu.memref_slice %arg3[%arg0, %add3A_145, %dma_wait3A] : memref<2x10240x128xf32, #tpu.memory_space<hbm>> -> memref<1x32x128xf32, #tpu.memory_space<hbm>>
      %dma_wait3A_188 = tpu.memref_squeeze %dma_wait3A_187 : memref<1x32x128xf32, #tpu.memory_space<hbm>> -> memref<32x128xf32, #tpu.memory_space<hbm>>
      %dma_wait3A_189 = arith.constant 0 : i32
      %dma_wait3A_190 = tpu.memref_slice %arg3[%arg0, %add3A_145, %dma_wait3A_189] : memref<2x10240x128xf32, #tpu.memory_space<hbm>> -> memref<1x32x128xf32, #tpu.memory_space<hbm>>
      %dma_wait3A_191 = tpu.memref_squeeze %dma_wait3A_190 : memref<1x32x128xf32, #tpu.memory_space<hbm>> -> memref<32x128xf32, #tpu.memory_space<hbm>>
      tpu.wait_dma2 semaphore(%run_scoped3A : memref<!tpu.dma_semaphore, #tpu.memory_space<semaphore_mem>>) src(%arg6 : memref<32x128xf32, #tpu.memory_space<vmem>>) dst(%dma_wait3A_191 : memref<32x128xf32, #tpu.memory_space<hbm>>)
      tpu.yield
    }) : () -> ()
    %mul3A_146 = arith.constant 640 : i32
    %mul3A_147 = arith.muli %arg1, %mul3A_146 : i32
    %add3A_148 = arith.constant 352 : i32
    %add3A_149 = arith.addi %mul3A_147, %add3A_148 : i32
    "tpu.region"() ({
      %run_scoped3A = tpu.sem_alloc : memref<!tpu.dma_semaphore, #tpu.memory_space<semaphore_mem>>
      %dma_start3A = arith.constant 0 : i32
      %dma_start3A_182 = tpu.memref_slice %arg7[%add3A_149, %dma_start3A] : memref<10240x128xf32, #tpu.memory_space<vmem_shared>> -> memref<32x128xf32, #tpu.memory_space<vmem_shared>>
      %dma_start3A_183 = arith.constant 0 : i32
      %dma_start3A_184 = tpu.memref_slice %arg7[%add3A_149, %dma_start3A_183] : memref<10240x128xf32, #tpu.memory_space<vmem_shared>> -> memref<32x128xf32, #tpu.memory_space<vmem_shared>>
      tpu.enqueue_dma source(%dma_start3A_184 : memref<32x128xf32, #tpu.memory_space<vmem_shared>>) target(%arg6 : memref<32x128xf32, #tpu.memory_space<vmem>>) target_semaphore(%run_scoped3A : memref<!tpu.dma_semaphore, #tpu.memory_space<semaphore_mem>>)
      %dma_wait3A = arith.constant 0 : i32
      %dma_wait3A_185 = tpu.memref_slice %arg7[%add3A_149, %dma_wait3A] : memref<10240x128xf32, #tpu.memory_space<vmem_shared>> -> memref<32x128xf32, #tpu.memory_space<vmem_shared>>
      %dma_wait3A_186 = arith.constant 0 : i32
      %dma_wait3A_187 = tpu.memref_slice %arg7[%add3A_149, %dma_wait3A_186] : memref<10240x128xf32, #tpu.memory_space<vmem_shared>> -> memref<32x128xf32, #tpu.memory_space<vmem_shared>>
      tpu.wait_dma2 semaphore(%run_scoped3A : memref<!tpu.dma_semaphore, #tpu.memory_space<semaphore_mem>>) src(%dma_wait3A_187 : memref<32x128xf32, #tpu.memory_space<vmem_shared>>) dst(%arg6 : memref<32x128xf32, #tpu.memory_space<vmem>>)
      tpu.yield
    }) : () -> ()
    "tpu.region"() ({
      %run_scoped3A = tpu.sem_alloc : memref<!tpu.dma_semaphore, #tpu.memory_space<semaphore_mem>>
      %dma_start3A = arith.constant 0 : i32
      %dma_start3A_182 = tpu.memref_slice %arg3[%arg0, %add3A_149, %dma_start3A] : memref<2x10240x128xf32, #tpu.memory_space<hbm>> -> memref<1x32x128xf32, #tpu.memory_space<hbm>>
      %dma_start3A_183 = tpu.memref_squeeze %dma_start3A_182 : memref<1x32x128xf32, #tpu.memory_space<hbm>> -> memref<32x128xf32, #tpu.memory_space<hbm>>
      %dma_start3A_184 = arith.constant 0 : i32
      %dma_start3A_185 = tpu.memref_slice %arg3[%arg0, %add3A_149, %dma_start3A_184] : memref<2x10240x128xf32, #tpu.memory_space<hbm>> -> memref<1x32x128xf32, #tpu.memory_space<hbm>>
      %dma_start3A_186 = tpu.memref_squeeze %dma_start3A_185 : memref<1x32x128xf32, #tpu.memory_space<hbm>> -> memref<32x128xf32, #tpu.memory_space<hbm>>
      tpu.enqueue_dma source(%arg6 : memref<32x128xf32, #tpu.memory_space<vmem>>) target(%dma_start3A_186 : memref<32x128xf32, #tpu.memory_space<hbm>>) target_semaphore(%run_scoped3A : memref<!tpu.dma_semaphore, #tpu.memory_space<semaphore_mem>>)
      %dma_wait3A = arith.constant 0 : i32
      %dma_wait3A_187 = tpu.memref_slice %arg3[%arg0, %add3A_149, %dma_wait3A] : memref<2x10240x128xf32, #tpu.memory_space<hbm>> -> memref<1x32x128xf32, #tpu.memory_space<hbm>>
      %dma_wait3A_188 = tpu.memref_squeeze %dma_wait3A_187 : memref<1x32x128xf32, #tpu.memory_space<hbm>> -> memref<32x128xf32, #tpu.memory_space<hbm>>
      %dma_wait3A_189 = arith.constant 0 : i32
      %dma_wait3A_190 = tpu.memref_slice %arg3[%arg0, %add3A_149, %dma_wait3A_189] : memref<2x10240x128xf32, #tpu.memory_space<hbm>> -> memref<1x32x128xf32, #tpu.memory_space<hbm>>
      %dma_wait3A_191 = tpu.memref_squeeze %dma_wait3A_190 : memref<1x32x128xf32, #tpu.memory_space<hbm>> -> memref<32x128xf32, #tpu.memory_space<hbm>>
      tpu.wait_dma2 semaphore(%run_scoped3A : memref<!tpu.dma_semaphore, #tpu.memory_space<semaphore_mem>>) src(%arg6 : memref<32x128xf32, #tpu.memory_space<vmem>>) dst(%dma_wait3A_191 : memref<32x128xf32, #tpu.memory_space<hbm>>)
      tpu.yield
    }) : () -> ()
    %mul3A_150 = arith.constant 640 : i32
    %mul3A_151 = arith.muli %arg1, %mul3A_150 : i32
    %add3A_152 = arith.constant 384 : i32
    %add3A_153 = arith.addi %mul3A_151, %add3A_152 : i32
    "tpu.region"() ({
      %run_scoped3A = tpu.sem_alloc : memref<!tpu.dma_semaphore, #tpu.memory_space<semaphore_mem>>
      %dma_start3A = arith.constant 0 : i32
      %dma_start3A_182 = tpu.memref_slice %arg7[%add3A_153, %dma_start3A] : memref<10240x128xf32, #tpu.memory_space<vmem_shared>> -> memref<32x128xf32, #tpu.memory_space<vmem_shared>>
      %dma_start3A_183 = arith.constant 0 : i32
      %dma_start3A_184 = tpu.memref_slice %arg7[%add3A_153, %dma_start3A_183] : memref<10240x128xf32, #tpu.memory_space<vmem_shared>> -> memref<32x128xf32, #tpu.memory_space<vmem_shared>>
      tpu.enqueue_dma source(%dma_start3A_184 : memref<32x128xf32, #tpu.memory_space<vmem_shared>>) target(%arg6 : memref<32x128xf32, #tpu.memory_space<vmem>>) target_semaphore(%run_scoped3A : memref<!tpu.dma_semaphore, #tpu.memory_space<semaphore_mem>>)
      %dma_wait3A = arith.constant 0 : i32
      %dma_wait3A_185 = tpu.memref_slice %arg7[%add3A_153, %dma_wait3A] : memref<10240x128xf32, #tpu.memory_space<vmem_shared>> -> memref<32x128xf32, #tpu.memory_space<vmem_shared>>
      %dma_wait3A_186 = arith.constant 0 : i32
      %dma_wait3A_187 = tpu.memref_slice %arg7[%add3A_153, %dma_wait3A_186] : memref<10240x128xf32, #tpu.memory_space<vmem_shared>> -> memref<32x128xf32, #tpu.memory_space<vmem_shared>>
      tpu.wait_dma2 semaphore(%run_scoped3A : memref<!tpu.dma_semaphore, #tpu.memory_space<semaphore_mem>>) src(%dma_wait3A_187 : memref<32x128xf32, #tpu.memory_space<vmem_shared>>) dst(%arg6 : memref<32x128xf32, #tpu.memory_space<vmem>>)
      tpu.yield
    }) : () -> ()
    "tpu.region"() ({
      %run_scoped3A = tpu.sem_alloc : memref<!tpu.dma_semaphore, #tpu.memory_space<semaphore_mem>>
      %dma_start3A = arith.constant 0 : i32
      %dma_start3A_182 = tpu.memref_slice %arg3[%arg0, %add3A_153, %dma_start3A] : memref<2x10240x128xf32, #tpu.memory_space<hbm>> -> memref<1x32x128xf32, #tpu.memory_space<hbm>>
      %dma_start3A_183 = tpu.memref_squeeze %dma_start3A_182 : memref<1x32x128xf32, #tpu.memory_space<hbm>> -> memref<32x128xf32, #tpu.memory_space<hbm>>
      %dma_start3A_184 = arith.constant 0 : i32
      %dma_start3A_185 = tpu.memref_slice %arg3[%arg0, %add3A_153, %dma_start3A_184] : memref<2x10240x128xf32, #tpu.memory_space<hbm>> -> memref<1x32x128xf32, #tpu.memory_space<hbm>>
      %dma_start3A_186 = tpu.memref_squeeze %dma_start3A_185 : memref<1x32x128xf32, #tpu.memory_space<hbm>> -> memref<32x128xf32, #tpu.memory_space<hbm>>
      tpu.enqueue_dma source(%arg6 : memref<32x128xf32, #tpu.memory_space<vmem>>) target(%dma_start3A_186 : memref<32x128xf32, #tpu.memory_space<hbm>>) target_semaphore(%run_scoped3A : memref<!tpu.dma_semaphore, #tpu.memory_space<semaphore_mem>>)
      %dma_wait3A = arith.constant 0 : i32
      %dma_wait3A_187 = tpu.memref_slice %arg3[%arg0, %add3A_153, %dma_wait3A] : memref<2x10240x128xf32, #tpu.memory_space<hbm>> -> memref<1x32x128xf32, #tpu.memory_space<hbm>>
      %dma_wait3A_188 = tpu.memref_squeeze %dma_wait3A_187 : memref<1x32x128xf32, #tpu.memory_space<hbm>> -> memref<32x128xf32, #tpu.memory_space<hbm>>
      %dma_wait3A_189 = arith.constant 0 : i32
      %dma_wait3A_190 = tpu.memref_slice %arg3[%arg0, %add3A_153, %dma_wait3A_189] : memref<2x10240x128xf32, #tpu.memory_space<hbm>> -> memref<1x32x128xf32, #tpu.memory_space<hbm>>
      %dma_wait3A_191 = tpu.memref_squeeze %dma_wait3A_190 : memref<1x32x128xf32, #tpu.memory_space<hbm>> -> memref<32x128xf32, #tpu.memory_space<hbm>>
      tpu.wait_dma2 semaphore(%run_scoped3A : memref<!tpu.dma_semaphore, #tpu.memory_space<semaphore_mem>>) src(%arg6 : memref<32x128xf32, #tpu.memory_space<vmem>>) dst(%dma_wait3A_191 : memref<32x128xf32, #tpu.memory_space<hbm>>)
      tpu.yield
    }) : () -> ()
    %mul3A_154 = arith.constant 640 : i32
    %mul3A_155 = arith.muli %arg1, %mul3A_154 : i32
    %add3A_156 = arith.constant 416 : i32
    %add3A_157 = arith.addi %mul3A_155, %add3A_156 : i32
    "tpu.region"() ({
      %run_scoped3A = tpu.sem_alloc : memref<!tpu.dma_semaphore, #tpu.memory_space<semaphore_mem>>
      %dma_start3A = arith.constant 0 : i32
      %dma_start3A_182 = tpu.memref_slice %arg7[%add3A_157, %dma_start3A] : memref<10240x128xf32, #tpu.memory_space<vmem_shared>> -> memref<32x128xf32, #tpu.memory_space<vmem_shared>>
      %dma_start3A_183 = arith.constant 0 : i32
      %dma_start3A_184 = tpu.memref_slice %arg7[%add3A_157, %dma_start3A_183] : memref<10240x128xf32, #tpu.memory_space<vmem_shared>> -> memref<32x128xf32, #tpu.memory_space<vmem_shared>>
      tpu.enqueue_dma source(%dma_start3A_184 : memref<32x128xf32, #tpu.memory_space<vmem_shared>>) target(%arg6 : memref<32x128xf32, #tpu.memory_space<vmem>>) target_semaphore(%run_scoped3A : memref<!tpu.dma_semaphore, #tpu.memory_space<semaphore_mem>>)
      %dma_wait3A = arith.constant 0 : i32
      %dma_wait3A_185 = tpu.memref_slice %arg7[%add3A_157, %dma_wait3A] : memref<10240x128xf32, #tpu.memory_space<vmem_shared>> -> memref<32x128xf32, #tpu.memory_space<vmem_shared>>
      %dma_wait3A_186 = arith.constant 0 : i32
      %dma_wait3A_187 = tpu.memref_slice %arg7[%add3A_157, %dma_wait3A_186] : memref<10240x128xf32, #tpu.memory_space<vmem_shared>> -> memref<32x128xf32, #tpu.memory_space<vmem_shared>>
      tpu.wait_dma2 semaphore(%run_scoped3A : memref<!tpu.dma_semaphore, #tpu.memory_space<semaphore_mem>>) src(%dma_wait3A_187 : memref<32x128xf32, #tpu.memory_space<vmem_shared>>) dst(%arg6 : memref<32x128xf32, #tpu.memory_space<vmem>>)
      tpu.yield
    }) : () -> ()
    "tpu.region"() ({
      %run_scoped3A = tpu.sem_alloc : memref<!tpu.dma_semaphore, #tpu.memory_space<semaphore_mem>>
      %dma_start3A = arith.constant 0 : i32
      %dma_start3A_182 = tpu.memref_slice %arg3[%arg0, %add3A_157, %dma_start3A] : memref<2x10240x128xf32, #tpu.memory_space<hbm>> -> memref<1x32x128xf32, #tpu.memory_space<hbm>>
      %dma_start3A_183 = tpu.memref_squeeze %dma_start3A_182 : memref<1x32x128xf32, #tpu.memory_space<hbm>> -> memref<32x128xf32, #tpu.memory_space<hbm>>
      %dma_start3A_184 = arith.constant 0 : i32
      %dma_start3A_185 = tpu.memref_slice %arg3[%arg0, %add3A_157, %dma_start3A_184] : memref<2x10240x128xf32, #tpu.memory_space<hbm>> -> memref<1x32x128xf32, #tpu.memory_space<hbm>>
      %dma_start3A_186 = tpu.memref_squeeze %dma_start3A_185 : memref<1x32x128xf32, #tpu.memory_space<hbm>> -> memref<32x128xf32, #tpu.memory_space<hbm>>
      tpu.enqueue_dma source(%arg6 : memref<32x128xf32, #tpu.memory_space<vmem>>) target(%dma_start3A_186 : memref<32x128xf32, #tpu.memory_space<hbm>>) target_semaphore(%run_scoped3A : memref<!tpu.dma_semaphore, #tpu.memory_space<semaphore_mem>>)
      %dma_wait3A = arith.constant 0 : i32
      %dma_wait3A_187 = tpu.memref_slice %arg3[%arg0, %add3A_157, %dma_wait3A] : memref<2x10240x128xf32, #tpu.memory_space<hbm>> -> memref<1x32x128xf32, #tpu.memory_space<hbm>>
      %dma_wait3A_188 = tpu.memref_squeeze %dma_wait3A_187 : memref<1x32x128xf32, #tpu.memory_space<hbm>> -> memref<32x128xf32, #tpu.memory_space<hbm>>
      %dma_wait3A_189 = arith.constant 0 : i32
      %dma_wait3A_190 = tpu.memref_slice %arg3[%arg0, %add3A_157, %dma_wait3A_189] : memref<2x10240x128xf32, #tpu.memory_space<hbm>> -> memref<1x32x128xf32, #tpu.memory_space<hbm>>
      %dma_wait3A_191 = tpu.memref_squeeze %dma_wait3A_190 : memref<1x32x128xf32, #tpu.memory_space<hbm>> -> memref<32x128xf32, #tpu.memory_space<hbm>>
      tpu.wait_dma2 semaphore(%run_scoped3A : memref<!tpu.dma_semaphore, #tpu.memory_space<semaphore_mem>>) src(%arg6 : memref<32x128xf32, #tpu.memory_space<vmem>>) dst(%dma_wait3A_191 : memref<32x128xf32, #tpu.memory_space<hbm>>)
      tpu.yield
    }) : () -> ()
    %mul3A_158 = arith.constant 640 : i32
    %mul3A_159 = arith.muli %arg1, %mul3A_158 : i32
    %add3A_160 = arith.constant 448 : i32
    %add3A_161 = arith.addi %mul3A_159, %add3A_160 : i32
    "tpu.region"() ({
      %run_scoped3A = tpu.sem_alloc : memref<!tpu.dma_semaphore, #tpu.memory_space<semaphore_mem>>
      %dma_start3A = arith.constant 0 : i32
      %dma_start3A_182 = tpu.memref_slice %arg7[%add3A_161, %dma_start3A] : memref<10240x128xf32, #tpu.memory_space<vmem_shared>> -> memref<32x128xf32, #tpu.memory_space<vmem_shared>>
      %dma_start3A_183 = arith.constant 0 : i32
      %dma_start3A_184 = tpu.memref_slice %arg7[%add3A_161, %dma_start3A_183] : memref<10240x128xf32, #tpu.memory_space<vmem_shared>> -> memref<32x128xf32, #tpu.memory_space<vmem_shared>>
      tpu.enqueue_dma source(%dma_start3A_184 : memref<32x128xf32, #tpu.memory_space<vmem_shared>>) target(%arg6 : memref<32x128xf32, #tpu.memory_space<vmem>>) target_semaphore(%run_scoped3A : memref<!tpu.dma_semaphore, #tpu.memory_space<semaphore_mem>>)
      %dma_wait3A = arith.constant 0 : i32
      %dma_wait3A_185 = tpu.memref_slice %arg7[%add3A_161, %dma_wait3A] : memref<10240x128xf32, #tpu.memory_space<vmem_shared>> -> memref<32x128xf32, #tpu.memory_space<vmem_shared>>
      %dma_wait3A_186 = arith.constant 0 : i32
      %dma_wait3A_187 = tpu.memref_slice %arg7[%add3A_161, %dma_wait3A_186] : memref<10240x128xf32, #tpu.memory_space<vmem_shared>> -> memref<32x128xf32, #tpu.memory_space<vmem_shared>>
      tpu.wait_dma2 semaphore(%run_scoped3A : memref<!tpu.dma_semaphore, #tpu.memory_space<semaphore_mem>>) src(%dma_wait3A_187 : memref<32x128xf32, #tpu.memory_space<vmem_shared>>) dst(%arg6 : memref<32x128xf32, #tpu.memory_space<vmem>>)
      tpu.yield
    }) : () -> ()
    "tpu.region"() ({
      %run_scoped3A = tpu.sem_alloc : memref<!tpu.dma_semaphore, #tpu.memory_space<semaphore_mem>>
      %dma_start3A = arith.constant 0 : i32
      %dma_start3A_182 = tpu.memref_slice %arg3[%arg0, %add3A_161, %dma_start3A] : memref<2x10240x128xf32, #tpu.memory_space<hbm>> -> memref<1x32x128xf32, #tpu.memory_space<hbm>>
      %dma_start3A_183 = tpu.memref_squeeze %dma_start3A_182 : memref<1x32x128xf32, #tpu.memory_space<hbm>> -> memref<32x128xf32, #tpu.memory_space<hbm>>
      %dma_start3A_184 = arith.constant 0 : i32
      %dma_start3A_185 = tpu.memref_slice %arg3[%arg0, %add3A_161, %dma_start3A_184] : memref<2x10240x128xf32, #tpu.memory_space<hbm>> -> memref<1x32x128xf32, #tpu.memory_space<hbm>>
      %dma_start3A_186 = tpu.memref_squeeze %dma_start3A_185 : memref<1x32x128xf32, #tpu.memory_space<hbm>> -> memref<32x128xf32, #tpu.memory_space<hbm>>
      tpu.enqueue_dma source(%arg6 : memref<32x128xf32, #tpu.memory_space<vmem>>) target(%dma_start3A_186 : memref<32x128xf32, #tpu.memory_space<hbm>>) target_semaphore(%run_scoped3A : memref<!tpu.dma_semaphore, #tpu.memory_space<semaphore_mem>>)
      %dma_wait3A = arith.constant 0 : i32
      %dma_wait3A_187 = tpu.memref_slice %arg3[%arg0, %add3A_161, %dma_wait3A] : memref<2x10240x128xf32, #tpu.memory_space<hbm>> -> memref<1x32x128xf32, #tpu.memory_space<hbm>>
      %dma_wait3A_188 = tpu.memref_squeeze %dma_wait3A_187 : memref<1x32x128xf32, #tpu.memory_space<hbm>> -> memref<32x128xf32, #tpu.memory_space<hbm>>
      %dma_wait3A_189 = arith.constant 0 : i32
      %dma_wait3A_190 = tpu.memref_slice %arg3[%arg0, %add3A_161, %dma_wait3A_189] : memref<2x10240x128xf32, #tpu.memory_space<hbm>> -> memref<1x32x128xf32, #tpu.memory_space<hbm>>
      %dma_wait3A_191 = tpu.memref_squeeze %dma_wait3A_190 : memref<1x32x128xf32, #tpu.memory_space<hbm>> -> memref<32x128xf32, #tpu.memory_space<hbm>>
      tpu.wait_dma2 semaphore(%run_scoped3A : memref<!tpu.dma_semaphore, #tpu.memory_space<semaphore_mem>>) src(%arg6 : memref<32x128xf32, #tpu.memory_space<vmem>>) dst(%dma_wait3A_191 : memref<32x128xf32, #tpu.memory_space<hbm>>)
      tpu.yield
    }) : () -> ()
    %mul3A_162 = arith.constant 640 : i32
    %mul3A_163 = arith.muli %arg1, %mul3A_162 : i32
    %add3A_164 = arith.constant 480 : i32
    %add3A_165 = arith.addi %mul3A_163, %add3A_164 : i32
    "tpu.region"() ({
      %run_scoped3A = tpu.sem_alloc : memref<!tpu.dma_semaphore, #tpu.memory_space<semaphore_mem>>
      %dma_start3A = arith.constant 0 : i32
      %dma_start3A_182 = tpu.memref_slice %arg7[%add3A_165, %dma_start3A] : memref<10240x128xf32, #tpu.memory_space<vmem_shared>> -> memref<32x128xf32, #tpu.memory_space<vmem_shared>>
      %dma_start3A_183 = arith.constant 0 : i32
      %dma_start3A_184 = tpu.memref_slice %arg7[%add3A_165, %dma_start3A_183] : memref<10240x128xf32, #tpu.memory_space<vmem_shared>> -> memref<32x128xf32, #tpu.memory_space<vmem_shared>>
      tpu.enqueue_dma source(%dma_start3A_184 : memref<32x128xf32, #tpu.memory_space<vmem_shared>>) target(%arg6 : memref<32x128xf32, #tpu.memory_space<vmem>>) target_semaphore(%run_scoped3A : memref<!tpu.dma_semaphore, #tpu.memory_space<semaphore_mem>>)
      %dma_wait3A = arith.constant 0 : i32
      %dma_wait3A_185 = tpu.memref_slice %arg7[%add3A_165, %dma_wait3A] : memref<10240x128xf32, #tpu.memory_space<vmem_shared>> -> memref<32x128xf32, #tpu.memory_space<vmem_shared>>
      %dma_wait3A_186 = arith.constant 0 : i32
      %dma_wait3A_187 = tpu.memref_slice %arg7[%add3A_165, %dma_wait3A_186] : memref<10240x128xf32, #tpu.memory_space<vmem_shared>> -> memref<32x128xf32, #tpu.memory_space<vmem_shared>>
      tpu.wait_dma2 semaphore(%run_scoped3A : memref<!tpu.dma_semaphore, #tpu.memory_space<semaphore_mem>>) src(%dma_wait3A_187 : memref<32x128xf32, #tpu.memory_space<vmem_shared>>) dst(%arg6 : memref<32x128xf32, #tpu.memory_space<vmem>>)
      tpu.yield
    }) : () -> ()
    "tpu.region"() ({
      %run_scoped3A = tpu.sem_alloc : memref<!tpu.dma_semaphore, #tpu.memory_space<semaphore_mem>>
      %dma_start3A = arith.constant 0 : i32
      %dma_start3A_182 = tpu.memref_slice %arg3[%arg0, %add3A_165, %dma_start3A] : memref<2x10240x128xf32, #tpu.memory_space<hbm>> -> memref<1x32x128xf32, #tpu.memory_space<hbm>>
      %dma_start3A_183 = tpu.memref_squeeze %dma_start3A_182 : memref<1x32x128xf32, #tpu.memory_space<hbm>> -> memref<32x128xf32, #tpu.memory_space<hbm>>
      %dma_start3A_184 = arith.constant 0 : i32
      %dma_start3A_185 = tpu.memref_slice %arg3[%arg0, %add3A_165, %dma_start3A_184] : memref<2x10240x128xf32, #tpu.memory_space<hbm>> -> memref<1x32x128xf32, #tpu.memory_space<hbm>>
      %dma_start3A_186 = tpu.memref_squeeze %dma_start3A_185 : memref<1x32x128xf32, #tpu.memory_space<hbm>> -> memref<32x128xf32, #tpu.memory_space<hbm>>
      tpu.enqueue_dma source(%arg6 : memref<32x128xf32, #tpu.memory_space<vmem>>) target(%dma_start3A_186 : memref<32x128xf32, #tpu.memory_space<hbm>>) target_semaphore(%run_scoped3A : memref<!tpu.dma_semaphore, #tpu.memory_space<semaphore_mem>>)
      %dma_wait3A = arith.constant 0 : i32
      %dma_wait3A_187 = tpu.memref_slice %arg3[%arg0, %add3A_165, %dma_wait3A] : memref<2x10240x128xf32, #tpu.memory_space<hbm>> -> memref<1x32x128xf32, #tpu.memory_space<hbm>>
      %dma_wait3A_188 = tpu.memref_squeeze %dma_wait3A_187 : memref<1x32x128xf32, #tpu.memory_space<hbm>> -> memref<32x128xf32, #tpu.memory_space<hbm>>
      %dma_wait3A_189 = arith.constant 0 : i32
      %dma_wait3A_190 = tpu.memref_slice %arg3[%arg0, %add3A_165, %dma_wait3A_189] : memref<2x10240x128xf32, #tpu.memory_space<hbm>> -> memref<1x32x128xf32, #tpu.memory_space<hbm>>
      %dma_wait3A_191 = tpu.memref_squeeze %dma_wait3A_190 : memref<1x32x128xf32, #tpu.memory_space<hbm>> -> memref<32x128xf32, #tpu.memory_space<hbm>>
      tpu.wait_dma2 semaphore(%run_scoped3A : memref<!tpu.dma_semaphore, #tpu.memory_space<semaphore_mem>>) src(%arg6 : memref<32x128xf32, #tpu.memory_space<vmem>>) dst(%dma_wait3A_191 : memref<32x128xf32, #tpu.memory_space<hbm>>)
      tpu.yield
    }) : () -> ()
    %mul3A_166 = arith.constant 640 : i32
    %mul3A_167 = arith.muli %arg1, %mul3A_166 : i32
    %add3A_168 = arith.constant 512 : i32
    %add3A_169 = arith.addi %mul3A_167, %add3A_168 : i32
    "tpu.region"() ({
      %run_scoped3A = tpu.sem_alloc : memref<!tpu.dma_semaphore, #tpu.memory_space<semaphore_mem>>
      %dma_start3A = arith.constant 0 : i32
      %dma_start3A_182 = tpu.memref_slice %arg7[%add3A_169, %dma_start3A] : memref<10240x128xf32, #tpu.memory_space<vmem_shared>> -> memref<32x128xf32, #tpu.memory_space<vmem_shared>>
      %dma_start3A_183 = arith.constant 0 : i32
      %dma_start3A_184 = tpu.memref_slice %arg7[%add3A_169, %dma_start3A_183] : memref<10240x128xf32, #tpu.memory_space<vmem_shared>> -> memref<32x128xf32, #tpu.memory_space<vmem_shared>>
      tpu.enqueue_dma source(%dma_start3A_184 : memref<32x128xf32, #tpu.memory_space<vmem_shared>>) target(%arg6 : memref<32x128xf32, #tpu.memory_space<vmem>>) target_semaphore(%run_scoped3A : memref<!tpu.dma_semaphore, #tpu.memory_space<semaphore_mem>>)
      %dma_wait3A = arith.constant 0 : i32
      %dma_wait3A_185 = tpu.memref_slice %arg7[%add3A_169, %dma_wait3A] : memref<10240x128xf32, #tpu.memory_space<vmem_shared>> -> memref<32x128xf32, #tpu.memory_space<vmem_shared>>
      %dma_wait3A_186 = arith.constant 0 : i32
      %dma_wait3A_187 = tpu.memref_slice %arg7[%add3A_169, %dma_wait3A_186] : memref<10240x128xf32, #tpu.memory_space<vmem_shared>> -> memref<32x128xf32, #tpu.memory_space<vmem_shared>>
      tpu.wait_dma2 semaphore(%run_scoped3A : memref<!tpu.dma_semaphore, #tpu.memory_space<semaphore_mem>>) src(%dma_wait3A_187 : memref<32x128xf32, #tpu.memory_space<vmem_shared>>) dst(%arg6 : memref<32x128xf32, #tpu.memory_space<vmem>>)
      tpu.yield
    }) : () -> ()
    "tpu.region"() ({
      %run_scoped3A = tpu.sem_alloc : memref<!tpu.dma_semaphore, #tpu.memory_space<semaphore_mem>>
      %dma_start3A = arith.constant 0 : i32
      %dma_start3A_182 = tpu.memref_slice %arg3[%arg0, %add3A_169, %dma_start3A] : memref<2x10240x128xf32, #tpu.memory_space<hbm>> -> memref<1x32x128xf32, #tpu.memory_space<hbm>>
      %dma_start3A_183 = tpu.memref_squeeze %dma_start3A_182 : memref<1x32x128xf32, #tpu.memory_space<hbm>> -> memref<32x128xf32, #tpu.memory_space<hbm>>
      %dma_start3A_184 = arith.constant 0 : i32
      %dma_start3A_185 = tpu.memref_slice %arg3[%arg0, %add3A_169, %dma_start3A_184] : memref<2x10240x128xf32, #tpu.memory_space<hbm>> -> memref<1x32x128xf32, #tpu.memory_space<hbm>>
      %dma_start3A_186 = tpu.memref_squeeze %dma_start3A_185 : memref<1x32x128xf32, #tpu.memory_space<hbm>> -> memref<32x128xf32, #tpu.memory_space<hbm>>
      tpu.enqueue_dma source(%arg6 : memref<32x128xf32, #tpu.memory_space<vmem>>) target(%dma_start3A_186 : memref<32x128xf32, #tpu.memory_space<hbm>>) target_semaphore(%run_scoped3A : memref<!tpu.dma_semaphore, #tpu.memory_space<semaphore_mem>>)
      %dma_wait3A = arith.constant 0 : i32
      %dma_wait3A_187 = tpu.memref_slice %arg3[%arg0, %add3A_169, %dma_wait3A] : memref<2x10240x128xf32, #tpu.memory_space<hbm>> -> memref<1x32x128xf32, #tpu.memory_space<hbm>>
      %dma_wait3A_188 = tpu.memref_squeeze %dma_wait3A_187 : memref<1x32x128xf32, #tpu.memory_space<hbm>> -> memref<32x128xf32, #tpu.memory_space<hbm>>
      %dma_wait3A_189 = arith.constant 0 : i32
      %dma_wait3A_190 = tpu.memref_slice %arg3[%arg0, %add3A_169, %dma_wait3A_189] : memref<2x10240x128xf32, #tpu.memory_space<hbm>> -> memref<1x32x128xf32, #tpu.memory_space<hbm>>
      %dma_wait3A_191 = tpu.memref_squeeze %dma_wait3A_190 : memref<1x32x128xf32, #tpu.memory_space<hbm>> -> memref<32x128xf32, #tpu.memory_space<hbm>>
      tpu.wait_dma2 semaphore(%run_scoped3A : memref<!tpu.dma_semaphore, #tpu.memory_space<semaphore_mem>>) src(%arg6 : memref<32x128xf32, #tpu.memory_space<vmem>>) dst(%dma_wait3A_191 : memref<32x128xf32, #tpu.memory_space<hbm>>)
      tpu.yield
    }) : () -> ()
    %mul3A_170 = arith.constant 640 : i32
    %mul3A_171 = arith.muli %arg1, %mul3A_170 : i32
    %add3A_172 = arith.constant 544 : i32
    %add3A_173 = arith.addi %mul3A_171, %add3A_172 : i32
    "tpu.region"() ({
      %run_scoped3A = tpu.sem_alloc : memref<!tpu.dma_semaphore, #tpu.memory_space<semaphore_mem>>
      %dma_start3A = arith.constant 0 : i32
      %dma_start3A_182 = tpu.memref_slice %arg7[%add3A_173, %dma_start3A] : memref<10240x128xf32, #tpu.memory_space<vmem_shared>> -> memref<32x128xf32, #tpu.memory_space<vmem_shared>>
      %dma_start3A_183 = arith.constant 0 : i32
      %dma_start3A_184 = tpu.memref_slice %arg7[%add3A_173, %dma_start3A_183] : memref<10240x128xf32, #tpu.memory_space<vmem_shared>> -> memref<32x128xf32, #tpu.memory_space<vmem_shared>>
      tpu.enqueue_dma source(%dma_start3A_184 : memref<32x128xf32, #tpu.memory_space<vmem_shared>>) target(%arg6 : memref<32x128xf32, #tpu.memory_space<vmem>>) target_semaphore(%run_scoped3A : memref<!tpu.dma_semaphore, #tpu.memory_space<semaphore_mem>>)
      %dma_wait3A = arith.constant 0 : i32
      %dma_wait3A_185 = tpu.memref_slice %arg7[%add3A_173, %dma_wait3A] : memref<10240x128xf32, #tpu.memory_space<vmem_shared>> -> memref<32x128xf32, #tpu.memory_space<vmem_shared>>
      %dma_wait3A_186 = arith.constant 0 : i32
      %dma_wait3A_187 = tpu.memref_slice %arg7[%add3A_173, %dma_wait3A_186] : memref<10240x128xf32, #tpu.memory_space<vmem_shared>> -> memref<32x128xf32, #tpu.memory_space<vmem_shared>>
      tpu.wait_dma2 semaphore(%run_scoped3A : memref<!tpu.dma_semaphore, #tpu.memory_space<semaphore_mem>>) src(%dma_wait3A_187 : memref<32x128xf32, #tpu.memory_space<vmem_shared>>) dst(%arg6 : memref<32x128xf32, #tpu.memory_space<vmem>>)
      tpu.yield
    }) : () -> ()
    "tpu.region"() ({
      %run_scoped3A = tpu.sem_alloc : memref<!tpu.dma_semaphore, #tpu.memory_space<semaphore_mem>>
      %dma_start3A = arith.constant 0 : i32
      %dma_start3A_182 = tpu.memref_slice %arg3[%arg0, %add3A_173, %dma_start3A] : memref<2x10240x128xf32, #tpu.memory_space<hbm>> -> memref<1x32x128xf32, #tpu.memory_space<hbm>>
      %dma_start3A_183 = tpu.memref_squeeze %dma_start3A_182 : memref<1x32x128xf32, #tpu.memory_space<hbm>> -> memref<32x128xf32, #tpu.memory_space<hbm>>
      %dma_start3A_184 = arith.constant 0 : i32
      %dma_start3A_185 = tpu.memref_slice %arg3[%arg0, %add3A_173, %dma_start3A_184] : memref<2x10240x128xf32, #tpu.memory_space<hbm>> -> memref<1x32x128xf32, #tpu.memory_space<hbm>>
      %dma_start3A_186 = tpu.memref_squeeze %dma_start3A_185 : memref<1x32x128xf32, #tpu.memory_space<hbm>> -> memref<32x128xf32, #tpu.memory_space<hbm>>
      tpu.enqueue_dma source(%arg6 : memref<32x128xf32, #tpu.memory_space<vmem>>) target(%dma_start3A_186 : memref<32x128xf32, #tpu.memory_space<hbm>>) target_semaphore(%run_scoped3A : memref<!tpu.dma_semaphore, #tpu.memory_space<semaphore_mem>>)
      %dma_wait3A = arith.constant 0 : i32
      %dma_wait3A_187 = tpu.memref_slice %arg3[%arg0, %add3A_173, %dma_wait3A] : memref<2x10240x128xf32, #tpu.memory_space<hbm>> -> memref<1x32x128xf32, #tpu.memory_space<hbm>>
      %dma_wait3A_188 = tpu.memref_squeeze %dma_wait3A_187 : memref<1x32x128xf32, #tpu.memory_space<hbm>> -> memref<32x128xf32, #tpu.memory_space<hbm>>
      %dma_wait3A_189 = arith.constant 0 : i32
      %dma_wait3A_190 = tpu.memref_slice %arg3[%arg0, %add3A_173, %dma_wait3A_189] : memref<2x10240x128xf32, #tpu.memory_space<hbm>> -> memref<1x32x128xf32, #tpu.memory_space<hbm>>
      %dma_wait3A_191 = tpu.memref_squeeze %dma_wait3A_190 : memref<1x32x128xf32, #tpu.memory_space<hbm>> -> memref<32x128xf32, #tpu.memory_space<hbm>>
      tpu.wait_dma2 semaphore(%run_scoped3A : memref<!tpu.dma_semaphore, #tpu.memory_space<semaphore_mem>>) src(%arg6 : memref<32x128xf32, #tpu.memory_space<vmem>>) dst(%dma_wait3A_191 : memref<32x128xf32, #tpu.memory_space<hbm>>)
      tpu.yield
    }) : () -> ()
    %mul3A_174 = arith.constant 640 : i32
    %mul3A_175 = arith.muli %arg1, %mul3A_174 : i32
    %add3A_176 = arith.constant 576 : i32
    %add3A_177 = arith.addi %mul3A_175, %add3A_176 : i32
    "tpu.region"() ({
      %run_scoped3A = tpu.sem_alloc : memref<!tpu.dma_semaphore, #tpu.memory_space<semaphore_mem>>
      %dma_start3A = arith.constant 0 : i32
      %dma_start3A_182 = tpu.memref_slice %arg7[%add3A_177, %dma_start3A] : memref<10240x128xf32, #tpu.memory_space<vmem_shared>> -> memref<32x128xf32, #tpu.memory_space<vmem_shared>>
      %dma_start3A_183 = arith.constant 0 : i32
      %dma_start3A_184 = tpu.memref_slice %arg7[%add3A_177, %dma_start3A_183] : memref<10240x128xf32, #tpu.memory_space<vmem_shared>> -> memref<32x128xf32, #tpu.memory_space<vmem_shared>>
      tpu.enqueue_dma source(%dma_start3A_184 : memref<32x128xf32, #tpu.memory_space<vmem_shared>>) target(%arg6 : memref<32x128xf32, #tpu.memory_space<vmem>>) target_semaphore(%run_scoped3A : memref<!tpu.dma_semaphore, #tpu.memory_space<semaphore_mem>>)
      %dma_wait3A = arith.constant 0 : i32
      %dma_wait3A_185 = tpu.memref_slice %arg7[%add3A_177, %dma_wait3A] : memref<10240x128xf32, #tpu.memory_space<vmem_shared>> -> memref<32x128xf32, #tpu.memory_space<vmem_shared>>
      %dma_wait3A_186 = arith.constant 0 : i32
      %dma_wait3A_187 = tpu.memref_slice %arg7[%add3A_177, %dma_wait3A_186] : memref<10240x128xf32, #tpu.memory_space<vmem_shared>> -> memref<32x128xf32, #tpu.memory_space<vmem_shared>>
      tpu.wait_dma2 semaphore(%run_scoped3A : memref<!tpu.dma_semaphore, #tpu.memory_space<semaphore_mem>>) src(%dma_wait3A_187 : memref<32x128xf32, #tpu.memory_space<vmem_shared>>) dst(%arg6 : memref<32x128xf32, #tpu.memory_space<vmem>>)
      tpu.yield
    }) : () -> ()
    "tpu.region"() ({
      %run_scoped3A = tpu.sem_alloc : memref<!tpu.dma_semaphore, #tpu.memory_space<semaphore_mem>>
      %dma_start3A = arith.constant 0 : i32
      %dma_start3A_182 = tpu.memref_slice %arg3[%arg0, %add3A_177, %dma_start3A] : memref<2x10240x128xf32, #tpu.memory_space<hbm>> -> memref<1x32x128xf32, #tpu.memory_space<hbm>>
      %dma_start3A_183 = tpu.memref_squeeze %dma_start3A_182 : memref<1x32x128xf32, #tpu.memory_space<hbm>> -> memref<32x128xf32, #tpu.memory_space<hbm>>
      %dma_start3A_184 = arith.constant 0 : i32
      %dma_start3A_185 = tpu.memref_slice %arg3[%arg0, %add3A_177, %dma_start3A_184] : memref<2x10240x128xf32, #tpu.memory_space<hbm>> -> memref<1x32x128xf32, #tpu.memory_space<hbm>>
      %dma_start3A_186 = tpu.memref_squeeze %dma_start3A_185 : memref<1x32x128xf32, #tpu.memory_space<hbm>> -> memref<32x128xf32, #tpu.memory_space<hbm>>
      tpu.enqueue_dma source(%arg6 : memref<32x128xf32, #tpu.memory_space<vmem>>) target(%dma_start3A_186 : memref<32x128xf32, #tpu.memory_space<hbm>>) target_semaphore(%run_scoped3A : memref<!tpu.dma_semaphore, #tpu.memory_space<semaphore_mem>>)
      %dma_wait3A = arith.constant 0 : i32
      %dma_wait3A_187 = tpu.memref_slice %arg3[%arg0, %add3A_177, %dma_wait3A] : memref<2x10240x128xf32, #tpu.memory_space<hbm>> -> memref<1x32x128xf32, #tpu.memory_space<hbm>>
      %dma_wait3A_188 = tpu.memref_squeeze %dma_wait3A_187 : memref<1x32x128xf32, #tpu.memory_space<hbm>> -> memref<32x128xf32, #tpu.memory_space<hbm>>
      %dma_wait3A_189 = arith.constant 0 : i32
      %dma_wait3A_190 = tpu.memref_slice %arg3[%arg0, %add3A_177, %dma_wait3A_189] : memref<2x10240x128xf32, #tpu.memory_space<hbm>> -> memref<1x32x128xf32, #tpu.memory_space<hbm>>
      %dma_wait3A_191 = tpu.memref_squeeze %dma_wait3A_190 : memref<1x32x128xf32, #tpu.memory_space<hbm>> -> memref<32x128xf32, #tpu.memory_space<hbm>>
      tpu.wait_dma2 semaphore(%run_scoped3A : memref<!tpu.dma_semaphore, #tpu.memory_space<semaphore_mem>>) src(%arg6 : memref<32x128xf32, #tpu.memory_space<vmem>>) dst(%dma_wait3A_191 : memref<32x128xf32, #tpu.memory_space<hbm>>)
      tpu.yield
    }) : () -> ()
    %mul3A_178 = arith.constant 640 : i32
    %mul3A_179 = arith.muli %arg1, %mul3A_178 : i32
    %add3A_180 = arith.constant 608 : i32
    %add3A_181 = arith.addi %mul3A_179, %add3A_180 : i32
    "tpu.region"() ({
      %run_scoped3A = tpu.sem_alloc : memref<!tpu.dma_semaphore, #tpu.memory_space<semaphore_mem>>
      %dma_start3A = arith.constant 0 : i32
      %dma_start3A_182 = tpu.memref_slice %arg7[%add3A_181, %dma_start3A] : memref<10240x128xf32, #tpu.memory_space<vmem_shared>> -> memref<32x128xf32, #tpu.memory_space<vmem_shared>>
      %dma_start3A_183 = arith.constant 0 : i32
      %dma_start3A_184 = tpu.memref_slice %arg7[%add3A_181, %dma_start3A_183] : memref<10240x128xf32, #tpu.memory_space<vmem_shared>> -> memref<32x128xf32, #tpu.memory_space<vmem_shared>>
      tpu.enqueue_dma source(%dma_start3A_184 : memref<32x128xf32, #tpu.memory_space<vmem_shared>>) target(%arg6 : memref<32x128xf32, #tpu.memory_space<vmem>>) target_semaphore(%run_scoped3A : memref<!tpu.dma_semaphore, #tpu.memory_space<semaphore_mem>>)
      %dma_wait3A = arith.constant 0 : i32
      %dma_wait3A_185 = tpu.memref_slice %arg7[%add3A_181, %dma_wait3A] : memref<10240x128xf32, #tpu.memory_space<vmem_shared>> -> memref<32x128xf32, #tpu.memory_space<vmem_shared>>
      %dma_wait3A_186 = arith.constant 0 : i32
      %dma_wait3A_187 = tpu.memref_slice %arg7[%add3A_181, %dma_wait3A_186] : memref<10240x128xf32, #tpu.memory_space<vmem_shared>> -> memref<32x128xf32, #tpu.memory_space<vmem_shared>>
      tpu.wait_dma2 semaphore(%run_scoped3A : memref<!tpu.dma_semaphore, #tpu.memory_space<semaphore_mem>>) src(%dma_wait3A_187 : memref<32x128xf32, #tpu.memory_space<vmem_shared>>) dst(%arg6 : memref<32x128xf32, #tpu.memory_space<vmem>>)
      tpu.yield
    }) : () -> ()
    "tpu.region"() ({
      %run_scoped3A = tpu.sem_alloc : memref<!tpu.dma_semaphore, #tpu.memory_space<semaphore_mem>>
      %dma_start3A = arith.constant 0 : i32
      %dma_start3A_182 = tpu.memref_slice %arg3[%arg0, %add3A_181, %dma_start3A] : memref<2x10240x128xf32, #tpu.memory_space<hbm>> -> memref<1x32x128xf32, #tpu.memory_space<hbm>>
      %dma_start3A_183 = tpu.memref_squeeze %dma_start3A_182 : memref<1x32x128xf32, #tpu.memory_space<hbm>> -> memref<32x128xf32, #tpu.memory_space<hbm>>
      %dma_start3A_184 = arith.constant 0 : i32
      %dma_start3A_185 = tpu.memref_slice %arg3[%arg0, %add3A_181, %dma_start3A_184] : memref<2x10240x128xf32, #tpu.memory_space<hbm>> -> memref<1x32x128xf32, #tpu.memory_space<hbm>>
      %dma_start3A_186 = tpu.memref_squeeze %dma_start3A_185 : memref<1x32x128xf32, #tpu.memory_space<hbm>> -> memref<32x128xf32, #tpu.memory_space<hbm>>
      tpu.enqueue_dma source(%arg6 : memref<32x128xf32, #tpu.memory_space<vmem>>) target(%dma_start3A_186 : memref<32x128xf32, #tpu.memory_space<hbm>>) target_semaphore(%run_scoped3A : memref<!tpu.dma_semaphore, #tpu.memory_space<semaphore_mem>>)
      %dma_wait3A = arith.constant 0 : i32
      %dma_wait3A_187 = tpu.memref_slice %arg3[%arg0, %add3A_181, %dma_wait3A] : memref<2x10240x128xf32, #tpu.memory_space<hbm>> -> memref<1x32x128xf32, #tpu.memory_space<hbm>>
      %dma_wait3A_188 = tpu.memref_squeeze %dma_wait3A_187 : memref<1x32x128xf32, #tpu.memory_space<hbm>> -> memref<32x128xf32, #tpu.memory_space<hbm>>
      %dma_wait3A_189 = arith.constant 0 : i32
      %dma_wait3A_190 = tpu.memref_slice %arg3[%arg0, %add3A_181, %dma_wait3A_189] : memref<2x10240x128xf32, #tpu.memory_space<hbm>> -> memref<1x32x128xf32, #tpu.memory_space<hbm>>
      %dma_wait3A_191 = tpu.memref_squeeze %dma_wait3A_190 : memref<1x32x128xf32, #tpu.memory_space<hbm>> -> memref<32x128xf32, #tpu.memory_space<hbm>>
      tpu.wait_dma2 semaphore(%run_scoped3A : memref<!tpu.dma_semaphore, #tpu.memory_space<semaphore_mem>>) src(%arg6 : memref<32x128xf32, #tpu.memory_space<vmem>>) dst(%dma_wait3A_191 : memref<32x128xf32, #tpu.memory_space<hbm>>)
      tpu.yield
    }) : () -> ()
    return
  }
}

#map = affine_map<(d0, d1) -> (0, 0)>
#map1 = affine_map<(d0, d1) -> (0, 0, 0)>
module attributes {stable_mosaic.version = 14 : i64} {
  func.func @agg_kernel(%arg0: i32, %arg1: i32, %arg2: memref<10240x128xf32, #tpu.memory_space<hbm>>, %arg3: memref<32x80x125xi32, #tpu.memory_space<hbm>>, %arg4: memref<32x80x125xi32, #tpu.memory_space<hbm>>, %arg5: memref<2x10240x128xf32, #tpu.memory_space<hbm>>, %arg6: memref<80x125xi32, #tpu.memory_space<vmem>>, %arg7: memref<80x125xi32, #tpu.memory_space<vmem>>, %arg8: memref<125x128xf32, #tpu.memory_space<vmem>>, %arg9: memref<32x128xf32, #tpu.memory_space<vmem>>, %arg10: memref<10240x128xf32, #tpu.memory_space<vmem_shared>>, %arg11: memref<!tpu.dma_semaphore, #tpu.memory_space<semaphore_mem>>) attributes {dimension_semantics = [#tpu.dimension_semantics<core_parallel>, #tpu.dimension_semantics<subcore_parallel>], iteration_bounds = array<i64: 2, 16>, scalar_prefetch = 0 : i64, scratch_operands = 6 : i64, tpu.core_type = #tpu.core_type<sc_vector_subcore>, window_params = [{transform_indices = #map}, {transform_indices = #map1}, {transform_indices = #map1}, {transform_indices = #map1}]} {
    %mul3A = arith.constant 16 : i32
    %mul3A_0 = arith.muli %arg0, %mul3A : i32
    %add3A = arith.addi %mul3A_0, %arg1 : i32
    "tpu.region"() ({
      %run_scoped3A = tpu.sem_alloc : memref<!tpu.dma_semaphore, #tpu.memory_space<semaphore_mem>>
      %dma_start3A = arith.constant 0 : i32
      %dma_start3A_175 = arith.constant 0 : i32
      %dma_start3A_176 = tpu.memref_slice %arg3[%add3A, %dma_start3A, %dma_start3A_175] : memref<32x80x125xi32, #tpu.memory_space<hbm>> -> memref<1x80x125xi32, #tpu.memory_space<hbm>>
      %dma_start3A_177 = tpu.memref_squeeze %dma_start3A_176 : memref<1x80x125xi32, #tpu.memory_space<hbm>> -> memref<80x125xi32, #tpu.memory_space<hbm>>
      %dma_start3A_178 = arith.constant 0 : i32
      %dma_start3A_179 = arith.constant 0 : i32
      %dma_start3A_180 = tpu.memref_slice %arg3[%add3A, %dma_start3A_178, %dma_start3A_179] : memref<32x80x125xi32, #tpu.memory_space<hbm>> -> memref<1x80x125xi32, #tpu.memory_space<hbm>>
      %dma_start3A_181 = tpu.memref_squeeze %dma_start3A_180 : memref<1x80x125xi32, #tpu.memory_space<hbm>> -> memref<80x125xi32, #tpu.memory_space<hbm>>
      tpu.enqueue_dma source(%dma_start3A_181 : memref<80x125xi32, #tpu.memory_space<hbm>>) target(%arg6 : memref<80x125xi32, #tpu.memory_space<vmem>>) target_semaphore(%run_scoped3A : memref<!tpu.dma_semaphore, #tpu.memory_space<semaphore_mem>>)
      %dma_wait3A = arith.constant 0 : i32
      %dma_wait3A_182 = arith.constant 0 : i32
      %dma_wait3A_183 = tpu.memref_slice %arg3[%add3A, %dma_wait3A, %dma_wait3A_182] : memref<32x80x125xi32, #tpu.memory_space<hbm>> -> memref<1x80x125xi32, #tpu.memory_space<hbm>>
      %dma_wait3A_184 = tpu.memref_squeeze %dma_wait3A_183 : memref<1x80x125xi32, #tpu.memory_space<hbm>> -> memref<80x125xi32, #tpu.memory_space<hbm>>
      %dma_wait3A_185 = arith.constant 0 : i32
      %dma_wait3A_186 = arith.constant 0 : i32
      %dma_wait3A_187 = tpu.memref_slice %arg3[%add3A, %dma_wait3A_185, %dma_wait3A_186] : memref<32x80x125xi32, #tpu.memory_space<hbm>> -> memref<1x80x125xi32, #tpu.memory_space<hbm>>
      %dma_wait3A_188 = tpu.memref_squeeze %dma_wait3A_187 : memref<1x80x125xi32, #tpu.memory_space<hbm>> -> memref<80x125xi32, #tpu.memory_space<hbm>>
      tpu.wait_dma2 semaphore(%run_scoped3A : memref<!tpu.dma_semaphore, #tpu.memory_space<semaphore_mem>>) src(%dma_wait3A_188 : memref<80x125xi32, #tpu.memory_space<hbm>>) dst(%arg6 : memref<80x125xi32, #tpu.memory_space<vmem>>)
      tpu.yield
    }) : () -> ()
    "tpu.region"() ({
      %run_scoped3A = tpu.sem_alloc : memref<!tpu.dma_semaphore, #tpu.memory_space<semaphore_mem>>
      %dma_start3A = arith.constant 0 : i32
      %dma_start3A_175 = arith.constant 0 : i32
      %dma_start3A_176 = tpu.memref_slice %arg4[%add3A, %dma_start3A, %dma_start3A_175] : memref<32x80x125xi32, #tpu.memory_space<hbm>> -> memref<1x80x125xi32, #tpu.memory_space<hbm>>
      %dma_start3A_177 = tpu.memref_squeeze %dma_start3A_176 : memref<1x80x125xi32, #tpu.memory_space<hbm>> -> memref<80x125xi32, #tpu.memory_space<hbm>>
      %dma_start3A_178 = arith.constant 0 : i32
      %dma_start3A_179 = arith.constant 0 : i32
      %dma_start3A_180 = tpu.memref_slice %arg4[%add3A, %dma_start3A_178, %dma_start3A_179] : memref<32x80x125xi32, #tpu.memory_space<hbm>> -> memref<1x80x125xi32, #tpu.memory_space<hbm>>
      %dma_start3A_181 = tpu.memref_squeeze %dma_start3A_180 : memref<1x80x125xi32, #tpu.memory_space<hbm>> -> memref<80x125xi32, #tpu.memory_space<hbm>>
      tpu.enqueue_dma source(%dma_start3A_181 : memref<80x125xi32, #tpu.memory_space<hbm>>) target(%arg7 : memref<80x125xi32, #tpu.memory_space<vmem>>) target_semaphore(%run_scoped3A : memref<!tpu.dma_semaphore, #tpu.memory_space<semaphore_mem>>)
      %dma_wait3A = arith.constant 0 : i32
      %dma_wait3A_182 = arith.constant 0 : i32
      %dma_wait3A_183 = tpu.memref_slice %arg4[%add3A, %dma_wait3A, %dma_wait3A_182] : memref<32x80x125xi32, #tpu.memory_space<hbm>> -> memref<1x80x125xi32, #tpu.memory_space<hbm>>
      %dma_wait3A_184 = tpu.memref_squeeze %dma_wait3A_183 : memref<1x80x125xi32, #tpu.memory_space<hbm>> -> memref<80x125xi32, #tpu.memory_space<hbm>>
      %dma_wait3A_185 = arith.constant 0 : i32
      %dma_wait3A_186 = arith.constant 0 : i32
      %dma_wait3A_187 = tpu.memref_slice %arg4[%add3A, %dma_wait3A_185, %dma_wait3A_186] : memref<32x80x125xi32, #tpu.memory_space<hbm>> -> memref<1x80x125xi32, #tpu.memory_space<hbm>>
      %dma_wait3A_188 = tpu.memref_squeeze %dma_wait3A_187 : memref<1x80x125xi32, #tpu.memory_space<hbm>> -> memref<80x125xi32, #tpu.memory_space<hbm>>
      tpu.wait_dma2 semaphore(%run_scoped3A : memref<!tpu.dma_semaphore, #tpu.memory_space<semaphore_mem>>) src(%dma_wait3A_188 : memref<80x125xi32, #tpu.memory_space<hbm>>) dst(%arg7 : memref<80x125xi32, #tpu.memory_space<vmem>>)
      tpu.yield
    }) : () -> ()
    %scan3A = arith.constant 0 : i32
    %scan3A_1 = arith.constant 0 : i32
    %scan3A_2 = arith.constant 256 : i32
    %scan3A_3 = arith.addi %scan3A_1, %scan3A_2 : i32
    %scan3A_4 = arith.constant 1 : i32
    %scan3A_5 = scf.for %scan3A_175 = %scan3A_1 to %scan3A_3 step %scan3A_4 iter_args(%scan3A_176 = %scan3A) -> (i32)  : i32 {
      %jit3A = arith.constant 8 : i32
      %div3A = arith.divsi %scan3A_175, %jit3A : i32
      %sign3A = arith.constant 0 : i32
      %sign3A_177 = arith.cmpi sgt, %scan3A_175, %sign3A : i32
      %sign3A_178 = arith.extui %sign3A_177 : i1 to i32
      %sign3A_179 = arith.constant 0 : i32
      %sign3A_180 = arith.cmpi slt, %scan3A_175, %sign3A_179 : i32
      %sign3A_181 = arith.extui %sign3A_180 : i1 to i32
      %sign3A_182 = arith.subi %sign3A_178, %sign3A_181 : i32
      %sign3A_183 = arith.constant 0 : i32
      %sign3A_184 = arith.cmpi sgt, %jit3A, %sign3A_183 : i32
      %sign3A_185 = arith.extui %sign3A_184 : i1 to i32
      %sign3A_186 = arith.constant 0 : i32
      %sign3A_187 = arith.cmpi slt, %jit3A, %sign3A_186 : i32
      %sign3A_188 = arith.extui %sign3A_187 : i1 to i32
      %sign3A_189 = arith.subi %sign3A_185, %sign3A_188 : i32
      %ne3A = arith.cmpi ne, %sign3A_182, %sign3A_189 : i32
      %rem3A = arith.remsi %scan3A_175, %jit3A : i32
      %ne3A_190 = arith.constant 0 : i32
      %ne3A_191 = arith.cmpi ne, %rem3A, %ne3A_190 : i32
      %and3A = arith.andi %ne3A, %ne3A_191 : i1
      %sub3A = arith.constant 1 : i32
      %sub3A_192 = arith.subi %div3A, %sub3A : i32
      %select_n3A = arith.select %and3A, %sub3A_192, %div3A : i32
      %jit3A_193 = arith.constant 8 : i32
      %eq3A = arith.constant 0 : i32
      %eq3A_194 = arith.cmpi eq, %jit3A_193, %eq3A : i32
      %jit3A_195 = arith.constant 1 : i32
      %select_n3A_196 = arith.select %eq3A_194, %jit3A_195, %jit3A_193 : i32
      %rem3A_197 = arith.remsi %scan3A_175, %select_n3A_196 : i32
      %ne3A_198 = arith.constant 0 : i32
      %ne3A_199 = arith.cmpi ne, %rem3A_197, %ne3A_198 : i32
      %lt3A = arith.constant 0 : i32
      %lt3A_200 = arith.cmpi slt, %rem3A_197, %lt3A : i32
      %lt3A_201 = arith.constant 0 : i32
      %lt3A_202 = arith.cmpi slt, %select_n3A_196, %lt3A_201 : i32
      %ne3A_203 = arith.xori %lt3A_200, %lt3A_202 : i1
      %and3A_204 = arith.andi %ne3A_203, %ne3A_199 : i1
      %add3A_205 = arith.addi %rem3A_197, %select_n3A_196 : i32
      %select_n3A_206 = arith.select %and3A_204, %add3A_205, %rem3A_197 : i32
      %broadcast_in_dim3A = arith.constant 0.000000e+00 : f32
      %broadcast_in_dim3A_207 = vector.broadcast %broadcast_in_dim3A : f32 to vector<16xf32>
      %mul3A_208 = arith.constant 16 : i32
      %mul3A_209 = arith.muli %select_n3A_206, %mul3A_208 : i32
      %swap3A = arith.index_cast %select_n3A : i32 to index
      %swap3A_210 = arith.index_cast %mul3A_209 : i32 to index
      %swap3A_211 = tpu.vector_load %arg9[%swap3A, %swap3A_210] {strides = array<i32>} : memref<32x128xf32, #tpu.memory_space<vmem>>, vector<1x16xf32>,
      %swap3A_212 = vector.shape_cast %swap3A_211 : vector<1x16xf32> to vector<16xf32>
      %swap3A_213 = vector.shape_cast %broadcast_in_dim3A_207 : vector<16xf32> to vector<1x16xf32>
      tpu.vector_store %arg9[%swap3A, %swap3A_210], %swap3A_213 {strides = array<i32>} : memref<32x128xf32, #tpu.memory_space<vmem>>, vector<1x16xf32>,
      %scan3A_214 = arith.constant 0 : i32
      scf.yield %scan3A_214 : i32
    }
    %scan3A_6 = arith.constant 256 : i32
    %mul3A_7 = arith.constant 640 : i32
    %mul3A_8 = arith.muli %arg1, %mul3A_7 : i32
    %add3A_9 = arith.constant 0 : i32
    %add3A_10 = arith.addi %mul3A_8, %add3A_9 : i32
    "tpu.region"() ({
      %run_scoped3A = tpu.sem_alloc : memref<!tpu.dma_semaphore, #tpu.memory_space<semaphore_mem>>
      %dma_start3A = arith.constant 0 : i32
      %dma_start3A_175 = tpu.memref_slice %arg10[%add3A_10, %dma_start3A] : memref<10240x128xf32, #tpu.memory_space<vmem_shared>> -> memref<32x128xf32, #tpu.memory_space<vmem_shared>>
      %dma_start3A_176 = arith.constant 0 : i32
      %dma_start3A_177 = tpu.memref_slice %arg10[%add3A_10, %dma_start3A_176] : memref<10240x128xf32, #tpu.memory_space<vmem_shared>> -> memref<32x128xf32, #tpu.memory_space<vmem_shared>>
      tpu.enqueue_dma source(%arg9 : memref<32x128xf32, #tpu.memory_space<vmem>>) target(%dma_start3A_177 : memref<32x128xf32, #tpu.memory_space<vmem_shared>>) target_semaphore(%run_scoped3A : memref<!tpu.dma_semaphore, #tpu.memory_space<semaphore_mem>>)
      %dma_wait3A = arith.constant 0 : i32
      %dma_wait3A_178 = tpu.memref_slice %arg10[%add3A_10, %dma_wait3A] : memref<10240x128xf32, #tpu.memory_space<vmem_shared>> -> memref<32x128xf32, #tpu.memory_space<vmem_shared>>
      %dma_wait3A_179 = arith.constant 0 : i32
      %dma_wait3A_180 = tpu.memref_slice %arg10[%add3A_10, %dma_wait3A_179] : memref<10240x128xf32, #tpu.memory_space<vmem_shared>> -> memref<32x128xf32, #tpu.memory_space<vmem_shared>>
      tpu.wait_dma2 semaphore(%run_scoped3A : memref<!tpu.dma_semaphore, #tpu.memory_space<semaphore_mem>>) src(%arg9 : memref<32x128xf32, #tpu.memory_space<vmem>>) dst(%dma_wait3A_180 : memref<32x128xf32, #tpu.memory_space<vmem_shared>>)
      tpu.yield
    }) : () -> ()
    %mul3A_11 = arith.constant 640 : i32
    %mul3A_12 = arith.muli %arg1, %mul3A_11 : i32
    %add3A_13 = arith.constant 32 : i32
    %add3A_14 = arith.addi %mul3A_12, %add3A_13 : i32
    "tpu.region"() ({
      %run_scoped3A = tpu.sem_alloc : memref<!tpu.dma_semaphore, #tpu.memory_space<semaphore_mem>>
      %dma_start3A = arith.constant 0 : i32
      %dma_start3A_175 = tpu.memref_slice %arg10[%add3A_14, %dma_start3A] : memref<10240x128xf32, #tpu.memory_space<vmem_shared>> -> memref<32x128xf32, #tpu.memory_space<vmem_shared>>
      %dma_start3A_176 = arith.constant 0 : i32
      %dma_start3A_177 = tpu.memref_slice %arg10[%add3A_14, %dma_start3A_176] : memref<10240x128xf32, #tpu.memory_space<vmem_shared>> -> memref<32x128xf32, #tpu.memory_space<vmem_shared>>
      tpu.enqueue_dma source(%arg9 : memref<32x128xf32, #tpu.memory_space<vmem>>) target(%dma_start3A_177 : memref<32x128xf32, #tpu.memory_space<vmem_shared>>) target_semaphore(%run_scoped3A : memref<!tpu.dma_semaphore, #tpu.memory_space<semaphore_mem>>)
      %dma_wait3A = arith.constant 0 : i32
      %dma_wait3A_178 = tpu.memref_slice %arg10[%add3A_14, %dma_wait3A] : memref<10240x128xf32, #tpu.memory_space<vmem_shared>> -> memref<32x128xf32, #tpu.memory_space<vmem_shared>>
      %dma_wait3A_179 = arith.constant 0 : i32
      %dma_wait3A_180 = tpu.memref_slice %arg10[%add3A_14, %dma_wait3A_179] : memref<10240x128xf32, #tpu.memory_space<vmem_shared>> -> memref<32x128xf32, #tpu.memory_space<vmem_shared>>
      tpu.wait_dma2 semaphore(%run_scoped3A : memref<!tpu.dma_semaphore, #tpu.memory_space<semaphore_mem>>) src(%arg9 : memref<32x128xf32, #tpu.memory_space<vmem>>) dst(%dma_wait3A_180 : memref<32x128xf32, #tpu.memory_space<vmem_shared>>)
      tpu.yield
    }) : () -> ()
    %mul3A_15 = arith.constant 640 : i32
    %mul3A_16 = arith.muli %arg1, %mul3A_15 : i32
    %add3A_17 = arith.constant 64 : i32
    %add3A_18 = arith.addi %mul3A_16, %add3A_17 : i32
    "tpu.region"() ({
      %run_scoped3A = tpu.sem_alloc : memref<!tpu.dma_semaphore, #tpu.memory_space<semaphore_mem>>
      %dma_start3A = arith.constant 0 : i32
      %dma_start3A_175 = tpu.memref_slice %arg10[%add3A_18, %dma_start3A] : memref<10240x128xf32, #tpu.memory_space<vmem_shared>> -> memref<32x128xf32, #tpu.memory_space<vmem_shared>>
      %dma_start3A_176 = arith.constant 0 : i32
      %dma_start3A_177 = tpu.memref_slice %arg10[%add3A_18, %dma_start3A_176] : memref<10240x128xf32, #tpu.memory_space<vmem_shared>> -> memref<32x128xf32, #tpu.memory_space<vmem_shared>>
      tpu.enqueue_dma source(%arg9 : memref<32x128xf32, #tpu.memory_space<vmem>>) target(%dma_start3A_177 : memref<32x128xf32, #tpu.memory_space<vmem_shared>>) target_semaphore(%run_scoped3A : memref<!tpu.dma_semaphore, #tpu.memory_space<semaphore_mem>>)
      %dma_wait3A = arith.constant 0 : i32
      %dma_wait3A_178 = tpu.memref_slice %arg10[%add3A_18, %dma_wait3A] : memref<10240x128xf32, #tpu.memory_space<vmem_shared>> -> memref<32x128xf32, #tpu.memory_space<vmem_shared>>
      %dma_wait3A_179 = arith.constant 0 : i32
      %dma_wait3A_180 = tpu.memref_slice %arg10[%add3A_18, %dma_wait3A_179] : memref<10240x128xf32, #tpu.memory_space<vmem_shared>> -> memref<32x128xf32, #tpu.memory_space<vmem_shared>>
      tpu.wait_dma2 semaphore(%run_scoped3A : memref<!tpu.dma_semaphore, #tpu.memory_space<semaphore_mem>>) src(%arg9 : memref<32x128xf32, #tpu.memory_space<vmem>>) dst(%dma_wait3A_180 : memref<32x128xf32, #tpu.memory_space<vmem_shared>>)
      tpu.yield
    }) : () -> ()
    %mul3A_19 = arith.constant 640 : i32
    %mul3A_20 = arith.muli %arg1, %mul3A_19 : i32
    %add3A_21 = arith.constant 96 : i32
    %add3A_22 = arith.addi %mul3A_20, %add3A_21 : i32
    "tpu.region"() ({
      %run_scoped3A = tpu.sem_alloc : memref<!tpu.dma_semaphore, #tpu.memory_space<semaphore_mem>>
      %dma_start3A = arith.constant 0 : i32
      %dma_start3A_175 = tpu.memref_slice %arg10[%add3A_22, %dma_start3A] : memref<10240x128xf32, #tpu.memory_space<vmem_shared>> -> memref<32x128xf32, #tpu.memory_space<vmem_shared>>
      %dma_start3A_176 = arith.constant 0 : i32
      %dma_start3A_177 = tpu.memref_slice %arg10[%add3A_22, %dma_start3A_176] : memref<10240x128xf32, #tpu.memory_space<vmem_shared>> -> memref<32x128xf32, #tpu.memory_space<vmem_shared>>
      tpu.enqueue_dma source(%arg9 : memref<32x128xf32, #tpu.memory_space<vmem>>) target(%dma_start3A_177 : memref<32x128xf32, #tpu.memory_space<vmem_shared>>) target_semaphore(%run_scoped3A : memref<!tpu.dma_semaphore, #tpu.memory_space<semaphore_mem>>)
      %dma_wait3A = arith.constant 0 : i32
      %dma_wait3A_178 = tpu.memref_slice %arg10[%add3A_22, %dma_wait3A] : memref<10240x128xf32, #tpu.memory_space<vmem_shared>> -> memref<32x128xf32, #tpu.memory_space<vmem_shared>>
      %dma_wait3A_179 = arith.constant 0 : i32
      %dma_wait3A_180 = tpu.memref_slice %arg10[%add3A_22, %dma_wait3A_179] : memref<10240x128xf32, #tpu.memory_space<vmem_shared>> -> memref<32x128xf32, #tpu.memory_space<vmem_shared>>
      tpu.wait_dma2 semaphore(%run_scoped3A : memref<!tpu.dma_semaphore, #tpu.memory_space<semaphore_mem>>) src(%arg9 : memref<32x128xf32, #tpu.memory_space<vmem>>) dst(%dma_wait3A_180 : memref<32x128xf32, #tpu.memory_space<vmem_shared>>)
      tpu.yield
    }) : () -> ()
    %mul3A_23 = arith.constant 640 : i32
    %mul3A_24 = arith.muli %arg1, %mul3A_23 : i32
    %add3A_25 = arith.constant 128 : i32
    %add3A_26 = arith.addi %mul3A_24, %add3A_25 : i32
    "tpu.region"() ({
      %run_scoped3A = tpu.sem_alloc : memref<!tpu.dma_semaphore, #tpu.memory_space<semaphore_mem>>
      %dma_start3A = arith.constant 0 : i32
      %dma_start3A_175 = tpu.memref_slice %arg10[%add3A_26, %dma_start3A] : memref<10240x128xf32, #tpu.memory_space<vmem_shared>> -> memref<32x128xf32, #tpu.memory_space<vmem_shared>>
      %dma_start3A_176 = arith.constant 0 : i32
      %dma_start3A_177 = tpu.memref_slice %arg10[%add3A_26, %dma_start3A_176] : memref<10240x128xf32, #tpu.memory_space<vmem_shared>> -> memref<32x128xf32, #tpu.memory_space<vmem_shared>>
      tpu.enqueue_dma source(%arg9 : memref<32x128xf32, #tpu.memory_space<vmem>>) target(%dma_start3A_177 : memref<32x128xf32, #tpu.memory_space<vmem_shared>>) target_semaphore(%run_scoped3A : memref<!tpu.dma_semaphore, #tpu.memory_space<semaphore_mem>>)
      %dma_wait3A = arith.constant 0 : i32
      %dma_wait3A_178 = tpu.memref_slice %arg10[%add3A_26, %dma_wait3A] : memref<10240x128xf32, #tpu.memory_space<vmem_shared>> -> memref<32x128xf32, #tpu.memory_space<vmem_shared>>
      %dma_wait3A_179 = arith.constant 0 : i32
      %dma_wait3A_180 = tpu.memref_slice %arg10[%add3A_26, %dma_wait3A_179] : memref<10240x128xf32, #tpu.memory_space<vmem_shared>> -> memref<32x128xf32, #tpu.memory_space<vmem_shared>>
      tpu.wait_dma2 semaphore(%run_scoped3A : memref<!tpu.dma_semaphore, #tpu.memory_space<semaphore_mem>>) src(%arg9 : memref<32x128xf32, #tpu.memory_space<vmem>>) dst(%dma_wait3A_180 : memref<32x128xf32, #tpu.memory_space<vmem_shared>>)
      tpu.yield
    }) : () -> ()
    %mul3A_27 = arith.constant 640 : i32
    %mul3A_28 = arith.muli %arg1, %mul3A_27 : i32
    %add3A_29 = arith.constant 160 : i32
    %add3A_30 = arith.addi %mul3A_28, %add3A_29 : i32
    "tpu.region"() ({
      %run_scoped3A = tpu.sem_alloc : memref<!tpu.dma_semaphore, #tpu.memory_space<semaphore_mem>>
      %dma_start3A = arith.constant 0 : i32
      %dma_start3A_175 = tpu.memref_slice %arg10[%add3A_30, %dma_start3A] : memref<10240x128xf32, #tpu.memory_space<vmem_shared>> -> memref<32x128xf32, #tpu.memory_space<vmem_shared>>
      %dma_start3A_176 = arith.constant 0 : i32
      %dma_start3A_177 = tpu.memref_slice %arg10[%add3A_30, %dma_start3A_176] : memref<10240x128xf32, #tpu.memory_space<vmem_shared>> -> memref<32x128xf32, #tpu.memory_space<vmem_shared>>
      tpu.enqueue_dma source(%arg9 : memref<32x128xf32, #tpu.memory_space<vmem>>) target(%dma_start3A_177 : memref<32x128xf32, #tpu.memory_space<vmem_shared>>) target_semaphore(%run_scoped3A : memref<!tpu.dma_semaphore, #tpu.memory_space<semaphore_mem>>)
      %dma_wait3A = arith.constant 0 : i32
      %dma_wait3A_178 = tpu.memref_slice %arg10[%add3A_30, %dma_wait3A] : memref<10240x128xf32, #tpu.memory_space<vmem_shared>> -> memref<32x128xf32, #tpu.memory_space<vmem_shared>>
      %dma_wait3A_179 = arith.constant 0 : i32
      %dma_wait3A_180 = tpu.memref_slice %arg10[%add3A_30, %dma_wait3A_179] : memref<10240x128xf32, #tpu.memory_space<vmem_shared>> -> memref<32x128xf32, #tpu.memory_space<vmem_shared>>
      tpu.wait_dma2 semaphore(%run_scoped3A : memref<!tpu.dma_semaphore, #tpu.memory_space<semaphore_mem>>) src(%arg9 : memref<32x128xf32, #tpu.memory_space<vmem>>) dst(%dma_wait3A_180 : memref<32x128xf32, #tpu.memory_space<vmem_shared>>)
      tpu.yield
    }) : () -> ()
    %mul3A_31 = arith.constant 640 : i32
    %mul3A_32 = arith.muli %arg1, %mul3A_31 : i32
    %add3A_33 = arith.constant 192 : i32
    %add3A_34 = arith.addi %mul3A_32, %add3A_33 : i32
    "tpu.region"() ({
      %run_scoped3A = tpu.sem_alloc : memref<!tpu.dma_semaphore, #tpu.memory_space<semaphore_mem>>
      %dma_start3A = arith.constant 0 : i32
      %dma_start3A_175 = tpu.memref_slice %arg10[%add3A_34, %dma_start3A] : memref<10240x128xf32, #tpu.memory_space<vmem_shared>> -> memref<32x128xf32, #tpu.memory_space<vmem_shared>>
      %dma_start3A_176 = arith.constant 0 : i32
      %dma_start3A_177 = tpu.memref_slice %arg10[%add3A_34, %dma_start3A_176] : memref<10240x128xf32, #tpu.memory_space<vmem_shared>> -> memref<32x128xf32, #tpu.memory_space<vmem_shared>>
      tpu.enqueue_dma source(%arg9 : memref<32x128xf32, #tpu.memory_space<vmem>>) target(%dma_start3A_177 : memref<32x128xf32, #tpu.memory_space<vmem_shared>>) target_semaphore(%run_scoped3A : memref<!tpu.dma_semaphore, #tpu.memory_space<semaphore_mem>>)
      %dma_wait3A = arith.constant 0 : i32
      %dma_wait3A_178 = tpu.memref_slice %arg10[%add3A_34, %dma_wait3A] : memref<10240x128xf32, #tpu.memory_space<vmem_shared>> -> memref<32x128xf32, #tpu.memory_space<vmem_shared>>
      %dma_wait3A_179 = arith.constant 0 : i32
      %dma_wait3A_180 = tpu.memref_slice %arg10[%add3A_34, %dma_wait3A_179] : memref<10240x128xf32, #tpu.memory_space<vmem_shared>> -> memref<32x128xf32, #tpu.memory_space<vmem_shared>>
      tpu.wait_dma2 semaphore(%run_scoped3A : memref<!tpu.dma_semaphore, #tpu.memory_space<semaphore_mem>>) src(%arg9 : memref<32x128xf32, #tpu.memory_space<vmem>>) dst(%dma_wait3A_180 : memref<32x128xf32, #tpu.memory_space<vmem_shared>>)
      tpu.yield
    }) : () -> ()
    %mul3A_35 = arith.constant 640 : i32
    %mul3A_36 = arith.muli %arg1, %mul3A_35 : i32
    %add3A_37 = arith.constant 224 : i32
    %add3A_38 = arith.addi %mul3A_36, %add3A_37 : i32
    "tpu.region"() ({
      %run_scoped3A = tpu.sem_alloc : memref<!tpu.dma_semaphore, #tpu.memory_space<semaphore_mem>>
      %dma_start3A = arith.constant 0 : i32
      %dma_start3A_175 = tpu.memref_slice %arg10[%add3A_38, %dma_start3A] : memref<10240x128xf32, #tpu.memory_space<vmem_shared>> -> memref<32x128xf32, #tpu.memory_space<vmem_shared>>
      %dma_start3A_176 = arith.constant 0 : i32
      %dma_start3A_177 = tpu.memref_slice %arg10[%add3A_38, %dma_start3A_176] : memref<10240x128xf32, #tpu.memory_space<vmem_shared>> -> memref<32x128xf32, #tpu.memory_space<vmem_shared>>
      tpu.enqueue_dma source(%arg9 : memref<32x128xf32, #tpu.memory_space<vmem>>) target(%dma_start3A_177 : memref<32x128xf32, #tpu.memory_space<vmem_shared>>) target_semaphore(%run_scoped3A : memref<!tpu.dma_semaphore, #tpu.memory_space<semaphore_mem>>)
      %dma_wait3A = arith.constant 0 : i32
      %dma_wait3A_178 = tpu.memref_slice %arg10[%add3A_38, %dma_wait3A] : memref<10240x128xf32, #tpu.memory_space<vmem_shared>> -> memref<32x128xf32, #tpu.memory_space<vmem_shared>>
      %dma_wait3A_179 = arith.constant 0 : i32
      %dma_wait3A_180 = tpu.memref_slice %arg10[%add3A_38, %dma_wait3A_179] : memref<10240x128xf32, #tpu.memory_space<vmem_shared>> -> memref<32x128xf32, #tpu.memory_space<vmem_shared>>
      tpu.wait_dma2 semaphore(%run_scoped3A : memref<!tpu.dma_semaphore, #tpu.memory_space<semaphore_mem>>) src(%arg9 : memref<32x128xf32, #tpu.memory_space<vmem>>) dst(%dma_wait3A_180 : memref<32x128xf32, #tpu.memory_space<vmem_shared>>)
      tpu.yield
    }) : () -> ()
    %mul3A_39 = arith.constant 640 : i32
    %mul3A_40 = arith.muli %arg1, %mul3A_39 : i32
    %add3A_41 = arith.constant 256 : i32
    %add3A_42 = arith.addi %mul3A_40, %add3A_41 : i32
    "tpu.region"() ({
      %run_scoped3A = tpu.sem_alloc : memref<!tpu.dma_semaphore, #tpu.memory_space<semaphore_mem>>
      %dma_start3A = arith.constant 0 : i32
      %dma_start3A_175 = tpu.memref_slice %arg10[%add3A_42, %dma_start3A] : memref<10240x128xf32, #tpu.memory_space<vmem_shared>> -> memref<32x128xf32, #tpu.memory_space<vmem_shared>>
      %dma_start3A_176 = arith.constant 0 : i32
      %dma_start3A_177 = tpu.memref_slice %arg10[%add3A_42, %dma_start3A_176] : memref<10240x128xf32, #tpu.memory_space<vmem_shared>> -> memref<32x128xf32, #tpu.memory_space<vmem_shared>>
      tpu.enqueue_dma source(%arg9 : memref<32x128xf32, #tpu.memory_space<vmem>>) target(%dma_start3A_177 : memref<32x128xf32, #tpu.memory_space<vmem_shared>>) target_semaphore(%run_scoped3A : memref<!tpu.dma_semaphore, #tpu.memory_space<semaphore_mem>>)
      %dma_wait3A = arith.constant 0 : i32
      %dma_wait3A_178 = tpu.memref_slice %arg10[%add3A_42, %dma_wait3A] : memref<10240x128xf32, #tpu.memory_space<vmem_shared>> -> memref<32x128xf32, #tpu.memory_space<vmem_shared>>
      %dma_wait3A_179 = arith.constant 0 : i32
      %dma_wait3A_180 = tpu.memref_slice %arg10[%add3A_42, %dma_wait3A_179] : memref<10240x128xf32, #tpu.memory_space<vmem_shared>> -> memref<32x128xf32, #tpu.memory_space<vmem_shared>>
      tpu.wait_dma2 semaphore(%run_scoped3A : memref<!tpu.dma_semaphore, #tpu.memory_space<semaphore_mem>>) src(%arg9 : memref<32x128xf32, #tpu.memory_space<vmem>>) dst(%dma_wait3A_180 : memref<32x128xf32, #tpu.memory_space<vmem_shared>>)
      tpu.yield
    }) : () -> ()
    %mul3A_43 = arith.constant 640 : i32
    %mul3A_44 = arith.muli %arg1, %mul3A_43 : i32
    %add3A_45 = arith.constant 288 : i32
    %add3A_46 = arith.addi %mul3A_44, %add3A_45 : i32
    "tpu.region"() ({
      %run_scoped3A = tpu.sem_alloc : memref<!tpu.dma_semaphore, #tpu.memory_space<semaphore_mem>>
      %dma_start3A = arith.constant 0 : i32
      %dma_start3A_175 = tpu.memref_slice %arg10[%add3A_46, %dma_start3A] : memref<10240x128xf32, #tpu.memory_space<vmem_shared>> -> memref<32x128xf32, #tpu.memory_space<vmem_shared>>
      %dma_start3A_176 = arith.constant 0 : i32
      %dma_start3A_177 = tpu.memref_slice %arg10[%add3A_46, %dma_start3A_176] : memref<10240x128xf32, #tpu.memory_space<vmem_shared>> -> memref<32x128xf32, #tpu.memory_space<vmem_shared>>
      tpu.enqueue_dma source(%arg9 : memref<32x128xf32, #tpu.memory_space<vmem>>) target(%dma_start3A_177 : memref<32x128xf32, #tpu.memory_space<vmem_shared>>) target_semaphore(%run_scoped3A : memref<!tpu.dma_semaphore, #tpu.memory_space<semaphore_mem>>)
      %dma_wait3A = arith.constant 0 : i32
      %dma_wait3A_178 = tpu.memref_slice %arg10[%add3A_46, %dma_wait3A] : memref<10240x128xf32, #tpu.memory_space<vmem_shared>> -> memref<32x128xf32, #tpu.memory_space<vmem_shared>>
      %dma_wait3A_179 = arith.constant 0 : i32
      %dma_wait3A_180 = tpu.memref_slice %arg10[%add3A_46, %dma_wait3A_179] : memref<10240x128xf32, #tpu.memory_space<vmem_shared>> -> memref<32x128xf32, #tpu.memory_space<vmem_shared>>
      tpu.wait_dma2 semaphore(%run_scoped3A : memref<!tpu.dma_semaphore, #tpu.memory_space<semaphore_mem>>) src(%arg9 : memref<32x128xf32, #tpu.memory_space<vmem>>) dst(%dma_wait3A_180 : memref<32x128xf32, #tpu.memory_space<vmem_shared>>)
      tpu.yield
    }) : () -> ()
    %mul3A_47 = arith.constant 640 : i32
    %mul3A_48 = arith.muli %arg1, %mul3A_47 : i32
    %add3A_49 = arith.constant 320 : i32
    %add3A_50 = arith.addi %mul3A_48, %add3A_49 : i32
    "tpu.region"() ({
      %run_scoped3A = tpu.sem_alloc : memref<!tpu.dma_semaphore, #tpu.memory_space<semaphore_mem>>
      %dma_start3A = arith.constant 0 : i32
      %dma_start3A_175 = tpu.memref_slice %arg10[%add3A_50, %dma_start3A] : memref<10240x128xf32, #tpu.memory_space<vmem_shared>> -> memref<32x128xf32, #tpu.memory_space<vmem_shared>>
      %dma_start3A_176 = arith.constant 0 : i32
      %dma_start3A_177 = tpu.memref_slice %arg10[%add3A_50, %dma_start3A_176] : memref<10240x128xf32, #tpu.memory_space<vmem_shared>> -> memref<32x128xf32, #tpu.memory_space<vmem_shared>>
      tpu.enqueue_dma source(%arg9 : memref<32x128xf32, #tpu.memory_space<vmem>>) target(%dma_start3A_177 : memref<32x128xf32, #tpu.memory_space<vmem_shared>>) target_semaphore(%run_scoped3A : memref<!tpu.dma_semaphore, #tpu.memory_space<semaphore_mem>>)
      %dma_wait3A = arith.constant 0 : i32
      %dma_wait3A_178 = tpu.memref_slice %arg10[%add3A_50, %dma_wait3A] : memref<10240x128xf32, #tpu.memory_space<vmem_shared>> -> memref<32x128xf32, #tpu.memory_space<vmem_shared>>
      %dma_wait3A_179 = arith.constant 0 : i32
      %dma_wait3A_180 = tpu.memref_slice %arg10[%add3A_50, %dma_wait3A_179] : memref<10240x128xf32, #tpu.memory_space<vmem_shared>> -> memref<32x128xf32, #tpu.memory_space<vmem_shared>>
      tpu.wait_dma2 semaphore(%run_scoped3A : memref<!tpu.dma_semaphore, #tpu.memory_space<semaphore_mem>>) src(%arg9 : memref<32x128xf32, #tpu.memory_space<vmem>>) dst(%dma_wait3A_180 : memref<32x128xf32, #tpu.memory_space<vmem_shared>>)
      tpu.yield
    }) : () -> ()
    %mul3A_51 = arith.constant 640 : i32
    %mul3A_52 = arith.muli %arg1, %mul3A_51 : i32
    %add3A_53 = arith.constant 352 : i32
    %add3A_54 = arith.addi %mul3A_52, %add3A_53 : i32
    "tpu.region"() ({
      %run_scoped3A = tpu.sem_alloc : memref<!tpu.dma_semaphore, #tpu.memory_space<semaphore_mem>>
      %dma_start3A = arith.constant 0 : i32
      %dma_start3A_175 = tpu.memref_slice %arg10[%add3A_54, %dma_start3A] : memref<10240x128xf32, #tpu.memory_space<vmem_shared>> -> memref<32x128xf32, #tpu.memory_space<vmem_shared>>
      %dma_start3A_176 = arith.constant 0 : i32
      %dma_start3A_177 = tpu.memref_slice %arg10[%add3A_54, %dma_start3A_176] : memref<10240x128xf32, #tpu.memory_space<vmem_shared>> -> memref<32x128xf32, #tpu.memory_space<vmem_shared>>
      tpu.enqueue_dma source(%arg9 : memref<32x128xf32, #tpu.memory_space<vmem>>) target(%dma_start3A_177 : memref<32x128xf32, #tpu.memory_space<vmem_shared>>) target_semaphore(%run_scoped3A : memref<!tpu.dma_semaphore, #tpu.memory_space<semaphore_mem>>)
      %dma_wait3A = arith.constant 0 : i32
      %dma_wait3A_178 = tpu.memref_slice %arg10[%add3A_54, %dma_wait3A] : memref<10240x128xf32, #tpu.memory_space<vmem_shared>> -> memref<32x128xf32, #tpu.memory_space<vmem_shared>>
      %dma_wait3A_179 = arith.constant 0 : i32
      %dma_wait3A_180 = tpu.memref_slice %arg10[%add3A_54, %dma_wait3A_179] : memref<10240x128xf32, #tpu.memory_space<vmem_shared>> -> memref<32x128xf32, #tpu.memory_space<vmem_shared>>
      tpu.wait_dma2 semaphore(%run_scoped3A : memref<!tpu.dma_semaphore, #tpu.memory_space<semaphore_mem>>) src(%arg9 : memref<32x128xf32, #tpu.memory_space<vmem>>) dst(%dma_wait3A_180 : memref<32x128xf32, #tpu.memory_space<vmem_shared>>)
      tpu.yield
    }) : () -> ()
    %mul3A_55 = arith.constant 640 : i32
    %mul3A_56 = arith.muli %arg1, %mul3A_55 : i32
    %add3A_57 = arith.constant 384 : i32
    %add3A_58 = arith.addi %mul3A_56, %add3A_57 : i32
    "tpu.region"() ({
      %run_scoped3A = tpu.sem_alloc : memref<!tpu.dma_semaphore, #tpu.memory_space<semaphore_mem>>
      %dma_start3A = arith.constant 0 : i32
      %dma_start3A_175 = tpu.memref_slice %arg10[%add3A_58, %dma_start3A] : memref<10240x128xf32, #tpu.memory_space<vmem_shared>> -> memref<32x128xf32, #tpu.memory_space<vmem_shared>>
      %dma_start3A_176 = arith.constant 0 : i32
      %dma_start3A_177 = tpu.memref_slice %arg10[%add3A_58, %dma_start3A_176] : memref<10240x128xf32, #tpu.memory_space<vmem_shared>> -> memref<32x128xf32, #tpu.memory_space<vmem_shared>>
      tpu.enqueue_dma source(%arg9 : memref<32x128xf32, #tpu.memory_space<vmem>>) target(%dma_start3A_177 : memref<32x128xf32, #tpu.memory_space<vmem_shared>>) target_semaphore(%run_scoped3A : memref<!tpu.dma_semaphore, #tpu.memory_space<semaphore_mem>>)
      %dma_wait3A = arith.constant 0 : i32
      %dma_wait3A_178 = tpu.memref_slice %arg10[%add3A_58, %dma_wait3A] : memref<10240x128xf32, #tpu.memory_space<vmem_shared>> -> memref<32x128xf32, #tpu.memory_space<vmem_shared>>
      %dma_wait3A_179 = arith.constant 0 : i32
      %dma_wait3A_180 = tpu.memref_slice %arg10[%add3A_58, %dma_wait3A_179] : memref<10240x128xf32, #tpu.memory_space<vmem_shared>> -> memref<32x128xf32, #tpu.memory_space<vmem_shared>>
      tpu.wait_dma2 semaphore(%run_scoped3A : memref<!tpu.dma_semaphore, #tpu.memory_space<semaphore_mem>>) src(%arg9 : memref<32x128xf32, #tpu.memory_space<vmem>>) dst(%dma_wait3A_180 : memref<32x128xf32, #tpu.memory_space<vmem_shared>>)
      tpu.yield
    }) : () -> ()
    %mul3A_59 = arith.constant 640 : i32
    %mul3A_60 = arith.muli %arg1, %mul3A_59 : i32
    %add3A_61 = arith.constant 416 : i32
    %add3A_62 = arith.addi %mul3A_60, %add3A_61 : i32
    "tpu.region"() ({
      %run_scoped3A = tpu.sem_alloc : memref<!tpu.dma_semaphore, #tpu.memory_space<semaphore_mem>>
      %dma_start3A = arith.constant 0 : i32
      %dma_start3A_175 = tpu.memref_slice %arg10[%add3A_62, %dma_start3A] : memref<10240x128xf32, #tpu.memory_space<vmem_shared>> -> memref<32x128xf32, #tpu.memory_space<vmem_shared>>
      %dma_start3A_176 = arith.constant 0 : i32
      %dma_start3A_177 = tpu.memref_slice %arg10[%add3A_62, %dma_start3A_176] : memref<10240x128xf32, #tpu.memory_space<vmem_shared>> -> memref<32x128xf32, #tpu.memory_space<vmem_shared>>
      tpu.enqueue_dma source(%arg9 : memref<32x128xf32, #tpu.memory_space<vmem>>) target(%dma_start3A_177 : memref<32x128xf32, #tpu.memory_space<vmem_shared>>) target_semaphore(%run_scoped3A : memref<!tpu.dma_semaphore, #tpu.memory_space<semaphore_mem>>)
      %dma_wait3A = arith.constant 0 : i32
      %dma_wait3A_178 = tpu.memref_slice %arg10[%add3A_62, %dma_wait3A] : memref<10240x128xf32, #tpu.memory_space<vmem_shared>> -> memref<32x128xf32, #tpu.memory_space<vmem_shared>>
      %dma_wait3A_179 = arith.constant 0 : i32
      %dma_wait3A_180 = tpu.memref_slice %arg10[%add3A_62, %dma_wait3A_179] : memref<10240x128xf32, #tpu.memory_space<vmem_shared>> -> memref<32x128xf32, #tpu.memory_space<vmem_shared>>
      tpu.wait_dma2 semaphore(%run_scoped3A : memref<!tpu.dma_semaphore, #tpu.memory_space<semaphore_mem>>) src(%arg9 : memref<32x128xf32, #tpu.memory_space<vmem>>) dst(%dma_wait3A_180 : memref<32x128xf32, #tpu.memory_space<vmem_shared>>)
      tpu.yield
    }) : () -> ()
    %mul3A_63 = arith.constant 640 : i32
    %mul3A_64 = arith.muli %arg1, %mul3A_63 : i32
    %add3A_65 = arith.constant 448 : i32
    %add3A_66 = arith.addi %mul3A_64, %add3A_65 : i32
    "tpu.region"() ({
      %run_scoped3A = tpu.sem_alloc : memref<!tpu.dma_semaphore, #tpu.memory_space<semaphore_mem>>
      %dma_start3A = arith.constant 0 : i32
      %dma_start3A_175 = tpu.memref_slice %arg10[%add3A_66, %dma_start3A] : memref<10240x128xf32, #tpu.memory_space<vmem_shared>> -> memref<32x128xf32, #tpu.memory_space<vmem_shared>>
      %dma_start3A_176 = arith.constant 0 : i32
      %dma_start3A_177 = tpu.memref_slice %arg10[%add3A_66, %dma_start3A_176] : memref<10240x128xf32, #tpu.memory_space<vmem_shared>> -> memref<32x128xf32, #tpu.memory_space<vmem_shared>>
      tpu.enqueue_dma source(%arg9 : memref<32x128xf32, #tpu.memory_space<vmem>>) target(%dma_start3A_177 : memref<32x128xf32, #tpu.memory_space<vmem_shared>>) target_semaphore(%run_scoped3A : memref<!tpu.dma_semaphore, #tpu.memory_space<semaphore_mem>>)
      %dma_wait3A = arith.constant 0 : i32
      %dma_wait3A_178 = tpu.memref_slice %arg10[%add3A_66, %dma_wait3A] : memref<10240x128xf32, #tpu.memory_space<vmem_shared>> -> memref<32x128xf32, #tpu.memory_space<vmem_shared>>
      %dma_wait3A_179 = arith.constant 0 : i32
      %dma_wait3A_180 = tpu.memref_slice %arg10[%add3A_66, %dma_wait3A_179] : memref<10240x128xf32, #tpu.memory_space<vmem_shared>> -> memref<32x128xf32, #tpu.memory_space<vmem_shared>>
      tpu.wait_dma2 semaphore(%run_scoped3A : memref<!tpu.dma_semaphore, #tpu.memory_space<semaphore_mem>>) src(%arg9 : memref<32x128xf32, #tpu.memory_space<vmem>>) dst(%dma_wait3A_180 : memref<32x128xf32, #tpu.memory_space<vmem_shared>>)
      tpu.yield
    }) : () -> ()
    %mul3A_67 = arith.constant 640 : i32
    %mul3A_68 = arith.muli %arg1, %mul3A_67 : i32
    %add3A_69 = arith.constant 480 : i32
    %add3A_70 = arith.addi %mul3A_68, %add3A_69 : i32
    "tpu.region"() ({
      %run_scoped3A = tpu.sem_alloc : memref<!tpu.dma_semaphore, #tpu.memory_space<semaphore_mem>>
      %dma_start3A = arith.constant 0 : i32
      %dma_start3A_175 = tpu.memref_slice %arg10[%add3A_70, %dma_start3A] : memref<10240x128xf32, #tpu.memory_space<vmem_shared>> -> memref<32x128xf32, #tpu.memory_space<vmem_shared>>
      %dma_start3A_176 = arith.constant 0 : i32
      %dma_start3A_177 = tpu.memref_slice %arg10[%add3A_70, %dma_start3A_176] : memref<10240x128xf32, #tpu.memory_space<vmem_shared>> -> memref<32x128xf32, #tpu.memory_space<vmem_shared>>
      tpu.enqueue_dma source(%arg9 : memref<32x128xf32, #tpu.memory_space<vmem>>) target(%dma_start3A_177 : memref<32x128xf32, #tpu.memory_space<vmem_shared>>) target_semaphore(%run_scoped3A : memref<!tpu.dma_semaphore, #tpu.memory_space<semaphore_mem>>)
      %dma_wait3A = arith.constant 0 : i32
      %dma_wait3A_178 = tpu.memref_slice %arg10[%add3A_70, %dma_wait3A] : memref<10240x128xf32, #tpu.memory_space<vmem_shared>> -> memref<32x128xf32, #tpu.memory_space<vmem_shared>>
      %dma_wait3A_179 = arith.constant 0 : i32
      %dma_wait3A_180 = tpu.memref_slice %arg10[%add3A_70, %dma_wait3A_179] : memref<10240x128xf32, #tpu.memory_space<vmem_shared>> -> memref<32x128xf32, #tpu.memory_space<vmem_shared>>
      tpu.wait_dma2 semaphore(%run_scoped3A : memref<!tpu.dma_semaphore, #tpu.memory_space<semaphore_mem>>) src(%arg9 : memref<32x128xf32, #tpu.memory_space<vmem>>) dst(%dma_wait3A_180 : memref<32x128xf32, #tpu.memory_space<vmem_shared>>)
      tpu.yield
    }) : () -> ()
    %mul3A_71 = arith.constant 640 : i32
    %mul3A_72 = arith.muli %arg1, %mul3A_71 : i32
    %add3A_73 = arith.constant 512 : i32
    %add3A_74 = arith.addi %mul3A_72, %add3A_73 : i32
    "tpu.region"() ({
      %run_scoped3A = tpu.sem_alloc : memref<!tpu.dma_semaphore, #tpu.memory_space<semaphore_mem>>
      %dma_start3A = arith.constant 0 : i32
      %dma_start3A_175 = tpu.memref_slice %arg10[%add3A_74, %dma_start3A] : memref<10240x128xf32, #tpu.memory_space<vmem_shared>> -> memref<32x128xf32, #tpu.memory_space<vmem_shared>>
      %dma_start3A_176 = arith.constant 0 : i32
      %dma_start3A_177 = tpu.memref_slice %arg10[%add3A_74, %dma_start3A_176] : memref<10240x128xf32, #tpu.memory_space<vmem_shared>> -> memref<32x128xf32, #tpu.memory_space<vmem_shared>>
      tpu.enqueue_dma source(%arg9 : memref<32x128xf32, #tpu.memory_space<vmem>>) target(%dma_start3A_177 : memref<32x128xf32, #tpu.memory_space<vmem_shared>>) target_semaphore(%run_scoped3A : memref<!tpu.dma_semaphore, #tpu.memory_space<semaphore_mem>>)
      %dma_wait3A = arith.constant 0 : i32
      %dma_wait3A_178 = tpu.memref_slice %arg10[%add3A_74, %dma_wait3A] : memref<10240x128xf32, #tpu.memory_space<vmem_shared>> -> memref<32x128xf32, #tpu.memory_space<vmem_shared>>
      %dma_wait3A_179 = arith.constant 0 : i32
      %dma_wait3A_180 = tpu.memref_slice %arg10[%add3A_74, %dma_wait3A_179] : memref<10240x128xf32, #tpu.memory_space<vmem_shared>> -> memref<32x128xf32, #tpu.memory_space<vmem_shared>>
      tpu.wait_dma2 semaphore(%run_scoped3A : memref<!tpu.dma_semaphore, #tpu.memory_space<semaphore_mem>>) src(%arg9 : memref<32x128xf32, #tpu.memory_space<vmem>>) dst(%dma_wait3A_180 : memref<32x128xf32, #tpu.memory_space<vmem_shared>>)
      tpu.yield
    }) : () -> ()
    %mul3A_75 = arith.constant 640 : i32
    %mul3A_76 = arith.muli %arg1, %mul3A_75 : i32
    %add3A_77 = arith.constant 544 : i32
    %add3A_78 = arith.addi %mul3A_76, %add3A_77 : i32
    "tpu.region"() ({
      %run_scoped3A = tpu.sem_alloc : memref<!tpu.dma_semaphore, #tpu.memory_space<semaphore_mem>>
      %dma_start3A = arith.constant 0 : i32
      %dma_start3A_175 = tpu.memref_slice %arg10[%add3A_78, %dma_start3A] : memref<10240x128xf32, #tpu.memory_space<vmem_shared>> -> memref<32x128xf32, #tpu.memory_space<vmem_shared>>
      %dma_start3A_176 = arith.constant 0 : i32
      %dma_start3A_177 = tpu.memref_slice %arg10[%add3A_78, %dma_start3A_176] : memref<10240x128xf32, #tpu.memory_space<vmem_shared>> -> memref<32x128xf32, #tpu.memory_space<vmem_shared>>
      tpu.enqueue_dma source(%arg9 : memref<32x128xf32, #tpu.memory_space<vmem>>) target(%dma_start3A_177 : memref<32x128xf32, #tpu.memory_space<vmem_shared>>) target_semaphore(%run_scoped3A : memref<!tpu.dma_semaphore, #tpu.memory_space<semaphore_mem>>)
      %dma_wait3A = arith.constant 0 : i32
      %dma_wait3A_178 = tpu.memref_slice %arg10[%add3A_78, %dma_wait3A] : memref<10240x128xf32, #tpu.memory_space<vmem_shared>> -> memref<32x128xf32, #tpu.memory_space<vmem_shared>>
      %dma_wait3A_179 = arith.constant 0 : i32
      %dma_wait3A_180 = tpu.memref_slice %arg10[%add3A_78, %dma_wait3A_179] : memref<10240x128xf32, #tpu.memory_space<vmem_shared>> -> memref<32x128xf32, #tpu.memory_space<vmem_shared>>
      tpu.wait_dma2 semaphore(%run_scoped3A : memref<!tpu.dma_semaphore, #tpu.memory_space<semaphore_mem>>) src(%arg9 : memref<32x128xf32, #tpu.memory_space<vmem>>) dst(%dma_wait3A_180 : memref<32x128xf32, #tpu.memory_space<vmem_shared>>)
      tpu.yield
    }) : () -> ()
    %mul3A_79 = arith.constant 640 : i32
    %mul3A_80 = arith.muli %arg1, %mul3A_79 : i32
    %add3A_81 = arith.constant 576 : i32
    %add3A_82 = arith.addi %mul3A_80, %add3A_81 : i32
    "tpu.region"() ({
      %run_scoped3A = tpu.sem_alloc : memref<!tpu.dma_semaphore, #tpu.memory_space<semaphore_mem>>
      %dma_start3A = arith.constant 0 : i32
      %dma_start3A_175 = tpu.memref_slice %arg10[%add3A_82, %dma_start3A] : memref<10240x128xf32, #tpu.memory_space<vmem_shared>> -> memref<32x128xf32, #tpu.memory_space<vmem_shared>>
      %dma_start3A_176 = arith.constant 0 : i32
      %dma_start3A_177 = tpu.memref_slice %arg10[%add3A_82, %dma_start3A_176] : memref<10240x128xf32, #tpu.memory_space<vmem_shared>> -> memref<32x128xf32, #tpu.memory_space<vmem_shared>>
      tpu.enqueue_dma source(%arg9 : memref<32x128xf32, #tpu.memory_space<vmem>>) target(%dma_start3A_177 : memref<32x128xf32, #tpu.memory_space<vmem_shared>>) target_semaphore(%run_scoped3A : memref<!tpu.dma_semaphore, #tpu.memory_space<semaphore_mem>>)
      %dma_wait3A = arith.constant 0 : i32
      %dma_wait3A_178 = tpu.memref_slice %arg10[%add3A_82, %dma_wait3A] : memref<10240x128xf32, #tpu.memory_space<vmem_shared>> -> memref<32x128xf32, #tpu.memory_space<vmem_shared>>
      %dma_wait3A_179 = arith.constant 0 : i32
      %dma_wait3A_180 = tpu.memref_slice %arg10[%add3A_82, %dma_wait3A_179] : memref<10240x128xf32, #tpu.memory_space<vmem_shared>> -> memref<32x128xf32, #tpu.memory_space<vmem_shared>>
      tpu.wait_dma2 semaphore(%run_scoped3A : memref<!tpu.dma_semaphore, #tpu.memory_space<semaphore_mem>>) src(%arg9 : memref<32x128xf32, #tpu.memory_space<vmem>>) dst(%dma_wait3A_180 : memref<32x128xf32, #tpu.memory_space<vmem_shared>>)
      tpu.yield
    }) : () -> ()
    %mul3A_83 = arith.constant 640 : i32
    %mul3A_84 = arith.muli %arg1, %mul3A_83 : i32
    %add3A_85 = arith.constant 608 : i32
    %add3A_86 = arith.addi %mul3A_84, %add3A_85 : i32
    "tpu.region"() ({
      %run_scoped3A = tpu.sem_alloc : memref<!tpu.dma_semaphore, #tpu.memory_space<semaphore_mem>>
      %dma_start3A = arith.constant 0 : i32
      %dma_start3A_175 = tpu.memref_slice %arg10[%add3A_86, %dma_start3A] : memref<10240x128xf32, #tpu.memory_space<vmem_shared>> -> memref<32x128xf32, #tpu.memory_space<vmem_shared>>
      %dma_start3A_176 = arith.constant 0 : i32
      %dma_start3A_177 = tpu.memref_slice %arg10[%add3A_86, %dma_start3A_176] : memref<10240x128xf32, #tpu.memory_space<vmem_shared>> -> memref<32x128xf32, #tpu.memory_space<vmem_shared>>
      tpu.enqueue_dma source(%arg9 : memref<32x128xf32, #tpu.memory_space<vmem>>) target(%dma_start3A_177 : memref<32x128xf32, #tpu.memory_space<vmem_shared>>) target_semaphore(%run_scoped3A : memref<!tpu.dma_semaphore, #tpu.memory_space<semaphore_mem>>)
      %dma_wait3A = arith.constant 0 : i32
      %dma_wait3A_178 = tpu.memref_slice %arg10[%add3A_86, %dma_wait3A] : memref<10240x128xf32, #tpu.memory_space<vmem_shared>> -> memref<32x128xf32, #tpu.memory_space<vmem_shared>>
      %dma_wait3A_179 = arith.constant 0 : i32
      %dma_wait3A_180 = tpu.memref_slice %arg10[%add3A_86, %dma_wait3A_179] : memref<10240x128xf32, #tpu.memory_space<vmem_shared>> -> memref<32x128xf32, #tpu.memory_space<vmem_shared>>
      tpu.wait_dma2 semaphore(%run_scoped3A : memref<!tpu.dma_semaphore, #tpu.memory_space<semaphore_mem>>) src(%arg9 : memref<32x128xf32, #tpu.memory_space<vmem>>) dst(%dma_wait3A_180 : memref<32x128xf32, #tpu.memory_space<vmem_shared>>)
      tpu.yield
    }) : () -> ()
    %barrier3A = arith.constant 0 : index
    tpu.barrier barrier_id(%barrier3A)
    %scan3A_87 = arith.constant 0 : i32
    %scan3A_88 = arith.constant 0 : i32
    %scan3A_89 = arith.constant 80 : i32
    %scan3A_90 = arith.addi %scan3A_88, %scan3A_89 : i32
    %scan3A_91 = arith.constant 1 : i32
    %scan3A_92 = scf.for %scan3A_175 = %scan3A_88 to %scan3A_90 step %scan3A_91 iter_args(%scan3A_176 = %scan3A_87) -> (i32)  : i32 {
      %dma_start3A = arith.constant 0 : i32
      %dma_start3A_177 = tpu.memref_slice %arg6[%scan3A_175, %dma_start3A] : memref<80x125xi32, #tpu.memory_space<vmem>> -> memref<1x125xi32, #tpu.memory_space<vmem>>
      %dma_start3A_178 = tpu.memref_squeeze %dma_start3A_177 : memref<1x125xi32, #tpu.memory_space<vmem>> -> memref<125xi32, #tpu.memory_space<vmem>>
      %dma_start3A_179 = arith.constant 0 : i32
      %dma_start3A_180 = arith.constant 0 : i32
      %dma_start3A_181 = tpu.memref_slice %arg2[%dma_start3A_179, %dma_start3A_180] : memref<10240x128xf32, #tpu.memory_space<hbm>> -> memref<10240x128xf32, #tpu.memory_space<hbm>>
      tpu.enqueue_indirect_dma source(%dma_start3A_181 : memref<10240x128xf32, #tpu.memory_space<hbm>>) target(%arg8 : memref<125x128xf32, #tpu.memory_space<vmem>>) offsets(%dma_start3A_178 : memref<125xi32, #tpu.memory_space<vmem>>) semaphore(%arg11 : memref<!tpu.dma_semaphore, #tpu.memory_space<semaphore_mem>>)
      %dma_wait3A = arith.constant 0 : i32
      %dma_wait3A_182 = tpu.memref_slice %arg6[%scan3A_175, %dma_wait3A] : memref<80x125xi32, #tpu.memory_space<vmem>> -> memref<1x125xi32, #tpu.memory_space<vmem>>
      %dma_wait3A_183 = tpu.memref_squeeze %dma_wait3A_182 : memref<1x125xi32, #tpu.memory_space<vmem>> -> memref<125xi32, #tpu.memory_space<vmem>>
      %dma_wait3A_184 = arith.constant 0 : i32
      %dma_wait3A_185 = arith.constant 0 : i32
      %dma_wait3A_186 = tpu.memref_slice %arg2[%dma_wait3A_184, %dma_wait3A_185] : memref<10240x128xf32, #tpu.memory_space<hbm>> -> memref<10240x128xf32, #tpu.memory_space<hbm>>
      tpu.wait_indirect_dma semaphore(%arg11 : memref<!tpu.dma_semaphore, #tpu.memory_space<semaphore_mem>>) src(%dma_wait3A_186 : memref<10240x128xf32, #tpu.memory_space<hbm>>) dst(%arg8 : memref<125x128xf32, #tpu.memory_space<vmem>>)
      "tpu.region"() ({
        %run_scoped3A = tpu.sem_alloc : memref<!tpu.dma_semaphore, #tpu.memory_space<semaphore_mem>>
        %dma_start3A_188 = arith.constant 0 : i32
        %dma_start3A_189 = tpu.memref_slice %arg7[%scan3A_175, %dma_start3A_188] : memref<80x125xi32, #tpu.memory_space<vmem>> -> memref<1x125xi32, #tpu.memory_space<vmem>>
        %dma_start3A_190 = tpu.memref_squeeze %dma_start3A_189 : memref<1x125xi32, #tpu.memory_space<vmem>> -> memref<125xi32, #tpu.memory_space<vmem>>
        %dma_start3A_191 = arith.constant 0 : i32
        %dma_start3A_192 = arith.constant 0 : i32
        %dma_start3A_193 = tpu.memref_slice %arg10[%dma_start3A_191, %dma_start3A_192] : memref<10240x128xf32, #tpu.memory_space<vmem_shared>> -> memref<10240x128xf32, #tpu.memory_space<vmem_shared>>
        tpu.enqueue_indirect_dma source(%arg8 : memref<125x128xf32, #tpu.memory_space<vmem>>) target(%dma_start3A_193 : memref<10240x128xf32, #tpu.memory_space<vmem_shared>>) offsets(%dma_start3A_190 : memref<125xi32, #tpu.memory_space<vmem>>) semaphore(%run_scoped3A : memref<!tpu.dma_semaphore, #tpu.memory_space<semaphore_mem>>) {add = true}
        %dma_wait3A_194 = arith.constant 0 : i32
        %dma_wait3A_195 = tpu.memref_slice %arg7[%scan3A_175, %dma_wait3A_194] : memref<80x125xi32, #tpu.memory_space<vmem>> -> memref<1x125xi32, #tpu.memory_space<vmem>>
        %dma_wait3A_196 = tpu.memref_squeeze %dma_wait3A_195 : memref<1x125xi32, #tpu.memory_space<vmem>> -> memref<125xi32, #tpu.memory_space<vmem>>
        %dma_wait3A_197 = arith.constant 0 : i32
        %dma_wait3A_198 = arith.constant 0 : i32
        %dma_wait3A_199 = tpu.memref_slice %arg10[%dma_wait3A_197, %dma_wait3A_198] : memref<10240x128xf32, #tpu.memory_space<vmem_shared>> -> memref<10240x128xf32, #tpu.memory_space<vmem_shared>>
        tpu.wait_indirect_dma semaphore(%run_scoped3A : memref<!tpu.dma_semaphore, #tpu.memory_space<semaphore_mem>>) src(%arg8 : memref<125x128xf32, #tpu.memory_space<vmem>>) dst(%dma_wait3A_199 : memref<10240x128xf32, #tpu.memory_space<vmem_shared>>)
        tpu.yield
      }) : () -> ()
      %scan3A_187 = arith.constant 0 : i32
      scf.yield %scan3A_187 : i32
    }
    %scan3A_93 = arith.constant 80 : i32
    %barrier3A_94 = arith.constant 0 : index
    tpu.barrier barrier_id(%barrier3A_94)
    %mul3A_95 = arith.constant 640 : i32
    %mul3A_96 = arith.muli %arg1, %mul3A_95 : i32
    %add3A_97 = arith.constant 0 : i32
    %add3A_98 = arith.addi %mul3A_96, %add3A_97 : i32
    "tpu.region"() ({
      %run_scoped3A = tpu.sem_alloc : memref<!tpu.dma_semaphore, #tpu.memory_space<semaphore_mem>>
      %dma_start3A = arith.constant 0 : i32
      %dma_start3A_175 = tpu.memref_slice %arg10[%add3A_98, %dma_start3A] : memref<10240x128xf32, #tpu.memory_space<vmem_shared>> -> memref<32x128xf32, #tpu.memory_space<vmem_shared>>
      %dma_start3A_176 = arith.constant 0 : i32
      %dma_start3A_177 = tpu.memref_slice %arg10[%add3A_98, %dma_start3A_176] : memref<10240x128xf32, #tpu.memory_space<vmem_shared>> -> memref<32x128xf32, #tpu.memory_space<vmem_shared>>
      tpu.enqueue_dma source(%dma_start3A_177 : memref<32x128xf32, #tpu.memory_space<vmem_shared>>) target(%arg9 : memref<32x128xf32, #tpu.memory_space<vmem>>) target_semaphore(%run_scoped3A : memref<!tpu.dma_semaphore, #tpu.memory_space<semaphore_mem>>)
      %dma_wait3A = arith.constant 0 : i32
      %dma_wait3A_178 = tpu.memref_slice %arg10[%add3A_98, %dma_wait3A] : memref<10240x128xf32, #tpu.memory_space<vmem_shared>> -> memref<32x128xf32, #tpu.memory_space<vmem_shared>>
      %dma_wait3A_179 = arith.constant 0 : i32
      %dma_wait3A_180 = tpu.memref_slice %arg10[%add3A_98, %dma_wait3A_179] : memref<10240x128xf32, #tpu.memory_space<vmem_shared>> -> memref<32x128xf32, #tpu.memory_space<vmem_shared>>
      tpu.wait_dma2 semaphore(%run_scoped3A : memref<!tpu.dma_semaphore, #tpu.memory_space<semaphore_mem>>) src(%dma_wait3A_180 : memref<32x128xf32, #tpu.memory_space<vmem_shared>>) dst(%arg9 : memref<32x128xf32, #tpu.memory_space<vmem>>)
      tpu.yield
    }) : () -> ()
    "tpu.region"() ({
      %run_scoped3A = tpu.sem_alloc : memref<!tpu.dma_semaphore, #tpu.memory_space<semaphore_mem>>
      %dma_start3A = arith.constant 0 : i32
      %dma_start3A_175 = tpu.memref_slice %arg5[%arg0, %add3A_98, %dma_start3A] : memref<2x10240x128xf32, #tpu.memory_space<hbm>> -> memref<1x32x128xf32, #tpu.memory_space<hbm>>
      %dma_start3A_176 = tpu.memref_squeeze %dma_start3A_175 : memref<1x32x128xf32, #tpu.memory_space<hbm>> -> memref<32x128xf32, #tpu.memory_space<hbm>>
      %dma_start3A_177 = arith.constant 0 : i32
      %dma_start3A_178 = tpu.memref_slice %arg5[%arg0, %add3A_98, %dma_start3A_177] : memref<2x10240x128xf32, #tpu.memory_space<hbm>> -> memref<1x32x128xf32, #tpu.memory_space<hbm>>
      %dma_start3A_179 = tpu.memref_squeeze %dma_start3A_178 : memref<1x32x128xf32, #tpu.memory_space<hbm>> -> memref<32x128xf32, #tpu.memory_space<hbm>>
      tpu.enqueue_dma source(%arg9 : memref<32x128xf32, #tpu.memory_space<vmem>>) target(%dma_start3A_179 : memref<32x128xf32, #tpu.memory_space<hbm>>) target_semaphore(%run_scoped3A : memref<!tpu.dma_semaphore, #tpu.memory_space<semaphore_mem>>)
      %dma_wait3A = arith.constant 0 : i32
      %dma_wait3A_180 = tpu.memref_slice %arg5[%arg0, %add3A_98, %dma_wait3A] : memref<2x10240x128xf32, #tpu.memory_space<hbm>> -> memref<1x32x128xf32, #tpu.memory_space<hbm>>
      %dma_wait3A_181 = tpu.memref_squeeze %dma_wait3A_180 : memref<1x32x128xf32, #tpu.memory_space<hbm>> -> memref<32x128xf32, #tpu.memory_space<hbm>>
      %dma_wait3A_182 = arith.constant 0 : i32
      %dma_wait3A_183 = tpu.memref_slice %arg5[%arg0, %add3A_98, %dma_wait3A_182] : memref<2x10240x128xf32, #tpu.memory_space<hbm>> -> memref<1x32x128xf32, #tpu.memory_space<hbm>>
      %dma_wait3A_184 = tpu.memref_squeeze %dma_wait3A_183 : memref<1x32x128xf32, #tpu.memory_space<hbm>> -> memref<32x128xf32, #tpu.memory_space<hbm>>
      tpu.wait_dma2 semaphore(%run_scoped3A : memref<!tpu.dma_semaphore, #tpu.memory_space<semaphore_mem>>) src(%arg9 : memref<32x128xf32, #tpu.memory_space<vmem>>) dst(%dma_wait3A_184 : memref<32x128xf32, #tpu.memory_space<hbm>>)
      tpu.yield
    }) : () -> ()
    %mul3A_99 = arith.constant 640 : i32
    %mul3A_100 = arith.muli %arg1, %mul3A_99 : i32
    %add3A_101 = arith.constant 32 : i32
    %add3A_102 = arith.addi %mul3A_100, %add3A_101 : i32
    "tpu.region"() ({
      %run_scoped3A = tpu.sem_alloc : memref<!tpu.dma_semaphore, #tpu.memory_space<semaphore_mem>>
      %dma_start3A = arith.constant 0 : i32
      %dma_start3A_175 = tpu.memref_slice %arg10[%add3A_102, %dma_start3A] : memref<10240x128xf32, #tpu.memory_space<vmem_shared>> -> memref<32x128xf32, #tpu.memory_space<vmem_shared>>
      %dma_start3A_176 = arith.constant 0 : i32
      %dma_start3A_177 = tpu.memref_slice %arg10[%add3A_102, %dma_start3A_176] : memref<10240x128xf32, #tpu.memory_space<vmem_shared>> -> memref<32x128xf32, #tpu.memory_space<vmem_shared>>
      tpu.enqueue_dma source(%dma_start3A_177 : memref<32x128xf32, #tpu.memory_space<vmem_shared>>) target(%arg9 : memref<32x128xf32, #tpu.memory_space<vmem>>) target_semaphore(%run_scoped3A : memref<!tpu.dma_semaphore, #tpu.memory_space<semaphore_mem>>)
      %dma_wait3A = arith.constant 0 : i32
      %dma_wait3A_178 = tpu.memref_slice %arg10[%add3A_102, %dma_wait3A] : memref<10240x128xf32, #tpu.memory_space<vmem_shared>> -> memref<32x128xf32, #tpu.memory_space<vmem_shared>>
      %dma_wait3A_179 = arith.constant 0 : i32
      %dma_wait3A_180 = tpu.memref_slice %arg10[%add3A_102, %dma_wait3A_179] : memref<10240x128xf32, #tpu.memory_space<vmem_shared>> -> memref<32x128xf32, #tpu.memory_space<vmem_shared>>
      tpu.wait_dma2 semaphore(%run_scoped3A : memref<!tpu.dma_semaphore, #tpu.memory_space<semaphore_mem>>) src(%dma_wait3A_180 : memref<32x128xf32, #tpu.memory_space<vmem_shared>>) dst(%arg9 : memref<32x128xf32, #tpu.memory_space<vmem>>)
      tpu.yield
    }) : () -> ()
    "tpu.region"() ({
      %run_scoped3A = tpu.sem_alloc : memref<!tpu.dma_semaphore, #tpu.memory_space<semaphore_mem>>
      %dma_start3A = arith.constant 0 : i32
      %dma_start3A_175 = tpu.memref_slice %arg5[%arg0, %add3A_102, %dma_start3A] : memref<2x10240x128xf32, #tpu.memory_space<hbm>> -> memref<1x32x128xf32, #tpu.memory_space<hbm>>
      %dma_start3A_176 = tpu.memref_squeeze %dma_start3A_175 : memref<1x32x128xf32, #tpu.memory_space<hbm>> -> memref<32x128xf32, #tpu.memory_space<hbm>>
      %dma_start3A_177 = arith.constant 0 : i32
      %dma_start3A_178 = tpu.memref_slice %arg5[%arg0, %add3A_102, %dma_start3A_177] : memref<2x10240x128xf32, #tpu.memory_space<hbm>> -> memref<1x32x128xf32, #tpu.memory_space<hbm>>
      %dma_start3A_179 = tpu.memref_squeeze %dma_start3A_178 : memref<1x32x128xf32, #tpu.memory_space<hbm>> -> memref<32x128xf32, #tpu.memory_space<hbm>>
      tpu.enqueue_dma source(%arg9 : memref<32x128xf32, #tpu.memory_space<vmem>>) target(%dma_start3A_179 : memref<32x128xf32, #tpu.memory_space<hbm>>) target_semaphore(%run_scoped3A : memref<!tpu.dma_semaphore, #tpu.memory_space<semaphore_mem>>)
      %dma_wait3A = arith.constant 0 : i32
      %dma_wait3A_180 = tpu.memref_slice %arg5[%arg0, %add3A_102, %dma_wait3A] : memref<2x10240x128xf32, #tpu.memory_space<hbm>> -> memref<1x32x128xf32, #tpu.memory_space<hbm>>
      %dma_wait3A_181 = tpu.memref_squeeze %dma_wait3A_180 : memref<1x32x128xf32, #tpu.memory_space<hbm>> -> memref<32x128xf32, #tpu.memory_space<hbm>>
      %dma_wait3A_182 = arith.constant 0 : i32
      %dma_wait3A_183 = tpu.memref_slice %arg5[%arg0, %add3A_102, %dma_wait3A_182] : memref<2x10240x128xf32, #tpu.memory_space<hbm>> -> memref<1x32x128xf32, #tpu.memory_space<hbm>>
      %dma_wait3A_184 = tpu.memref_squeeze %dma_wait3A_183 : memref<1x32x128xf32, #tpu.memory_space<hbm>> -> memref<32x128xf32, #tpu.memory_space<hbm>>
      tpu.wait_dma2 semaphore(%run_scoped3A : memref<!tpu.dma_semaphore, #tpu.memory_space<semaphore_mem>>) src(%arg9 : memref<32x128xf32, #tpu.memory_space<vmem>>) dst(%dma_wait3A_184 : memref<32x128xf32, #tpu.memory_space<hbm>>)
      tpu.yield
    }) : () -> ()
    %mul3A_103 = arith.constant 640 : i32
    %mul3A_104 = arith.muli %arg1, %mul3A_103 : i32
    %add3A_105 = arith.constant 64 : i32
    %add3A_106 = arith.addi %mul3A_104, %add3A_105 : i32
    "tpu.region"() ({
      %run_scoped3A = tpu.sem_alloc : memref<!tpu.dma_semaphore, #tpu.memory_space<semaphore_mem>>
      %dma_start3A = arith.constant 0 : i32
      %dma_start3A_175 = tpu.memref_slice %arg10[%add3A_106, %dma_start3A] : memref<10240x128xf32, #tpu.memory_space<vmem_shared>> -> memref<32x128xf32, #tpu.memory_space<vmem_shared>>
      %dma_start3A_176 = arith.constant 0 : i32
      %dma_start3A_177 = tpu.memref_slice %arg10[%add3A_106, %dma_start3A_176] : memref<10240x128xf32, #tpu.memory_space<vmem_shared>> -> memref<32x128xf32, #tpu.memory_space<vmem_shared>>
      tpu.enqueue_dma source(%dma_start3A_177 : memref<32x128xf32, #tpu.memory_space<vmem_shared>>) target(%arg9 : memref<32x128xf32, #tpu.memory_space<vmem>>) target_semaphore(%run_scoped3A : memref<!tpu.dma_semaphore, #tpu.memory_space<semaphore_mem>>)
      %dma_wait3A = arith.constant 0 : i32
      %dma_wait3A_178 = tpu.memref_slice %arg10[%add3A_106, %dma_wait3A] : memref<10240x128xf32, #tpu.memory_space<vmem_shared>> -> memref<32x128xf32, #tpu.memory_space<vmem_shared>>
      %dma_wait3A_179 = arith.constant 0 : i32
      %dma_wait3A_180 = tpu.memref_slice %arg10[%add3A_106, %dma_wait3A_179] : memref<10240x128xf32, #tpu.memory_space<vmem_shared>> -> memref<32x128xf32, #tpu.memory_space<vmem_shared>>
      tpu.wait_dma2 semaphore(%run_scoped3A : memref<!tpu.dma_semaphore, #tpu.memory_space<semaphore_mem>>) src(%dma_wait3A_180 : memref<32x128xf32, #tpu.memory_space<vmem_shared>>) dst(%arg9 : memref<32x128xf32, #tpu.memory_space<vmem>>)
      tpu.yield
    }) : () -> ()
    "tpu.region"() ({
      %run_scoped3A = tpu.sem_alloc : memref<!tpu.dma_semaphore, #tpu.memory_space<semaphore_mem>>
      %dma_start3A = arith.constant 0 : i32
      %dma_start3A_175 = tpu.memref_slice %arg5[%arg0, %add3A_106, %dma_start3A] : memref<2x10240x128xf32, #tpu.memory_space<hbm>> -> memref<1x32x128xf32, #tpu.memory_space<hbm>>
      %dma_start3A_176 = tpu.memref_squeeze %dma_start3A_175 : memref<1x32x128xf32, #tpu.memory_space<hbm>> -> memref<32x128xf32, #tpu.memory_space<hbm>>
      %dma_start3A_177 = arith.constant 0 : i32
      %dma_start3A_178 = tpu.memref_slice %arg5[%arg0, %add3A_106, %dma_start3A_177] : memref<2x10240x128xf32, #tpu.memory_space<hbm>> -> memref<1x32x128xf32, #tpu.memory_space<hbm>>
      %dma_start3A_179 = tpu.memref_squeeze %dma_start3A_178 : memref<1x32x128xf32, #tpu.memory_space<hbm>> -> memref<32x128xf32, #tpu.memory_space<hbm>>
      tpu.enqueue_dma source(%arg9 : memref<32x128xf32, #tpu.memory_space<vmem>>) target(%dma_start3A_179 : memref<32x128xf32, #tpu.memory_space<hbm>>) target_semaphore(%run_scoped3A : memref<!tpu.dma_semaphore, #tpu.memory_space<semaphore_mem>>)
      %dma_wait3A = arith.constant 0 : i32
      %dma_wait3A_180 = tpu.memref_slice %arg5[%arg0, %add3A_106, %dma_wait3A] : memref<2x10240x128xf32, #tpu.memory_space<hbm>> -> memref<1x32x128xf32, #tpu.memory_space<hbm>>
      %dma_wait3A_181 = tpu.memref_squeeze %dma_wait3A_180 : memref<1x32x128xf32, #tpu.memory_space<hbm>> -> memref<32x128xf32, #tpu.memory_space<hbm>>
      %dma_wait3A_182 = arith.constant 0 : i32
      %dma_wait3A_183 = tpu.memref_slice %arg5[%arg0, %add3A_106, %dma_wait3A_182] : memref<2x10240x128xf32, #tpu.memory_space<hbm>> -> memref<1x32x128xf32, #tpu.memory_space<hbm>>
      %dma_wait3A_184 = tpu.memref_squeeze %dma_wait3A_183 : memref<1x32x128xf32, #tpu.memory_space<hbm>> -> memref<32x128xf32, #tpu.memory_space<hbm>>
      tpu.wait_dma2 semaphore(%run_scoped3A : memref<!tpu.dma_semaphore, #tpu.memory_space<semaphore_mem>>) src(%arg9 : memref<32x128xf32, #tpu.memory_space<vmem>>) dst(%dma_wait3A_184 : memref<32x128xf32, #tpu.memory_space<hbm>>)
      tpu.yield
    }) : () -> ()
    %mul3A_107 = arith.constant 640 : i32
    %mul3A_108 = arith.muli %arg1, %mul3A_107 : i32
    %add3A_109 = arith.constant 96 : i32
    %add3A_110 = arith.addi %mul3A_108, %add3A_109 : i32
    "tpu.region"() ({
      %run_scoped3A = tpu.sem_alloc : memref<!tpu.dma_semaphore, #tpu.memory_space<semaphore_mem>>
      %dma_start3A = arith.constant 0 : i32
      %dma_start3A_175 = tpu.memref_slice %arg10[%add3A_110, %dma_start3A] : memref<10240x128xf32, #tpu.memory_space<vmem_shared>> -> memref<32x128xf32, #tpu.memory_space<vmem_shared>>
      %dma_start3A_176 = arith.constant 0 : i32
      %dma_start3A_177 = tpu.memref_slice %arg10[%add3A_110, %dma_start3A_176] : memref<10240x128xf32, #tpu.memory_space<vmem_shared>> -> memref<32x128xf32, #tpu.memory_space<vmem_shared>>
      tpu.enqueue_dma source(%dma_start3A_177 : memref<32x128xf32, #tpu.memory_space<vmem_shared>>) target(%arg9 : memref<32x128xf32, #tpu.memory_space<vmem>>) target_semaphore(%run_scoped3A : memref<!tpu.dma_semaphore, #tpu.memory_space<semaphore_mem>>)
      %dma_wait3A = arith.constant 0 : i32
      %dma_wait3A_178 = tpu.memref_slice %arg10[%add3A_110, %dma_wait3A] : memref<10240x128xf32, #tpu.memory_space<vmem_shared>> -> memref<32x128xf32, #tpu.memory_space<vmem_shared>>
      %dma_wait3A_179 = arith.constant 0 : i32
      %dma_wait3A_180 = tpu.memref_slice %arg10[%add3A_110, %dma_wait3A_179] : memref<10240x128xf32, #tpu.memory_space<vmem_shared>> -> memref<32x128xf32, #tpu.memory_space<vmem_shared>>
      tpu.wait_dma2 semaphore(%run_scoped3A : memref<!tpu.dma_semaphore, #tpu.memory_space<semaphore_mem>>) src(%dma_wait3A_180 : memref<32x128xf32, #tpu.memory_space<vmem_shared>>) dst(%arg9 : memref<32x128xf32, #tpu.memory_space<vmem>>)
      tpu.yield
    }) : () -> ()
    "tpu.region"() ({
      %run_scoped3A = tpu.sem_alloc : memref<!tpu.dma_semaphore, #tpu.memory_space<semaphore_mem>>
      %dma_start3A = arith.constant 0 : i32
      %dma_start3A_175 = tpu.memref_slice %arg5[%arg0, %add3A_110, %dma_start3A] : memref<2x10240x128xf32, #tpu.memory_space<hbm>> -> memref<1x32x128xf32, #tpu.memory_space<hbm>>
      %dma_start3A_176 = tpu.memref_squeeze %dma_start3A_175 : memref<1x32x128xf32, #tpu.memory_space<hbm>> -> memref<32x128xf32, #tpu.memory_space<hbm>>
      %dma_start3A_177 = arith.constant 0 : i32
      %dma_start3A_178 = tpu.memref_slice %arg5[%arg0, %add3A_110, %dma_start3A_177] : memref<2x10240x128xf32, #tpu.memory_space<hbm>> -> memref<1x32x128xf32, #tpu.memory_space<hbm>>
      %dma_start3A_179 = tpu.memref_squeeze %dma_start3A_178 : memref<1x32x128xf32, #tpu.memory_space<hbm>> -> memref<32x128xf32, #tpu.memory_space<hbm>>
      tpu.enqueue_dma source(%arg9 : memref<32x128xf32, #tpu.memory_space<vmem>>) target(%dma_start3A_179 : memref<32x128xf32, #tpu.memory_space<hbm>>) target_semaphore(%run_scoped3A : memref<!tpu.dma_semaphore, #tpu.memory_space<semaphore_mem>>)
      %dma_wait3A = arith.constant 0 : i32
      %dma_wait3A_180 = tpu.memref_slice %arg5[%arg0, %add3A_110, %dma_wait3A] : memref<2x10240x128xf32, #tpu.memory_space<hbm>> -> memref<1x32x128xf32, #tpu.memory_space<hbm>>
      %dma_wait3A_181 = tpu.memref_squeeze %dma_wait3A_180 : memref<1x32x128xf32, #tpu.memory_space<hbm>> -> memref<32x128xf32, #tpu.memory_space<hbm>>
      %dma_wait3A_182 = arith.constant 0 : i32
      %dma_wait3A_183 = tpu.memref_slice %arg5[%arg0, %add3A_110, %dma_wait3A_182] : memref<2x10240x128xf32, #tpu.memory_space<hbm>> -> memref<1x32x128xf32, #tpu.memory_space<hbm>>
      %dma_wait3A_184 = tpu.memref_squeeze %dma_wait3A_183 : memref<1x32x128xf32, #tpu.memory_space<hbm>> -> memref<32x128xf32, #tpu.memory_space<hbm>>
      tpu.wait_dma2 semaphore(%run_scoped3A : memref<!tpu.dma_semaphore, #tpu.memory_space<semaphore_mem>>) src(%arg9 : memref<32x128xf32, #tpu.memory_space<vmem>>) dst(%dma_wait3A_184 : memref<32x128xf32, #tpu.memory_space<hbm>>)
      tpu.yield
    }) : () -> ()
    %mul3A_111 = arith.constant 640 : i32
    %mul3A_112 = arith.muli %arg1, %mul3A_111 : i32
    %add3A_113 = arith.constant 128 : i32
    %add3A_114 = arith.addi %mul3A_112, %add3A_113 : i32
    "tpu.region"() ({
      %run_scoped3A = tpu.sem_alloc : memref<!tpu.dma_semaphore, #tpu.memory_space<semaphore_mem>>
      %dma_start3A = arith.constant 0 : i32
      %dma_start3A_175 = tpu.memref_slice %arg10[%add3A_114, %dma_start3A] : memref<10240x128xf32, #tpu.memory_space<vmem_shared>> -> memref<32x128xf32, #tpu.memory_space<vmem_shared>>
      %dma_start3A_176 = arith.constant 0 : i32
      %dma_start3A_177 = tpu.memref_slice %arg10[%add3A_114, %dma_start3A_176] : memref<10240x128xf32, #tpu.memory_space<vmem_shared>> -> memref<32x128xf32, #tpu.memory_space<vmem_shared>>
      tpu.enqueue_dma source(%dma_start3A_177 : memref<32x128xf32, #tpu.memory_space<vmem_shared>>) target(%arg9 : memref<32x128xf32, #tpu.memory_space<vmem>>) target_semaphore(%run_scoped3A : memref<!tpu.dma_semaphore, #tpu.memory_space<semaphore_mem>>)
      %dma_wait3A = arith.constant 0 : i32
      %dma_wait3A_178 = tpu.memref_slice %arg10[%add3A_114, %dma_wait3A] : memref<10240x128xf32, #tpu.memory_space<vmem_shared>> -> memref<32x128xf32, #tpu.memory_space<vmem_shared>>
      %dma_wait3A_179 = arith.constant 0 : i32
      %dma_wait3A_180 = tpu.memref_slice %arg10[%add3A_114, %dma_wait3A_179] : memref<10240x128xf32, #tpu.memory_space<vmem_shared>> -> memref<32x128xf32, #tpu.memory_space<vmem_shared>>
      tpu.wait_dma2 semaphore(%run_scoped3A : memref<!tpu.dma_semaphore, #tpu.memory_space<semaphore_mem>>) src(%dma_wait3A_180 : memref<32x128xf32, #tpu.memory_space<vmem_shared>>) dst(%arg9 : memref<32x128xf32, #tpu.memory_space<vmem>>)
      tpu.yield
    }) : () -> ()
    "tpu.region"() ({
      %run_scoped3A = tpu.sem_alloc : memref<!tpu.dma_semaphore, #tpu.memory_space<semaphore_mem>>
      %dma_start3A = arith.constant 0 : i32
      %dma_start3A_175 = tpu.memref_slice %arg5[%arg0, %add3A_114, %dma_start3A] : memref<2x10240x128xf32, #tpu.memory_space<hbm>> -> memref<1x32x128xf32, #tpu.memory_space<hbm>>
      %dma_start3A_176 = tpu.memref_squeeze %dma_start3A_175 : memref<1x32x128xf32, #tpu.memory_space<hbm>> -> memref<32x128xf32, #tpu.memory_space<hbm>>
      %dma_start3A_177 = arith.constant 0 : i32
      %dma_start3A_178 = tpu.memref_slice %arg5[%arg0, %add3A_114, %dma_start3A_177] : memref<2x10240x128xf32, #tpu.memory_space<hbm>> -> memref<1x32x128xf32, #tpu.memory_space<hbm>>
      %dma_start3A_179 = tpu.memref_squeeze %dma_start3A_178 : memref<1x32x128xf32, #tpu.memory_space<hbm>> -> memref<32x128xf32, #tpu.memory_space<hbm>>
      tpu.enqueue_dma source(%arg9 : memref<32x128xf32, #tpu.memory_space<vmem>>) target(%dma_start3A_179 : memref<32x128xf32, #tpu.memory_space<hbm>>) target_semaphore(%run_scoped3A : memref<!tpu.dma_semaphore, #tpu.memory_space<semaphore_mem>>)
      %dma_wait3A = arith.constant 0 : i32
      %dma_wait3A_180 = tpu.memref_slice %arg5[%arg0, %add3A_114, %dma_wait3A] : memref<2x10240x128xf32, #tpu.memory_space<hbm>> -> memref<1x32x128xf32, #tpu.memory_space<hbm>>
      %dma_wait3A_181 = tpu.memref_squeeze %dma_wait3A_180 : memref<1x32x128xf32, #tpu.memory_space<hbm>> -> memref<32x128xf32, #tpu.memory_space<hbm>>
      %dma_wait3A_182 = arith.constant 0 : i32
      %dma_wait3A_183 = tpu.memref_slice %arg5[%arg0, %add3A_114, %dma_wait3A_182] : memref<2x10240x128xf32, #tpu.memory_space<hbm>> -> memref<1x32x128xf32, #tpu.memory_space<hbm>>
      %dma_wait3A_184 = tpu.memref_squeeze %dma_wait3A_183 : memref<1x32x128xf32, #tpu.memory_space<hbm>> -> memref<32x128xf32, #tpu.memory_space<hbm>>
      tpu.wait_dma2 semaphore(%run_scoped3A : memref<!tpu.dma_semaphore, #tpu.memory_space<semaphore_mem>>) src(%arg9 : memref<32x128xf32, #tpu.memory_space<vmem>>) dst(%dma_wait3A_184 : memref<32x128xf32, #tpu.memory_space<hbm>>)
      tpu.yield
    }) : () -> ()
    %mul3A_115 = arith.constant 640 : i32
    %mul3A_116 = arith.muli %arg1, %mul3A_115 : i32
    %add3A_117 = arith.constant 160 : i32
    %add3A_118 = arith.addi %mul3A_116, %add3A_117 : i32
    "tpu.region"() ({
      %run_scoped3A = tpu.sem_alloc : memref<!tpu.dma_semaphore, #tpu.memory_space<semaphore_mem>>
      %dma_start3A = arith.constant 0 : i32
      %dma_start3A_175 = tpu.memref_slice %arg10[%add3A_118, %dma_start3A] : memref<10240x128xf32, #tpu.memory_space<vmem_shared>> -> memref<32x128xf32, #tpu.memory_space<vmem_shared>>
      %dma_start3A_176 = arith.constant 0 : i32
      %dma_start3A_177 = tpu.memref_slice %arg10[%add3A_118, %dma_start3A_176] : memref<10240x128xf32, #tpu.memory_space<vmem_shared>> -> memref<32x128xf32, #tpu.memory_space<vmem_shared>>
      tpu.enqueue_dma source(%dma_start3A_177 : memref<32x128xf32, #tpu.memory_space<vmem_shared>>) target(%arg9 : memref<32x128xf32, #tpu.memory_space<vmem>>) target_semaphore(%run_scoped3A : memref<!tpu.dma_semaphore, #tpu.memory_space<semaphore_mem>>)
      %dma_wait3A = arith.constant 0 : i32
      %dma_wait3A_178 = tpu.memref_slice %arg10[%add3A_118, %dma_wait3A] : memref<10240x128xf32, #tpu.memory_space<vmem_shared>> -> memref<32x128xf32, #tpu.memory_space<vmem_shared>>
      %dma_wait3A_179 = arith.constant 0 : i32
      %dma_wait3A_180 = tpu.memref_slice %arg10[%add3A_118, %dma_wait3A_179] : memref<10240x128xf32, #tpu.memory_space<vmem_shared>> -> memref<32x128xf32, #tpu.memory_space<vmem_shared>>
      tpu.wait_dma2 semaphore(%run_scoped3A : memref<!tpu.dma_semaphore, #tpu.memory_space<semaphore_mem>>) src(%dma_wait3A_180 : memref<32x128xf32, #tpu.memory_space<vmem_shared>>) dst(%arg9 : memref<32x128xf32, #tpu.memory_space<vmem>>)
      tpu.yield
    }) : () -> ()
    "tpu.region"() ({
      %run_scoped3A = tpu.sem_alloc : memref<!tpu.dma_semaphore, #tpu.memory_space<semaphore_mem>>
      %dma_start3A = arith.constant 0 : i32
      %dma_start3A_175 = tpu.memref_slice %arg5[%arg0, %add3A_118, %dma_start3A] : memref<2x10240x128xf32, #tpu.memory_space<hbm>> -> memref<1x32x128xf32, #tpu.memory_space<hbm>>
      %dma_start3A_176 = tpu.memref_squeeze %dma_start3A_175 : memref<1x32x128xf32, #tpu.memory_space<hbm>> -> memref<32x128xf32, #tpu.memory_space<hbm>>
      %dma_start3A_177 = arith.constant 0 : i32
      %dma_start3A_178 = tpu.memref_slice %arg5[%arg0, %add3A_118, %dma_start3A_177] : memref<2x10240x128xf32, #tpu.memory_space<hbm>> -> memref<1x32x128xf32, #tpu.memory_space<hbm>>
      %dma_start3A_179 = tpu.memref_squeeze %dma_start3A_178 : memref<1x32x128xf32, #tpu.memory_space<hbm>> -> memref<32x128xf32, #tpu.memory_space<hbm>>
      tpu.enqueue_dma source(%arg9 : memref<32x128xf32, #tpu.memory_space<vmem>>) target(%dma_start3A_179 : memref<32x128xf32, #tpu.memory_space<hbm>>) target_semaphore(%run_scoped3A : memref<!tpu.dma_semaphore, #tpu.memory_space<semaphore_mem>>)
      %dma_wait3A = arith.constant 0 : i32
      %dma_wait3A_180 = tpu.memref_slice %arg5[%arg0, %add3A_118, %dma_wait3A] : memref<2x10240x128xf32, #tpu.memory_space<hbm>> -> memref<1x32x128xf32, #tpu.memory_space<hbm>>
      %dma_wait3A_181 = tpu.memref_squeeze %dma_wait3A_180 : memref<1x32x128xf32, #tpu.memory_space<hbm>> -> memref<32x128xf32, #tpu.memory_space<hbm>>
      %dma_wait3A_182 = arith.constant 0 : i32
      %dma_wait3A_183 = tpu.memref_slice %arg5[%arg0, %add3A_118, %dma_wait3A_182] : memref<2x10240x128xf32, #tpu.memory_space<hbm>> -> memref<1x32x128xf32, #tpu.memory_space<hbm>>
      %dma_wait3A_184 = tpu.memref_squeeze %dma_wait3A_183 : memref<1x32x128xf32, #tpu.memory_space<hbm>> -> memref<32x128xf32, #tpu.memory_space<hbm>>
      tpu.wait_dma2 semaphore(%run_scoped3A : memref<!tpu.dma_semaphore, #tpu.memory_space<semaphore_mem>>) src(%arg9 : memref<32x128xf32, #tpu.memory_space<vmem>>) dst(%dma_wait3A_184 : memref<32x128xf32, #tpu.memory_space<hbm>>)
      tpu.yield
    }) : () -> ()
    %mul3A_119 = arith.constant 640 : i32
    %mul3A_120 = arith.muli %arg1, %mul3A_119 : i32
    %add3A_121 = arith.constant 192 : i32
    %add3A_122 = arith.addi %mul3A_120, %add3A_121 : i32
    "tpu.region"() ({
      %run_scoped3A = tpu.sem_alloc : memref<!tpu.dma_semaphore, #tpu.memory_space<semaphore_mem>>
      %dma_start3A = arith.constant 0 : i32
      %dma_start3A_175 = tpu.memref_slice %arg10[%add3A_122, %dma_start3A] : memref<10240x128xf32, #tpu.memory_space<vmem_shared>> -> memref<32x128xf32, #tpu.memory_space<vmem_shared>>
      %dma_start3A_176 = arith.constant 0 : i32
      %dma_start3A_177 = tpu.memref_slice %arg10[%add3A_122, %dma_start3A_176] : memref<10240x128xf32, #tpu.memory_space<vmem_shared>> -> memref<32x128xf32, #tpu.memory_space<vmem_shared>>
      tpu.enqueue_dma source(%dma_start3A_177 : memref<32x128xf32, #tpu.memory_space<vmem_shared>>) target(%arg9 : memref<32x128xf32, #tpu.memory_space<vmem>>) target_semaphore(%run_scoped3A : memref<!tpu.dma_semaphore, #tpu.memory_space<semaphore_mem>>)
      %dma_wait3A = arith.constant 0 : i32
      %dma_wait3A_178 = tpu.memref_slice %arg10[%add3A_122, %dma_wait3A] : memref<10240x128xf32, #tpu.memory_space<vmem_shared>> -> memref<32x128xf32, #tpu.memory_space<vmem_shared>>
      %dma_wait3A_179 = arith.constant 0 : i32
      %dma_wait3A_180 = tpu.memref_slice %arg10[%add3A_122, %dma_wait3A_179] : memref<10240x128xf32, #tpu.memory_space<vmem_shared>> -> memref<32x128xf32, #tpu.memory_space<vmem_shared>>
      tpu.wait_dma2 semaphore(%run_scoped3A : memref<!tpu.dma_semaphore, #tpu.memory_space<semaphore_mem>>) src(%dma_wait3A_180 : memref<32x128xf32, #tpu.memory_space<vmem_shared>>) dst(%arg9 : memref<32x128xf32, #tpu.memory_space<vmem>>)
      tpu.yield
    }) : () -> ()
    "tpu.region"() ({
      %run_scoped3A = tpu.sem_alloc : memref<!tpu.dma_semaphore, #tpu.memory_space<semaphore_mem>>
      %dma_start3A = arith.constant 0 : i32
      %dma_start3A_175 = tpu.memref_slice %arg5[%arg0, %add3A_122, %dma_start3A] : memref<2x10240x128xf32, #tpu.memory_space<hbm>> -> memref<1x32x128xf32, #tpu.memory_space<hbm>>
      %dma_start3A_176 = tpu.memref_squeeze %dma_start3A_175 : memref<1x32x128xf32, #tpu.memory_space<hbm>> -> memref<32x128xf32, #tpu.memory_space<hbm>>
      %dma_start3A_177 = arith.constant 0 : i32
      %dma_start3A_178 = tpu.memref_slice %arg5[%arg0, %add3A_122, %dma_start3A_177] : memref<2x10240x128xf32, #tpu.memory_space<hbm>> -> memref<1x32x128xf32, #tpu.memory_space<hbm>>
      %dma_start3A_179 = tpu.memref_squeeze %dma_start3A_178 : memref<1x32x128xf32, #tpu.memory_space<hbm>> -> memref<32x128xf32, #tpu.memory_space<hbm>>
      tpu.enqueue_dma source(%arg9 : memref<32x128xf32, #tpu.memory_space<vmem>>) target(%dma_start3A_179 : memref<32x128xf32, #tpu.memory_space<hbm>>) target_semaphore(%run_scoped3A : memref<!tpu.dma_semaphore, #tpu.memory_space<semaphore_mem>>)
      %dma_wait3A = arith.constant 0 : i32
      %dma_wait3A_180 = tpu.memref_slice %arg5[%arg0, %add3A_122, %dma_wait3A] : memref<2x10240x128xf32, #tpu.memory_space<hbm>> -> memref<1x32x128xf32, #tpu.memory_space<hbm>>
      %dma_wait3A_181 = tpu.memref_squeeze %dma_wait3A_180 : memref<1x32x128xf32, #tpu.memory_space<hbm>> -> memref<32x128xf32, #tpu.memory_space<hbm>>
      %dma_wait3A_182 = arith.constant 0 : i32
      %dma_wait3A_183 = tpu.memref_slice %arg5[%arg0, %add3A_122, %dma_wait3A_182] : memref<2x10240x128xf32, #tpu.memory_space<hbm>> -> memref<1x32x128xf32, #tpu.memory_space<hbm>>
      %dma_wait3A_184 = tpu.memref_squeeze %dma_wait3A_183 : memref<1x32x128xf32, #tpu.memory_space<hbm>> -> memref<32x128xf32, #tpu.memory_space<hbm>>
      tpu.wait_dma2 semaphore(%run_scoped3A : memref<!tpu.dma_semaphore, #tpu.memory_space<semaphore_mem>>) src(%arg9 : memref<32x128xf32, #tpu.memory_space<vmem>>) dst(%dma_wait3A_184 : memref<32x128xf32, #tpu.memory_space<hbm>>)
      tpu.yield
    }) : () -> ()
    %mul3A_123 = arith.constant 640 : i32
    %mul3A_124 = arith.muli %arg1, %mul3A_123 : i32
    %add3A_125 = arith.constant 224 : i32
    %add3A_126 = arith.addi %mul3A_124, %add3A_125 : i32
    "tpu.region"() ({
      %run_scoped3A = tpu.sem_alloc : memref<!tpu.dma_semaphore, #tpu.memory_space<semaphore_mem>>
      %dma_start3A = arith.constant 0 : i32
      %dma_start3A_175 = tpu.memref_slice %arg10[%add3A_126, %dma_start3A] : memref<10240x128xf32, #tpu.memory_space<vmem_shared>> -> memref<32x128xf32, #tpu.memory_space<vmem_shared>>
      %dma_start3A_176 = arith.constant 0 : i32
      %dma_start3A_177 = tpu.memref_slice %arg10[%add3A_126, %dma_start3A_176] : memref<10240x128xf32, #tpu.memory_space<vmem_shared>> -> memref<32x128xf32, #tpu.memory_space<vmem_shared>>
      tpu.enqueue_dma source(%dma_start3A_177 : memref<32x128xf32, #tpu.memory_space<vmem_shared>>) target(%arg9 : memref<32x128xf32, #tpu.memory_space<vmem>>) target_semaphore(%run_scoped3A : memref<!tpu.dma_semaphore, #tpu.memory_space<semaphore_mem>>)
      %dma_wait3A = arith.constant 0 : i32
      %dma_wait3A_178 = tpu.memref_slice %arg10[%add3A_126, %dma_wait3A] : memref<10240x128xf32, #tpu.memory_space<vmem_shared>> -> memref<32x128xf32, #tpu.memory_space<vmem_shared>>
      %dma_wait3A_179 = arith.constant 0 : i32
      %dma_wait3A_180 = tpu.memref_slice %arg10[%add3A_126, %dma_wait3A_179] : memref<10240x128xf32, #tpu.memory_space<vmem_shared>> -> memref<32x128xf32, #tpu.memory_space<vmem_shared>>
      tpu.wait_dma2 semaphore(%run_scoped3A : memref<!tpu.dma_semaphore, #tpu.memory_space<semaphore_mem>>) src(%dma_wait3A_180 : memref<32x128xf32, #tpu.memory_space<vmem_shared>>) dst(%arg9 : memref<32x128xf32, #tpu.memory_space<vmem>>)
      tpu.yield
    }) : () -> ()
    "tpu.region"() ({
      %run_scoped3A = tpu.sem_alloc : memref<!tpu.dma_semaphore, #tpu.memory_space<semaphore_mem>>
      %dma_start3A = arith.constant 0 : i32
      %dma_start3A_175 = tpu.memref_slice %arg5[%arg0, %add3A_126, %dma_start3A] : memref<2x10240x128xf32, #tpu.memory_space<hbm>> -> memref<1x32x128xf32, #tpu.memory_space<hbm>>
      %dma_start3A_176 = tpu.memref_squeeze %dma_start3A_175 : memref<1x32x128xf32, #tpu.memory_space<hbm>> -> memref<32x128xf32, #tpu.memory_space<hbm>>
      %dma_start3A_177 = arith.constant 0 : i32
      %dma_start3A_178 = tpu.memref_slice %arg5[%arg0, %add3A_126, %dma_start3A_177] : memref<2x10240x128xf32, #tpu.memory_space<hbm>> -> memref<1x32x128xf32, #tpu.memory_space<hbm>>
      %dma_start3A_179 = tpu.memref_squeeze %dma_start3A_178 : memref<1x32x128xf32, #tpu.memory_space<hbm>> -> memref<32x128xf32, #tpu.memory_space<hbm>>
      tpu.enqueue_dma source(%arg9 : memref<32x128xf32, #tpu.memory_space<vmem>>) target(%dma_start3A_179 : memref<32x128xf32, #tpu.memory_space<hbm>>) target_semaphore(%run_scoped3A : memref<!tpu.dma_semaphore, #tpu.memory_space<semaphore_mem>>)
      %dma_wait3A = arith.constant 0 : i32
      %dma_wait3A_180 = tpu.memref_slice %arg5[%arg0, %add3A_126, %dma_wait3A] : memref<2x10240x128xf32, #tpu.memory_space<hbm>> -> memref<1x32x128xf32, #tpu.memory_space<hbm>>
      %dma_wait3A_181 = tpu.memref_squeeze %dma_wait3A_180 : memref<1x32x128xf32, #tpu.memory_space<hbm>> -> memref<32x128xf32, #tpu.memory_space<hbm>>
      %dma_wait3A_182 = arith.constant 0 : i32
      %dma_wait3A_183 = tpu.memref_slice %arg5[%arg0, %add3A_126, %dma_wait3A_182] : memref<2x10240x128xf32, #tpu.memory_space<hbm>> -> memref<1x32x128xf32, #tpu.memory_space<hbm>>
      %dma_wait3A_184 = tpu.memref_squeeze %dma_wait3A_183 : memref<1x32x128xf32, #tpu.memory_space<hbm>> -> memref<32x128xf32, #tpu.memory_space<hbm>>
      tpu.wait_dma2 semaphore(%run_scoped3A : memref<!tpu.dma_semaphore, #tpu.memory_space<semaphore_mem>>) src(%arg9 : memref<32x128xf32, #tpu.memory_space<vmem>>) dst(%dma_wait3A_184 : memref<32x128xf32, #tpu.memory_space<hbm>>)
      tpu.yield
    }) : () -> ()
    %mul3A_127 = arith.constant 640 : i32
    %mul3A_128 = arith.muli %arg1, %mul3A_127 : i32
    %add3A_129 = arith.constant 256 : i32
    %add3A_130 = arith.addi %mul3A_128, %add3A_129 : i32
    "tpu.region"() ({
      %run_scoped3A = tpu.sem_alloc : memref<!tpu.dma_semaphore, #tpu.memory_space<semaphore_mem>>
      %dma_start3A = arith.constant 0 : i32
      %dma_start3A_175 = tpu.memref_slice %arg10[%add3A_130, %dma_start3A] : memref<10240x128xf32, #tpu.memory_space<vmem_shared>> -> memref<32x128xf32, #tpu.memory_space<vmem_shared>>
      %dma_start3A_176 = arith.constant 0 : i32
      %dma_start3A_177 = tpu.memref_slice %arg10[%add3A_130, %dma_start3A_176] : memref<10240x128xf32, #tpu.memory_space<vmem_shared>> -> memref<32x128xf32, #tpu.memory_space<vmem_shared>>
      tpu.enqueue_dma source(%dma_start3A_177 : memref<32x128xf32, #tpu.memory_space<vmem_shared>>) target(%arg9 : memref<32x128xf32, #tpu.memory_space<vmem>>) target_semaphore(%run_scoped3A : memref<!tpu.dma_semaphore, #tpu.memory_space<semaphore_mem>>)
      %dma_wait3A = arith.constant 0 : i32
      %dma_wait3A_178 = tpu.memref_slice %arg10[%add3A_130, %dma_wait3A] : memref<10240x128xf32, #tpu.memory_space<vmem_shared>> -> memref<32x128xf32, #tpu.memory_space<vmem_shared>>
      %dma_wait3A_179 = arith.constant 0 : i32
      %dma_wait3A_180 = tpu.memref_slice %arg10[%add3A_130, %dma_wait3A_179] : memref<10240x128xf32, #tpu.memory_space<vmem_shared>> -> memref<32x128xf32, #tpu.memory_space<vmem_shared>>
      tpu.wait_dma2 semaphore(%run_scoped3A : memref<!tpu.dma_semaphore, #tpu.memory_space<semaphore_mem>>) src(%dma_wait3A_180 : memref<32x128xf32, #tpu.memory_space<vmem_shared>>) dst(%arg9 : memref<32x128xf32, #tpu.memory_space<vmem>>)
      tpu.yield
    }) : () -> ()
    "tpu.region"() ({
      %run_scoped3A = tpu.sem_alloc : memref<!tpu.dma_semaphore, #tpu.memory_space<semaphore_mem>>
      %dma_start3A = arith.constant 0 : i32
      %dma_start3A_175 = tpu.memref_slice %arg5[%arg0, %add3A_130, %dma_start3A] : memref<2x10240x128xf32, #tpu.memory_space<hbm>> -> memref<1x32x128xf32, #tpu.memory_space<hbm>>
      %dma_start3A_176 = tpu.memref_squeeze %dma_start3A_175 : memref<1x32x128xf32, #tpu.memory_space<hbm>> -> memref<32x128xf32, #tpu.memory_space<hbm>>
      %dma_start3A_177 = arith.constant 0 : i32
      %dma_start3A_178 = tpu.memref_slice %arg5[%arg0, %add3A_130, %dma_start3A_177] : memref<2x10240x128xf32, #tpu.memory_space<hbm>> -> memref<1x32x128xf32, #tpu.memory_space<hbm>>
      %dma_start3A_179 = tpu.memref_squeeze %dma_start3A_178 : memref<1x32x128xf32, #tpu.memory_space<hbm>> -> memref<32x128xf32, #tpu.memory_space<hbm>>
      tpu.enqueue_dma source(%arg9 : memref<32x128xf32, #tpu.memory_space<vmem>>) target(%dma_start3A_179 : memref<32x128xf32, #tpu.memory_space<hbm>>) target_semaphore(%run_scoped3A : memref<!tpu.dma_semaphore, #tpu.memory_space<semaphore_mem>>)
      %dma_wait3A = arith.constant 0 : i32
      %dma_wait3A_180 = tpu.memref_slice %arg5[%arg0, %add3A_130, %dma_wait3A] : memref<2x10240x128xf32, #tpu.memory_space<hbm>> -> memref<1x32x128xf32, #tpu.memory_space<hbm>>
      %dma_wait3A_181 = tpu.memref_squeeze %dma_wait3A_180 : memref<1x32x128xf32, #tpu.memory_space<hbm>> -> memref<32x128xf32, #tpu.memory_space<hbm>>
      %dma_wait3A_182 = arith.constant 0 : i32
      %dma_wait3A_183 = tpu.memref_slice %arg5[%arg0, %add3A_130, %dma_wait3A_182] : memref<2x10240x128xf32, #tpu.memory_space<hbm>> -> memref<1x32x128xf32, #tpu.memory_space<hbm>>
      %dma_wait3A_184 = tpu.memref_squeeze %dma_wait3A_183 : memref<1x32x128xf32, #tpu.memory_space<hbm>> -> memref<32x128xf32, #tpu.memory_space<hbm>>
      tpu.wait_dma2 semaphore(%run_scoped3A : memref<!tpu.dma_semaphore, #tpu.memory_space<semaphore_mem>>) src(%arg9 : memref<32x128xf32, #tpu.memory_space<vmem>>) dst(%dma_wait3A_184 : memref<32x128xf32, #tpu.memory_space<hbm>>)
      tpu.yield
    }) : () -> ()
    %mul3A_131 = arith.constant 640 : i32
    %mul3A_132 = arith.muli %arg1, %mul3A_131 : i32
    %add3A_133 = arith.constant 288 : i32
    %add3A_134 = arith.addi %mul3A_132, %add3A_133 : i32
    "tpu.region"() ({
      %run_scoped3A = tpu.sem_alloc : memref<!tpu.dma_semaphore, #tpu.memory_space<semaphore_mem>>
      %dma_start3A = arith.constant 0 : i32
      %dma_start3A_175 = tpu.memref_slice %arg10[%add3A_134, %dma_start3A] : memref<10240x128xf32, #tpu.memory_space<vmem_shared>> -> memref<32x128xf32, #tpu.memory_space<vmem_shared>>
      %dma_start3A_176 = arith.constant 0 : i32
      %dma_start3A_177 = tpu.memref_slice %arg10[%add3A_134, %dma_start3A_176] : memref<10240x128xf32, #tpu.memory_space<vmem_shared>> -> memref<32x128xf32, #tpu.memory_space<vmem_shared>>
      tpu.enqueue_dma source(%dma_start3A_177 : memref<32x128xf32, #tpu.memory_space<vmem_shared>>) target(%arg9 : memref<32x128xf32, #tpu.memory_space<vmem>>) target_semaphore(%run_scoped3A : memref<!tpu.dma_semaphore, #tpu.memory_space<semaphore_mem>>)
      %dma_wait3A = arith.constant 0 : i32
      %dma_wait3A_178 = tpu.memref_slice %arg10[%add3A_134, %dma_wait3A] : memref<10240x128xf32, #tpu.memory_space<vmem_shared>> -> memref<32x128xf32, #tpu.memory_space<vmem_shared>>
      %dma_wait3A_179 = arith.constant 0 : i32
      %dma_wait3A_180 = tpu.memref_slice %arg10[%add3A_134, %dma_wait3A_179] : memref<10240x128xf32, #tpu.memory_space<vmem_shared>> -> memref<32x128xf32, #tpu.memory_space<vmem_shared>>
      tpu.wait_dma2 semaphore(%run_scoped3A : memref<!tpu.dma_semaphore, #tpu.memory_space<semaphore_mem>>) src(%dma_wait3A_180 : memref<32x128xf32, #tpu.memory_space<vmem_shared>>) dst(%arg9 : memref<32x128xf32, #tpu.memory_space<vmem>>)
      tpu.yield
    }) : () -> ()
    "tpu.region"() ({
      %run_scoped3A = tpu.sem_alloc : memref<!tpu.dma_semaphore, #tpu.memory_space<semaphore_mem>>
      %dma_start3A = arith.constant 0 : i32
      %dma_start3A_175 = tpu.memref_slice %arg5[%arg0, %add3A_134, %dma_start3A] : memref<2x10240x128xf32, #tpu.memory_space<hbm>> -> memref<1x32x128xf32, #tpu.memory_space<hbm>>
      %dma_start3A_176 = tpu.memref_squeeze %dma_start3A_175 : memref<1x32x128xf32, #tpu.memory_space<hbm>> -> memref<32x128xf32, #tpu.memory_space<hbm>>
      %dma_start3A_177 = arith.constant 0 : i32
      %dma_start3A_178 = tpu.memref_slice %arg5[%arg0, %add3A_134, %dma_start3A_177] : memref<2x10240x128xf32, #tpu.memory_space<hbm>> -> memref<1x32x128xf32, #tpu.memory_space<hbm>>
      %dma_start3A_179 = tpu.memref_squeeze %dma_start3A_178 : memref<1x32x128xf32, #tpu.memory_space<hbm>> -> memref<32x128xf32, #tpu.memory_space<hbm>>
      tpu.enqueue_dma source(%arg9 : memref<32x128xf32, #tpu.memory_space<vmem>>) target(%dma_start3A_179 : memref<32x128xf32, #tpu.memory_space<hbm>>) target_semaphore(%run_scoped3A : memref<!tpu.dma_semaphore, #tpu.memory_space<semaphore_mem>>)
      %dma_wait3A = arith.constant 0 : i32
      %dma_wait3A_180 = tpu.memref_slice %arg5[%arg0, %add3A_134, %dma_wait3A] : memref<2x10240x128xf32, #tpu.memory_space<hbm>> -> memref<1x32x128xf32, #tpu.memory_space<hbm>>
      %dma_wait3A_181 = tpu.memref_squeeze %dma_wait3A_180 : memref<1x32x128xf32, #tpu.memory_space<hbm>> -> memref<32x128xf32, #tpu.memory_space<hbm>>
      %dma_wait3A_182 = arith.constant 0 : i32
      %dma_wait3A_183 = tpu.memref_slice %arg5[%arg0, %add3A_134, %dma_wait3A_182] : memref<2x10240x128xf32, #tpu.memory_space<hbm>> -> memref<1x32x128xf32, #tpu.memory_space<hbm>>
      %dma_wait3A_184 = tpu.memref_squeeze %dma_wait3A_183 : memref<1x32x128xf32, #tpu.memory_space<hbm>> -> memref<32x128xf32, #tpu.memory_space<hbm>>
      tpu.wait_dma2 semaphore(%run_scoped3A : memref<!tpu.dma_semaphore, #tpu.memory_space<semaphore_mem>>) src(%arg9 : memref<32x128xf32, #tpu.memory_space<vmem>>) dst(%dma_wait3A_184 : memref<32x128xf32, #tpu.memory_space<hbm>>)
      tpu.yield
    }) : () -> ()
    %mul3A_135 = arith.constant 640 : i32
    %mul3A_136 = arith.muli %arg1, %mul3A_135 : i32
    %add3A_137 = arith.constant 320 : i32
    %add3A_138 = arith.addi %mul3A_136, %add3A_137 : i32
    "tpu.region"() ({
      %run_scoped3A = tpu.sem_alloc : memref<!tpu.dma_semaphore, #tpu.memory_space<semaphore_mem>>
      %dma_start3A = arith.constant 0 : i32
      %dma_start3A_175 = tpu.memref_slice %arg10[%add3A_138, %dma_start3A] : memref<10240x128xf32, #tpu.memory_space<vmem_shared>> -> memref<32x128xf32, #tpu.memory_space<vmem_shared>>
      %dma_start3A_176 = arith.constant 0 : i32
      %dma_start3A_177 = tpu.memref_slice %arg10[%add3A_138, %dma_start3A_176] : memref<10240x128xf32, #tpu.memory_space<vmem_shared>> -> memref<32x128xf32, #tpu.memory_space<vmem_shared>>
      tpu.enqueue_dma source(%dma_start3A_177 : memref<32x128xf32, #tpu.memory_space<vmem_shared>>) target(%arg9 : memref<32x128xf32, #tpu.memory_space<vmem>>) target_semaphore(%run_scoped3A : memref<!tpu.dma_semaphore, #tpu.memory_space<semaphore_mem>>)
      %dma_wait3A = arith.constant 0 : i32
      %dma_wait3A_178 = tpu.memref_slice %arg10[%add3A_138, %dma_wait3A] : memref<10240x128xf32, #tpu.memory_space<vmem_shared>> -> memref<32x128xf32, #tpu.memory_space<vmem_shared>>
      %dma_wait3A_179 = arith.constant 0 : i32
      %dma_wait3A_180 = tpu.memref_slice %arg10[%add3A_138, %dma_wait3A_179] : memref<10240x128xf32, #tpu.memory_space<vmem_shared>> -> memref<32x128xf32, #tpu.memory_space<vmem_shared>>
      tpu.wait_dma2 semaphore(%run_scoped3A : memref<!tpu.dma_semaphore, #tpu.memory_space<semaphore_mem>>) src(%dma_wait3A_180 : memref<32x128xf32, #tpu.memory_space<vmem_shared>>) dst(%arg9 : memref<32x128xf32, #tpu.memory_space<vmem>>)
      tpu.yield
    }) : () -> ()
    "tpu.region"() ({
      %run_scoped3A = tpu.sem_alloc : memref<!tpu.dma_semaphore, #tpu.memory_space<semaphore_mem>>
      %dma_start3A = arith.constant 0 : i32
      %dma_start3A_175 = tpu.memref_slice %arg5[%arg0, %add3A_138, %dma_start3A] : memref<2x10240x128xf32, #tpu.memory_space<hbm>> -> memref<1x32x128xf32, #tpu.memory_space<hbm>>
      %dma_start3A_176 = tpu.memref_squeeze %dma_start3A_175 : memref<1x32x128xf32, #tpu.memory_space<hbm>> -> memref<32x128xf32, #tpu.memory_space<hbm>>
      %dma_start3A_177 = arith.constant 0 : i32
      %dma_start3A_178 = tpu.memref_slice %arg5[%arg0, %add3A_138, %dma_start3A_177] : memref<2x10240x128xf32, #tpu.memory_space<hbm>> -> memref<1x32x128xf32, #tpu.memory_space<hbm>>
      %dma_start3A_179 = tpu.memref_squeeze %dma_start3A_178 : memref<1x32x128xf32, #tpu.memory_space<hbm>> -> memref<32x128xf32, #tpu.memory_space<hbm>>
      tpu.enqueue_dma source(%arg9 : memref<32x128xf32, #tpu.memory_space<vmem>>) target(%dma_start3A_179 : memref<32x128xf32, #tpu.memory_space<hbm>>) target_semaphore(%run_scoped3A : memref<!tpu.dma_semaphore, #tpu.memory_space<semaphore_mem>>)
      %dma_wait3A = arith.constant 0 : i32
      %dma_wait3A_180 = tpu.memref_slice %arg5[%arg0, %add3A_138, %dma_wait3A] : memref<2x10240x128xf32, #tpu.memory_space<hbm>> -> memref<1x32x128xf32, #tpu.memory_space<hbm>>
      %dma_wait3A_181 = tpu.memref_squeeze %dma_wait3A_180 : memref<1x32x128xf32, #tpu.memory_space<hbm>> -> memref<32x128xf32, #tpu.memory_space<hbm>>
      %dma_wait3A_182 = arith.constant 0 : i32
      %dma_wait3A_183 = tpu.memref_slice %arg5[%arg0, %add3A_138, %dma_wait3A_182] : memref<2x10240x128xf32, #tpu.memory_space<hbm>> -> memref<1x32x128xf32, #tpu.memory_space<hbm>>
      %dma_wait3A_184 = tpu.memref_squeeze %dma_wait3A_183 : memref<1x32x128xf32, #tpu.memory_space<hbm>> -> memref<32x128xf32, #tpu.memory_space<hbm>>
      tpu.wait_dma2 semaphore(%run_scoped3A : memref<!tpu.dma_semaphore, #tpu.memory_space<semaphore_mem>>) src(%arg9 : memref<32x128xf32, #tpu.memory_space<vmem>>) dst(%dma_wait3A_184 : memref<32x128xf32, #tpu.memory_space<hbm>>)
      tpu.yield
    }) : () -> ()
    %mul3A_139 = arith.constant 640 : i32
    %mul3A_140 = arith.muli %arg1, %mul3A_139 : i32
    %add3A_141 = arith.constant 352 : i32
    %add3A_142 = arith.addi %mul3A_140, %add3A_141 : i32
    "tpu.region"() ({
      %run_scoped3A = tpu.sem_alloc : memref<!tpu.dma_semaphore, #tpu.memory_space<semaphore_mem>>
      %dma_start3A = arith.constant 0 : i32
      %dma_start3A_175 = tpu.memref_slice %arg10[%add3A_142, %dma_start3A] : memref<10240x128xf32, #tpu.memory_space<vmem_shared>> -> memref<32x128xf32, #tpu.memory_space<vmem_shared>>
      %dma_start3A_176 = arith.constant 0 : i32
      %dma_start3A_177 = tpu.memref_slice %arg10[%add3A_142, %dma_start3A_176] : memref<10240x128xf32, #tpu.memory_space<vmem_shared>> -> memref<32x128xf32, #tpu.memory_space<vmem_shared>>
      tpu.enqueue_dma source(%dma_start3A_177 : memref<32x128xf32, #tpu.memory_space<vmem_shared>>) target(%arg9 : memref<32x128xf32, #tpu.memory_space<vmem>>) target_semaphore(%run_scoped3A : memref<!tpu.dma_semaphore, #tpu.memory_space<semaphore_mem>>)
      %dma_wait3A = arith.constant 0 : i32
      %dma_wait3A_178 = tpu.memref_slice %arg10[%add3A_142, %dma_wait3A] : memref<10240x128xf32, #tpu.memory_space<vmem_shared>> -> memref<32x128xf32, #tpu.memory_space<vmem_shared>>
      %dma_wait3A_179 = arith.constant 0 : i32
      %dma_wait3A_180 = tpu.memref_slice %arg10[%add3A_142, %dma_wait3A_179] : memref<10240x128xf32, #tpu.memory_space<vmem_shared>> -> memref<32x128xf32, #tpu.memory_space<vmem_shared>>
      tpu.wait_dma2 semaphore(%run_scoped3A : memref<!tpu.dma_semaphore, #tpu.memory_space<semaphore_mem>>) src(%dma_wait3A_180 : memref<32x128xf32, #tpu.memory_space<vmem_shared>>) dst(%arg9 : memref<32x128xf32, #tpu.memory_space<vmem>>)
      tpu.yield
    }) : () -> ()
    "tpu.region"() ({
      %run_scoped3A = tpu.sem_alloc : memref<!tpu.dma_semaphore, #tpu.memory_space<semaphore_mem>>
      %dma_start3A = arith.constant 0 : i32
      %dma_start3A_175 = tpu.memref_slice %arg5[%arg0, %add3A_142, %dma_start3A] : memref<2x10240x128xf32, #tpu.memory_space<hbm>> -> memref<1x32x128xf32, #tpu.memory_space<hbm>>
      %dma_start3A_176 = tpu.memref_squeeze %dma_start3A_175 : memref<1x32x128xf32, #tpu.memory_space<hbm>> -> memref<32x128xf32, #tpu.memory_space<hbm>>
      %dma_start3A_177 = arith.constant 0 : i32
      %dma_start3A_178 = tpu.memref_slice %arg5[%arg0, %add3A_142, %dma_start3A_177] : memref<2x10240x128xf32, #tpu.memory_space<hbm>> -> memref<1x32x128xf32, #tpu.memory_space<hbm>>
      %dma_start3A_179 = tpu.memref_squeeze %dma_start3A_178 : memref<1x32x128xf32, #tpu.memory_space<hbm>> -> memref<32x128xf32, #tpu.memory_space<hbm>>
      tpu.enqueue_dma source(%arg9 : memref<32x128xf32, #tpu.memory_space<vmem>>) target(%dma_start3A_179 : memref<32x128xf32, #tpu.memory_space<hbm>>) target_semaphore(%run_scoped3A : memref<!tpu.dma_semaphore, #tpu.memory_space<semaphore_mem>>)
      %dma_wait3A = arith.constant 0 : i32
      %dma_wait3A_180 = tpu.memref_slice %arg5[%arg0, %add3A_142, %dma_wait3A] : memref<2x10240x128xf32, #tpu.memory_space<hbm>> -> memref<1x32x128xf32, #tpu.memory_space<hbm>>
      %dma_wait3A_181 = tpu.memref_squeeze %dma_wait3A_180 : memref<1x32x128xf32, #tpu.memory_space<hbm>> -> memref<32x128xf32, #tpu.memory_space<hbm>>
      %dma_wait3A_182 = arith.constant 0 : i32
      %dma_wait3A_183 = tpu.memref_slice %arg5[%arg0, %add3A_142, %dma_wait3A_182] : memref<2x10240x128xf32, #tpu.memory_space<hbm>> -> memref<1x32x128xf32, #tpu.memory_space<hbm>>
      %dma_wait3A_184 = tpu.memref_squeeze %dma_wait3A_183 : memref<1x32x128xf32, #tpu.memory_space<hbm>> -> memref<32x128xf32, #tpu.memory_space<hbm>>
      tpu.wait_dma2 semaphore(%run_scoped3A : memref<!tpu.dma_semaphore, #tpu.memory_space<semaphore_mem>>) src(%arg9 : memref<32x128xf32, #tpu.memory_space<vmem>>) dst(%dma_wait3A_184 : memref<32x128xf32, #tpu.memory_space<hbm>>)
      tpu.yield
    }) : () -> ()
    %mul3A_143 = arith.constant 640 : i32
    %mul3A_144 = arith.muli %arg1, %mul3A_143 : i32
    %add3A_145 = arith.constant 384 : i32
    %add3A_146 = arith.addi %mul3A_144, %add3A_145 : i32
    "tpu.region"() ({
      %run_scoped3A = tpu.sem_alloc : memref<!tpu.dma_semaphore, #tpu.memory_space<semaphore_mem>>
      %dma_start3A = arith.constant 0 : i32
      %dma_start3A_175 = tpu.memref_slice %arg10[%add3A_146, %dma_start3A] : memref<10240x128xf32, #tpu.memory_space<vmem_shared>> -> memref<32x128xf32, #tpu.memory_space<vmem_shared>>
      %dma_start3A_176 = arith.constant 0 : i32
      %dma_start3A_177 = tpu.memref_slice %arg10[%add3A_146, %dma_start3A_176] : memref<10240x128xf32, #tpu.memory_space<vmem_shared>> -> memref<32x128xf32, #tpu.memory_space<vmem_shared>>
      tpu.enqueue_dma source(%dma_start3A_177 : memref<32x128xf32, #tpu.memory_space<vmem_shared>>) target(%arg9 : memref<32x128xf32, #tpu.memory_space<vmem>>) target_semaphore(%run_scoped3A : memref<!tpu.dma_semaphore, #tpu.memory_space<semaphore_mem>>)
      %dma_wait3A = arith.constant 0 : i32
      %dma_wait3A_178 = tpu.memref_slice %arg10[%add3A_146, %dma_wait3A] : memref<10240x128xf32, #tpu.memory_space<vmem_shared>> -> memref<32x128xf32, #tpu.memory_space<vmem_shared>>
      %dma_wait3A_179 = arith.constant 0 : i32
      %dma_wait3A_180 = tpu.memref_slice %arg10[%add3A_146, %dma_wait3A_179] : memref<10240x128xf32, #tpu.memory_space<vmem_shared>> -> memref<32x128xf32, #tpu.memory_space<vmem_shared>>
      tpu.wait_dma2 semaphore(%run_scoped3A : memref<!tpu.dma_semaphore, #tpu.memory_space<semaphore_mem>>) src(%dma_wait3A_180 : memref<32x128xf32, #tpu.memory_space<vmem_shared>>) dst(%arg9 : memref<32x128xf32, #tpu.memory_space<vmem>>)
      tpu.yield
    }) : () -> ()
    "tpu.region"() ({
      %run_scoped3A = tpu.sem_alloc : memref<!tpu.dma_semaphore, #tpu.memory_space<semaphore_mem>>
      %dma_start3A = arith.constant 0 : i32
      %dma_start3A_175 = tpu.memref_slice %arg5[%arg0, %add3A_146, %dma_start3A] : memref<2x10240x128xf32, #tpu.memory_space<hbm>> -> memref<1x32x128xf32, #tpu.memory_space<hbm>>
      %dma_start3A_176 = tpu.memref_squeeze %dma_start3A_175 : memref<1x32x128xf32, #tpu.memory_space<hbm>> -> memref<32x128xf32, #tpu.memory_space<hbm>>
      %dma_start3A_177 = arith.constant 0 : i32
      %dma_start3A_178 = tpu.memref_slice %arg5[%arg0, %add3A_146, %dma_start3A_177] : memref<2x10240x128xf32, #tpu.memory_space<hbm>> -> memref<1x32x128xf32, #tpu.memory_space<hbm>>
      %dma_start3A_179 = tpu.memref_squeeze %dma_start3A_178 : memref<1x32x128xf32, #tpu.memory_space<hbm>> -> memref<32x128xf32, #tpu.memory_space<hbm>>
      tpu.enqueue_dma source(%arg9 : memref<32x128xf32, #tpu.memory_space<vmem>>) target(%dma_start3A_179 : memref<32x128xf32, #tpu.memory_space<hbm>>) target_semaphore(%run_scoped3A : memref<!tpu.dma_semaphore, #tpu.memory_space<semaphore_mem>>)
      %dma_wait3A = arith.constant 0 : i32
      %dma_wait3A_180 = tpu.memref_slice %arg5[%arg0, %add3A_146, %dma_wait3A] : memref<2x10240x128xf32, #tpu.memory_space<hbm>> -> memref<1x32x128xf32, #tpu.memory_space<hbm>>
      %dma_wait3A_181 = tpu.memref_squeeze %dma_wait3A_180 : memref<1x32x128xf32, #tpu.memory_space<hbm>> -> memref<32x128xf32, #tpu.memory_space<hbm>>
      %dma_wait3A_182 = arith.constant 0 : i32
      %dma_wait3A_183 = tpu.memref_slice %arg5[%arg0, %add3A_146, %dma_wait3A_182] : memref<2x10240x128xf32, #tpu.memory_space<hbm>> -> memref<1x32x128xf32, #tpu.memory_space<hbm>>
      %dma_wait3A_184 = tpu.memref_squeeze %dma_wait3A_183 : memref<1x32x128xf32, #tpu.memory_space<hbm>> -> memref<32x128xf32, #tpu.memory_space<hbm>>
      tpu.wait_dma2 semaphore(%run_scoped3A : memref<!tpu.dma_semaphore, #tpu.memory_space<semaphore_mem>>) src(%arg9 : memref<32x128xf32, #tpu.memory_space<vmem>>) dst(%dma_wait3A_184 : memref<32x128xf32, #tpu.memory_space<hbm>>)
      tpu.yield
    }) : () -> ()
    %mul3A_147 = arith.constant 640 : i32
    %mul3A_148 = arith.muli %arg1, %mul3A_147 : i32
    %add3A_149 = arith.constant 416 : i32
    %add3A_150 = arith.addi %mul3A_148, %add3A_149 : i32
    "tpu.region"() ({
      %run_scoped3A = tpu.sem_alloc : memref<!tpu.dma_semaphore, #tpu.memory_space<semaphore_mem>>
      %dma_start3A = arith.constant 0 : i32
      %dma_start3A_175 = tpu.memref_slice %arg10[%add3A_150, %dma_start3A] : memref<10240x128xf32, #tpu.memory_space<vmem_shared>> -> memref<32x128xf32, #tpu.memory_space<vmem_shared>>
      %dma_start3A_176 = arith.constant 0 : i32
      %dma_start3A_177 = tpu.memref_slice %arg10[%add3A_150, %dma_start3A_176] : memref<10240x128xf32, #tpu.memory_space<vmem_shared>> -> memref<32x128xf32, #tpu.memory_space<vmem_shared>>
      tpu.enqueue_dma source(%dma_start3A_177 : memref<32x128xf32, #tpu.memory_space<vmem_shared>>) target(%arg9 : memref<32x128xf32, #tpu.memory_space<vmem>>) target_semaphore(%run_scoped3A : memref<!tpu.dma_semaphore, #tpu.memory_space<semaphore_mem>>)
      %dma_wait3A = arith.constant 0 : i32
      %dma_wait3A_178 = tpu.memref_slice %arg10[%add3A_150, %dma_wait3A] : memref<10240x128xf32, #tpu.memory_space<vmem_shared>> -> memref<32x128xf32, #tpu.memory_space<vmem_shared>>
      %dma_wait3A_179 = arith.constant 0 : i32
      %dma_wait3A_180 = tpu.memref_slice %arg10[%add3A_150, %dma_wait3A_179] : memref<10240x128xf32, #tpu.memory_space<vmem_shared>> -> memref<32x128xf32, #tpu.memory_space<vmem_shared>>
      tpu.wait_dma2 semaphore(%run_scoped3A : memref<!tpu.dma_semaphore, #tpu.memory_space<semaphore_mem>>) src(%dma_wait3A_180 : memref<32x128xf32, #tpu.memory_space<vmem_shared>>) dst(%arg9 : memref<32x128xf32, #tpu.memory_space<vmem>>)
      tpu.yield
    }) : () -> ()
    "tpu.region"() ({
      %run_scoped3A = tpu.sem_alloc : memref<!tpu.dma_semaphore, #tpu.memory_space<semaphore_mem>>
      %dma_start3A = arith.constant 0 : i32
      %dma_start3A_175 = tpu.memref_slice %arg5[%arg0, %add3A_150, %dma_start3A] : memref<2x10240x128xf32, #tpu.memory_space<hbm>> -> memref<1x32x128xf32, #tpu.memory_space<hbm>>
      %dma_start3A_176 = tpu.memref_squeeze %dma_start3A_175 : memref<1x32x128xf32, #tpu.memory_space<hbm>> -> memref<32x128xf32, #tpu.memory_space<hbm>>
      %dma_start3A_177 = arith.constant 0 : i32
      %dma_start3A_178 = tpu.memref_slice %arg5[%arg0, %add3A_150, %dma_start3A_177] : memref<2x10240x128xf32, #tpu.memory_space<hbm>> -> memref<1x32x128xf32, #tpu.memory_space<hbm>>
      %dma_start3A_179 = tpu.memref_squeeze %dma_start3A_178 : memref<1x32x128xf32, #tpu.memory_space<hbm>> -> memref<32x128xf32, #tpu.memory_space<hbm>>
      tpu.enqueue_dma source(%arg9 : memref<32x128xf32, #tpu.memory_space<vmem>>) target(%dma_start3A_179 : memref<32x128xf32, #tpu.memory_space<hbm>>) target_semaphore(%run_scoped3A : memref<!tpu.dma_semaphore, #tpu.memory_space<semaphore_mem>>)
      %dma_wait3A = arith.constant 0 : i32
      %dma_wait3A_180 = tpu.memref_slice %arg5[%arg0, %add3A_150, %dma_wait3A] : memref<2x10240x128xf32, #tpu.memory_space<hbm>> -> memref<1x32x128xf32, #tpu.memory_space<hbm>>
      %dma_wait3A_181 = tpu.memref_squeeze %dma_wait3A_180 : memref<1x32x128xf32, #tpu.memory_space<hbm>> -> memref<32x128xf32, #tpu.memory_space<hbm>>
      %dma_wait3A_182 = arith.constant 0 : i32
      %dma_wait3A_183 = tpu.memref_slice %arg5[%arg0, %add3A_150, %dma_wait3A_182] : memref<2x10240x128xf32, #tpu.memory_space<hbm>> -> memref<1x32x128xf32, #tpu.memory_space<hbm>>
      %dma_wait3A_184 = tpu.memref_squeeze %dma_wait3A_183 : memref<1x32x128xf32, #tpu.memory_space<hbm>> -> memref<32x128xf32, #tpu.memory_space<hbm>>
      tpu.wait_dma2 semaphore(%run_scoped3A : memref<!tpu.dma_semaphore, #tpu.memory_space<semaphore_mem>>) src(%arg9 : memref<32x128xf32, #tpu.memory_space<vmem>>) dst(%dma_wait3A_184 : memref<32x128xf32, #tpu.memory_space<hbm>>)
      tpu.yield
    }) : () -> ()
    %mul3A_151 = arith.constant 640 : i32
    %mul3A_152 = arith.muli %arg1, %mul3A_151 : i32
    %add3A_153 = arith.constant 448 : i32
    %add3A_154 = arith.addi %mul3A_152, %add3A_153 : i32
    "tpu.region"() ({
      %run_scoped3A = tpu.sem_alloc : memref<!tpu.dma_semaphore, #tpu.memory_space<semaphore_mem>>
      %dma_start3A = arith.constant 0 : i32
      %dma_start3A_175 = tpu.memref_slice %arg10[%add3A_154, %dma_start3A] : memref<10240x128xf32, #tpu.memory_space<vmem_shared>> -> memref<32x128xf32, #tpu.memory_space<vmem_shared>>
      %dma_start3A_176 = arith.constant 0 : i32
      %dma_start3A_177 = tpu.memref_slice %arg10[%add3A_154, %dma_start3A_176] : memref<10240x128xf32, #tpu.memory_space<vmem_shared>> -> memref<32x128xf32, #tpu.memory_space<vmem_shared>>
      tpu.enqueue_dma source(%dma_start3A_177 : memref<32x128xf32, #tpu.memory_space<vmem_shared>>) target(%arg9 : memref<32x128xf32, #tpu.memory_space<vmem>>) target_semaphore(%run_scoped3A : memref<!tpu.dma_semaphore, #tpu.memory_space<semaphore_mem>>)
      %dma_wait3A = arith.constant 0 : i32
      %dma_wait3A_178 = tpu.memref_slice %arg10[%add3A_154, %dma_wait3A] : memref<10240x128xf32, #tpu.memory_space<vmem_shared>> -> memref<32x128xf32, #tpu.memory_space<vmem_shared>>
      %dma_wait3A_179 = arith.constant 0 : i32
      %dma_wait3A_180 = tpu.memref_slice %arg10[%add3A_154, %dma_wait3A_179] : memref<10240x128xf32, #tpu.memory_space<vmem_shared>> -> memref<32x128xf32, #tpu.memory_space<vmem_shared>>
      tpu.wait_dma2 semaphore(%run_scoped3A : memref<!tpu.dma_semaphore, #tpu.memory_space<semaphore_mem>>) src(%dma_wait3A_180 : memref<32x128xf32, #tpu.memory_space<vmem_shared>>) dst(%arg9 : memref<32x128xf32, #tpu.memory_space<vmem>>)
      tpu.yield
    }) : () -> ()
    "tpu.region"() ({
      %run_scoped3A = tpu.sem_alloc : memref<!tpu.dma_semaphore, #tpu.memory_space<semaphore_mem>>
      %dma_start3A = arith.constant 0 : i32
      %dma_start3A_175 = tpu.memref_slice %arg5[%arg0, %add3A_154, %dma_start3A] : memref<2x10240x128xf32, #tpu.memory_space<hbm>> -> memref<1x32x128xf32, #tpu.memory_space<hbm>>
      %dma_start3A_176 = tpu.memref_squeeze %dma_start3A_175 : memref<1x32x128xf32, #tpu.memory_space<hbm>> -> memref<32x128xf32, #tpu.memory_space<hbm>>
      %dma_start3A_177 = arith.constant 0 : i32
      %dma_start3A_178 = tpu.memref_slice %arg5[%arg0, %add3A_154, %dma_start3A_177] : memref<2x10240x128xf32, #tpu.memory_space<hbm>> -> memref<1x32x128xf32, #tpu.memory_space<hbm>>
      %dma_start3A_179 = tpu.memref_squeeze %dma_start3A_178 : memref<1x32x128xf32, #tpu.memory_space<hbm>> -> memref<32x128xf32, #tpu.memory_space<hbm>>
      tpu.enqueue_dma source(%arg9 : memref<32x128xf32, #tpu.memory_space<vmem>>) target(%dma_start3A_179 : memref<32x128xf32, #tpu.memory_space<hbm>>) target_semaphore(%run_scoped3A : memref<!tpu.dma_semaphore, #tpu.memory_space<semaphore_mem>>)
      %dma_wait3A = arith.constant 0 : i32
      %dma_wait3A_180 = tpu.memref_slice %arg5[%arg0, %add3A_154, %dma_wait3A] : memref<2x10240x128xf32, #tpu.memory_space<hbm>> -> memref<1x32x128xf32, #tpu.memory_space<hbm>>
      %dma_wait3A_181 = tpu.memref_squeeze %dma_wait3A_180 : memref<1x32x128xf32, #tpu.memory_space<hbm>> -> memref<32x128xf32, #tpu.memory_space<hbm>>
      %dma_wait3A_182 = arith.constant 0 : i32
      %dma_wait3A_183 = tpu.memref_slice %arg5[%arg0, %add3A_154, %dma_wait3A_182] : memref<2x10240x128xf32, #tpu.memory_space<hbm>> -> memref<1x32x128xf32, #tpu.memory_space<hbm>>
      %dma_wait3A_184 = tpu.memref_squeeze %dma_wait3A_183 : memref<1x32x128xf32, #tpu.memory_space<hbm>> -> memref<32x128xf32, #tpu.memory_space<hbm>>
      tpu.wait_dma2 semaphore(%run_scoped3A : memref<!tpu.dma_semaphore, #tpu.memory_space<semaphore_mem>>) src(%arg9 : memref<32x128xf32, #tpu.memory_space<vmem>>) dst(%dma_wait3A_184 : memref<32x128xf32, #tpu.memory_space<hbm>>)
      tpu.yield
    }) : () -> ()
    %mul3A_155 = arith.constant 640 : i32
    %mul3A_156 = arith.muli %arg1, %mul3A_155 : i32
    %add3A_157 = arith.constant 480 : i32
    %add3A_158 = arith.addi %mul3A_156, %add3A_157 : i32
    "tpu.region"() ({
      %run_scoped3A = tpu.sem_alloc : memref<!tpu.dma_semaphore, #tpu.memory_space<semaphore_mem>>
      %dma_start3A = arith.constant 0 : i32
      %dma_start3A_175 = tpu.memref_slice %arg10[%add3A_158, %dma_start3A] : memref<10240x128xf32, #tpu.memory_space<vmem_shared>> -> memref<32x128xf32, #tpu.memory_space<vmem_shared>>
      %dma_start3A_176 = arith.constant 0 : i32
      %dma_start3A_177 = tpu.memref_slice %arg10[%add3A_158, %dma_start3A_176] : memref<10240x128xf32, #tpu.memory_space<vmem_shared>> -> memref<32x128xf32, #tpu.memory_space<vmem_shared>>
      tpu.enqueue_dma source(%dma_start3A_177 : memref<32x128xf32, #tpu.memory_space<vmem_shared>>) target(%arg9 : memref<32x128xf32, #tpu.memory_space<vmem>>) target_semaphore(%run_scoped3A : memref<!tpu.dma_semaphore, #tpu.memory_space<semaphore_mem>>)
      %dma_wait3A = arith.constant 0 : i32
      %dma_wait3A_178 = tpu.memref_slice %arg10[%add3A_158, %dma_wait3A] : memref<10240x128xf32, #tpu.memory_space<vmem_shared>> -> memref<32x128xf32, #tpu.memory_space<vmem_shared>>
      %dma_wait3A_179 = arith.constant 0 : i32
      %dma_wait3A_180 = tpu.memref_slice %arg10[%add3A_158, %dma_wait3A_179] : memref<10240x128xf32, #tpu.memory_space<vmem_shared>> -> memref<32x128xf32, #tpu.memory_space<vmem_shared>>
      tpu.wait_dma2 semaphore(%run_scoped3A : memref<!tpu.dma_semaphore, #tpu.memory_space<semaphore_mem>>) src(%dma_wait3A_180 : memref<32x128xf32, #tpu.memory_space<vmem_shared>>) dst(%arg9 : memref<32x128xf32, #tpu.memory_space<vmem>>)
      tpu.yield
    }) : () -> ()
    "tpu.region"() ({
      %run_scoped3A = tpu.sem_alloc : memref<!tpu.dma_semaphore, #tpu.memory_space<semaphore_mem>>
      %dma_start3A = arith.constant 0 : i32
      %dma_start3A_175 = tpu.memref_slice %arg5[%arg0, %add3A_158, %dma_start3A] : memref<2x10240x128xf32, #tpu.memory_space<hbm>> -> memref<1x32x128xf32, #tpu.memory_space<hbm>>
      %dma_start3A_176 = tpu.memref_squeeze %dma_start3A_175 : memref<1x32x128xf32, #tpu.memory_space<hbm>> -> memref<32x128xf32, #tpu.memory_space<hbm>>
      %dma_start3A_177 = arith.constant 0 : i32
      %dma_start3A_178 = tpu.memref_slice %arg5[%arg0, %add3A_158, %dma_start3A_177] : memref<2x10240x128xf32, #tpu.memory_space<hbm>> -> memref<1x32x128xf32, #tpu.memory_space<hbm>>
      %dma_start3A_179 = tpu.memref_squeeze %dma_start3A_178 : memref<1x32x128xf32, #tpu.memory_space<hbm>> -> memref<32x128xf32, #tpu.memory_space<hbm>>
      tpu.enqueue_dma source(%arg9 : memref<32x128xf32, #tpu.memory_space<vmem>>) target(%dma_start3A_179 : memref<32x128xf32, #tpu.memory_space<hbm>>) target_semaphore(%run_scoped3A : memref<!tpu.dma_semaphore, #tpu.memory_space<semaphore_mem>>)
      %dma_wait3A = arith.constant 0 : i32
      %dma_wait3A_180 = tpu.memref_slice %arg5[%arg0, %add3A_158, %dma_wait3A] : memref<2x10240x128xf32, #tpu.memory_space<hbm>> -> memref<1x32x128xf32, #tpu.memory_space<hbm>>
      %dma_wait3A_181 = tpu.memref_squeeze %dma_wait3A_180 : memref<1x32x128xf32, #tpu.memory_space<hbm>> -> memref<32x128xf32, #tpu.memory_space<hbm>>
      %dma_wait3A_182 = arith.constant 0 : i32
      %dma_wait3A_183 = tpu.memref_slice %arg5[%arg0, %add3A_158, %dma_wait3A_182] : memref<2x10240x128xf32, #tpu.memory_space<hbm>> -> memref<1x32x128xf32, #tpu.memory_space<hbm>>
      %dma_wait3A_184 = tpu.memref_squeeze %dma_wait3A_183 : memref<1x32x128xf32, #tpu.memory_space<hbm>> -> memref<32x128xf32, #tpu.memory_space<hbm>>
      tpu.wait_dma2 semaphore(%run_scoped3A : memref<!tpu.dma_semaphore, #tpu.memory_space<semaphore_mem>>) src(%arg9 : memref<32x128xf32, #tpu.memory_space<vmem>>) dst(%dma_wait3A_184 : memref<32x128xf32, #tpu.memory_space<hbm>>)
      tpu.yield
    }) : () -> ()
    %mul3A_159 = arith.constant 640 : i32
    %mul3A_160 = arith.muli %arg1, %mul3A_159 : i32
    %add3A_161 = arith.constant 512 : i32
    %add3A_162 = arith.addi %mul3A_160, %add3A_161 : i32
    "tpu.region"() ({
      %run_scoped3A = tpu.sem_alloc : memref<!tpu.dma_semaphore, #tpu.memory_space<semaphore_mem>>
      %dma_start3A = arith.constant 0 : i32
      %dma_start3A_175 = tpu.memref_slice %arg10[%add3A_162, %dma_start3A] : memref<10240x128xf32, #tpu.memory_space<vmem_shared>> -> memref<32x128xf32, #tpu.memory_space<vmem_shared>>
      %dma_start3A_176 = arith.constant 0 : i32
      %dma_start3A_177 = tpu.memref_slice %arg10[%add3A_162, %dma_start3A_176] : memref<10240x128xf32, #tpu.memory_space<vmem_shared>> -> memref<32x128xf32, #tpu.memory_space<vmem_shared>>
      tpu.enqueue_dma source(%dma_start3A_177 : memref<32x128xf32, #tpu.memory_space<vmem_shared>>) target(%arg9 : memref<32x128xf32, #tpu.memory_space<vmem>>) target_semaphore(%run_scoped3A : memref<!tpu.dma_semaphore, #tpu.memory_space<semaphore_mem>>)
      %dma_wait3A = arith.constant 0 : i32
      %dma_wait3A_178 = tpu.memref_slice %arg10[%add3A_162, %dma_wait3A] : memref<10240x128xf32, #tpu.memory_space<vmem_shared>> -> memref<32x128xf32, #tpu.memory_space<vmem_shared>>
      %dma_wait3A_179 = arith.constant 0 : i32
      %dma_wait3A_180 = tpu.memref_slice %arg10[%add3A_162, %dma_wait3A_179] : memref<10240x128xf32, #tpu.memory_space<vmem_shared>> -> memref<32x128xf32, #tpu.memory_space<vmem_shared>>
      tpu.wait_dma2 semaphore(%run_scoped3A : memref<!tpu.dma_semaphore, #tpu.memory_space<semaphore_mem>>) src(%dma_wait3A_180 : memref<32x128xf32, #tpu.memory_space<vmem_shared>>) dst(%arg9 : memref<32x128xf32, #tpu.memory_space<vmem>>)
      tpu.yield
    }) : () -> ()
    "tpu.region"() ({
      %run_scoped3A = tpu.sem_alloc : memref<!tpu.dma_semaphore, #tpu.memory_space<semaphore_mem>>
      %dma_start3A = arith.constant 0 : i32
      %dma_start3A_175 = tpu.memref_slice %arg5[%arg0, %add3A_162, %dma_start3A] : memref<2x10240x128xf32, #tpu.memory_space<hbm>> -> memref<1x32x128xf32, #tpu.memory_space<hbm>>
      %dma_start3A_176 = tpu.memref_squeeze %dma_start3A_175 : memref<1x32x128xf32, #tpu.memory_space<hbm>> -> memref<32x128xf32, #tpu.memory_space<hbm>>
      %dma_start3A_177 = arith.constant 0 : i32
      %dma_start3A_178 = tpu.memref_slice %arg5[%arg0, %add3A_162, %dma_start3A_177] : memref<2x10240x128xf32, #tpu.memory_space<hbm>> -> memref<1x32x128xf32, #tpu.memory_space<hbm>>
      %dma_start3A_179 = tpu.memref_squeeze %dma_start3A_178 : memref<1x32x128xf32, #tpu.memory_space<hbm>> -> memref<32x128xf32, #tpu.memory_space<hbm>>
      tpu.enqueue_dma source(%arg9 : memref<32x128xf32, #tpu.memory_space<vmem>>) target(%dma_start3A_179 : memref<32x128xf32, #tpu.memory_space<hbm>>) target_semaphore(%run_scoped3A : memref<!tpu.dma_semaphore, #tpu.memory_space<semaphore_mem>>)
      %dma_wait3A = arith.constant 0 : i32
      %dma_wait3A_180 = tpu.memref_slice %arg5[%arg0, %add3A_162, %dma_wait3A] : memref<2x10240x128xf32, #tpu.memory_space<hbm>> -> memref<1x32x128xf32, #tpu.memory_space<hbm>>
      %dma_wait3A_181 = tpu.memref_squeeze %dma_wait3A_180 : memref<1x32x128xf32, #tpu.memory_space<hbm>> -> memref<32x128xf32, #tpu.memory_space<hbm>>
      %dma_wait3A_182 = arith.constant 0 : i32
      %dma_wait3A_183 = tpu.memref_slice %arg5[%arg0, %add3A_162, %dma_wait3A_182] : memref<2x10240x128xf32, #tpu.memory_space<hbm>> -> memref<1x32x128xf32, #tpu.memory_space<hbm>>
      %dma_wait3A_184 = tpu.memref_squeeze %dma_wait3A_183 : memref<1x32x128xf32, #tpu.memory_space<hbm>> -> memref<32x128xf32, #tpu.memory_space<hbm>>
      tpu.wait_dma2 semaphore(%run_scoped3A : memref<!tpu.dma_semaphore, #tpu.memory_space<semaphore_mem>>) src(%arg9 : memref<32x128xf32, #tpu.memory_space<vmem>>) dst(%dma_wait3A_184 : memref<32x128xf32, #tpu.memory_space<hbm>>)
      tpu.yield
    }) : () -> ()
    %mul3A_163 = arith.constant 640 : i32
    %mul3A_164 = arith.muli %arg1, %mul3A_163 : i32
    %add3A_165 = arith.constant 544 : i32
    %add3A_166 = arith.addi %mul3A_164, %add3A_165 : i32
    "tpu.region"() ({
      %run_scoped3A = tpu.sem_alloc : memref<!tpu.dma_semaphore, #tpu.memory_space<semaphore_mem>>
      %dma_start3A = arith.constant 0 : i32
      %dma_start3A_175 = tpu.memref_slice %arg10[%add3A_166, %dma_start3A] : memref<10240x128xf32, #tpu.memory_space<vmem_shared>> -> memref<32x128xf32, #tpu.memory_space<vmem_shared>>
      %dma_start3A_176 = arith.constant 0 : i32
      %dma_start3A_177 = tpu.memref_slice %arg10[%add3A_166, %dma_start3A_176] : memref<10240x128xf32, #tpu.memory_space<vmem_shared>> -> memref<32x128xf32, #tpu.memory_space<vmem_shared>>
      tpu.enqueue_dma source(%dma_start3A_177 : memref<32x128xf32, #tpu.memory_space<vmem_shared>>) target(%arg9 : memref<32x128xf32, #tpu.memory_space<vmem>>) target_semaphore(%run_scoped3A : memref<!tpu.dma_semaphore, #tpu.memory_space<semaphore_mem>>)
      %dma_wait3A = arith.constant 0 : i32
      %dma_wait3A_178 = tpu.memref_slice %arg10[%add3A_166, %dma_wait3A] : memref<10240x128xf32, #tpu.memory_space<vmem_shared>> -> memref<32x128xf32, #tpu.memory_space<vmem_shared>>
      %dma_wait3A_179 = arith.constant 0 : i32
      %dma_wait3A_180 = tpu.memref_slice %arg10[%add3A_166, %dma_wait3A_179] : memref<10240x128xf32, #tpu.memory_space<vmem_shared>> -> memref<32x128xf32, #tpu.memory_space<vmem_shared>>
      tpu.wait_dma2 semaphore(%run_scoped3A : memref<!tpu.dma_semaphore, #tpu.memory_space<semaphore_mem>>) src(%dma_wait3A_180 : memref<32x128xf32, #tpu.memory_space<vmem_shared>>) dst(%arg9 : memref<32x128xf32, #tpu.memory_space<vmem>>)
      tpu.yield
    }) : () -> ()
    "tpu.region"() ({
      %run_scoped3A = tpu.sem_alloc : memref<!tpu.dma_semaphore, #tpu.memory_space<semaphore_mem>>
      %dma_start3A = arith.constant 0 : i32
      %dma_start3A_175 = tpu.memref_slice %arg5[%arg0, %add3A_166, %dma_start3A] : memref<2x10240x128xf32, #tpu.memory_space<hbm>> -> memref<1x32x128xf32, #tpu.memory_space<hbm>>
      %dma_start3A_176 = tpu.memref_squeeze %dma_start3A_175 : memref<1x32x128xf32, #tpu.memory_space<hbm>> -> memref<32x128xf32, #tpu.memory_space<hbm>>
      %dma_start3A_177 = arith.constant 0 : i32
      %dma_start3A_178 = tpu.memref_slice %arg5[%arg0, %add3A_166, %dma_start3A_177] : memref<2x10240x128xf32, #tpu.memory_space<hbm>> -> memref<1x32x128xf32, #tpu.memory_space<hbm>>
      %dma_start3A_179 = tpu.memref_squeeze %dma_start3A_178 : memref<1x32x128xf32, #tpu.memory_space<hbm>> -> memref<32x128xf32, #tpu.memory_space<hbm>>
      tpu.enqueue_dma source(%arg9 : memref<32x128xf32, #tpu.memory_space<vmem>>) target(%dma_start3A_179 : memref<32x128xf32, #tpu.memory_space<hbm>>) target_semaphore(%run_scoped3A : memref<!tpu.dma_semaphore, #tpu.memory_space<semaphore_mem>>)
      %dma_wait3A = arith.constant 0 : i32
      %dma_wait3A_180 = tpu.memref_slice %arg5[%arg0, %add3A_166, %dma_wait3A] : memref<2x10240x128xf32, #tpu.memory_space<hbm>> -> memref<1x32x128xf32, #tpu.memory_space<hbm>>
      %dma_wait3A_181 = tpu.memref_squeeze %dma_wait3A_180 : memref<1x32x128xf32, #tpu.memory_space<hbm>> -> memref<32x128xf32, #tpu.memory_space<hbm>>
      %dma_wait3A_182 = arith.constant 0 : i32
      %dma_wait3A_183 = tpu.memref_slice %arg5[%arg0, %add3A_166, %dma_wait3A_182] : memref<2x10240x128xf32, #tpu.memory_space<hbm>> -> memref<1x32x128xf32, #tpu.memory_space<hbm>>
      %dma_wait3A_184 = tpu.memref_squeeze %dma_wait3A_183 : memref<1x32x128xf32, #tpu.memory_space<hbm>> -> memref<32x128xf32, #tpu.memory_space<hbm>>
      tpu.wait_dma2 semaphore(%run_scoped3A : memref<!tpu.dma_semaphore, #tpu.memory_space<semaphore_mem>>) src(%arg9 : memref<32x128xf32, #tpu.memory_space<vmem>>) dst(%dma_wait3A_184 : memref<32x128xf32, #tpu.memory_space<hbm>>)
      tpu.yield
    }) : () -> ()
    %mul3A_167 = arith.constant 640 : i32
    %mul3A_168 = arith.muli %arg1, %mul3A_167 : i32
    %add3A_169 = arith.constant 576 : i32
    %add3A_170 = arith.addi %mul3A_168, %add3A_169 : i32
    "tpu.region"() ({
      %run_scoped3A = tpu.sem_alloc : memref<!tpu.dma_semaphore, #tpu.memory_space<semaphore_mem>>
      %dma_start3A = arith.constant 0 : i32
      %dma_start3A_175 = tpu.memref_slice %arg10[%add3A_170, %dma_start3A] : memref<10240x128xf32, #tpu.memory_space<vmem_shared>> -> memref<32x128xf32, #tpu.memory_space<vmem_shared>>
      %dma_start3A_176 = arith.constant 0 : i32
      %dma_start3A_177 = tpu.memref_slice %arg10[%add3A_170, %dma_start3A_176] : memref<10240x128xf32, #tpu.memory_space<vmem_shared>> -> memref<32x128xf32, #tpu.memory_space<vmem_shared>>
      tpu.enqueue_dma source(%dma_start3A_177 : memref<32x128xf32, #tpu.memory_space<vmem_shared>>) target(%arg9 : memref<32x128xf32, #tpu.memory_space<vmem>>) target_semaphore(%run_scoped3A : memref<!tpu.dma_semaphore, #tpu.memory_space<semaphore_mem>>)
      %dma_wait3A = arith.constant 0 : i32
      %dma_wait3A_178 = tpu.memref_slice %arg10[%add3A_170, %dma_wait3A] : memref<10240x128xf32, #tpu.memory_space<vmem_shared>> -> memref<32x128xf32, #tpu.memory_space<vmem_shared>>
      %dma_wait3A_179 = arith.constant 0 : i32
      %dma_wait3A_180 = tpu.memref_slice %arg10[%add3A_170, %dma_wait3A_179] : memref<10240x128xf32, #tpu.memory_space<vmem_shared>> -> memref<32x128xf32, #tpu.memory_space<vmem_shared>>
      tpu.wait_dma2 semaphore(%run_scoped3A : memref<!tpu.dma_semaphore, #tpu.memory_space<semaphore_mem>>) src(%dma_wait3A_180 : memref<32x128xf32, #tpu.memory_space<vmem_shared>>) dst(%arg9 : memref<32x128xf32, #tpu.memory_space<vmem>>)
      tpu.yield
    }) : () -> ()
    "tpu.region"() ({
      %run_scoped3A = tpu.sem_alloc : memref<!tpu.dma_semaphore, #tpu.memory_space<semaphore_mem>>
      %dma_start3A = arith.constant 0 : i32
      %dma_start3A_175 = tpu.memref_slice %arg5[%arg0, %add3A_170, %dma_start3A] : memref<2x10240x128xf32, #tpu.memory_space<hbm>> -> memref<1x32x128xf32, #tpu.memory_space<hbm>>
      %dma_start3A_176 = tpu.memref_squeeze %dma_start3A_175 : memref<1x32x128xf32, #tpu.memory_space<hbm>> -> memref<32x128xf32, #tpu.memory_space<hbm>>
      %dma_start3A_177 = arith.constant 0 : i32
      %dma_start3A_178 = tpu.memref_slice %arg5[%arg0, %add3A_170, %dma_start3A_177] : memref<2x10240x128xf32, #tpu.memory_space<hbm>> -> memref<1x32x128xf32, #tpu.memory_space<hbm>>
      %dma_start3A_179 = tpu.memref_squeeze %dma_start3A_178 : memref<1x32x128xf32, #tpu.memory_space<hbm>> -> memref<32x128xf32, #tpu.memory_space<hbm>>
      tpu.enqueue_dma source(%arg9 : memref<32x128xf32, #tpu.memory_space<vmem>>) target(%dma_start3A_179 : memref<32x128xf32, #tpu.memory_space<hbm>>) target_semaphore(%run_scoped3A : memref<!tpu.dma_semaphore, #tpu.memory_space<semaphore_mem>>)
      %dma_wait3A = arith.constant 0 : i32
      %dma_wait3A_180 = tpu.memref_slice %arg5[%arg0, %add3A_170, %dma_wait3A] : memref<2x10240x128xf32, #tpu.memory_space<hbm>> -> memref<1x32x128xf32, #tpu.memory_space<hbm>>
      %dma_wait3A_181 = tpu.memref_squeeze %dma_wait3A_180 : memref<1x32x128xf32, #tpu.memory_space<hbm>> -> memref<32x128xf32, #tpu.memory_space<hbm>>
      %dma_wait3A_182 = arith.constant 0 : i32
      %dma_wait3A_183 = tpu.memref_slice %arg5[%arg0, %add3A_170, %dma_wait3A_182] : memref<2x10240x128xf32, #tpu.memory_space<hbm>> -> memref<1x32x128xf32, #tpu.memory_space<hbm>>
      %dma_wait3A_184 = tpu.memref_squeeze %dma_wait3A_183 : memref<1x32x128xf32, #tpu.memory_space<hbm>> -> memref<32x128xf32, #tpu.memory_space<hbm>>
      tpu.wait_dma2 semaphore(%run_scoped3A : memref<!tpu.dma_semaphore, #tpu.memory_space<semaphore_mem>>) src(%arg9 : memref<32x128xf32, #tpu.memory_space<vmem>>) dst(%dma_wait3A_184 : memref<32x128xf32, #tpu.memory_space<hbm>>)
      tpu.yield
    }) : () -> ()
    %mul3A_171 = arith.constant 640 : i32
    %mul3A_172 = arith.muli %arg1, %mul3A_171 : i32
    %add3A_173 = arith.constant 608 : i32
    %add3A_174 = arith.addi %mul3A_172, %add3A_173 : i32
    "tpu.region"() ({
      %run_scoped3A = tpu.sem_alloc : memref<!tpu.dma_semaphore, #tpu.memory_space<semaphore_mem>>
      %dma_start3A = arith.constant 0 : i32
      %dma_start3A_175 = tpu.memref_slice %arg10[%add3A_174, %dma_start3A] : memref<10240x128xf32, #tpu.memory_space<vmem_shared>> -> memref<32x128xf32, #tpu.memory_space<vmem_shared>>
      %dma_start3A_176 = arith.constant 0 : i32
      %dma_start3A_177 = tpu.memref_slice %arg10[%add3A_174, %dma_start3A_176] : memref<10240x128xf32, #tpu.memory_space<vmem_shared>> -> memref<32x128xf32, #tpu.memory_space<vmem_shared>>
      tpu.enqueue_dma source(%dma_start3A_177 : memref<32x128xf32, #tpu.memory_space<vmem_shared>>) target(%arg9 : memref<32x128xf32, #tpu.memory_space<vmem>>) target_semaphore(%run_scoped3A : memref<!tpu.dma_semaphore, #tpu.memory_space<semaphore_mem>>)
      %dma_wait3A = arith.constant 0 : i32
      %dma_wait3A_178 = tpu.memref_slice %arg10[%add3A_174, %dma_wait3A] : memref<10240x128xf32, #tpu.memory_space<vmem_shared>> -> memref<32x128xf32, #tpu.memory_space<vmem_shared>>
      %dma_wait3A_179 = arith.constant 0 : i32
      %dma_wait3A_180 = tpu.memref_slice %arg10[%add3A_174, %dma_wait3A_179] : memref<10240x128xf32, #tpu.memory_space<vmem_shared>> -> memref<32x128xf32, #tpu.memory_space<vmem_shared>>
      tpu.wait_dma2 semaphore(%run_scoped3A : memref<!tpu.dma_semaphore, #tpu.memory_space<semaphore_mem>>) src(%dma_wait3A_180 : memref<32x128xf32, #tpu.memory_space<vmem_shared>>) dst(%arg9 : memref<32x128xf32, #tpu.memory_space<vmem>>)
      tpu.yield
    }) : () -> ()
    "tpu.region"() ({
      %run_scoped3A = tpu.sem_alloc : memref<!tpu.dma_semaphore, #tpu.memory_space<semaphore_mem>>
      %dma_start3A = arith.constant 0 : i32
      %dma_start3A_175 = tpu.memref_slice %arg5[%arg0, %add3A_174, %dma_start3A] : memref<2x10240x128xf32, #tpu.memory_space<hbm>> -> memref<1x32x128xf32, #tpu.memory_space<hbm>>
      %dma_start3A_176 = tpu.memref_squeeze %dma_start3A_175 : memref<1x32x128xf32, #tpu.memory_space<hbm>> -> memref<32x128xf32, #tpu.memory_space<hbm>>
      %dma_start3A_177 = arith.constant 0 : i32
      %dma_start3A_178 = tpu.memref_slice %arg5[%arg0, %add3A_174, %dma_start3A_177] : memref<2x10240x128xf32, #tpu.memory_space<hbm>> -> memref<1x32x128xf32, #tpu.memory_space<hbm>>
      %dma_start3A_179 = tpu.memref_squeeze %dma_start3A_178 : memref<1x32x128xf32, #tpu.memory_space<hbm>> -> memref<32x128xf32, #tpu.memory_space<hbm>>
      tpu.enqueue_dma source(%arg9 : memref<32x128xf32, #tpu.memory_space<vmem>>) target(%dma_start3A_179 : memref<32x128xf32, #tpu.memory_space<hbm>>) target_semaphore(%run_scoped3A : memref<!tpu.dma_semaphore, #tpu.memory_space<semaphore_mem>>)
      %dma_wait3A = arith.constant 0 : i32
      %dma_wait3A_180 = tpu.memref_slice %arg5[%arg0, %add3A_174, %dma_wait3A] : memref<2x10240x128xf32, #tpu.memory_space<hbm>> -> memref<1x32x128xf32, #tpu.memory_space<hbm>>
      %dma_wait3A_181 = tpu.memref_squeeze %dma_wait3A_180 : memref<1x32x128xf32, #tpu.memory_space<hbm>> -> memref<32x128xf32, #tpu.memory_space<hbm>>
      %dma_wait3A_182 = arith.constant 0 : i32
      %dma_wait3A_183 = tpu.memref_slice %arg5[%arg0, %add3A_174, %dma_wait3A_182] : memref<2x10240x128xf32, #tpu.memory_space<hbm>> -> memref<1x32x128xf32, #tpu.memory_space<hbm>>
      %dma_wait3A_184 = tpu.memref_squeeze %dma_wait3A_183 : memref<1x32x128xf32, #tpu.memory_space<hbm>> -> memref<32x128xf32, #tpu.memory_space<hbm>>
      tpu.wait_dma2 semaphore(%run_scoped3A : memref<!tpu.dma_semaphore, #tpu.memory_space<semaphore_mem>>) src(%arg9 : memref<32x128xf32, #tpu.memory_space<vmem>>) dst(%dma_wait3A_184 : memref<32x128xf32, #tpu.memory_space<hbm>>)
      tpu.yield
    }) : () -> ()
    return
  }
}

#map = affine_map<(d0, d1) -> (0, 0)>
#map1 = affine_map<(d0, d1) -> (0, 0, 0)>
module attributes {stable_mosaic.version = 14 : i64} {
  func.func @agg_kernel(%arg0: i32, %arg1: i32, %arg2: memref<10240x128xf32, #tpu.memory_space<hbm>>, %arg3: memref<32x80x125xi32, #tpu.memory_space<hbm>>, %arg4: memref<32x80x125xi32, #tpu.memory_space<hbm>>, %arg5: memref<2x10240x128xf32, #tpu.memory_space<hbm>>, %arg6: memref<80x125xi32, #tpu.memory_space<vmem>>, %arg7: memref<80x125xi32, #tpu.memory_space<vmem>>, %arg8: memref<125x128xf32, #tpu.memory_space<vmem>>, %arg9: memref<32x128xf32, #tpu.memory_space<vmem>>, %arg10: memref<10240x128xf32, #tpu.memory_space<vmem_shared>>, %arg11: memref<!tpu.dma_semaphore, #tpu.memory_space<semaphore_mem>>) attributes {dimension_semantics = [#tpu.dimension_semantics<core_parallel>, #tpu.dimension_semantics<subcore_parallel>], iteration_bounds = array<i64: 2, 16>, scalar_prefetch = 0 : i64, scratch_operands = 6 : i64, tpu.core_type = #tpu.core_type<sc_vector_subcore>, window_params = [{transform_indices = #map}, {transform_indices = #map1}, {transform_indices = #map1}, {transform_indices = #map1}]} {
    %mul3A = arith.constant 16 : i32
    %mul3A_0 = arith.muli %arg0, %mul3A : i32
    %add3A = arith.addi %mul3A_0, %arg1 : i32
    "tpu.region"() ({
      %run_scoped3A = tpu.sem_alloc : memref<!tpu.dma_semaphore, #tpu.memory_space<semaphore_mem>>
      %dma_start3A = arith.constant 0 : i32
      %dma_start3A_175 = arith.constant 0 : i32
      %dma_start3A_176 = tpu.memref_slice %arg3[%add3A, %dma_start3A, %dma_start3A_175] : memref<32x80x125xi32, #tpu.memory_space<hbm>> -> memref<1x80x125xi32, #tpu.memory_space<hbm>>
      %dma_start3A_177 = tpu.memref_squeeze %dma_start3A_176 : memref<1x80x125xi32, #tpu.memory_space<hbm>> -> memref<80x125xi32, #tpu.memory_space<hbm>>
      %dma_start3A_178 = arith.constant 0 : i32
      %dma_start3A_179 = arith.constant 0 : i32
      %dma_start3A_180 = tpu.memref_slice %arg3[%add3A, %dma_start3A_178, %dma_start3A_179] : memref<32x80x125xi32, #tpu.memory_space<hbm>> -> memref<1x80x125xi32, #tpu.memory_space<hbm>>
      %dma_start3A_181 = tpu.memref_squeeze %dma_start3A_180 : memref<1x80x125xi32, #tpu.memory_space<hbm>> -> memref<80x125xi32, #tpu.memory_space<hbm>>
      tpu.enqueue_dma source(%dma_start3A_181 : memref<80x125xi32, #tpu.memory_space<hbm>>) target(%arg6 : memref<80x125xi32, #tpu.memory_space<vmem>>) target_semaphore(%run_scoped3A : memref<!tpu.dma_semaphore, #tpu.memory_space<semaphore_mem>>)
      %dma_wait3A = arith.constant 0 : i32
      %dma_wait3A_182 = arith.constant 0 : i32
      %dma_wait3A_183 = tpu.memref_slice %arg3[%add3A, %dma_wait3A, %dma_wait3A_182] : memref<32x80x125xi32, #tpu.memory_space<hbm>> -> memref<1x80x125xi32, #tpu.memory_space<hbm>>
      %dma_wait3A_184 = tpu.memref_squeeze %dma_wait3A_183 : memref<1x80x125xi32, #tpu.memory_space<hbm>> -> memref<80x125xi32, #tpu.memory_space<hbm>>
      %dma_wait3A_185 = arith.constant 0 : i32
      %dma_wait3A_186 = arith.constant 0 : i32
      %dma_wait3A_187 = tpu.memref_slice %arg3[%add3A, %dma_wait3A_185, %dma_wait3A_186] : memref<32x80x125xi32, #tpu.memory_space<hbm>> -> memref<1x80x125xi32, #tpu.memory_space<hbm>>
      %dma_wait3A_188 = tpu.memref_squeeze %dma_wait3A_187 : memref<1x80x125xi32, #tpu.memory_space<hbm>> -> memref<80x125xi32, #tpu.memory_space<hbm>>
      tpu.wait_dma2 semaphore(%run_scoped3A : memref<!tpu.dma_semaphore, #tpu.memory_space<semaphore_mem>>) src(%dma_wait3A_188 : memref<80x125xi32, #tpu.memory_space<hbm>>) dst(%arg6 : memref<80x125xi32, #tpu.memory_space<vmem>>)
      tpu.yield
    }) : () -> ()
    "tpu.region"() ({
      %run_scoped3A = tpu.sem_alloc : memref<!tpu.dma_semaphore, #tpu.memory_space<semaphore_mem>>
      %dma_start3A = arith.constant 0 : i32
      %dma_start3A_175 = arith.constant 0 : i32
      %dma_start3A_176 = tpu.memref_slice %arg4[%add3A, %dma_start3A, %dma_start3A_175] : memref<32x80x125xi32, #tpu.memory_space<hbm>> -> memref<1x80x125xi32, #tpu.memory_space<hbm>>
      %dma_start3A_177 = tpu.memref_squeeze %dma_start3A_176 : memref<1x80x125xi32, #tpu.memory_space<hbm>> -> memref<80x125xi32, #tpu.memory_space<hbm>>
      %dma_start3A_178 = arith.constant 0 : i32
      %dma_start3A_179 = arith.constant 0 : i32
      %dma_start3A_180 = tpu.memref_slice %arg4[%add3A, %dma_start3A_178, %dma_start3A_179] : memref<32x80x125xi32, #tpu.memory_space<hbm>> -> memref<1x80x125xi32, #tpu.memory_space<hbm>>
      %dma_start3A_181 = tpu.memref_squeeze %dma_start3A_180 : memref<1x80x125xi32, #tpu.memory_space<hbm>> -> memref<80x125xi32, #tpu.memory_space<hbm>>
      tpu.enqueue_dma source(%dma_start3A_181 : memref<80x125xi32, #tpu.memory_space<hbm>>) target(%arg7 : memref<80x125xi32, #tpu.memory_space<vmem>>) target_semaphore(%run_scoped3A : memref<!tpu.dma_semaphore, #tpu.memory_space<semaphore_mem>>)
      %dma_wait3A = arith.constant 0 : i32
      %dma_wait3A_182 = arith.constant 0 : i32
      %dma_wait3A_183 = tpu.memref_slice %arg4[%add3A, %dma_wait3A, %dma_wait3A_182] : memref<32x80x125xi32, #tpu.memory_space<hbm>> -> memref<1x80x125xi32, #tpu.memory_space<hbm>>
      %dma_wait3A_184 = tpu.memref_squeeze %dma_wait3A_183 : memref<1x80x125xi32, #tpu.memory_space<hbm>> -> memref<80x125xi32, #tpu.memory_space<hbm>>
      %dma_wait3A_185 = arith.constant 0 : i32
      %dma_wait3A_186 = arith.constant 0 : i32
      %dma_wait3A_187 = tpu.memref_slice %arg4[%add3A, %dma_wait3A_185, %dma_wait3A_186] : memref<32x80x125xi32, #tpu.memory_space<hbm>> -> memref<1x80x125xi32, #tpu.memory_space<hbm>>
      %dma_wait3A_188 = tpu.memref_squeeze %dma_wait3A_187 : memref<1x80x125xi32, #tpu.memory_space<hbm>> -> memref<80x125xi32, #tpu.memory_space<hbm>>
      tpu.wait_dma2 semaphore(%run_scoped3A : memref<!tpu.dma_semaphore, #tpu.memory_space<semaphore_mem>>) src(%dma_wait3A_188 : memref<80x125xi32, #tpu.memory_space<hbm>>) dst(%arg7 : memref<80x125xi32, #tpu.memory_space<vmem>>)
      tpu.yield
    }) : () -> ()
    %scan3A = arith.constant 0 : i32
    %scan3A_1 = arith.constant 0 : i32
    %scan3A_2 = arith.constant 256 : i32
    %scan3A_3 = arith.addi %scan3A_1, %scan3A_2 : i32
    %scan3A_4 = arith.constant 1 : i32
    %scan3A_5 = scf.for %scan3A_175 = %scan3A_1 to %scan3A_3 step %scan3A_4 iter_args(%scan3A_176 = %scan3A) -> (i32)  : i32 {
      %jit3A = arith.constant 8 : i32
      %div3A = arith.divsi %scan3A_175, %jit3A : i32
      %sign3A = arith.constant 0 : i32
      %sign3A_177 = arith.cmpi sgt, %scan3A_175, %sign3A : i32
      %sign3A_178 = arith.extui %sign3A_177 : i1 to i32
      %sign3A_179 = arith.constant 0 : i32
      %sign3A_180 = arith.cmpi slt, %scan3A_175, %sign3A_179 : i32
      %sign3A_181 = arith.extui %sign3A_180 : i1 to i32
      %sign3A_182 = arith.subi %sign3A_178, %sign3A_181 : i32
      %sign3A_183 = arith.constant 0 : i32
      %sign3A_184 = arith.cmpi sgt, %jit3A, %sign3A_183 : i32
      %sign3A_185 = arith.extui %sign3A_184 : i1 to i32
      %sign3A_186 = arith.constant 0 : i32
      %sign3A_187 = arith.cmpi slt, %jit3A, %sign3A_186 : i32
      %sign3A_188 = arith.extui %sign3A_187 : i1 to i32
      %sign3A_189 = arith.subi %sign3A_185, %sign3A_188 : i32
      %ne3A = arith.cmpi ne, %sign3A_182, %sign3A_189 : i32
      %rem3A = arith.remsi %scan3A_175, %jit3A : i32
      %ne3A_190 = arith.constant 0 : i32
      %ne3A_191 = arith.cmpi ne, %rem3A, %ne3A_190 : i32
      %and3A = arith.andi %ne3A, %ne3A_191 : i1
      %sub3A = arith.constant 1 : i32
      %sub3A_192 = arith.subi %div3A, %sub3A : i32
      %select_n3A = arith.select %and3A, %sub3A_192, %div3A : i32
      %jit3A_193 = arith.constant 8 : i32
      %eq3A = arith.constant 0 : i32
      %eq3A_194 = arith.cmpi eq, %jit3A_193, %eq3A : i32
      %jit3A_195 = arith.constant 1 : i32
      %select_n3A_196 = arith.select %eq3A_194, %jit3A_195, %jit3A_193 : i32
      %rem3A_197 = arith.remsi %scan3A_175, %select_n3A_196 : i32
      %ne3A_198 = arith.constant 0 : i32
      %ne3A_199 = arith.cmpi ne, %rem3A_197, %ne3A_198 : i32
      %lt3A = arith.constant 0 : i32
      %lt3A_200 = arith.cmpi slt, %rem3A_197, %lt3A : i32
      %lt3A_201 = arith.constant 0 : i32
      %lt3A_202 = arith.cmpi slt, %select_n3A_196, %lt3A_201 : i32
      %ne3A_203 = arith.xori %lt3A_200, %lt3A_202 : i1
      %and3A_204 = arith.andi %ne3A_203, %ne3A_199 : i1
      %add3A_205 = arith.addi %rem3A_197, %select_n3A_196 : i32
      %select_n3A_206 = arith.select %and3A_204, %add3A_205, %rem3A_197 : i32
      %broadcast_in_dim3A = arith.constant 0.000000e+00 : f32
      %broadcast_in_dim3A_207 = vector.broadcast %broadcast_in_dim3A : f32 to vector<16xf32>
      %mul3A_208 = arith.constant 16 : i32
      %mul3A_209 = arith.muli %select_n3A_206, %mul3A_208 : i32
      %swap3A = arith.index_cast %select_n3A : i32 to index
      %swap3A_210 = arith.index_cast %mul3A_209 : i32 to index
      %swap3A_211 = tpu.vector_load %arg9[%swap3A, %swap3A_210] {strides = array<i32>} : memref<32x128xf32, #tpu.memory_space<vmem>>, vector<1x16xf32>,
      %swap3A_212 = vector.shape_cast %swap3A_211 : vector<1x16xf32> to vector<16xf32>
      %swap3A_213 = vector.shape_cast %broadcast_in_dim3A_207 : vector<16xf32> to vector<1x16xf32>
      tpu.vector_store %arg9[%swap3A, %swap3A_210], %swap3A_213 {strides = array<i32>} : memref<32x128xf32, #tpu.memory_space<vmem>>, vector<1x16xf32>,
      %scan3A_214 = arith.constant 0 : i32
      scf.yield %scan3A_214 : i32
    }
    %scan3A_6 = arith.constant 256 : i32
    %mul3A_7 = arith.constant 640 : i32
    %mul3A_8 = arith.muli %arg1, %mul3A_7 : i32
    %add3A_9 = arith.constant 0 : i32
    %add3A_10 = arith.addi %mul3A_8, %add3A_9 : i32
    "tpu.region"() ({
      %run_scoped3A = tpu.sem_alloc : memref<!tpu.dma_semaphore, #tpu.memory_space<semaphore_mem>>
      %dma_start3A = arith.constant 0 : i32
      %dma_start3A_175 = tpu.memref_slice %arg10[%add3A_10, %dma_start3A] : memref<10240x128xf32, #tpu.memory_space<vmem_shared>> -> memref<32x128xf32, #tpu.memory_space<vmem_shared>>
      %dma_start3A_176 = arith.constant 0 : i32
      %dma_start3A_177 = tpu.memref_slice %arg10[%add3A_10, %dma_start3A_176] : memref<10240x128xf32, #tpu.memory_space<vmem_shared>> -> memref<32x128xf32, #tpu.memory_space<vmem_shared>>
      tpu.enqueue_dma source(%arg9 : memref<32x128xf32, #tpu.memory_space<vmem>>) target(%dma_start3A_177 : memref<32x128xf32, #tpu.memory_space<vmem_shared>>) target_semaphore(%run_scoped3A : memref<!tpu.dma_semaphore, #tpu.memory_space<semaphore_mem>>)
      %dma_wait3A = arith.constant 0 : i32
      %dma_wait3A_178 = tpu.memref_slice %arg10[%add3A_10, %dma_wait3A] : memref<10240x128xf32, #tpu.memory_space<vmem_shared>> -> memref<32x128xf32, #tpu.memory_space<vmem_shared>>
      %dma_wait3A_179 = arith.constant 0 : i32
      %dma_wait3A_180 = tpu.memref_slice %arg10[%add3A_10, %dma_wait3A_179] : memref<10240x128xf32, #tpu.memory_space<vmem_shared>> -> memref<32x128xf32, #tpu.memory_space<vmem_shared>>
      tpu.wait_dma2 semaphore(%run_scoped3A : memref<!tpu.dma_semaphore, #tpu.memory_space<semaphore_mem>>) src(%arg9 : memref<32x128xf32, #tpu.memory_space<vmem>>) dst(%dma_wait3A_180 : memref<32x128xf32, #tpu.memory_space<vmem_shared>>)
      tpu.yield
    }) : () -> ()
    %mul3A_11 = arith.constant 640 : i32
    %mul3A_12 = arith.muli %arg1, %mul3A_11 : i32
    %add3A_13 = arith.constant 32 : i32
    %add3A_14 = arith.addi %mul3A_12, %add3A_13 : i32
    "tpu.region"() ({
      %run_scoped3A = tpu.sem_alloc : memref<!tpu.dma_semaphore, #tpu.memory_space<semaphore_mem>>
      %dma_start3A = arith.constant 0 : i32
      %dma_start3A_175 = tpu.memref_slice %arg10[%add3A_14, %dma_start3A] : memref<10240x128xf32, #tpu.memory_space<vmem_shared>> -> memref<32x128xf32, #tpu.memory_space<vmem_shared>>
      %dma_start3A_176 = arith.constant 0 : i32
      %dma_start3A_177 = tpu.memref_slice %arg10[%add3A_14, %dma_start3A_176] : memref<10240x128xf32, #tpu.memory_space<vmem_shared>> -> memref<32x128xf32, #tpu.memory_space<vmem_shared>>
      tpu.enqueue_dma source(%arg9 : memref<32x128xf32, #tpu.memory_space<vmem>>) target(%dma_start3A_177 : memref<32x128xf32, #tpu.memory_space<vmem_shared>>) target_semaphore(%run_scoped3A : memref<!tpu.dma_semaphore, #tpu.memory_space<semaphore_mem>>)
      %dma_wait3A = arith.constant 0 : i32
      %dma_wait3A_178 = tpu.memref_slice %arg10[%add3A_14, %dma_wait3A] : memref<10240x128xf32, #tpu.memory_space<vmem_shared>> -> memref<32x128xf32, #tpu.memory_space<vmem_shared>>
      %dma_wait3A_179 = arith.constant 0 : i32
      %dma_wait3A_180 = tpu.memref_slice %arg10[%add3A_14, %dma_wait3A_179] : memref<10240x128xf32, #tpu.memory_space<vmem_shared>> -> memref<32x128xf32, #tpu.memory_space<vmem_shared>>
      tpu.wait_dma2 semaphore(%run_scoped3A : memref<!tpu.dma_semaphore, #tpu.memory_space<semaphore_mem>>) src(%arg9 : memref<32x128xf32, #tpu.memory_space<vmem>>) dst(%dma_wait3A_180 : memref<32x128xf32, #tpu.memory_space<vmem_shared>>)
      tpu.yield
    }) : () -> ()
    %mul3A_15 = arith.constant 640 : i32
    %mul3A_16 = arith.muli %arg1, %mul3A_15 : i32
    %add3A_17 = arith.constant 64 : i32
    %add3A_18 = arith.addi %mul3A_16, %add3A_17 : i32
    "tpu.region"() ({
      %run_scoped3A = tpu.sem_alloc : memref<!tpu.dma_semaphore, #tpu.memory_space<semaphore_mem>>
      %dma_start3A = arith.constant 0 : i32
      %dma_start3A_175 = tpu.memref_slice %arg10[%add3A_18, %dma_start3A] : memref<10240x128xf32, #tpu.memory_space<vmem_shared>> -> memref<32x128xf32, #tpu.memory_space<vmem_shared>>
      %dma_start3A_176 = arith.constant 0 : i32
      %dma_start3A_177 = tpu.memref_slice %arg10[%add3A_18, %dma_start3A_176] : memref<10240x128xf32, #tpu.memory_space<vmem_shared>> -> memref<32x128xf32, #tpu.memory_space<vmem_shared>>
      tpu.enqueue_dma source(%arg9 : memref<32x128xf32, #tpu.memory_space<vmem>>) target(%dma_start3A_177 : memref<32x128xf32, #tpu.memory_space<vmem_shared>>) target_semaphore(%run_scoped3A : memref<!tpu.dma_semaphore, #tpu.memory_space<semaphore_mem>>)
      %dma_wait3A = arith.constant 0 : i32
      %dma_wait3A_178 = tpu.memref_slice %arg10[%add3A_18, %dma_wait3A] : memref<10240x128xf32, #tpu.memory_space<vmem_shared>> -> memref<32x128xf32, #tpu.memory_space<vmem_shared>>
      %dma_wait3A_179 = arith.constant 0 : i32
      %dma_wait3A_180 = tpu.memref_slice %arg10[%add3A_18, %dma_wait3A_179] : memref<10240x128xf32, #tpu.memory_space<vmem_shared>> -> memref<32x128xf32, #tpu.memory_space<vmem_shared>>
      tpu.wait_dma2 semaphore(%run_scoped3A : memref<!tpu.dma_semaphore, #tpu.memory_space<semaphore_mem>>) src(%arg9 : memref<32x128xf32, #tpu.memory_space<vmem>>) dst(%dma_wait3A_180 : memref<32x128xf32, #tpu.memory_space<vmem_shared>>)
      tpu.yield
    }) : () -> ()
    %mul3A_19 = arith.constant 640 : i32
    %mul3A_20 = arith.muli %arg1, %mul3A_19 : i32
    %add3A_21 = arith.constant 96 : i32
    %add3A_22 = arith.addi %mul3A_20, %add3A_21 : i32
    "tpu.region"() ({
      %run_scoped3A = tpu.sem_alloc : memref<!tpu.dma_semaphore, #tpu.memory_space<semaphore_mem>>
      %dma_start3A = arith.constant 0 : i32
      %dma_start3A_175 = tpu.memref_slice %arg10[%add3A_22, %dma_start3A] : memref<10240x128xf32, #tpu.memory_space<vmem_shared>> -> memref<32x128xf32, #tpu.memory_space<vmem_shared>>
      %dma_start3A_176 = arith.constant 0 : i32
      %dma_start3A_177 = tpu.memref_slice %arg10[%add3A_22, %dma_start3A_176] : memref<10240x128xf32, #tpu.memory_space<vmem_shared>> -> memref<32x128xf32, #tpu.memory_space<vmem_shared>>
      tpu.enqueue_dma source(%arg9 : memref<32x128xf32, #tpu.memory_space<vmem>>) target(%dma_start3A_177 : memref<32x128xf32, #tpu.memory_space<vmem_shared>>) target_semaphore(%run_scoped3A : memref<!tpu.dma_semaphore, #tpu.memory_space<semaphore_mem>>)
      %dma_wait3A = arith.constant 0 : i32
      %dma_wait3A_178 = tpu.memref_slice %arg10[%add3A_22, %dma_wait3A] : memref<10240x128xf32, #tpu.memory_space<vmem_shared>> -> memref<32x128xf32, #tpu.memory_space<vmem_shared>>
      %dma_wait3A_179 = arith.constant 0 : i32
      %dma_wait3A_180 = tpu.memref_slice %arg10[%add3A_22, %dma_wait3A_179] : memref<10240x128xf32, #tpu.memory_space<vmem_shared>> -> memref<32x128xf32, #tpu.memory_space<vmem_shared>>
      tpu.wait_dma2 semaphore(%run_scoped3A : memref<!tpu.dma_semaphore, #tpu.memory_space<semaphore_mem>>) src(%arg9 : memref<32x128xf32, #tpu.memory_space<vmem>>) dst(%dma_wait3A_180 : memref<32x128xf32, #tpu.memory_space<vmem_shared>>)
      tpu.yield
    }) : () -> ()
    %mul3A_23 = arith.constant 640 : i32
    %mul3A_24 = arith.muli %arg1, %mul3A_23 : i32
    %add3A_25 = arith.constant 128 : i32
    %add3A_26 = arith.addi %mul3A_24, %add3A_25 : i32
    "tpu.region"() ({
      %run_scoped3A = tpu.sem_alloc : memref<!tpu.dma_semaphore, #tpu.memory_space<semaphore_mem>>
      %dma_start3A = arith.constant 0 : i32
      %dma_start3A_175 = tpu.memref_slice %arg10[%add3A_26, %dma_start3A] : memref<10240x128xf32, #tpu.memory_space<vmem_shared>> -> memref<32x128xf32, #tpu.memory_space<vmem_shared>>
      %dma_start3A_176 = arith.constant 0 : i32
      %dma_start3A_177 = tpu.memref_slice %arg10[%add3A_26, %dma_start3A_176] : memref<10240x128xf32, #tpu.memory_space<vmem_shared>> -> memref<32x128xf32, #tpu.memory_space<vmem_shared>>
      tpu.enqueue_dma source(%arg9 : memref<32x128xf32, #tpu.memory_space<vmem>>) target(%dma_start3A_177 : memref<32x128xf32, #tpu.memory_space<vmem_shared>>) target_semaphore(%run_scoped3A : memref<!tpu.dma_semaphore, #tpu.memory_space<semaphore_mem>>)
      %dma_wait3A = arith.constant 0 : i32
      %dma_wait3A_178 = tpu.memref_slice %arg10[%add3A_26, %dma_wait3A] : memref<10240x128xf32, #tpu.memory_space<vmem_shared>> -> memref<32x128xf32, #tpu.memory_space<vmem_shared>>
      %dma_wait3A_179 = arith.constant 0 : i32
      %dma_wait3A_180 = tpu.memref_slice %arg10[%add3A_26, %dma_wait3A_179] : memref<10240x128xf32, #tpu.memory_space<vmem_shared>> -> memref<32x128xf32, #tpu.memory_space<vmem_shared>>
      tpu.wait_dma2 semaphore(%run_scoped3A : memref<!tpu.dma_semaphore, #tpu.memory_space<semaphore_mem>>) src(%arg9 : memref<32x128xf32, #tpu.memory_space<vmem>>) dst(%dma_wait3A_180 : memref<32x128xf32, #tpu.memory_space<vmem_shared>>)
      tpu.yield
    }) : () -> ()
    %mul3A_27 = arith.constant 640 : i32
    %mul3A_28 = arith.muli %arg1, %mul3A_27 : i32
    %add3A_29 = arith.constant 160 : i32
    %add3A_30 = arith.addi %mul3A_28, %add3A_29 : i32
    "tpu.region"() ({
      %run_scoped3A = tpu.sem_alloc : memref<!tpu.dma_semaphore, #tpu.memory_space<semaphore_mem>>
      %dma_start3A = arith.constant 0 : i32
      %dma_start3A_175 = tpu.memref_slice %arg10[%add3A_30, %dma_start3A] : memref<10240x128xf32, #tpu.memory_space<vmem_shared>> -> memref<32x128xf32, #tpu.memory_space<vmem_shared>>
      %dma_start3A_176 = arith.constant 0 : i32
      %dma_start3A_177 = tpu.memref_slice %arg10[%add3A_30, %dma_start3A_176] : memref<10240x128xf32, #tpu.memory_space<vmem_shared>> -> memref<32x128xf32, #tpu.memory_space<vmem_shared>>
      tpu.enqueue_dma source(%arg9 : memref<32x128xf32, #tpu.memory_space<vmem>>) target(%dma_start3A_177 : memref<32x128xf32, #tpu.memory_space<vmem_shared>>) target_semaphore(%run_scoped3A : memref<!tpu.dma_semaphore, #tpu.memory_space<semaphore_mem>>)
      %dma_wait3A = arith.constant 0 : i32
      %dma_wait3A_178 = tpu.memref_slice %arg10[%add3A_30, %dma_wait3A] : memref<10240x128xf32, #tpu.memory_space<vmem_shared>> -> memref<32x128xf32, #tpu.memory_space<vmem_shared>>
      %dma_wait3A_179 = arith.constant 0 : i32
      %dma_wait3A_180 = tpu.memref_slice %arg10[%add3A_30, %dma_wait3A_179] : memref<10240x128xf32, #tpu.memory_space<vmem_shared>> -> memref<32x128xf32, #tpu.memory_space<vmem_shared>>
      tpu.wait_dma2 semaphore(%run_scoped3A : memref<!tpu.dma_semaphore, #tpu.memory_space<semaphore_mem>>) src(%arg9 : memref<32x128xf32, #tpu.memory_space<vmem>>) dst(%dma_wait3A_180 : memref<32x128xf32, #tpu.memory_space<vmem_shared>>)
      tpu.yield
    }) : () -> ()
    %mul3A_31 = arith.constant 640 : i32
    %mul3A_32 = arith.muli %arg1, %mul3A_31 : i32
    %add3A_33 = arith.constant 192 : i32
    %add3A_34 = arith.addi %mul3A_32, %add3A_33 : i32
    "tpu.region"() ({
      %run_scoped3A = tpu.sem_alloc : memref<!tpu.dma_semaphore, #tpu.memory_space<semaphore_mem>>
      %dma_start3A = arith.constant 0 : i32
      %dma_start3A_175 = tpu.memref_slice %arg10[%add3A_34, %dma_start3A] : memref<10240x128xf32, #tpu.memory_space<vmem_shared>> -> memref<32x128xf32, #tpu.memory_space<vmem_shared>>
      %dma_start3A_176 = arith.constant 0 : i32
      %dma_start3A_177 = tpu.memref_slice %arg10[%add3A_34, %dma_start3A_176] : memref<10240x128xf32, #tpu.memory_space<vmem_shared>> -> memref<32x128xf32, #tpu.memory_space<vmem_shared>>
      tpu.enqueue_dma source(%arg9 : memref<32x128xf32, #tpu.memory_space<vmem>>) target(%dma_start3A_177 : memref<32x128xf32, #tpu.memory_space<vmem_shared>>) target_semaphore(%run_scoped3A : memref<!tpu.dma_semaphore, #tpu.memory_space<semaphore_mem>>)
      %dma_wait3A = arith.constant 0 : i32
      %dma_wait3A_178 = tpu.memref_slice %arg10[%add3A_34, %dma_wait3A] : memref<10240x128xf32, #tpu.memory_space<vmem_shared>> -> memref<32x128xf32, #tpu.memory_space<vmem_shared>>
      %dma_wait3A_179 = arith.constant 0 : i32
      %dma_wait3A_180 = tpu.memref_slice %arg10[%add3A_34, %dma_wait3A_179] : memref<10240x128xf32, #tpu.memory_space<vmem_shared>> -> memref<32x128xf32, #tpu.memory_space<vmem_shared>>
      tpu.wait_dma2 semaphore(%run_scoped3A : memref<!tpu.dma_semaphore, #tpu.memory_space<semaphore_mem>>) src(%arg9 : memref<32x128xf32, #tpu.memory_space<vmem>>) dst(%dma_wait3A_180 : memref<32x128xf32, #tpu.memory_space<vmem_shared>>)
      tpu.yield
    }) : () -> ()
    %mul3A_35 = arith.constant 640 : i32
    %mul3A_36 = arith.muli %arg1, %mul3A_35 : i32
    %add3A_37 = arith.constant 224 : i32
    %add3A_38 = arith.addi %mul3A_36, %add3A_37 : i32
    "tpu.region"() ({
      %run_scoped3A = tpu.sem_alloc : memref<!tpu.dma_semaphore, #tpu.memory_space<semaphore_mem>>
      %dma_start3A = arith.constant 0 : i32
      %dma_start3A_175 = tpu.memref_slice %arg10[%add3A_38, %dma_start3A] : memref<10240x128xf32, #tpu.memory_space<vmem_shared>> -> memref<32x128xf32, #tpu.memory_space<vmem_shared>>
      %dma_start3A_176 = arith.constant 0 : i32
      %dma_start3A_177 = tpu.memref_slice %arg10[%add3A_38, %dma_start3A_176] : memref<10240x128xf32, #tpu.memory_space<vmem_shared>> -> memref<32x128xf32, #tpu.memory_space<vmem_shared>>
      tpu.enqueue_dma source(%arg9 : memref<32x128xf32, #tpu.memory_space<vmem>>) target(%dma_start3A_177 : memref<32x128xf32, #tpu.memory_space<vmem_shared>>) target_semaphore(%run_scoped3A : memref<!tpu.dma_semaphore, #tpu.memory_space<semaphore_mem>>)
      %dma_wait3A = arith.constant 0 : i32
      %dma_wait3A_178 = tpu.memref_slice %arg10[%add3A_38, %dma_wait3A] : memref<10240x128xf32, #tpu.memory_space<vmem_shared>> -> memref<32x128xf32, #tpu.memory_space<vmem_shared>>
      %dma_wait3A_179 = arith.constant 0 : i32
      %dma_wait3A_180 = tpu.memref_slice %arg10[%add3A_38, %dma_wait3A_179] : memref<10240x128xf32, #tpu.memory_space<vmem_shared>> -> memref<32x128xf32, #tpu.memory_space<vmem_shared>>
      tpu.wait_dma2 semaphore(%run_scoped3A : memref<!tpu.dma_semaphore, #tpu.memory_space<semaphore_mem>>) src(%arg9 : memref<32x128xf32, #tpu.memory_space<vmem>>) dst(%dma_wait3A_180 : memref<32x128xf32, #tpu.memory_space<vmem_shared>>)
      tpu.yield
    }) : () -> ()
    %mul3A_39 = arith.constant 640 : i32
    %mul3A_40 = arith.muli %arg1, %mul3A_39 : i32
    %add3A_41 = arith.constant 256 : i32
    %add3A_42 = arith.addi %mul3A_40, %add3A_41 : i32
    "tpu.region"() ({
      %run_scoped3A = tpu.sem_alloc : memref<!tpu.dma_semaphore, #tpu.memory_space<semaphore_mem>>
      %dma_start3A = arith.constant 0 : i32
      %dma_start3A_175 = tpu.memref_slice %arg10[%add3A_42, %dma_start3A] : memref<10240x128xf32, #tpu.memory_space<vmem_shared>> -> memref<32x128xf32, #tpu.memory_space<vmem_shared>>
      %dma_start3A_176 = arith.constant 0 : i32
      %dma_start3A_177 = tpu.memref_slice %arg10[%add3A_42, %dma_start3A_176] : memref<10240x128xf32, #tpu.memory_space<vmem_shared>> -> memref<32x128xf32, #tpu.memory_space<vmem_shared>>
      tpu.enqueue_dma source(%arg9 : memref<32x128xf32, #tpu.memory_space<vmem>>) target(%dma_start3A_177 : memref<32x128xf32, #tpu.memory_space<vmem_shared>>) target_semaphore(%run_scoped3A : memref<!tpu.dma_semaphore, #tpu.memory_space<semaphore_mem>>)
      %dma_wait3A = arith.constant 0 : i32
      %dma_wait3A_178 = tpu.memref_slice %arg10[%add3A_42, %dma_wait3A] : memref<10240x128xf32, #tpu.memory_space<vmem_shared>> -> memref<32x128xf32, #tpu.memory_space<vmem_shared>>
      %dma_wait3A_179 = arith.constant 0 : i32
      %dma_wait3A_180 = tpu.memref_slice %arg10[%add3A_42, %dma_wait3A_179] : memref<10240x128xf32, #tpu.memory_space<vmem_shared>> -> memref<32x128xf32, #tpu.memory_space<vmem_shared>>
      tpu.wait_dma2 semaphore(%run_scoped3A : memref<!tpu.dma_semaphore, #tpu.memory_space<semaphore_mem>>) src(%arg9 : memref<32x128xf32, #tpu.memory_space<vmem>>) dst(%dma_wait3A_180 : memref<32x128xf32, #tpu.memory_space<vmem_shared>>)
      tpu.yield
    }) : () -> ()
    %mul3A_43 = arith.constant 640 : i32
    %mul3A_44 = arith.muli %arg1, %mul3A_43 : i32
    %add3A_45 = arith.constant 288 : i32
    %add3A_46 = arith.addi %mul3A_44, %add3A_45 : i32
    "tpu.region"() ({
      %run_scoped3A = tpu.sem_alloc : memref<!tpu.dma_semaphore, #tpu.memory_space<semaphore_mem>>
      %dma_start3A = arith.constant 0 : i32
      %dma_start3A_175 = tpu.memref_slice %arg10[%add3A_46, %dma_start3A] : memref<10240x128xf32, #tpu.memory_space<vmem_shared>> -> memref<32x128xf32, #tpu.memory_space<vmem_shared>>
      %dma_start3A_176 = arith.constant 0 : i32
      %dma_start3A_177 = tpu.memref_slice %arg10[%add3A_46, %dma_start3A_176] : memref<10240x128xf32, #tpu.memory_space<vmem_shared>> -> memref<32x128xf32, #tpu.memory_space<vmem_shared>>
      tpu.enqueue_dma source(%arg9 : memref<32x128xf32, #tpu.memory_space<vmem>>) target(%dma_start3A_177 : memref<32x128xf32, #tpu.memory_space<vmem_shared>>) target_semaphore(%run_scoped3A : memref<!tpu.dma_semaphore, #tpu.memory_space<semaphore_mem>>)
      %dma_wait3A = arith.constant 0 : i32
      %dma_wait3A_178 = tpu.memref_slice %arg10[%add3A_46, %dma_wait3A] : memref<10240x128xf32, #tpu.memory_space<vmem_shared>> -> memref<32x128xf32, #tpu.memory_space<vmem_shared>>
      %dma_wait3A_179 = arith.constant 0 : i32
      %dma_wait3A_180 = tpu.memref_slice %arg10[%add3A_46, %dma_wait3A_179] : memref<10240x128xf32, #tpu.memory_space<vmem_shared>> -> memref<32x128xf32, #tpu.memory_space<vmem_shared>>
      tpu.wait_dma2 semaphore(%run_scoped3A : memref<!tpu.dma_semaphore, #tpu.memory_space<semaphore_mem>>) src(%arg9 : memref<32x128xf32, #tpu.memory_space<vmem>>) dst(%dma_wait3A_180 : memref<32x128xf32, #tpu.memory_space<vmem_shared>>)
      tpu.yield
    }) : () -> ()
    %mul3A_47 = arith.constant 640 : i32
    %mul3A_48 = arith.muli %arg1, %mul3A_47 : i32
    %add3A_49 = arith.constant 320 : i32
    %add3A_50 = arith.addi %mul3A_48, %add3A_49 : i32
    "tpu.region"() ({
      %run_scoped3A = tpu.sem_alloc : memref<!tpu.dma_semaphore, #tpu.memory_space<semaphore_mem>>
      %dma_start3A = arith.constant 0 : i32
      %dma_start3A_175 = tpu.memref_slice %arg10[%add3A_50, %dma_start3A] : memref<10240x128xf32, #tpu.memory_space<vmem_shared>> -> memref<32x128xf32, #tpu.memory_space<vmem_shared>>
      %dma_start3A_176 = arith.constant 0 : i32
      %dma_start3A_177 = tpu.memref_slice %arg10[%add3A_50, %dma_start3A_176] : memref<10240x128xf32, #tpu.memory_space<vmem_shared>> -> memref<32x128xf32, #tpu.memory_space<vmem_shared>>
      tpu.enqueue_dma source(%arg9 : memref<32x128xf32, #tpu.memory_space<vmem>>) target(%dma_start3A_177 : memref<32x128xf32, #tpu.memory_space<vmem_shared>>) target_semaphore(%run_scoped3A : memref<!tpu.dma_semaphore, #tpu.memory_space<semaphore_mem>>)
      %dma_wait3A = arith.constant 0 : i32
      %dma_wait3A_178 = tpu.memref_slice %arg10[%add3A_50, %dma_wait3A] : memref<10240x128xf32, #tpu.memory_space<vmem_shared>> -> memref<32x128xf32, #tpu.memory_space<vmem_shared>>
      %dma_wait3A_179 = arith.constant 0 : i32
      %dma_wait3A_180 = tpu.memref_slice %arg10[%add3A_50, %dma_wait3A_179] : memref<10240x128xf32, #tpu.memory_space<vmem_shared>> -> memref<32x128xf32, #tpu.memory_space<vmem_shared>>
      tpu.wait_dma2 semaphore(%run_scoped3A : memref<!tpu.dma_semaphore, #tpu.memory_space<semaphore_mem>>) src(%arg9 : memref<32x128xf32, #tpu.memory_space<vmem>>) dst(%dma_wait3A_180 : memref<32x128xf32, #tpu.memory_space<vmem_shared>>)
      tpu.yield
    }) : () -> ()
    %mul3A_51 = arith.constant 640 : i32
    %mul3A_52 = arith.muli %arg1, %mul3A_51 : i32
    %add3A_53 = arith.constant 352 : i32
    %add3A_54 = arith.addi %mul3A_52, %add3A_53 : i32
    "tpu.region"() ({
      %run_scoped3A = tpu.sem_alloc : memref<!tpu.dma_semaphore, #tpu.memory_space<semaphore_mem>>
      %dma_start3A = arith.constant 0 : i32
      %dma_start3A_175 = tpu.memref_slice %arg10[%add3A_54, %dma_start3A] : memref<10240x128xf32, #tpu.memory_space<vmem_shared>> -> memref<32x128xf32, #tpu.memory_space<vmem_shared>>
      %dma_start3A_176 = arith.constant 0 : i32
      %dma_start3A_177 = tpu.memref_slice %arg10[%add3A_54, %dma_start3A_176] : memref<10240x128xf32, #tpu.memory_space<vmem_shared>> -> memref<32x128xf32, #tpu.memory_space<vmem_shared>>
      tpu.enqueue_dma source(%arg9 : memref<32x128xf32, #tpu.memory_space<vmem>>) target(%dma_start3A_177 : memref<32x128xf32, #tpu.memory_space<vmem_shared>>) target_semaphore(%run_scoped3A : memref<!tpu.dma_semaphore, #tpu.memory_space<semaphore_mem>>)
      %dma_wait3A = arith.constant 0 : i32
      %dma_wait3A_178 = tpu.memref_slice %arg10[%add3A_54, %dma_wait3A] : memref<10240x128xf32, #tpu.memory_space<vmem_shared>> -> memref<32x128xf32, #tpu.memory_space<vmem_shared>>
      %dma_wait3A_179 = arith.constant 0 : i32
      %dma_wait3A_180 = tpu.memref_slice %arg10[%add3A_54, %dma_wait3A_179] : memref<10240x128xf32, #tpu.memory_space<vmem_shared>> -> memref<32x128xf32, #tpu.memory_space<vmem_shared>>
      tpu.wait_dma2 semaphore(%run_scoped3A : memref<!tpu.dma_semaphore, #tpu.memory_space<semaphore_mem>>) src(%arg9 : memref<32x128xf32, #tpu.memory_space<vmem>>) dst(%dma_wait3A_180 : memref<32x128xf32, #tpu.memory_space<vmem_shared>>)
      tpu.yield
    }) : () -> ()
    %mul3A_55 = arith.constant 640 : i32
    %mul3A_56 = arith.muli %arg1, %mul3A_55 : i32
    %add3A_57 = arith.constant 384 : i32
    %add3A_58 = arith.addi %mul3A_56, %add3A_57 : i32
    "tpu.region"() ({
      %run_scoped3A = tpu.sem_alloc : memref<!tpu.dma_semaphore, #tpu.memory_space<semaphore_mem>>
      %dma_start3A = arith.constant 0 : i32
      %dma_start3A_175 = tpu.memref_slice %arg10[%add3A_58, %dma_start3A] : memref<10240x128xf32, #tpu.memory_space<vmem_shared>> -> memref<32x128xf32, #tpu.memory_space<vmem_shared>>
      %dma_start3A_176 = arith.constant 0 : i32
      %dma_start3A_177 = tpu.memref_slice %arg10[%add3A_58, %dma_start3A_176] : memref<10240x128xf32, #tpu.memory_space<vmem_shared>> -> memref<32x128xf32, #tpu.memory_space<vmem_shared>>
      tpu.enqueue_dma source(%arg9 : memref<32x128xf32, #tpu.memory_space<vmem>>) target(%dma_start3A_177 : memref<32x128xf32, #tpu.memory_space<vmem_shared>>) target_semaphore(%run_scoped3A : memref<!tpu.dma_semaphore, #tpu.memory_space<semaphore_mem>>)
      %dma_wait3A = arith.constant 0 : i32
      %dma_wait3A_178 = tpu.memref_slice %arg10[%add3A_58, %dma_wait3A] : memref<10240x128xf32, #tpu.memory_space<vmem_shared>> -> memref<32x128xf32, #tpu.memory_space<vmem_shared>>
      %dma_wait3A_179 = arith.constant 0 : i32
      %dma_wait3A_180 = tpu.memref_slice %arg10[%add3A_58, %dma_wait3A_179] : memref<10240x128xf32, #tpu.memory_space<vmem_shared>> -> memref<32x128xf32, #tpu.memory_space<vmem_shared>>
      tpu.wait_dma2 semaphore(%run_scoped3A : memref<!tpu.dma_semaphore, #tpu.memory_space<semaphore_mem>>) src(%arg9 : memref<32x128xf32, #tpu.memory_space<vmem>>) dst(%dma_wait3A_180 : memref<32x128xf32, #tpu.memory_space<vmem_shared>>)
      tpu.yield
    }) : () -> ()
    %mul3A_59 = arith.constant 640 : i32
    %mul3A_60 = arith.muli %arg1, %mul3A_59 : i32
    %add3A_61 = arith.constant 416 : i32
    %add3A_62 = arith.addi %mul3A_60, %add3A_61 : i32
    "tpu.region"() ({
      %run_scoped3A = tpu.sem_alloc : memref<!tpu.dma_semaphore, #tpu.memory_space<semaphore_mem>>
      %dma_start3A = arith.constant 0 : i32
      %dma_start3A_175 = tpu.memref_slice %arg10[%add3A_62, %dma_start3A] : memref<10240x128xf32, #tpu.memory_space<vmem_shared>> -> memref<32x128xf32, #tpu.memory_space<vmem_shared>>
      %dma_start3A_176 = arith.constant 0 : i32
      %dma_start3A_177 = tpu.memref_slice %arg10[%add3A_62, %dma_start3A_176] : memref<10240x128xf32, #tpu.memory_space<vmem_shared>> -> memref<32x128xf32, #tpu.memory_space<vmem_shared>>
      tpu.enqueue_dma source(%arg9 : memref<32x128xf32, #tpu.memory_space<vmem>>) target(%dma_start3A_177 : memref<32x128xf32, #tpu.memory_space<vmem_shared>>) target_semaphore(%run_scoped3A : memref<!tpu.dma_semaphore, #tpu.memory_space<semaphore_mem>>)
      %dma_wait3A = arith.constant 0 : i32
      %dma_wait3A_178 = tpu.memref_slice %arg10[%add3A_62, %dma_wait3A] : memref<10240x128xf32, #tpu.memory_space<vmem_shared>> -> memref<32x128xf32, #tpu.memory_space<vmem_shared>>
      %dma_wait3A_179 = arith.constant 0 : i32
      %dma_wait3A_180 = tpu.memref_slice %arg10[%add3A_62, %dma_wait3A_179] : memref<10240x128xf32, #tpu.memory_space<vmem_shared>> -> memref<32x128xf32, #tpu.memory_space<vmem_shared>>
      tpu.wait_dma2 semaphore(%run_scoped3A : memref<!tpu.dma_semaphore, #tpu.memory_space<semaphore_mem>>) src(%arg9 : memref<32x128xf32, #tpu.memory_space<vmem>>) dst(%dma_wait3A_180 : memref<32x128xf32, #tpu.memory_space<vmem_shared>>)
      tpu.yield
    }) : () -> ()
    %mul3A_63 = arith.constant 640 : i32
    %mul3A_64 = arith.muli %arg1, %mul3A_63 : i32
    %add3A_65 = arith.constant 448 : i32
    %add3A_66 = arith.addi %mul3A_64, %add3A_65 : i32
    "tpu.region"() ({
      %run_scoped3A = tpu.sem_alloc : memref<!tpu.dma_semaphore, #tpu.memory_space<semaphore_mem>>
      %dma_start3A = arith.constant 0 : i32
      %dma_start3A_175 = tpu.memref_slice %arg10[%add3A_66, %dma_start3A] : memref<10240x128xf32, #tpu.memory_space<vmem_shared>> -> memref<32x128xf32, #tpu.memory_space<vmem_shared>>
      %dma_start3A_176 = arith.constant 0 : i32
      %dma_start3A_177 = tpu.memref_slice %arg10[%add3A_66, %dma_start3A_176] : memref<10240x128xf32, #tpu.memory_space<vmem_shared>> -> memref<32x128xf32, #tpu.memory_space<vmem_shared>>
      tpu.enqueue_dma source(%arg9 : memref<32x128xf32, #tpu.memory_space<vmem>>) target(%dma_start3A_177 : memref<32x128xf32, #tpu.memory_space<vmem_shared>>) target_semaphore(%run_scoped3A : memref<!tpu.dma_semaphore, #tpu.memory_space<semaphore_mem>>)
      %dma_wait3A = arith.constant 0 : i32
      %dma_wait3A_178 = tpu.memref_slice %arg10[%add3A_66, %dma_wait3A] : memref<10240x128xf32, #tpu.memory_space<vmem_shared>> -> memref<32x128xf32, #tpu.memory_space<vmem_shared>>
      %dma_wait3A_179 = arith.constant 0 : i32
      %dma_wait3A_180 = tpu.memref_slice %arg10[%add3A_66, %dma_wait3A_179] : memref<10240x128xf32, #tpu.memory_space<vmem_shared>> -> memref<32x128xf32, #tpu.memory_space<vmem_shared>>
      tpu.wait_dma2 semaphore(%run_scoped3A : memref<!tpu.dma_semaphore, #tpu.memory_space<semaphore_mem>>) src(%arg9 : memref<32x128xf32, #tpu.memory_space<vmem>>) dst(%dma_wait3A_180 : memref<32x128xf32, #tpu.memory_space<vmem_shared>>)
      tpu.yield
    }) : () -> ()
    %mul3A_67 = arith.constant 640 : i32
    %mul3A_68 = arith.muli %arg1, %mul3A_67 : i32
    %add3A_69 = arith.constant 480 : i32
    %add3A_70 = arith.addi %mul3A_68, %add3A_69 : i32
    "tpu.region"() ({
      %run_scoped3A = tpu.sem_alloc : memref<!tpu.dma_semaphore, #tpu.memory_space<semaphore_mem>>
      %dma_start3A = arith.constant 0 : i32
      %dma_start3A_175 = tpu.memref_slice %arg10[%add3A_70, %dma_start3A] : memref<10240x128xf32, #tpu.memory_space<vmem_shared>> -> memref<32x128xf32, #tpu.memory_space<vmem_shared>>
      %dma_start3A_176 = arith.constant 0 : i32
      %dma_start3A_177 = tpu.memref_slice %arg10[%add3A_70, %dma_start3A_176] : memref<10240x128xf32, #tpu.memory_space<vmem_shared>> -> memref<32x128xf32, #tpu.memory_space<vmem_shared>>
      tpu.enqueue_dma source(%arg9 : memref<32x128xf32, #tpu.memory_space<vmem>>) target(%dma_start3A_177 : memref<32x128xf32, #tpu.memory_space<vmem_shared>>) target_semaphore(%run_scoped3A : memref<!tpu.dma_semaphore, #tpu.memory_space<semaphore_mem>>)
      %dma_wait3A = arith.constant 0 : i32
      %dma_wait3A_178 = tpu.memref_slice %arg10[%add3A_70, %dma_wait3A] : memref<10240x128xf32, #tpu.memory_space<vmem_shared>> -> memref<32x128xf32, #tpu.memory_space<vmem_shared>>
      %dma_wait3A_179 = arith.constant 0 : i32
      %dma_wait3A_180 = tpu.memref_slice %arg10[%add3A_70, %dma_wait3A_179] : memref<10240x128xf32, #tpu.memory_space<vmem_shared>> -> memref<32x128xf32, #tpu.memory_space<vmem_shared>>
      tpu.wait_dma2 semaphore(%run_scoped3A : memref<!tpu.dma_semaphore, #tpu.memory_space<semaphore_mem>>) src(%arg9 : memref<32x128xf32, #tpu.memory_space<vmem>>) dst(%dma_wait3A_180 : memref<32x128xf32, #tpu.memory_space<vmem_shared>>)
      tpu.yield
    }) : () -> ()
    %mul3A_71 = arith.constant 640 : i32
    %mul3A_72 = arith.muli %arg1, %mul3A_71 : i32
    %add3A_73 = arith.constant 512 : i32
    %add3A_74 = arith.addi %mul3A_72, %add3A_73 : i32
    "tpu.region"() ({
      %run_scoped3A = tpu.sem_alloc : memref<!tpu.dma_semaphore, #tpu.memory_space<semaphore_mem>>
      %dma_start3A = arith.constant 0 : i32
      %dma_start3A_175 = tpu.memref_slice %arg10[%add3A_74, %dma_start3A] : memref<10240x128xf32, #tpu.memory_space<vmem_shared>> -> memref<32x128xf32, #tpu.memory_space<vmem_shared>>
      %dma_start3A_176 = arith.constant 0 : i32
      %dma_start3A_177 = tpu.memref_slice %arg10[%add3A_74, %dma_start3A_176] : memref<10240x128xf32, #tpu.memory_space<vmem_shared>> -> memref<32x128xf32, #tpu.memory_space<vmem_shared>>
      tpu.enqueue_dma source(%arg9 : memref<32x128xf32, #tpu.memory_space<vmem>>) target(%dma_start3A_177 : memref<32x128xf32, #tpu.memory_space<vmem_shared>>) target_semaphore(%run_scoped3A : memref<!tpu.dma_semaphore, #tpu.memory_space<semaphore_mem>>)
      %dma_wait3A = arith.constant 0 : i32
      %dma_wait3A_178 = tpu.memref_slice %arg10[%add3A_74, %dma_wait3A] : memref<10240x128xf32, #tpu.memory_space<vmem_shared>> -> memref<32x128xf32, #tpu.memory_space<vmem_shared>>
      %dma_wait3A_179 = arith.constant 0 : i32
      %dma_wait3A_180 = tpu.memref_slice %arg10[%add3A_74, %dma_wait3A_179] : memref<10240x128xf32, #tpu.memory_space<vmem_shared>> -> memref<32x128xf32, #tpu.memory_space<vmem_shared>>
      tpu.wait_dma2 semaphore(%run_scoped3A : memref<!tpu.dma_semaphore, #tpu.memory_space<semaphore_mem>>) src(%arg9 : memref<32x128xf32, #tpu.memory_space<vmem>>) dst(%dma_wait3A_180 : memref<32x128xf32, #tpu.memory_space<vmem_shared>>)
      tpu.yield
    }) : () -> ()
    %mul3A_75 = arith.constant 640 : i32
    %mul3A_76 = arith.muli %arg1, %mul3A_75 : i32
    %add3A_77 = arith.constant 544 : i32
    %add3A_78 = arith.addi %mul3A_76, %add3A_77 : i32
    "tpu.region"() ({
      %run_scoped3A = tpu.sem_alloc : memref<!tpu.dma_semaphore, #tpu.memory_space<semaphore_mem>>
      %dma_start3A = arith.constant 0 : i32
      %dma_start3A_175 = tpu.memref_slice %arg10[%add3A_78, %dma_start3A] : memref<10240x128xf32, #tpu.memory_space<vmem_shared>> -> memref<32x128xf32, #tpu.memory_space<vmem_shared>>
      %dma_start3A_176 = arith.constant 0 : i32
      %dma_start3A_177 = tpu.memref_slice %arg10[%add3A_78, %dma_start3A_176] : memref<10240x128xf32, #tpu.memory_space<vmem_shared>> -> memref<32x128xf32, #tpu.memory_space<vmem_shared>>
      tpu.enqueue_dma source(%arg9 : memref<32x128xf32, #tpu.memory_space<vmem>>) target(%dma_start3A_177 : memref<32x128xf32, #tpu.memory_space<vmem_shared>>) target_semaphore(%run_scoped3A : memref<!tpu.dma_semaphore, #tpu.memory_space<semaphore_mem>>)
      %dma_wait3A = arith.constant 0 : i32
      %dma_wait3A_178 = tpu.memref_slice %arg10[%add3A_78, %dma_wait3A] : memref<10240x128xf32, #tpu.memory_space<vmem_shared>> -> memref<32x128xf32, #tpu.memory_space<vmem_shared>>
      %dma_wait3A_179 = arith.constant 0 : i32
      %dma_wait3A_180 = tpu.memref_slice %arg10[%add3A_78, %dma_wait3A_179] : memref<10240x128xf32, #tpu.memory_space<vmem_shared>> -> memref<32x128xf32, #tpu.memory_space<vmem_shared>>
      tpu.wait_dma2 semaphore(%run_scoped3A : memref<!tpu.dma_semaphore, #tpu.memory_space<semaphore_mem>>) src(%arg9 : memref<32x128xf32, #tpu.memory_space<vmem>>) dst(%dma_wait3A_180 : memref<32x128xf32, #tpu.memory_space<vmem_shared>>)
      tpu.yield
    }) : () -> ()
    %mul3A_79 = arith.constant 640 : i32
    %mul3A_80 = arith.muli %arg1, %mul3A_79 : i32
    %add3A_81 = arith.constant 576 : i32
    %add3A_82 = arith.addi %mul3A_80, %add3A_81 : i32
    "tpu.region"() ({
      %run_scoped3A = tpu.sem_alloc : memref<!tpu.dma_semaphore, #tpu.memory_space<semaphore_mem>>
      %dma_start3A = arith.constant 0 : i32
      %dma_start3A_175 = tpu.memref_slice %arg10[%add3A_82, %dma_start3A] : memref<10240x128xf32, #tpu.memory_space<vmem_shared>> -> memref<32x128xf32, #tpu.memory_space<vmem_shared>>
      %dma_start3A_176 = arith.constant 0 : i32
      %dma_start3A_177 = tpu.memref_slice %arg10[%add3A_82, %dma_start3A_176] : memref<10240x128xf32, #tpu.memory_space<vmem_shared>> -> memref<32x128xf32, #tpu.memory_space<vmem_shared>>
      tpu.enqueue_dma source(%arg9 : memref<32x128xf32, #tpu.memory_space<vmem>>) target(%dma_start3A_177 : memref<32x128xf32, #tpu.memory_space<vmem_shared>>) target_semaphore(%run_scoped3A : memref<!tpu.dma_semaphore, #tpu.memory_space<semaphore_mem>>)
      %dma_wait3A = arith.constant 0 : i32
      %dma_wait3A_178 = tpu.memref_slice %arg10[%add3A_82, %dma_wait3A] : memref<10240x128xf32, #tpu.memory_space<vmem_shared>> -> memref<32x128xf32, #tpu.memory_space<vmem_shared>>
      %dma_wait3A_179 = arith.constant 0 : i32
      %dma_wait3A_180 = tpu.memref_slice %arg10[%add3A_82, %dma_wait3A_179] : memref<10240x128xf32, #tpu.memory_space<vmem_shared>> -> memref<32x128xf32, #tpu.memory_space<vmem_shared>>
      tpu.wait_dma2 semaphore(%run_scoped3A : memref<!tpu.dma_semaphore, #tpu.memory_space<semaphore_mem>>) src(%arg9 : memref<32x128xf32, #tpu.memory_space<vmem>>) dst(%dma_wait3A_180 : memref<32x128xf32, #tpu.memory_space<vmem_shared>>)
      tpu.yield
    }) : () -> ()
    %mul3A_83 = arith.constant 640 : i32
    %mul3A_84 = arith.muli %arg1, %mul3A_83 : i32
    %add3A_85 = arith.constant 608 : i32
    %add3A_86 = arith.addi %mul3A_84, %add3A_85 : i32
    "tpu.region"() ({
      %run_scoped3A = tpu.sem_alloc : memref<!tpu.dma_semaphore, #tpu.memory_space<semaphore_mem>>
      %dma_start3A = arith.constant 0 : i32
      %dma_start3A_175 = tpu.memref_slice %arg10[%add3A_86, %dma_start3A] : memref<10240x128xf32, #tpu.memory_space<vmem_shared>> -> memref<32x128xf32, #tpu.memory_space<vmem_shared>>
      %dma_start3A_176 = arith.constant 0 : i32
      %dma_start3A_177 = tpu.memref_slice %arg10[%add3A_86, %dma_start3A_176] : memref<10240x128xf32, #tpu.memory_space<vmem_shared>> -> memref<32x128xf32, #tpu.memory_space<vmem_shared>>
      tpu.enqueue_dma source(%arg9 : memref<32x128xf32, #tpu.memory_space<vmem>>) target(%dma_start3A_177 : memref<32x128xf32, #tpu.memory_space<vmem_shared>>) target_semaphore(%run_scoped3A : memref<!tpu.dma_semaphore, #tpu.memory_space<semaphore_mem>>)
      %dma_wait3A = arith.constant 0 : i32
      %dma_wait3A_178 = tpu.memref_slice %arg10[%add3A_86, %dma_wait3A] : memref<10240x128xf32, #tpu.memory_space<vmem_shared>> -> memref<32x128xf32, #tpu.memory_space<vmem_shared>>
      %dma_wait3A_179 = arith.constant 0 : i32
      %dma_wait3A_180 = tpu.memref_slice %arg10[%add3A_86, %dma_wait3A_179] : memref<10240x128xf32, #tpu.memory_space<vmem_shared>> -> memref<32x128xf32, #tpu.memory_space<vmem_shared>>
      tpu.wait_dma2 semaphore(%run_scoped3A : memref<!tpu.dma_semaphore, #tpu.memory_space<semaphore_mem>>) src(%arg9 : memref<32x128xf32, #tpu.memory_space<vmem>>) dst(%dma_wait3A_180 : memref<32x128xf32, #tpu.memory_space<vmem_shared>>)
      tpu.yield
    }) : () -> ()
    %barrier3A = arith.constant 0 : index
    tpu.barrier barrier_id(%barrier3A)
    %scan3A_87 = arith.constant 0 : i32
    %scan3A_88 = arith.constant 0 : i32
    %scan3A_89 = arith.constant 80 : i32
    %scan3A_90 = arith.addi %scan3A_88, %scan3A_89 : i32
    %scan3A_91 = arith.constant 1 : i32
    %scan3A_92 = scf.for %scan3A_175 = %scan3A_88 to %scan3A_90 step %scan3A_91 iter_args(%scan3A_176 = %scan3A_87) -> (i32)  : i32 {
      %dma_start3A = arith.constant 0 : i32
      %dma_start3A_177 = tpu.memref_slice %arg6[%scan3A_175, %dma_start3A] : memref<80x125xi32, #tpu.memory_space<vmem>> -> memref<1x125xi32, #tpu.memory_space<vmem>>
      %dma_start3A_178 = tpu.memref_squeeze %dma_start3A_177 : memref<1x125xi32, #tpu.memory_space<vmem>> -> memref<125xi32, #tpu.memory_space<vmem>>
      %dma_start3A_179 = arith.constant 0 : i32
      %dma_start3A_180 = arith.constant 0 : i32
      %dma_start3A_181 = tpu.memref_slice %arg2[%dma_start3A_179, %dma_start3A_180] : memref<10240x128xf32, #tpu.memory_space<hbm>> -> memref<10240x128xf32, #tpu.memory_space<hbm>>
      tpu.enqueue_indirect_dma source(%dma_start3A_181 : memref<10240x128xf32, #tpu.memory_space<hbm>>) target(%arg8 : memref<125x128xf32, #tpu.memory_space<vmem>>) offsets(%dma_start3A_178 : memref<125xi32, #tpu.memory_space<vmem>>) semaphore(%arg11 : memref<!tpu.dma_semaphore, #tpu.memory_space<semaphore_mem>>)
      %dma_wait3A = arith.constant 0 : i32
      %dma_wait3A_182 = tpu.memref_slice %arg6[%scan3A_175, %dma_wait3A] : memref<80x125xi32, #tpu.memory_space<vmem>> -> memref<1x125xi32, #tpu.memory_space<vmem>>
      %dma_wait3A_183 = tpu.memref_squeeze %dma_wait3A_182 : memref<1x125xi32, #tpu.memory_space<vmem>> -> memref<125xi32, #tpu.memory_space<vmem>>
      %dma_wait3A_184 = arith.constant 0 : i32
      %dma_wait3A_185 = arith.constant 0 : i32
      %dma_wait3A_186 = tpu.memref_slice %arg2[%dma_wait3A_184, %dma_wait3A_185] : memref<10240x128xf32, #tpu.memory_space<hbm>> -> memref<10240x128xf32, #tpu.memory_space<hbm>>
      tpu.wait_indirect_dma semaphore(%arg11 : memref<!tpu.dma_semaphore, #tpu.memory_space<semaphore_mem>>) src(%dma_wait3A_186 : memref<10240x128xf32, #tpu.memory_space<hbm>>) dst(%arg8 : memref<125x128xf32, #tpu.memory_space<vmem>>)
      "tpu.region"() ({
        %run_scoped3A = tpu.sem_alloc : memref<!tpu.dma_semaphore, #tpu.memory_space<semaphore_mem>>
        %dma_start3A_188 = arith.constant 0 : i32
        %dma_start3A_189 = tpu.memref_slice %arg7[%scan3A_175, %dma_start3A_188] : memref<80x125xi32, #tpu.memory_space<vmem>> -> memref<1x125xi32, #tpu.memory_space<vmem>>
        %dma_start3A_190 = tpu.memref_squeeze %dma_start3A_189 : memref<1x125xi32, #tpu.memory_space<vmem>> -> memref<125xi32, #tpu.memory_space<vmem>>
        %dma_start3A_191 = arith.constant 0 : i32
        %dma_start3A_192 = arith.constant 0 : i32
        %dma_start3A_193 = tpu.memref_slice %arg10[%dma_start3A_191, %dma_start3A_192] : memref<10240x128xf32, #tpu.memory_space<vmem_shared>> -> memref<10240x128xf32, #tpu.memory_space<vmem_shared>>
        tpu.enqueue_indirect_dma source(%arg8 : memref<125x128xf32, #tpu.memory_space<vmem>>) target(%dma_start3A_193 : memref<10240x128xf32, #tpu.memory_space<vmem_shared>>) offsets(%dma_start3A_190 : memref<125xi32, #tpu.memory_space<vmem>>) semaphore(%run_scoped3A : memref<!tpu.dma_semaphore, #tpu.memory_space<semaphore_mem>>) {add = true}
        %dma_wait3A_194 = arith.constant 0 : i32
        %dma_wait3A_195 = tpu.memref_slice %arg7[%scan3A_175, %dma_wait3A_194] : memref<80x125xi32, #tpu.memory_space<vmem>> -> memref<1x125xi32, #tpu.memory_space<vmem>>
        %dma_wait3A_196 = tpu.memref_squeeze %dma_wait3A_195 : memref<1x125xi32, #tpu.memory_space<vmem>> -> memref<125xi32, #tpu.memory_space<vmem>>
        %dma_wait3A_197 = arith.constant 0 : i32
        %dma_wait3A_198 = arith.constant 0 : i32
        %dma_wait3A_199 = tpu.memref_slice %arg10[%dma_wait3A_197, %dma_wait3A_198] : memref<10240x128xf32, #tpu.memory_space<vmem_shared>> -> memref<10240x128xf32, #tpu.memory_space<vmem_shared>>
        tpu.wait_indirect_dma semaphore(%run_scoped3A : memref<!tpu.dma_semaphore, #tpu.memory_space<semaphore_mem>>) src(%arg8 : memref<125x128xf32, #tpu.memory_space<vmem>>) dst(%dma_wait3A_199 : memref<10240x128xf32, #tpu.memory_space<vmem_shared>>)
        tpu.yield
      }) : () -> ()
      %scan3A_187 = arith.constant 0 : i32
      scf.yield %scan3A_187 : i32
    }
    %scan3A_93 = arith.constant 80 : i32
    %barrier3A_94 = arith.constant 0 : index
    tpu.barrier barrier_id(%barrier3A_94)
    %mul3A_95 = arith.constant 640 : i32
    %mul3A_96 = arith.muli %arg1, %mul3A_95 : i32
    %add3A_97 = arith.constant 0 : i32
    %add3A_98 = arith.addi %mul3A_96, %add3A_97 : i32
    "tpu.region"() ({
      %run_scoped3A = tpu.sem_alloc : memref<!tpu.dma_semaphore, #tpu.memory_space<semaphore_mem>>
      %dma_start3A = arith.constant 0 : i32
      %dma_start3A_175 = tpu.memref_slice %arg10[%add3A_98, %dma_start3A] : memref<10240x128xf32, #tpu.memory_space<vmem_shared>> -> memref<32x128xf32, #tpu.memory_space<vmem_shared>>
      %dma_start3A_176 = arith.constant 0 : i32
      %dma_start3A_177 = tpu.memref_slice %arg10[%add3A_98, %dma_start3A_176] : memref<10240x128xf32, #tpu.memory_space<vmem_shared>> -> memref<32x128xf32, #tpu.memory_space<vmem_shared>>
      tpu.enqueue_dma source(%dma_start3A_177 : memref<32x128xf32, #tpu.memory_space<vmem_shared>>) target(%arg9 : memref<32x128xf32, #tpu.memory_space<vmem>>) target_semaphore(%run_scoped3A : memref<!tpu.dma_semaphore, #tpu.memory_space<semaphore_mem>>)
      %dma_wait3A = arith.constant 0 : i32
      %dma_wait3A_178 = tpu.memref_slice %arg10[%add3A_98, %dma_wait3A] : memref<10240x128xf32, #tpu.memory_space<vmem_shared>> -> memref<32x128xf32, #tpu.memory_space<vmem_shared>>
      %dma_wait3A_179 = arith.constant 0 : i32
      %dma_wait3A_180 = tpu.memref_slice %arg10[%add3A_98, %dma_wait3A_179] : memref<10240x128xf32, #tpu.memory_space<vmem_shared>> -> memref<32x128xf32, #tpu.memory_space<vmem_shared>>
      tpu.wait_dma2 semaphore(%run_scoped3A : memref<!tpu.dma_semaphore, #tpu.memory_space<semaphore_mem>>) src(%dma_wait3A_180 : memref<32x128xf32, #tpu.memory_space<vmem_shared>>) dst(%arg9 : memref<32x128xf32, #tpu.memory_space<vmem>>)
      tpu.yield
    }) : () -> ()
    "tpu.region"() ({
      %run_scoped3A = tpu.sem_alloc : memref<!tpu.dma_semaphore, #tpu.memory_space<semaphore_mem>>
      %dma_start3A = arith.constant 0 : i32
      %dma_start3A_175 = tpu.memref_slice %arg5[%arg0, %add3A_98, %dma_start3A] : memref<2x10240x128xf32, #tpu.memory_space<hbm>> -> memref<1x32x128xf32, #tpu.memory_space<hbm>>
      %dma_start3A_176 = tpu.memref_squeeze %dma_start3A_175 : memref<1x32x128xf32, #tpu.memory_space<hbm>> -> memref<32x128xf32, #tpu.memory_space<hbm>>
      %dma_start3A_177 = arith.constant 0 : i32
      %dma_start3A_178 = tpu.memref_slice %arg5[%arg0, %add3A_98, %dma_start3A_177] : memref<2x10240x128xf32, #tpu.memory_space<hbm>> -> memref<1x32x128xf32, #tpu.memory_space<hbm>>
      %dma_start3A_179 = tpu.memref_squeeze %dma_start3A_178 : memref<1x32x128xf32, #tpu.memory_space<hbm>> -> memref<32x128xf32, #tpu.memory_space<hbm>>
      tpu.enqueue_dma source(%arg9 : memref<32x128xf32, #tpu.memory_space<vmem>>) target(%dma_start3A_179 : memref<32x128xf32, #tpu.memory_space<hbm>>) target_semaphore(%run_scoped3A : memref<!tpu.dma_semaphore, #tpu.memory_space<semaphore_mem>>)
      %dma_wait3A = arith.constant 0 : i32
      %dma_wait3A_180 = tpu.memref_slice %arg5[%arg0, %add3A_98, %dma_wait3A] : memref<2x10240x128xf32, #tpu.memory_space<hbm>> -> memref<1x32x128xf32, #tpu.memory_space<hbm>>
      %dma_wait3A_181 = tpu.memref_squeeze %dma_wait3A_180 : memref<1x32x128xf32, #tpu.memory_space<hbm>> -> memref<32x128xf32, #tpu.memory_space<hbm>>
      %dma_wait3A_182 = arith.constant 0 : i32
      %dma_wait3A_183 = tpu.memref_slice %arg5[%arg0, %add3A_98, %dma_wait3A_182] : memref<2x10240x128xf32, #tpu.memory_space<hbm>> -> memref<1x32x128xf32, #tpu.memory_space<hbm>>
      %dma_wait3A_184 = tpu.memref_squeeze %dma_wait3A_183 : memref<1x32x128xf32, #tpu.memory_space<hbm>> -> memref<32x128xf32, #tpu.memory_space<hbm>>
      tpu.wait_dma2 semaphore(%run_scoped3A : memref<!tpu.dma_semaphore, #tpu.memory_space<semaphore_mem>>) src(%arg9 : memref<32x128xf32, #tpu.memory_space<vmem>>) dst(%dma_wait3A_184 : memref<32x128xf32, #tpu.memory_space<hbm>>)
      tpu.yield
    }) : () -> ()
    %mul3A_99 = arith.constant 640 : i32
    %mul3A_100 = arith.muli %arg1, %mul3A_99 : i32
    %add3A_101 = arith.constant 32 : i32
    %add3A_102 = arith.addi %mul3A_100, %add3A_101 : i32
    "tpu.region"() ({
      %run_scoped3A = tpu.sem_alloc : memref<!tpu.dma_semaphore, #tpu.memory_space<semaphore_mem>>
      %dma_start3A = arith.constant 0 : i32
      %dma_start3A_175 = tpu.memref_slice %arg10[%add3A_102, %dma_start3A] : memref<10240x128xf32, #tpu.memory_space<vmem_shared>> -> memref<32x128xf32, #tpu.memory_space<vmem_shared>>
      %dma_start3A_176 = arith.constant 0 : i32
      %dma_start3A_177 = tpu.memref_slice %arg10[%add3A_102, %dma_start3A_176] : memref<10240x128xf32, #tpu.memory_space<vmem_shared>> -> memref<32x128xf32, #tpu.memory_space<vmem_shared>>
      tpu.enqueue_dma source(%dma_start3A_177 : memref<32x128xf32, #tpu.memory_space<vmem_shared>>) target(%arg9 : memref<32x128xf32, #tpu.memory_space<vmem>>) target_semaphore(%run_scoped3A : memref<!tpu.dma_semaphore, #tpu.memory_space<semaphore_mem>>)
      %dma_wait3A = arith.constant 0 : i32
      %dma_wait3A_178 = tpu.memref_slice %arg10[%add3A_102, %dma_wait3A] : memref<10240x128xf32, #tpu.memory_space<vmem_shared>> -> memref<32x128xf32, #tpu.memory_space<vmem_shared>>
      %dma_wait3A_179 = arith.constant 0 : i32
      %dma_wait3A_180 = tpu.memref_slice %arg10[%add3A_102, %dma_wait3A_179] : memref<10240x128xf32, #tpu.memory_space<vmem_shared>> -> memref<32x128xf32, #tpu.memory_space<vmem_shared>>
      tpu.wait_dma2 semaphore(%run_scoped3A : memref<!tpu.dma_semaphore, #tpu.memory_space<semaphore_mem>>) src(%dma_wait3A_180 : memref<32x128xf32, #tpu.memory_space<vmem_shared>>) dst(%arg9 : memref<32x128xf32, #tpu.memory_space<vmem>>)
      tpu.yield
    }) : () -> ()
    "tpu.region"() ({
      %run_scoped3A = tpu.sem_alloc : memref<!tpu.dma_semaphore, #tpu.memory_space<semaphore_mem>>
      %dma_start3A = arith.constant 0 : i32
      %dma_start3A_175 = tpu.memref_slice %arg5[%arg0, %add3A_102, %dma_start3A] : memref<2x10240x128xf32, #tpu.memory_space<hbm>> -> memref<1x32x128xf32, #tpu.memory_space<hbm>>
      %dma_start3A_176 = tpu.memref_squeeze %dma_start3A_175 : memref<1x32x128xf32, #tpu.memory_space<hbm>> -> memref<32x128xf32, #tpu.memory_space<hbm>>
      %dma_start3A_177 = arith.constant 0 : i32
      %dma_start3A_178 = tpu.memref_slice %arg5[%arg0, %add3A_102, %dma_start3A_177] : memref<2x10240x128xf32, #tpu.memory_space<hbm>> -> memref<1x32x128xf32, #tpu.memory_space<hbm>>
      %dma_start3A_179 = tpu.memref_squeeze %dma_start3A_178 : memref<1x32x128xf32, #tpu.memory_space<hbm>> -> memref<32x128xf32, #tpu.memory_space<hbm>>
      tpu.enqueue_dma source(%arg9 : memref<32x128xf32, #tpu.memory_space<vmem>>) target(%dma_start3A_179 : memref<32x128xf32, #tpu.memory_space<hbm>>) target_semaphore(%run_scoped3A : memref<!tpu.dma_semaphore, #tpu.memory_space<semaphore_mem>>)
      %dma_wait3A = arith.constant 0 : i32
      %dma_wait3A_180 = tpu.memref_slice %arg5[%arg0, %add3A_102, %dma_wait3A] : memref<2x10240x128xf32, #tpu.memory_space<hbm>> -> memref<1x32x128xf32, #tpu.memory_space<hbm>>
      %dma_wait3A_181 = tpu.memref_squeeze %dma_wait3A_180 : memref<1x32x128xf32, #tpu.memory_space<hbm>> -> memref<32x128xf32, #tpu.memory_space<hbm>>
      %dma_wait3A_182 = arith.constant 0 : i32
      %dma_wait3A_183 = tpu.memref_slice %arg5[%arg0, %add3A_102, %dma_wait3A_182] : memref<2x10240x128xf32, #tpu.memory_space<hbm>> -> memref<1x32x128xf32, #tpu.memory_space<hbm>>
      %dma_wait3A_184 = tpu.memref_squeeze %dma_wait3A_183 : memref<1x32x128xf32, #tpu.memory_space<hbm>> -> memref<32x128xf32, #tpu.memory_space<hbm>>
      tpu.wait_dma2 semaphore(%run_scoped3A : memref<!tpu.dma_semaphore, #tpu.memory_space<semaphore_mem>>) src(%arg9 : memref<32x128xf32, #tpu.memory_space<vmem>>) dst(%dma_wait3A_184 : memref<32x128xf32, #tpu.memory_space<hbm>>)
      tpu.yield
    }) : () -> ()
    %mul3A_103 = arith.constant 640 : i32
    %mul3A_104 = arith.muli %arg1, %mul3A_103 : i32
    %add3A_105 = arith.constant 64 : i32
    %add3A_106 = arith.addi %mul3A_104, %add3A_105 : i32
    "tpu.region"() ({
      %run_scoped3A = tpu.sem_alloc : memref<!tpu.dma_semaphore, #tpu.memory_space<semaphore_mem>>
      %dma_start3A = arith.constant 0 : i32
      %dma_start3A_175 = tpu.memref_slice %arg10[%add3A_106, %dma_start3A] : memref<10240x128xf32, #tpu.memory_space<vmem_shared>> -> memref<32x128xf32, #tpu.memory_space<vmem_shared>>
      %dma_start3A_176 = arith.constant 0 : i32
      %dma_start3A_177 = tpu.memref_slice %arg10[%add3A_106, %dma_start3A_176] : memref<10240x128xf32, #tpu.memory_space<vmem_shared>> -> memref<32x128xf32, #tpu.memory_space<vmem_shared>>
      tpu.enqueue_dma source(%dma_start3A_177 : memref<32x128xf32, #tpu.memory_space<vmem_shared>>) target(%arg9 : memref<32x128xf32, #tpu.memory_space<vmem>>) target_semaphore(%run_scoped3A : memref<!tpu.dma_semaphore, #tpu.memory_space<semaphore_mem>>)
      %dma_wait3A = arith.constant 0 : i32
      %dma_wait3A_178 = tpu.memref_slice %arg10[%add3A_106, %dma_wait3A] : memref<10240x128xf32, #tpu.memory_space<vmem_shared>> -> memref<32x128xf32, #tpu.memory_space<vmem_shared>>
      %dma_wait3A_179 = arith.constant 0 : i32
      %dma_wait3A_180 = tpu.memref_slice %arg10[%add3A_106, %dma_wait3A_179] : memref<10240x128xf32, #tpu.memory_space<vmem_shared>> -> memref<32x128xf32, #tpu.memory_space<vmem_shared>>
      tpu.wait_dma2 semaphore(%run_scoped3A : memref<!tpu.dma_semaphore, #tpu.memory_space<semaphore_mem>>) src(%dma_wait3A_180 : memref<32x128xf32, #tpu.memory_space<vmem_shared>>) dst(%arg9 : memref<32x128xf32, #tpu.memory_space<vmem>>)
      tpu.yield
    }) : () -> ()
    "tpu.region"() ({
      %run_scoped3A = tpu.sem_alloc : memref<!tpu.dma_semaphore, #tpu.memory_space<semaphore_mem>>
      %dma_start3A = arith.constant 0 : i32
      %dma_start3A_175 = tpu.memref_slice %arg5[%arg0, %add3A_106, %dma_start3A] : memref<2x10240x128xf32, #tpu.memory_space<hbm>> -> memref<1x32x128xf32, #tpu.memory_space<hbm>>
      %dma_start3A_176 = tpu.memref_squeeze %dma_start3A_175 : memref<1x32x128xf32, #tpu.memory_space<hbm>> -> memref<32x128xf32, #tpu.memory_space<hbm>>
      %dma_start3A_177 = arith.constant 0 : i32
      %dma_start3A_178 = tpu.memref_slice %arg5[%arg0, %add3A_106, %dma_start3A_177] : memref<2x10240x128xf32, #tpu.memory_space<hbm>> -> memref<1x32x128xf32, #tpu.memory_space<hbm>>
      %dma_start3A_179 = tpu.memref_squeeze %dma_start3A_178 : memref<1x32x128xf32, #tpu.memory_space<hbm>> -> memref<32x128xf32, #tpu.memory_space<hbm>>
      tpu.enqueue_dma source(%arg9 : memref<32x128xf32, #tpu.memory_space<vmem>>) target(%dma_start3A_179 : memref<32x128xf32, #tpu.memory_space<hbm>>) target_semaphore(%run_scoped3A : memref<!tpu.dma_semaphore, #tpu.memory_space<semaphore_mem>>)
      %dma_wait3A = arith.constant 0 : i32
      %dma_wait3A_180 = tpu.memref_slice %arg5[%arg0, %add3A_106, %dma_wait3A] : memref<2x10240x128xf32, #tpu.memory_space<hbm>> -> memref<1x32x128xf32, #tpu.memory_space<hbm>>
      %dma_wait3A_181 = tpu.memref_squeeze %dma_wait3A_180 : memref<1x32x128xf32, #tpu.memory_space<hbm>> -> memref<32x128xf32, #tpu.memory_space<hbm>>
      %dma_wait3A_182 = arith.constant 0 : i32
      %dma_wait3A_183 = tpu.memref_slice %arg5[%arg0, %add3A_106, %dma_wait3A_182] : memref<2x10240x128xf32, #tpu.memory_space<hbm>> -> memref<1x32x128xf32, #tpu.memory_space<hbm>>
      %dma_wait3A_184 = tpu.memref_squeeze %dma_wait3A_183 : memref<1x32x128xf32, #tpu.memory_space<hbm>> -> memref<32x128xf32, #tpu.memory_space<hbm>>
      tpu.wait_dma2 semaphore(%run_scoped3A : memref<!tpu.dma_semaphore, #tpu.memory_space<semaphore_mem>>) src(%arg9 : memref<32x128xf32, #tpu.memory_space<vmem>>) dst(%dma_wait3A_184 : memref<32x128xf32, #tpu.memory_space<hbm>>)
      tpu.yield
    }) : () -> ()
    %mul3A_107 = arith.constant 640 : i32
    %mul3A_108 = arith.muli %arg1, %mul3A_107 : i32
    %add3A_109 = arith.constant 96 : i32
    %add3A_110 = arith.addi %mul3A_108, %add3A_109 : i32
    "tpu.region"() ({
      %run_scoped3A = tpu.sem_alloc : memref<!tpu.dma_semaphore, #tpu.memory_space<semaphore_mem>>
      %dma_start3A = arith.constant 0 : i32
      %dma_start3A_175 = tpu.memref_slice %arg10[%add3A_110, %dma_start3A] : memref<10240x128xf32, #tpu.memory_space<vmem_shared>> -> memref<32x128xf32, #tpu.memory_space<vmem_shared>>
      %dma_start3A_176 = arith.constant 0 : i32
      %dma_start3A_177 = tpu.memref_slice %arg10[%add3A_110, %dma_start3A_176] : memref<10240x128xf32, #tpu.memory_space<vmem_shared>> -> memref<32x128xf32, #tpu.memory_space<vmem_shared>>
      tpu.enqueue_dma source(%dma_start3A_177 : memref<32x128xf32, #tpu.memory_space<vmem_shared>>) target(%arg9 : memref<32x128xf32, #tpu.memory_space<vmem>>) target_semaphore(%run_scoped3A : memref<!tpu.dma_semaphore, #tpu.memory_space<semaphore_mem>>)
      %dma_wait3A = arith.constant 0 : i32
      %dma_wait3A_178 = tpu.memref_slice %arg10[%add3A_110, %dma_wait3A] : memref<10240x128xf32, #tpu.memory_space<vmem_shared>> -> memref<32x128xf32, #tpu.memory_space<vmem_shared>>
      %dma_wait3A_179 = arith.constant 0 : i32
      %dma_wait3A_180 = tpu.memref_slice %arg10[%add3A_110, %dma_wait3A_179] : memref<10240x128xf32, #tpu.memory_space<vmem_shared>> -> memref<32x128xf32, #tpu.memory_space<vmem_shared>>
      tpu.wait_dma2 semaphore(%run_scoped3A : memref<!tpu.dma_semaphore, #tpu.memory_space<semaphore_mem>>) src(%dma_wait3A_180 : memref<32x128xf32, #tpu.memory_space<vmem_shared>>) dst(%arg9 : memref<32x128xf32, #tpu.memory_space<vmem>>)
      tpu.yield
    }) : () -> ()
    "tpu.region"() ({
      %run_scoped3A = tpu.sem_alloc : memref<!tpu.dma_semaphore, #tpu.memory_space<semaphore_mem>>
      %dma_start3A = arith.constant 0 : i32
      %dma_start3A_175 = tpu.memref_slice %arg5[%arg0, %add3A_110, %dma_start3A] : memref<2x10240x128xf32, #tpu.memory_space<hbm>> -> memref<1x32x128xf32, #tpu.memory_space<hbm>>
      %dma_start3A_176 = tpu.memref_squeeze %dma_start3A_175 : memref<1x32x128xf32, #tpu.memory_space<hbm>> -> memref<32x128xf32, #tpu.memory_space<hbm>>
      %dma_start3A_177 = arith.constant 0 : i32
      %dma_start3A_178 = tpu.memref_slice %arg5[%arg0, %add3A_110, %dma_start3A_177] : memref<2x10240x128xf32, #tpu.memory_space<hbm>> -> memref<1x32x128xf32, #tpu.memory_space<hbm>>
      %dma_start3A_179 = tpu.memref_squeeze %dma_start3A_178 : memref<1x32x128xf32, #tpu.memory_space<hbm>> -> memref<32x128xf32, #tpu.memory_space<hbm>>
      tpu.enqueue_dma source(%arg9 : memref<32x128xf32, #tpu.memory_space<vmem>>) target(%dma_start3A_179 : memref<32x128xf32, #tpu.memory_space<hbm>>) target_semaphore(%run_scoped3A : memref<!tpu.dma_semaphore, #tpu.memory_space<semaphore_mem>>)
      %dma_wait3A = arith.constant 0 : i32
      %dma_wait3A_180 = tpu.memref_slice %arg5[%arg0, %add3A_110, %dma_wait3A] : memref<2x10240x128xf32, #tpu.memory_space<hbm>> -> memref<1x32x128xf32, #tpu.memory_space<hbm>>
      %dma_wait3A_181 = tpu.memref_squeeze %dma_wait3A_180 : memref<1x32x128xf32, #tpu.memory_space<hbm>> -> memref<32x128xf32, #tpu.memory_space<hbm>>
      %dma_wait3A_182 = arith.constant 0 : i32
      %dma_wait3A_183 = tpu.memref_slice %arg5[%arg0, %add3A_110, %dma_wait3A_182] : memref<2x10240x128xf32, #tpu.memory_space<hbm>> -> memref<1x32x128xf32, #tpu.memory_space<hbm>>
      %dma_wait3A_184 = tpu.memref_squeeze %dma_wait3A_183 : memref<1x32x128xf32, #tpu.memory_space<hbm>> -> memref<32x128xf32, #tpu.memory_space<hbm>>
      tpu.wait_dma2 semaphore(%run_scoped3A : memref<!tpu.dma_semaphore, #tpu.memory_space<semaphore_mem>>) src(%arg9 : memref<32x128xf32, #tpu.memory_space<vmem>>) dst(%dma_wait3A_184 : memref<32x128xf32, #tpu.memory_space<hbm>>)
      tpu.yield
    }) : () -> ()
    %mul3A_111 = arith.constant 640 : i32
    %mul3A_112 = arith.muli %arg1, %mul3A_111 : i32
    %add3A_113 = arith.constant 128 : i32
    %add3A_114 = arith.addi %mul3A_112, %add3A_113 : i32
    "tpu.region"() ({
      %run_scoped3A = tpu.sem_alloc : memref<!tpu.dma_semaphore, #tpu.memory_space<semaphore_mem>>
      %dma_start3A = arith.constant 0 : i32
      %dma_start3A_175 = tpu.memref_slice %arg10[%add3A_114, %dma_start3A] : memref<10240x128xf32, #tpu.memory_space<vmem_shared>> -> memref<32x128xf32, #tpu.memory_space<vmem_shared>>
      %dma_start3A_176 = arith.constant 0 : i32
      %dma_start3A_177 = tpu.memref_slice %arg10[%add3A_114, %dma_start3A_176] : memref<10240x128xf32, #tpu.memory_space<vmem_shared>> -> memref<32x128xf32, #tpu.memory_space<vmem_shared>>
      tpu.enqueue_dma source(%dma_start3A_177 : memref<32x128xf32, #tpu.memory_space<vmem_shared>>) target(%arg9 : memref<32x128xf32, #tpu.memory_space<vmem>>) target_semaphore(%run_scoped3A : memref<!tpu.dma_semaphore, #tpu.memory_space<semaphore_mem>>)
      %dma_wait3A = arith.constant 0 : i32
      %dma_wait3A_178 = tpu.memref_slice %arg10[%add3A_114, %dma_wait3A] : memref<10240x128xf32, #tpu.memory_space<vmem_shared>> -> memref<32x128xf32, #tpu.memory_space<vmem_shared>>
      %dma_wait3A_179 = arith.constant 0 : i32
      %dma_wait3A_180 = tpu.memref_slice %arg10[%add3A_114, %dma_wait3A_179] : memref<10240x128xf32, #tpu.memory_space<vmem_shared>> -> memref<32x128xf32, #tpu.memory_space<vmem_shared>>
      tpu.wait_dma2 semaphore(%run_scoped3A : memref<!tpu.dma_semaphore, #tpu.memory_space<semaphore_mem>>) src(%dma_wait3A_180 : memref<32x128xf32, #tpu.memory_space<vmem_shared>>) dst(%arg9 : memref<32x128xf32, #tpu.memory_space<vmem>>)
      tpu.yield
    }) : () -> ()
    "tpu.region"() ({
      %run_scoped3A = tpu.sem_alloc : memref<!tpu.dma_semaphore, #tpu.memory_space<semaphore_mem>>
      %dma_start3A = arith.constant 0 : i32
      %dma_start3A_175 = tpu.memref_slice %arg5[%arg0, %add3A_114, %dma_start3A] : memref<2x10240x128xf32, #tpu.memory_space<hbm>> -> memref<1x32x128xf32, #tpu.memory_space<hbm>>
      %dma_start3A_176 = tpu.memref_squeeze %dma_start3A_175 : memref<1x32x128xf32, #tpu.memory_space<hbm>> -> memref<32x128xf32, #tpu.memory_space<hbm>>
      %dma_start3A_177 = arith.constant 0 : i32
      %dma_start3A_178 = tpu.memref_slice %arg5[%arg0, %add3A_114, %dma_start3A_177] : memref<2x10240x128xf32, #tpu.memory_space<hbm>> -> memref<1x32x128xf32, #tpu.memory_space<hbm>>
      %dma_start3A_179 = tpu.memref_squeeze %dma_start3A_178 : memref<1x32x128xf32, #tpu.memory_space<hbm>> -> memref<32x128xf32, #tpu.memory_space<hbm>>
      tpu.enqueue_dma source(%arg9 : memref<32x128xf32, #tpu.memory_space<vmem>>) target(%dma_start3A_179 : memref<32x128xf32, #tpu.memory_space<hbm>>) target_semaphore(%run_scoped3A : memref<!tpu.dma_semaphore, #tpu.memory_space<semaphore_mem>>)
      %dma_wait3A = arith.constant 0 : i32
      %dma_wait3A_180 = tpu.memref_slice %arg5[%arg0, %add3A_114, %dma_wait3A] : memref<2x10240x128xf32, #tpu.memory_space<hbm>> -> memref<1x32x128xf32, #tpu.memory_space<hbm>>
      %dma_wait3A_181 = tpu.memref_squeeze %dma_wait3A_180 : memref<1x32x128xf32, #tpu.memory_space<hbm>> -> memref<32x128xf32, #tpu.memory_space<hbm>>
      %dma_wait3A_182 = arith.constant 0 : i32
      %dma_wait3A_183 = tpu.memref_slice %arg5[%arg0, %add3A_114, %dma_wait3A_182] : memref<2x10240x128xf32, #tpu.memory_space<hbm>> -> memref<1x32x128xf32, #tpu.memory_space<hbm>>
      %dma_wait3A_184 = tpu.memref_squeeze %dma_wait3A_183 : memref<1x32x128xf32, #tpu.memory_space<hbm>> -> memref<32x128xf32, #tpu.memory_space<hbm>>
      tpu.wait_dma2 semaphore(%run_scoped3A : memref<!tpu.dma_semaphore, #tpu.memory_space<semaphore_mem>>) src(%arg9 : memref<32x128xf32, #tpu.memory_space<vmem>>) dst(%dma_wait3A_184 : memref<32x128xf32, #tpu.memory_space<hbm>>)
      tpu.yield
    }) : () -> ()
    %mul3A_115 = arith.constant 640 : i32
    %mul3A_116 = arith.muli %arg1, %mul3A_115 : i32
    %add3A_117 = arith.constant 160 : i32
    %add3A_118 = arith.addi %mul3A_116, %add3A_117 : i32
    "tpu.region"() ({
      %run_scoped3A = tpu.sem_alloc : memref<!tpu.dma_semaphore, #tpu.memory_space<semaphore_mem>>
      %dma_start3A = arith.constant 0 : i32
      %dma_start3A_175 = tpu.memref_slice %arg10[%add3A_118, %dma_start3A] : memref<10240x128xf32, #tpu.memory_space<vmem_shared>> -> memref<32x128xf32, #tpu.memory_space<vmem_shared>>
      %dma_start3A_176 = arith.constant 0 : i32
      %dma_start3A_177 = tpu.memref_slice %arg10[%add3A_118, %dma_start3A_176] : memref<10240x128xf32, #tpu.memory_space<vmem_shared>> -> memref<32x128xf32, #tpu.memory_space<vmem_shared>>
      tpu.enqueue_dma source(%dma_start3A_177 : memref<32x128xf32, #tpu.memory_space<vmem_shared>>) target(%arg9 : memref<32x128xf32, #tpu.memory_space<vmem>>) target_semaphore(%run_scoped3A : memref<!tpu.dma_semaphore, #tpu.memory_space<semaphore_mem>>)
      %dma_wait3A = arith.constant 0 : i32
      %dma_wait3A_178 = tpu.memref_slice %arg10[%add3A_118, %dma_wait3A] : memref<10240x128xf32, #tpu.memory_space<vmem_shared>> -> memref<32x128xf32, #tpu.memory_space<vmem_shared>>
      %dma_wait3A_179 = arith.constant 0 : i32
      %dma_wait3A_180 = tpu.memref_slice %arg10[%add3A_118, %dma_wait3A_179] : memref<10240x128xf32, #tpu.memory_space<vmem_shared>> -> memref<32x128xf32, #tpu.memory_space<vmem_shared>>
      tpu.wait_dma2 semaphore(%run_scoped3A : memref<!tpu.dma_semaphore, #tpu.memory_space<semaphore_mem>>) src(%dma_wait3A_180 : memref<32x128xf32, #tpu.memory_space<vmem_shared>>) dst(%arg9 : memref<32x128xf32, #tpu.memory_space<vmem>>)
      tpu.yield
    }) : () -> ()
    "tpu.region"() ({
      %run_scoped3A = tpu.sem_alloc : memref<!tpu.dma_semaphore, #tpu.memory_space<semaphore_mem>>
      %dma_start3A = arith.constant 0 : i32
      %dma_start3A_175 = tpu.memref_slice %arg5[%arg0, %add3A_118, %dma_start3A] : memref<2x10240x128xf32, #tpu.memory_space<hbm>> -> memref<1x32x128xf32, #tpu.memory_space<hbm>>
      %dma_start3A_176 = tpu.memref_squeeze %dma_start3A_175 : memref<1x32x128xf32, #tpu.memory_space<hbm>> -> memref<32x128xf32, #tpu.memory_space<hbm>>
      %dma_start3A_177 = arith.constant 0 : i32
      %dma_start3A_178 = tpu.memref_slice %arg5[%arg0, %add3A_118, %dma_start3A_177] : memref<2x10240x128xf32, #tpu.memory_space<hbm>> -> memref<1x32x128xf32, #tpu.memory_space<hbm>>
      %dma_start3A_179 = tpu.memref_squeeze %dma_start3A_178 : memref<1x32x128xf32, #tpu.memory_space<hbm>> -> memref<32x128xf32, #tpu.memory_space<hbm>>
      tpu.enqueue_dma source(%arg9 : memref<32x128xf32, #tpu.memory_space<vmem>>) target(%dma_start3A_179 : memref<32x128xf32, #tpu.memory_space<hbm>>) target_semaphore(%run_scoped3A : memref<!tpu.dma_semaphore, #tpu.memory_space<semaphore_mem>>)
      %dma_wait3A = arith.constant 0 : i32
      %dma_wait3A_180 = tpu.memref_slice %arg5[%arg0, %add3A_118, %dma_wait3A] : memref<2x10240x128xf32, #tpu.memory_space<hbm>> -> memref<1x32x128xf32, #tpu.memory_space<hbm>>
      %dma_wait3A_181 = tpu.memref_squeeze %dma_wait3A_180 : memref<1x32x128xf32, #tpu.memory_space<hbm>> -> memref<32x128xf32, #tpu.memory_space<hbm>>
      %dma_wait3A_182 = arith.constant 0 : i32
      %dma_wait3A_183 = tpu.memref_slice %arg5[%arg0, %add3A_118, %dma_wait3A_182] : memref<2x10240x128xf32, #tpu.memory_space<hbm>> -> memref<1x32x128xf32, #tpu.memory_space<hbm>>
      %dma_wait3A_184 = tpu.memref_squeeze %dma_wait3A_183 : memref<1x32x128xf32, #tpu.memory_space<hbm>> -> memref<32x128xf32, #tpu.memory_space<hbm>>
      tpu.wait_dma2 semaphore(%run_scoped3A : memref<!tpu.dma_semaphore, #tpu.memory_space<semaphore_mem>>) src(%arg9 : memref<32x128xf32, #tpu.memory_space<vmem>>) dst(%dma_wait3A_184 : memref<32x128xf32, #tpu.memory_space<hbm>>)
      tpu.yield
    }) : () -> ()
    %mul3A_119 = arith.constant 640 : i32
    %mul3A_120 = arith.muli %arg1, %mul3A_119 : i32
    %add3A_121 = arith.constant 192 : i32
    %add3A_122 = arith.addi %mul3A_120, %add3A_121 : i32
    "tpu.region"() ({
      %run_scoped3A = tpu.sem_alloc : memref<!tpu.dma_semaphore, #tpu.memory_space<semaphore_mem>>
      %dma_start3A = arith.constant 0 : i32
      %dma_start3A_175 = tpu.memref_slice %arg10[%add3A_122, %dma_start3A] : memref<10240x128xf32, #tpu.memory_space<vmem_shared>> -> memref<32x128xf32, #tpu.memory_space<vmem_shared>>
      %dma_start3A_176 = arith.constant 0 : i32
      %dma_start3A_177 = tpu.memref_slice %arg10[%add3A_122, %dma_start3A_176] : memref<10240x128xf32, #tpu.memory_space<vmem_shared>> -> memref<32x128xf32, #tpu.memory_space<vmem_shared>>
      tpu.enqueue_dma source(%dma_start3A_177 : memref<32x128xf32, #tpu.memory_space<vmem_shared>>) target(%arg9 : memref<32x128xf32, #tpu.memory_space<vmem>>) target_semaphore(%run_scoped3A : memref<!tpu.dma_semaphore, #tpu.memory_space<semaphore_mem>>)
      %dma_wait3A = arith.constant 0 : i32
      %dma_wait3A_178 = tpu.memref_slice %arg10[%add3A_122, %dma_wait3A] : memref<10240x128xf32, #tpu.memory_space<vmem_shared>> -> memref<32x128xf32, #tpu.memory_space<vmem_shared>>
      %dma_wait3A_179 = arith.constant 0 : i32
      %dma_wait3A_180 = tpu.memref_slice %arg10[%add3A_122, %dma_wait3A_179] : memref<10240x128xf32, #tpu.memory_space<vmem_shared>> -> memref<32x128xf32, #tpu.memory_space<vmem_shared>>
      tpu.wait_dma2 semaphore(%run_scoped3A : memref<!tpu.dma_semaphore, #tpu.memory_space<semaphore_mem>>) src(%dma_wait3A_180 : memref<32x128xf32, #tpu.memory_space<vmem_shared>>) dst(%arg9 : memref<32x128xf32, #tpu.memory_space<vmem>>)
      tpu.yield
    }) : () -> ()
    "tpu.region"() ({
      %run_scoped3A = tpu.sem_alloc : memref<!tpu.dma_semaphore, #tpu.memory_space<semaphore_mem>>
      %dma_start3A = arith.constant 0 : i32
      %dma_start3A_175 = tpu.memref_slice %arg5[%arg0, %add3A_122, %dma_start3A] : memref<2x10240x128xf32, #tpu.memory_space<hbm>> -> memref<1x32x128xf32, #tpu.memory_space<hbm>>
      %dma_start3A_176 = tpu.memref_squeeze %dma_start3A_175 : memref<1x32x128xf32, #tpu.memory_space<hbm>> -> memref<32x128xf32, #tpu.memory_space<hbm>>
      %dma_start3A_177 = arith.constant 0 : i32
      %dma_start3A_178 = tpu.memref_slice %arg5[%arg0, %add3A_122, %dma_start3A_177] : memref<2x10240x128xf32, #tpu.memory_space<hbm>> -> memref<1x32x128xf32, #tpu.memory_space<hbm>>
      %dma_start3A_179 = tpu.memref_squeeze %dma_start3A_178 : memref<1x32x128xf32, #tpu.memory_space<hbm>> -> memref<32x128xf32, #tpu.memory_space<hbm>>
      tpu.enqueue_dma source(%arg9 : memref<32x128xf32, #tpu.memory_space<vmem>>) target(%dma_start3A_179 : memref<32x128xf32, #tpu.memory_space<hbm>>) target_semaphore(%run_scoped3A : memref<!tpu.dma_semaphore, #tpu.memory_space<semaphore_mem>>)
      %dma_wait3A = arith.constant 0 : i32
      %dma_wait3A_180 = tpu.memref_slice %arg5[%arg0, %add3A_122, %dma_wait3A] : memref<2x10240x128xf32, #tpu.memory_space<hbm>> -> memref<1x32x128xf32, #tpu.memory_space<hbm>>
      %dma_wait3A_181 = tpu.memref_squeeze %dma_wait3A_180 : memref<1x32x128xf32, #tpu.memory_space<hbm>> -> memref<32x128xf32, #tpu.memory_space<hbm>>
      %dma_wait3A_182 = arith.constant 0 : i32
      %dma_wait3A_183 = tpu.memref_slice %arg5[%arg0, %add3A_122, %dma_wait3A_182] : memref<2x10240x128xf32, #tpu.memory_space<hbm>> -> memref<1x32x128xf32, #tpu.memory_space<hbm>>
      %dma_wait3A_184 = tpu.memref_squeeze %dma_wait3A_183 : memref<1x32x128xf32, #tpu.memory_space<hbm>> -> memref<32x128xf32, #tpu.memory_space<hbm>>
      tpu.wait_dma2 semaphore(%run_scoped3A : memref<!tpu.dma_semaphore, #tpu.memory_space<semaphore_mem>>) src(%arg9 : memref<32x128xf32, #tpu.memory_space<vmem>>) dst(%dma_wait3A_184 : memref<32x128xf32, #tpu.memory_space<hbm>>)
      tpu.yield
    }) : () -> ()
    %mul3A_123 = arith.constant 640 : i32
    %mul3A_124 = arith.muli %arg1, %mul3A_123 : i32
    %add3A_125 = arith.constant 224 : i32
    %add3A_126 = arith.addi %mul3A_124, %add3A_125 : i32
    "tpu.region"() ({
      %run_scoped3A = tpu.sem_alloc : memref<!tpu.dma_semaphore, #tpu.memory_space<semaphore_mem>>
      %dma_start3A = arith.constant 0 : i32
      %dma_start3A_175 = tpu.memref_slice %arg10[%add3A_126, %dma_start3A] : memref<10240x128xf32, #tpu.memory_space<vmem_shared>> -> memref<32x128xf32, #tpu.memory_space<vmem_shared>>
      %dma_start3A_176 = arith.constant 0 : i32
      %dma_start3A_177 = tpu.memref_slice %arg10[%add3A_126, %dma_start3A_176] : memref<10240x128xf32, #tpu.memory_space<vmem_shared>> -> memref<32x128xf32, #tpu.memory_space<vmem_shared>>
      tpu.enqueue_dma source(%dma_start3A_177 : memref<32x128xf32, #tpu.memory_space<vmem_shared>>) target(%arg9 : memref<32x128xf32, #tpu.memory_space<vmem>>) target_semaphore(%run_scoped3A : memref<!tpu.dma_semaphore, #tpu.memory_space<semaphore_mem>>)
      %dma_wait3A = arith.constant 0 : i32
      %dma_wait3A_178 = tpu.memref_slice %arg10[%add3A_126, %dma_wait3A] : memref<10240x128xf32, #tpu.memory_space<vmem_shared>> -> memref<32x128xf32, #tpu.memory_space<vmem_shared>>
      %dma_wait3A_179 = arith.constant 0 : i32
      %dma_wait3A_180 = tpu.memref_slice %arg10[%add3A_126, %dma_wait3A_179] : memref<10240x128xf32, #tpu.memory_space<vmem_shared>> -> memref<32x128xf32, #tpu.memory_space<vmem_shared>>
      tpu.wait_dma2 semaphore(%run_scoped3A : memref<!tpu.dma_semaphore, #tpu.memory_space<semaphore_mem>>) src(%dma_wait3A_180 : memref<32x128xf32, #tpu.memory_space<vmem_shared>>) dst(%arg9 : memref<32x128xf32, #tpu.memory_space<vmem>>)
      tpu.yield
    }) : () -> ()
    "tpu.region"() ({
      %run_scoped3A = tpu.sem_alloc : memref<!tpu.dma_semaphore, #tpu.memory_space<semaphore_mem>>
      %dma_start3A = arith.constant 0 : i32
      %dma_start3A_175 = tpu.memref_slice %arg5[%arg0, %add3A_126, %dma_start3A] : memref<2x10240x128xf32, #tpu.memory_space<hbm>> -> memref<1x32x128xf32, #tpu.memory_space<hbm>>
      %dma_start3A_176 = tpu.memref_squeeze %dma_start3A_175 : memref<1x32x128xf32, #tpu.memory_space<hbm>> -> memref<32x128xf32, #tpu.memory_space<hbm>>
      %dma_start3A_177 = arith.constant 0 : i32
      %dma_start3A_178 = tpu.memref_slice %arg5[%arg0, %add3A_126, %dma_start3A_177] : memref<2x10240x128xf32, #tpu.memory_space<hbm>> -> memref<1x32x128xf32, #tpu.memory_space<hbm>>
      %dma_start3A_179 = tpu.memref_squeeze %dma_start3A_178 : memref<1x32x128xf32, #tpu.memory_space<hbm>> -> memref<32x128xf32, #tpu.memory_space<hbm>>
      tpu.enqueue_dma source(%arg9 : memref<32x128xf32, #tpu.memory_space<vmem>>) target(%dma_start3A_179 : memref<32x128xf32, #tpu.memory_space<hbm>>) target_semaphore(%run_scoped3A : memref<!tpu.dma_semaphore, #tpu.memory_space<semaphore_mem>>)
      %dma_wait3A = arith.constant 0 : i32
      %dma_wait3A_180 = tpu.memref_slice %arg5[%arg0, %add3A_126, %dma_wait3A] : memref<2x10240x128xf32, #tpu.memory_space<hbm>> -> memref<1x32x128xf32, #tpu.memory_space<hbm>>
      %dma_wait3A_181 = tpu.memref_squeeze %dma_wait3A_180 : memref<1x32x128xf32, #tpu.memory_space<hbm>> -> memref<32x128xf32, #tpu.memory_space<hbm>>
      %dma_wait3A_182 = arith.constant 0 : i32
      %dma_wait3A_183 = tpu.memref_slice %arg5[%arg0, %add3A_126, %dma_wait3A_182] : memref<2x10240x128xf32, #tpu.memory_space<hbm>> -> memref<1x32x128xf32, #tpu.memory_space<hbm>>
      %dma_wait3A_184 = tpu.memref_squeeze %dma_wait3A_183 : memref<1x32x128xf32, #tpu.memory_space<hbm>> -> memref<32x128xf32, #tpu.memory_space<hbm>>
      tpu.wait_dma2 semaphore(%run_scoped3A : memref<!tpu.dma_semaphore, #tpu.memory_space<semaphore_mem>>) src(%arg9 : memref<32x128xf32, #tpu.memory_space<vmem>>) dst(%dma_wait3A_184 : memref<32x128xf32, #tpu.memory_space<hbm>>)
      tpu.yield
    }) : () -> ()
    %mul3A_127 = arith.constant 640 : i32
    %mul3A_128 = arith.muli %arg1, %mul3A_127 : i32
    %add3A_129 = arith.constant 256 : i32
    %add3A_130 = arith.addi %mul3A_128, %add3A_129 : i32
    "tpu.region"() ({
      %run_scoped3A = tpu.sem_alloc : memref<!tpu.dma_semaphore, #tpu.memory_space<semaphore_mem>>
      %dma_start3A = arith.constant 0 : i32
      %dma_start3A_175 = tpu.memref_slice %arg10[%add3A_130, %dma_start3A] : memref<10240x128xf32, #tpu.memory_space<vmem_shared>> -> memref<32x128xf32, #tpu.memory_space<vmem_shared>>
      %dma_start3A_176 = arith.constant 0 : i32
      %dma_start3A_177 = tpu.memref_slice %arg10[%add3A_130, %dma_start3A_176] : memref<10240x128xf32, #tpu.memory_space<vmem_shared>> -> memref<32x128xf32, #tpu.memory_space<vmem_shared>>
      tpu.enqueue_dma source(%dma_start3A_177 : memref<32x128xf32, #tpu.memory_space<vmem_shared>>) target(%arg9 : memref<32x128xf32, #tpu.memory_space<vmem>>) target_semaphore(%run_scoped3A : memref<!tpu.dma_semaphore, #tpu.memory_space<semaphore_mem>>)
      %dma_wait3A = arith.constant 0 : i32
      %dma_wait3A_178 = tpu.memref_slice %arg10[%add3A_130, %dma_wait3A] : memref<10240x128xf32, #tpu.memory_space<vmem_shared>> -> memref<32x128xf32, #tpu.memory_space<vmem_shared>>
      %dma_wait3A_179 = arith.constant 0 : i32
      %dma_wait3A_180 = tpu.memref_slice %arg10[%add3A_130, %dma_wait3A_179] : memref<10240x128xf32, #tpu.memory_space<vmem_shared>> -> memref<32x128xf32, #tpu.memory_space<vmem_shared>>
      tpu.wait_dma2 semaphore(%run_scoped3A : memref<!tpu.dma_semaphore, #tpu.memory_space<semaphore_mem>>) src(%dma_wait3A_180 : memref<32x128xf32, #tpu.memory_space<vmem_shared>>) dst(%arg9 : memref<32x128xf32, #tpu.memory_space<vmem>>)
      tpu.yield
    }) : () -> ()
    "tpu.region"() ({
      %run_scoped3A = tpu.sem_alloc : memref<!tpu.dma_semaphore, #tpu.memory_space<semaphore_mem>>
      %dma_start3A = arith.constant 0 : i32
      %dma_start3A_175 = tpu.memref_slice %arg5[%arg0, %add3A_130, %dma_start3A] : memref<2x10240x128xf32, #tpu.memory_space<hbm>> -> memref<1x32x128xf32, #tpu.memory_space<hbm>>
      %dma_start3A_176 = tpu.memref_squeeze %dma_start3A_175 : memref<1x32x128xf32, #tpu.memory_space<hbm>> -> memref<32x128xf32, #tpu.memory_space<hbm>>
      %dma_start3A_177 = arith.constant 0 : i32
      %dma_start3A_178 = tpu.memref_slice %arg5[%arg0, %add3A_130, %dma_start3A_177] : memref<2x10240x128xf32, #tpu.memory_space<hbm>> -> memref<1x32x128xf32, #tpu.memory_space<hbm>>
      %dma_start3A_179 = tpu.memref_squeeze %dma_start3A_178 : memref<1x32x128xf32, #tpu.memory_space<hbm>> -> memref<32x128xf32, #tpu.memory_space<hbm>>
      tpu.enqueue_dma source(%arg9 : memref<32x128xf32, #tpu.memory_space<vmem>>) target(%dma_start3A_179 : memref<32x128xf32, #tpu.memory_space<hbm>>) target_semaphore(%run_scoped3A : memref<!tpu.dma_semaphore, #tpu.memory_space<semaphore_mem>>)
      %dma_wait3A = arith.constant 0 : i32
      %dma_wait3A_180 = tpu.memref_slice %arg5[%arg0, %add3A_130, %dma_wait3A] : memref<2x10240x128xf32, #tpu.memory_space<hbm>> -> memref<1x32x128xf32, #tpu.memory_space<hbm>>
      %dma_wait3A_181 = tpu.memref_squeeze %dma_wait3A_180 : memref<1x32x128xf32, #tpu.memory_space<hbm>> -> memref<32x128xf32, #tpu.memory_space<hbm>>
      %dma_wait3A_182 = arith.constant 0 : i32
      %dma_wait3A_183 = tpu.memref_slice %arg5[%arg0, %add3A_130, %dma_wait3A_182] : memref<2x10240x128xf32, #tpu.memory_space<hbm>> -> memref<1x32x128xf32, #tpu.memory_space<hbm>>
      %dma_wait3A_184 = tpu.memref_squeeze %dma_wait3A_183 : memref<1x32x128xf32, #tpu.memory_space<hbm>> -> memref<32x128xf32, #tpu.memory_space<hbm>>
      tpu.wait_dma2 semaphore(%run_scoped3A : memref<!tpu.dma_semaphore, #tpu.memory_space<semaphore_mem>>) src(%arg9 : memref<32x128xf32, #tpu.memory_space<vmem>>) dst(%dma_wait3A_184 : memref<32x128xf32, #tpu.memory_space<hbm>>)
      tpu.yield
    }) : () -> ()
    %mul3A_131 = arith.constant 640 : i32
    %mul3A_132 = arith.muli %arg1, %mul3A_131 : i32
    %add3A_133 = arith.constant 288 : i32
    %add3A_134 = arith.addi %mul3A_132, %add3A_133 : i32
    "tpu.region"() ({
      %run_scoped3A = tpu.sem_alloc : memref<!tpu.dma_semaphore, #tpu.memory_space<semaphore_mem>>
      %dma_start3A = arith.constant 0 : i32
      %dma_start3A_175 = tpu.memref_slice %arg10[%add3A_134, %dma_start3A] : memref<10240x128xf32, #tpu.memory_space<vmem_shared>> -> memref<32x128xf32, #tpu.memory_space<vmem_shared>>
      %dma_start3A_176 = arith.constant 0 : i32
      %dma_start3A_177 = tpu.memref_slice %arg10[%add3A_134, %dma_start3A_176] : memref<10240x128xf32, #tpu.memory_space<vmem_shared>> -> memref<32x128xf32, #tpu.memory_space<vmem_shared>>
      tpu.enqueue_dma source(%dma_start3A_177 : memref<32x128xf32, #tpu.memory_space<vmem_shared>>) target(%arg9 : memref<32x128xf32, #tpu.memory_space<vmem>>) target_semaphore(%run_scoped3A : memref<!tpu.dma_semaphore, #tpu.memory_space<semaphore_mem>>)
      %dma_wait3A = arith.constant 0 : i32
      %dma_wait3A_178 = tpu.memref_slice %arg10[%add3A_134, %dma_wait3A] : memref<10240x128xf32, #tpu.memory_space<vmem_shared>> -> memref<32x128xf32, #tpu.memory_space<vmem_shared>>
      %dma_wait3A_179 = arith.constant 0 : i32
      %dma_wait3A_180 = tpu.memref_slice %arg10[%add3A_134, %dma_wait3A_179] : memref<10240x128xf32, #tpu.memory_space<vmem_shared>> -> memref<32x128xf32, #tpu.memory_space<vmem_shared>>
      tpu.wait_dma2 semaphore(%run_scoped3A : memref<!tpu.dma_semaphore, #tpu.memory_space<semaphore_mem>>) src(%dma_wait3A_180 : memref<32x128xf32, #tpu.memory_space<vmem_shared>>) dst(%arg9 : memref<32x128xf32, #tpu.memory_space<vmem>>)
      tpu.yield
    }) : () -> ()
    "tpu.region"() ({
      %run_scoped3A = tpu.sem_alloc : memref<!tpu.dma_semaphore, #tpu.memory_space<semaphore_mem>>
      %dma_start3A = arith.constant 0 : i32
      %dma_start3A_175 = tpu.memref_slice %arg5[%arg0, %add3A_134, %dma_start3A] : memref<2x10240x128xf32, #tpu.memory_space<hbm>> -> memref<1x32x128xf32, #tpu.memory_space<hbm>>
      %dma_start3A_176 = tpu.memref_squeeze %dma_start3A_175 : memref<1x32x128xf32, #tpu.memory_space<hbm>> -> memref<32x128xf32, #tpu.memory_space<hbm>>
      %dma_start3A_177 = arith.constant 0 : i32
      %dma_start3A_178 = tpu.memref_slice %arg5[%arg0, %add3A_134, %dma_start3A_177] : memref<2x10240x128xf32, #tpu.memory_space<hbm>> -> memref<1x32x128xf32, #tpu.memory_space<hbm>>
      %dma_start3A_179 = tpu.memref_squeeze %dma_start3A_178 : memref<1x32x128xf32, #tpu.memory_space<hbm>> -> memref<32x128xf32, #tpu.memory_space<hbm>>
      tpu.enqueue_dma source(%arg9 : memref<32x128xf32, #tpu.memory_space<vmem>>) target(%dma_start3A_179 : memref<32x128xf32, #tpu.memory_space<hbm>>) target_semaphore(%run_scoped3A : memref<!tpu.dma_semaphore, #tpu.memory_space<semaphore_mem>>)
      %dma_wait3A = arith.constant 0 : i32
      %dma_wait3A_180 = tpu.memref_slice %arg5[%arg0, %add3A_134, %dma_wait3A] : memref<2x10240x128xf32, #tpu.memory_space<hbm>> -> memref<1x32x128xf32, #tpu.memory_space<hbm>>
      %dma_wait3A_181 = tpu.memref_squeeze %dma_wait3A_180 : memref<1x32x128xf32, #tpu.memory_space<hbm>> -> memref<32x128xf32, #tpu.memory_space<hbm>>
      %dma_wait3A_182 = arith.constant 0 : i32
      %dma_wait3A_183 = tpu.memref_slice %arg5[%arg0, %add3A_134, %dma_wait3A_182] : memref<2x10240x128xf32, #tpu.memory_space<hbm>> -> memref<1x32x128xf32, #tpu.memory_space<hbm>>
      %dma_wait3A_184 = tpu.memref_squeeze %dma_wait3A_183 : memref<1x32x128xf32, #tpu.memory_space<hbm>> -> memref<32x128xf32, #tpu.memory_space<hbm>>
      tpu.wait_dma2 semaphore(%run_scoped3A : memref<!tpu.dma_semaphore, #tpu.memory_space<semaphore_mem>>) src(%arg9 : memref<32x128xf32, #tpu.memory_space<vmem>>) dst(%dma_wait3A_184 : memref<32x128xf32, #tpu.memory_space<hbm>>)
      tpu.yield
    }) : () -> ()
    %mul3A_135 = arith.constant 640 : i32
    %mul3A_136 = arith.muli %arg1, %mul3A_135 : i32
    %add3A_137 = arith.constant 320 : i32
    %add3A_138 = arith.addi %mul3A_136, %add3A_137 : i32
    "tpu.region"() ({
      %run_scoped3A = tpu.sem_alloc : memref<!tpu.dma_semaphore, #tpu.memory_space<semaphore_mem>>
      %dma_start3A = arith.constant 0 : i32
      %dma_start3A_175 = tpu.memref_slice %arg10[%add3A_138, %dma_start3A] : memref<10240x128xf32, #tpu.memory_space<vmem_shared>> -> memref<32x128xf32, #tpu.memory_space<vmem_shared>>
      %dma_start3A_176 = arith.constant 0 : i32
      %dma_start3A_177 = tpu.memref_slice %arg10[%add3A_138, %dma_start3A_176] : memref<10240x128xf32, #tpu.memory_space<vmem_shared>> -> memref<32x128xf32, #tpu.memory_space<vmem_shared>>
      tpu.enqueue_dma source(%dma_start3A_177 : memref<32x128xf32, #tpu.memory_space<vmem_shared>>) target(%arg9 : memref<32x128xf32, #tpu.memory_space<vmem>>) target_semaphore(%run_scoped3A : memref<!tpu.dma_semaphore, #tpu.memory_space<semaphore_mem>>)
      %dma_wait3A = arith.constant 0 : i32
      %dma_wait3A_178 = tpu.memref_slice %arg10[%add3A_138, %dma_wait3A] : memref<10240x128xf32, #tpu.memory_space<vmem_shared>> -> memref<32x128xf32, #tpu.memory_space<vmem_shared>>
      %dma_wait3A_179 = arith.constant 0 : i32
      %dma_wait3A_180 = tpu.memref_slice %arg10[%add3A_138, %dma_wait3A_179] : memref<10240x128xf32, #tpu.memory_space<vmem_shared>> -> memref<32x128xf32, #tpu.memory_space<vmem_shared>>
      tpu.wait_dma2 semaphore(%run_scoped3A : memref<!tpu.dma_semaphore, #tpu.memory_space<semaphore_mem>>) src(%dma_wait3A_180 : memref<32x128xf32, #tpu.memory_space<vmem_shared>>) dst(%arg9 : memref<32x128xf32, #tpu.memory_space<vmem>>)
      tpu.yield
    }) : () -> ()
    "tpu.region"() ({
      %run_scoped3A = tpu.sem_alloc : memref<!tpu.dma_semaphore, #tpu.memory_space<semaphore_mem>>
      %dma_start3A = arith.constant 0 : i32
      %dma_start3A_175 = tpu.memref_slice %arg5[%arg0, %add3A_138, %dma_start3A] : memref<2x10240x128xf32, #tpu.memory_space<hbm>> -> memref<1x32x128xf32, #tpu.memory_space<hbm>>
      %dma_start3A_176 = tpu.memref_squeeze %dma_start3A_175 : memref<1x32x128xf32, #tpu.memory_space<hbm>> -> memref<32x128xf32, #tpu.memory_space<hbm>>
      %dma_start3A_177 = arith.constant 0 : i32
      %dma_start3A_178 = tpu.memref_slice %arg5[%arg0, %add3A_138, %dma_start3A_177] : memref<2x10240x128xf32, #tpu.memory_space<hbm>> -> memref<1x32x128xf32, #tpu.memory_space<hbm>>
      %dma_start3A_179 = tpu.memref_squeeze %dma_start3A_178 : memref<1x32x128xf32, #tpu.memory_space<hbm>> -> memref<32x128xf32, #tpu.memory_space<hbm>>
      tpu.enqueue_dma source(%arg9 : memref<32x128xf32, #tpu.memory_space<vmem>>) target(%dma_start3A_179 : memref<32x128xf32, #tpu.memory_space<hbm>>) target_semaphore(%run_scoped3A : memref<!tpu.dma_semaphore, #tpu.memory_space<semaphore_mem>>)
      %dma_wait3A = arith.constant 0 : i32
      %dma_wait3A_180 = tpu.memref_slice %arg5[%arg0, %add3A_138, %dma_wait3A] : memref<2x10240x128xf32, #tpu.memory_space<hbm>> -> memref<1x32x128xf32, #tpu.memory_space<hbm>>
      %dma_wait3A_181 = tpu.memref_squeeze %dma_wait3A_180 : memref<1x32x128xf32, #tpu.memory_space<hbm>> -> memref<32x128xf32, #tpu.memory_space<hbm>>
      %dma_wait3A_182 = arith.constant 0 : i32
      %dma_wait3A_183 = tpu.memref_slice %arg5[%arg0, %add3A_138, %dma_wait3A_182] : memref<2x10240x128xf32, #tpu.memory_space<hbm>> -> memref<1x32x128xf32, #tpu.memory_space<hbm>>
      %dma_wait3A_184 = tpu.memref_squeeze %dma_wait3A_183 : memref<1x32x128xf32, #tpu.memory_space<hbm>> -> memref<32x128xf32, #tpu.memory_space<hbm>>
      tpu.wait_dma2 semaphore(%run_scoped3A : memref<!tpu.dma_semaphore, #tpu.memory_space<semaphore_mem>>) src(%arg9 : memref<32x128xf32, #tpu.memory_space<vmem>>) dst(%dma_wait3A_184 : memref<32x128xf32, #tpu.memory_space<hbm>>)
      tpu.yield
    }) : () -> ()
    %mul3A_139 = arith.constant 640 : i32
    %mul3A_140 = arith.muli %arg1, %mul3A_139 : i32
    %add3A_141 = arith.constant 352 : i32
    %add3A_142 = arith.addi %mul3A_140, %add3A_141 : i32
    "tpu.region"() ({
      %run_scoped3A = tpu.sem_alloc : memref<!tpu.dma_semaphore, #tpu.memory_space<semaphore_mem>>
      %dma_start3A = arith.constant 0 : i32
      %dma_start3A_175 = tpu.memref_slice %arg10[%add3A_142, %dma_start3A] : memref<10240x128xf32, #tpu.memory_space<vmem_shared>> -> memref<32x128xf32, #tpu.memory_space<vmem_shared>>
      %dma_start3A_176 = arith.constant 0 : i32
      %dma_start3A_177 = tpu.memref_slice %arg10[%add3A_142, %dma_start3A_176] : memref<10240x128xf32, #tpu.memory_space<vmem_shared>> -> memref<32x128xf32, #tpu.memory_space<vmem_shared>>
      tpu.enqueue_dma source(%dma_start3A_177 : memref<32x128xf32, #tpu.memory_space<vmem_shared>>) target(%arg9 : memref<32x128xf32, #tpu.memory_space<vmem>>) target_semaphore(%run_scoped3A : memref<!tpu.dma_semaphore, #tpu.memory_space<semaphore_mem>>)
      %dma_wait3A = arith.constant 0 : i32
      %dma_wait3A_178 = tpu.memref_slice %arg10[%add3A_142, %dma_wait3A] : memref<10240x128xf32, #tpu.memory_space<vmem_shared>> -> memref<32x128xf32, #tpu.memory_space<vmem_shared>>
      %dma_wait3A_179 = arith.constant 0 : i32
      %dma_wait3A_180 = tpu.memref_slice %arg10[%add3A_142, %dma_wait3A_179] : memref<10240x128xf32, #tpu.memory_space<vmem_shared>> -> memref<32x128xf32, #tpu.memory_space<vmem_shared>>
      tpu.wait_dma2 semaphore(%run_scoped3A : memref<!tpu.dma_semaphore, #tpu.memory_space<semaphore_mem>>) src(%dma_wait3A_180 : memref<32x128xf32, #tpu.memory_space<vmem_shared>>) dst(%arg9 : memref<32x128xf32, #tpu.memory_space<vmem>>)
      tpu.yield
    }) : () -> ()
    "tpu.region"() ({
      %run_scoped3A = tpu.sem_alloc : memref<!tpu.dma_semaphore, #tpu.memory_space<semaphore_mem>>
      %dma_start3A = arith.constant 0 : i32
      %dma_start3A_175 = tpu.memref_slice %arg5[%arg0, %add3A_142, %dma_start3A] : memref<2x10240x128xf32, #tpu.memory_space<hbm>> -> memref<1x32x128xf32, #tpu.memory_space<hbm>>
      %dma_start3A_176 = tpu.memref_squeeze %dma_start3A_175 : memref<1x32x128xf32, #tpu.memory_space<hbm>> -> memref<32x128xf32, #tpu.memory_space<hbm>>
      %dma_start3A_177 = arith.constant 0 : i32
      %dma_start3A_178 = tpu.memref_slice %arg5[%arg0, %add3A_142, %dma_start3A_177] : memref<2x10240x128xf32, #tpu.memory_space<hbm>> -> memref<1x32x128xf32, #tpu.memory_space<hbm>>
      %dma_start3A_179 = tpu.memref_squeeze %dma_start3A_178 : memref<1x32x128xf32, #tpu.memory_space<hbm>> -> memref<32x128xf32, #tpu.memory_space<hbm>>
      tpu.enqueue_dma source(%arg9 : memref<32x128xf32, #tpu.memory_space<vmem>>) target(%dma_start3A_179 : memref<32x128xf32, #tpu.memory_space<hbm>>) target_semaphore(%run_scoped3A : memref<!tpu.dma_semaphore, #tpu.memory_space<semaphore_mem>>)
      %dma_wait3A = arith.constant 0 : i32
      %dma_wait3A_180 = tpu.memref_slice %arg5[%arg0, %add3A_142, %dma_wait3A] : memref<2x10240x128xf32, #tpu.memory_space<hbm>> -> memref<1x32x128xf32, #tpu.memory_space<hbm>>
      %dma_wait3A_181 = tpu.memref_squeeze %dma_wait3A_180 : memref<1x32x128xf32, #tpu.memory_space<hbm>> -> memref<32x128xf32, #tpu.memory_space<hbm>>
      %dma_wait3A_182 = arith.constant 0 : i32
      %dma_wait3A_183 = tpu.memref_slice %arg5[%arg0, %add3A_142, %dma_wait3A_182] : memref<2x10240x128xf32, #tpu.memory_space<hbm>> -> memref<1x32x128xf32, #tpu.memory_space<hbm>>
      %dma_wait3A_184 = tpu.memref_squeeze %dma_wait3A_183 : memref<1x32x128xf32, #tpu.memory_space<hbm>> -> memref<32x128xf32, #tpu.memory_space<hbm>>
      tpu.wait_dma2 semaphore(%run_scoped3A : memref<!tpu.dma_semaphore, #tpu.memory_space<semaphore_mem>>) src(%arg9 : memref<32x128xf32, #tpu.memory_space<vmem>>) dst(%dma_wait3A_184 : memref<32x128xf32, #tpu.memory_space<hbm>>)
      tpu.yield
    }) : () -> ()
    %mul3A_143 = arith.constant 640 : i32
    %mul3A_144 = arith.muli %arg1, %mul3A_143 : i32
    %add3A_145 = arith.constant 384 : i32
    %add3A_146 = arith.addi %mul3A_144, %add3A_145 : i32
    "tpu.region"() ({
      %run_scoped3A = tpu.sem_alloc : memref<!tpu.dma_semaphore, #tpu.memory_space<semaphore_mem>>
      %dma_start3A = arith.constant 0 : i32
      %dma_start3A_175 = tpu.memref_slice %arg10[%add3A_146, %dma_start3A] : memref<10240x128xf32, #tpu.memory_space<vmem_shared>> -> memref<32x128xf32, #tpu.memory_space<vmem_shared>>
      %dma_start3A_176 = arith.constant 0 : i32
      %dma_start3A_177 = tpu.memref_slice %arg10[%add3A_146, %dma_start3A_176] : memref<10240x128xf32, #tpu.memory_space<vmem_shared>> -> memref<32x128xf32, #tpu.memory_space<vmem_shared>>
      tpu.enqueue_dma source(%dma_start3A_177 : memref<32x128xf32, #tpu.memory_space<vmem_shared>>) target(%arg9 : memref<32x128xf32, #tpu.memory_space<vmem>>) target_semaphore(%run_scoped3A : memref<!tpu.dma_semaphore, #tpu.memory_space<semaphore_mem>>)
      %dma_wait3A = arith.constant 0 : i32
      %dma_wait3A_178 = tpu.memref_slice %arg10[%add3A_146, %dma_wait3A] : memref<10240x128xf32, #tpu.memory_space<vmem_shared>> -> memref<32x128xf32, #tpu.memory_space<vmem_shared>>
      %dma_wait3A_179 = arith.constant 0 : i32
      %dma_wait3A_180 = tpu.memref_slice %arg10[%add3A_146, %dma_wait3A_179] : memref<10240x128xf32, #tpu.memory_space<vmem_shared>> -> memref<32x128xf32, #tpu.memory_space<vmem_shared>>
      tpu.wait_dma2 semaphore(%run_scoped3A : memref<!tpu.dma_semaphore, #tpu.memory_space<semaphore_mem>>) src(%dma_wait3A_180 : memref<32x128xf32, #tpu.memory_space<vmem_shared>>) dst(%arg9 : memref<32x128xf32, #tpu.memory_space<vmem>>)
      tpu.yield
    }) : () -> ()
    "tpu.region"() ({
      %run_scoped3A = tpu.sem_alloc : memref<!tpu.dma_semaphore, #tpu.memory_space<semaphore_mem>>
      %dma_start3A = arith.constant 0 : i32
      %dma_start3A_175 = tpu.memref_slice %arg5[%arg0, %add3A_146, %dma_start3A] : memref<2x10240x128xf32, #tpu.memory_space<hbm>> -> memref<1x32x128xf32, #tpu.memory_space<hbm>>
      %dma_start3A_176 = tpu.memref_squeeze %dma_start3A_175 : memref<1x32x128xf32, #tpu.memory_space<hbm>> -> memref<32x128xf32, #tpu.memory_space<hbm>>
      %dma_start3A_177 = arith.constant 0 : i32
      %dma_start3A_178 = tpu.memref_slice %arg5[%arg0, %add3A_146, %dma_start3A_177] : memref<2x10240x128xf32, #tpu.memory_space<hbm>> -> memref<1x32x128xf32, #tpu.memory_space<hbm>>
      %dma_start3A_179 = tpu.memref_squeeze %dma_start3A_178 : memref<1x32x128xf32, #tpu.memory_space<hbm>> -> memref<32x128xf32, #tpu.memory_space<hbm>>
      tpu.enqueue_dma source(%arg9 : memref<32x128xf32, #tpu.memory_space<vmem>>) target(%dma_start3A_179 : memref<32x128xf32, #tpu.memory_space<hbm>>) target_semaphore(%run_scoped3A : memref<!tpu.dma_semaphore, #tpu.memory_space<semaphore_mem>>)
      %dma_wait3A = arith.constant 0 : i32
      %dma_wait3A_180 = tpu.memref_slice %arg5[%arg0, %add3A_146, %dma_wait3A] : memref<2x10240x128xf32, #tpu.memory_space<hbm>> -> memref<1x32x128xf32, #tpu.memory_space<hbm>>
      %dma_wait3A_181 = tpu.memref_squeeze %dma_wait3A_180 : memref<1x32x128xf32, #tpu.memory_space<hbm>> -> memref<32x128xf32, #tpu.memory_space<hbm>>
      %dma_wait3A_182 = arith.constant 0 : i32
      %dma_wait3A_183 = tpu.memref_slice %arg5[%arg0, %add3A_146, %dma_wait3A_182] : memref<2x10240x128xf32, #tpu.memory_space<hbm>> -> memref<1x32x128xf32, #tpu.memory_space<hbm>>
      %dma_wait3A_184 = tpu.memref_squeeze %dma_wait3A_183 : memref<1x32x128xf32, #tpu.memory_space<hbm>> -> memref<32x128xf32, #tpu.memory_space<hbm>>
      tpu.wait_dma2 semaphore(%run_scoped3A : memref<!tpu.dma_semaphore, #tpu.memory_space<semaphore_mem>>) src(%arg9 : memref<32x128xf32, #tpu.memory_space<vmem>>) dst(%dma_wait3A_184 : memref<32x128xf32, #tpu.memory_space<hbm>>)
      tpu.yield
    }) : () -> ()
    %mul3A_147 = arith.constant 640 : i32
    %mul3A_148 = arith.muli %arg1, %mul3A_147 : i32
    %add3A_149 = arith.constant 416 : i32
    %add3A_150 = arith.addi %mul3A_148, %add3A_149 : i32
    "tpu.region"() ({
      %run_scoped3A = tpu.sem_alloc : memref<!tpu.dma_semaphore, #tpu.memory_space<semaphore_mem>>
      %dma_start3A = arith.constant 0 : i32
      %dma_start3A_175 = tpu.memref_slice %arg10[%add3A_150, %dma_start3A] : memref<10240x128xf32, #tpu.memory_space<vmem_shared>> -> memref<32x128xf32, #tpu.memory_space<vmem_shared>>
      %dma_start3A_176 = arith.constant 0 : i32
      %dma_start3A_177 = tpu.memref_slice %arg10[%add3A_150, %dma_start3A_176] : memref<10240x128xf32, #tpu.memory_space<vmem_shared>> -> memref<32x128xf32, #tpu.memory_space<vmem_shared>>
      tpu.enqueue_dma source(%dma_start3A_177 : memref<32x128xf32, #tpu.memory_space<vmem_shared>>) target(%arg9 : memref<32x128xf32, #tpu.memory_space<vmem>>) target_semaphore(%run_scoped3A : memref<!tpu.dma_semaphore, #tpu.memory_space<semaphore_mem>>)
      %dma_wait3A = arith.constant 0 : i32
      %dma_wait3A_178 = tpu.memref_slice %arg10[%add3A_150, %dma_wait3A] : memref<10240x128xf32, #tpu.memory_space<vmem_shared>> -> memref<32x128xf32, #tpu.memory_space<vmem_shared>>
      %dma_wait3A_179 = arith.constant 0 : i32
      %dma_wait3A_180 = tpu.memref_slice %arg10[%add3A_150, %dma_wait3A_179] : memref<10240x128xf32, #tpu.memory_space<vmem_shared>> -> memref<32x128xf32, #tpu.memory_space<vmem_shared>>
      tpu.wait_dma2 semaphore(%run_scoped3A : memref<!tpu.dma_semaphore, #tpu.memory_space<semaphore_mem>>) src(%dma_wait3A_180 : memref<32x128xf32, #tpu.memory_space<vmem_shared>>) dst(%arg9 : memref<32x128xf32, #tpu.memory_space<vmem>>)
      tpu.yield
    }) : () -> ()
    "tpu.region"() ({
      %run_scoped3A = tpu.sem_alloc : memref<!tpu.dma_semaphore, #tpu.memory_space<semaphore_mem>>
      %dma_start3A = arith.constant 0 : i32
      %dma_start3A_175 = tpu.memref_slice %arg5[%arg0, %add3A_150, %dma_start3A] : memref<2x10240x128xf32, #tpu.memory_space<hbm>> -> memref<1x32x128xf32, #tpu.memory_space<hbm>>
      %dma_start3A_176 = tpu.memref_squeeze %dma_start3A_175 : memref<1x32x128xf32, #tpu.memory_space<hbm>> -> memref<32x128xf32, #tpu.memory_space<hbm>>
      %dma_start3A_177 = arith.constant 0 : i32
      %dma_start3A_178 = tpu.memref_slice %arg5[%arg0, %add3A_150, %dma_start3A_177] : memref<2x10240x128xf32, #tpu.memory_space<hbm>> -> memref<1x32x128xf32, #tpu.memory_space<hbm>>
      %dma_start3A_179 = tpu.memref_squeeze %dma_start3A_178 : memref<1x32x128xf32, #tpu.memory_space<hbm>> -> memref<32x128xf32, #tpu.memory_space<hbm>>
      tpu.enqueue_dma source(%arg9 : memref<32x128xf32, #tpu.memory_space<vmem>>) target(%dma_start3A_179 : memref<32x128xf32, #tpu.memory_space<hbm>>) target_semaphore(%run_scoped3A : memref<!tpu.dma_semaphore, #tpu.memory_space<semaphore_mem>>)
      %dma_wait3A = arith.constant 0 : i32
      %dma_wait3A_180 = tpu.memref_slice %arg5[%arg0, %add3A_150, %dma_wait3A] : memref<2x10240x128xf32, #tpu.memory_space<hbm>> -> memref<1x32x128xf32, #tpu.memory_space<hbm>>
      %dma_wait3A_181 = tpu.memref_squeeze %dma_wait3A_180 : memref<1x32x128xf32, #tpu.memory_space<hbm>> -> memref<32x128xf32, #tpu.memory_space<hbm>>
      %dma_wait3A_182 = arith.constant 0 : i32
      %dma_wait3A_183 = tpu.memref_slice %arg5[%arg0, %add3A_150, %dma_wait3A_182] : memref<2x10240x128xf32, #tpu.memory_space<hbm>> -> memref<1x32x128xf32, #tpu.memory_space<hbm>>
      %dma_wait3A_184 = tpu.memref_squeeze %dma_wait3A_183 : memref<1x32x128xf32, #tpu.memory_space<hbm>> -> memref<32x128xf32, #tpu.memory_space<hbm>>
      tpu.wait_dma2 semaphore(%run_scoped3A : memref<!tpu.dma_semaphore, #tpu.memory_space<semaphore_mem>>) src(%arg9 : memref<32x128xf32, #tpu.memory_space<vmem>>) dst(%dma_wait3A_184 : memref<32x128xf32, #tpu.memory_space<hbm>>)
      tpu.yield
    }) : () -> ()
    %mul3A_151 = arith.constant 640 : i32
    %mul3A_152 = arith.muli %arg1, %mul3A_151 : i32
    %add3A_153 = arith.constant 448 : i32
    %add3A_154 = arith.addi %mul3A_152, %add3A_153 : i32
    "tpu.region"() ({
      %run_scoped3A = tpu.sem_alloc : memref<!tpu.dma_semaphore, #tpu.memory_space<semaphore_mem>>
      %dma_start3A = arith.constant 0 : i32
      %dma_start3A_175 = tpu.memref_slice %arg10[%add3A_154, %dma_start3A] : memref<10240x128xf32, #tpu.memory_space<vmem_shared>> -> memref<32x128xf32, #tpu.memory_space<vmem_shared>>
      %dma_start3A_176 = arith.constant 0 : i32
      %dma_start3A_177 = tpu.memref_slice %arg10[%add3A_154, %dma_start3A_176] : memref<10240x128xf32, #tpu.memory_space<vmem_shared>> -> memref<32x128xf32, #tpu.memory_space<vmem_shared>>
      tpu.enqueue_dma source(%dma_start3A_177 : memref<32x128xf32, #tpu.memory_space<vmem_shared>>) target(%arg9 : memref<32x128xf32, #tpu.memory_space<vmem>>) target_semaphore(%run_scoped3A : memref<!tpu.dma_semaphore, #tpu.memory_space<semaphore_mem>>)
      %dma_wait3A = arith.constant 0 : i32
      %dma_wait3A_178 = tpu.memref_slice %arg10[%add3A_154, %dma_wait3A] : memref<10240x128xf32, #tpu.memory_space<vmem_shared>> -> memref<32x128xf32, #tpu.memory_space<vmem_shared>>
      %dma_wait3A_179 = arith.constant 0 : i32
      %dma_wait3A_180 = tpu.memref_slice %arg10[%add3A_154, %dma_wait3A_179] : memref<10240x128xf32, #tpu.memory_space<vmem_shared>> -> memref<32x128xf32, #tpu.memory_space<vmem_shared>>
      tpu.wait_dma2 semaphore(%run_scoped3A : memref<!tpu.dma_semaphore, #tpu.memory_space<semaphore_mem>>) src(%dma_wait3A_180 : memref<32x128xf32, #tpu.memory_space<vmem_shared>>) dst(%arg9 : memref<32x128xf32, #tpu.memory_space<vmem>>)
      tpu.yield
    }) : () -> ()
    "tpu.region"() ({
      %run_scoped3A = tpu.sem_alloc : memref<!tpu.dma_semaphore, #tpu.memory_space<semaphore_mem>>
      %dma_start3A = arith.constant 0 : i32
      %dma_start3A_175 = tpu.memref_slice %arg5[%arg0, %add3A_154, %dma_start3A] : memref<2x10240x128xf32, #tpu.memory_space<hbm>> -> memref<1x32x128xf32, #tpu.memory_space<hbm>>
      %dma_start3A_176 = tpu.memref_squeeze %dma_start3A_175 : memref<1x32x128xf32, #tpu.memory_space<hbm>> -> memref<32x128xf32, #tpu.memory_space<hbm>>
      %dma_start3A_177 = arith.constant 0 : i32
      %dma_start3A_178 = tpu.memref_slice %arg5[%arg0, %add3A_154, %dma_start3A_177] : memref<2x10240x128xf32, #tpu.memory_space<hbm>> -> memref<1x32x128xf32, #tpu.memory_space<hbm>>
      %dma_start3A_179 = tpu.memref_squeeze %dma_start3A_178 : memref<1x32x128xf32, #tpu.memory_space<hbm>> -> memref<32x128xf32, #tpu.memory_space<hbm>>
      tpu.enqueue_dma source(%arg9 : memref<32x128xf32, #tpu.memory_space<vmem>>) target(%dma_start3A_179 : memref<32x128xf32, #tpu.memory_space<hbm>>) target_semaphore(%run_scoped3A : memref<!tpu.dma_semaphore, #tpu.memory_space<semaphore_mem>>)
      %dma_wait3A = arith.constant 0 : i32
      %dma_wait3A_180 = tpu.memref_slice %arg5[%arg0, %add3A_154, %dma_wait3A] : memref<2x10240x128xf32, #tpu.memory_space<hbm>> -> memref<1x32x128xf32, #tpu.memory_space<hbm>>
      %dma_wait3A_181 = tpu.memref_squeeze %dma_wait3A_180 : memref<1x32x128xf32, #tpu.memory_space<hbm>> -> memref<32x128xf32, #tpu.memory_space<hbm>>
      %dma_wait3A_182 = arith.constant 0 : i32
      %dma_wait3A_183 = tpu.memref_slice %arg5[%arg0, %add3A_154, %dma_wait3A_182] : memref<2x10240x128xf32, #tpu.memory_space<hbm>> -> memref<1x32x128xf32, #tpu.memory_space<hbm>>
      %dma_wait3A_184 = tpu.memref_squeeze %dma_wait3A_183 : memref<1x32x128xf32, #tpu.memory_space<hbm>> -> memref<32x128xf32, #tpu.memory_space<hbm>>
      tpu.wait_dma2 semaphore(%run_scoped3A : memref<!tpu.dma_semaphore, #tpu.memory_space<semaphore_mem>>) src(%arg9 : memref<32x128xf32, #tpu.memory_space<vmem>>) dst(%dma_wait3A_184 : memref<32x128xf32, #tpu.memory_space<hbm>>)
      tpu.yield
    }) : () -> ()
    %mul3A_155 = arith.constant 640 : i32
    %mul3A_156 = arith.muli %arg1, %mul3A_155 : i32
    %add3A_157 = arith.constant 480 : i32
    %add3A_158 = arith.addi %mul3A_156, %add3A_157 : i32
    "tpu.region"() ({
      %run_scoped3A = tpu.sem_alloc : memref<!tpu.dma_semaphore, #tpu.memory_space<semaphore_mem>>
      %dma_start3A = arith.constant 0 : i32
      %dma_start3A_175 = tpu.memref_slice %arg10[%add3A_158, %dma_start3A] : memref<10240x128xf32, #tpu.memory_space<vmem_shared>> -> memref<32x128xf32, #tpu.memory_space<vmem_shared>>
      %dma_start3A_176 = arith.constant 0 : i32
      %dma_start3A_177 = tpu.memref_slice %arg10[%add3A_158, %dma_start3A_176] : memref<10240x128xf32, #tpu.memory_space<vmem_shared>> -> memref<32x128xf32, #tpu.memory_space<vmem_shared>>
      tpu.enqueue_dma source(%dma_start3A_177 : memref<32x128xf32, #tpu.memory_space<vmem_shared>>) target(%arg9 : memref<32x128xf32, #tpu.memory_space<vmem>>) target_semaphore(%run_scoped3A : memref<!tpu.dma_semaphore, #tpu.memory_space<semaphore_mem>>)
      %dma_wait3A = arith.constant 0 : i32
      %dma_wait3A_178 = tpu.memref_slice %arg10[%add3A_158, %dma_wait3A] : memref<10240x128xf32, #tpu.memory_space<vmem_shared>> -> memref<32x128xf32, #tpu.memory_space<vmem_shared>>
      %dma_wait3A_179 = arith.constant 0 : i32
      %dma_wait3A_180 = tpu.memref_slice %arg10[%add3A_158, %dma_wait3A_179] : memref<10240x128xf32, #tpu.memory_space<vmem_shared>> -> memref<32x128xf32, #tpu.memory_space<vmem_shared>>
      tpu.wait_dma2 semaphore(%run_scoped3A : memref<!tpu.dma_semaphore, #tpu.memory_space<semaphore_mem>>) src(%dma_wait3A_180 : memref<32x128xf32, #tpu.memory_space<vmem_shared>>) dst(%arg9 : memref<32x128xf32, #tpu.memory_space<vmem>>)
      tpu.yield
    }) : () -> ()
    "tpu.region"() ({
      %run_scoped3A = tpu.sem_alloc : memref<!tpu.dma_semaphore, #tpu.memory_space<semaphore_mem>>
      %dma_start3A = arith.constant 0 : i32
      %dma_start3A_175 = tpu.memref_slice %arg5[%arg0, %add3A_158, %dma_start3A] : memref<2x10240x128xf32, #tpu.memory_space<hbm>> -> memref<1x32x128xf32, #tpu.memory_space<hbm>>
      %dma_start3A_176 = tpu.memref_squeeze %dma_start3A_175 : memref<1x32x128xf32, #tpu.memory_space<hbm>> -> memref<32x128xf32, #tpu.memory_space<hbm>>
      %dma_start3A_177 = arith.constant 0 : i32
      %dma_start3A_178 = tpu.memref_slice %arg5[%arg0, %add3A_158, %dma_start3A_177] : memref<2x10240x128xf32, #tpu.memory_space<hbm>> -> memref<1x32x128xf32, #tpu.memory_space<hbm>>
      %dma_start3A_179 = tpu.memref_squeeze %dma_start3A_178 : memref<1x32x128xf32, #tpu.memory_space<hbm>> -> memref<32x128xf32, #tpu.memory_space<hbm>>
      tpu.enqueue_dma source(%arg9 : memref<32x128xf32, #tpu.memory_space<vmem>>) target(%dma_start3A_179 : memref<32x128xf32, #tpu.memory_space<hbm>>) target_semaphore(%run_scoped3A : memref<!tpu.dma_semaphore, #tpu.memory_space<semaphore_mem>>)
      %dma_wait3A = arith.constant 0 : i32
      %dma_wait3A_180 = tpu.memref_slice %arg5[%arg0, %add3A_158, %dma_wait3A] : memref<2x10240x128xf32, #tpu.memory_space<hbm>> -> memref<1x32x128xf32, #tpu.memory_space<hbm>>
      %dma_wait3A_181 = tpu.memref_squeeze %dma_wait3A_180 : memref<1x32x128xf32, #tpu.memory_space<hbm>> -> memref<32x128xf32, #tpu.memory_space<hbm>>
      %dma_wait3A_182 = arith.constant 0 : i32
      %dma_wait3A_183 = tpu.memref_slice %arg5[%arg0, %add3A_158, %dma_wait3A_182] : memref<2x10240x128xf32, #tpu.memory_space<hbm>> -> memref<1x32x128xf32, #tpu.memory_space<hbm>>
      %dma_wait3A_184 = tpu.memref_squeeze %dma_wait3A_183 : memref<1x32x128xf32, #tpu.memory_space<hbm>> -> memref<32x128xf32, #tpu.memory_space<hbm>>
      tpu.wait_dma2 semaphore(%run_scoped3A : memref<!tpu.dma_semaphore, #tpu.memory_space<semaphore_mem>>) src(%arg9 : memref<32x128xf32, #tpu.memory_space<vmem>>) dst(%dma_wait3A_184 : memref<32x128xf32, #tpu.memory_space<hbm>>)
      tpu.yield
    }) : () -> ()
    %mul3A_159 = arith.constant 640 : i32
    %mul3A_160 = arith.muli %arg1, %mul3A_159 : i32
    %add3A_161 = arith.constant 512 : i32
    %add3A_162 = arith.addi %mul3A_160, %add3A_161 : i32
    "tpu.region"() ({
      %run_scoped3A = tpu.sem_alloc : memref<!tpu.dma_semaphore, #tpu.memory_space<semaphore_mem>>
      %dma_start3A = arith.constant 0 : i32
      %dma_start3A_175 = tpu.memref_slice %arg10[%add3A_162, %dma_start3A] : memref<10240x128xf32, #tpu.memory_space<vmem_shared>> -> memref<32x128xf32, #tpu.memory_space<vmem_shared>>
      %dma_start3A_176 = arith.constant 0 : i32
      %dma_start3A_177 = tpu.memref_slice %arg10[%add3A_162, %dma_start3A_176] : memref<10240x128xf32, #tpu.memory_space<vmem_shared>> -> memref<32x128xf32, #tpu.memory_space<vmem_shared>>
      tpu.enqueue_dma source(%dma_start3A_177 : memref<32x128xf32, #tpu.memory_space<vmem_shared>>) target(%arg9 : memref<32x128xf32, #tpu.memory_space<vmem>>) target_semaphore(%run_scoped3A : memref<!tpu.dma_semaphore, #tpu.memory_space<semaphore_mem>>)
      %dma_wait3A = arith.constant 0 : i32
      %dma_wait3A_178 = tpu.memref_slice %arg10[%add3A_162, %dma_wait3A] : memref<10240x128xf32, #tpu.memory_space<vmem_shared>> -> memref<32x128xf32, #tpu.memory_space<vmem_shared>>
      %dma_wait3A_179 = arith.constant 0 : i32
      %dma_wait3A_180 = tpu.memref_slice %arg10[%add3A_162, %dma_wait3A_179] : memref<10240x128xf32, #tpu.memory_space<vmem_shared>> -> memref<32x128xf32, #tpu.memory_space<vmem_shared>>
      tpu.wait_dma2 semaphore(%run_scoped3A : memref<!tpu.dma_semaphore, #tpu.memory_space<semaphore_mem>>) src(%dma_wait3A_180 : memref<32x128xf32, #tpu.memory_space<vmem_shared>>) dst(%arg9 : memref<32x128xf32, #tpu.memory_space<vmem>>)
      tpu.yield
    }) : () -> ()
    "tpu.region"() ({
      %run_scoped3A = tpu.sem_alloc : memref<!tpu.dma_semaphore, #tpu.memory_space<semaphore_mem>>
      %dma_start3A = arith.constant 0 : i32
      %dma_start3A_175 = tpu.memref_slice %arg5[%arg0, %add3A_162, %dma_start3A] : memref<2x10240x128xf32, #tpu.memory_space<hbm>> -> memref<1x32x128xf32, #tpu.memory_space<hbm>>
      %dma_start3A_176 = tpu.memref_squeeze %dma_start3A_175 : memref<1x32x128xf32, #tpu.memory_space<hbm>> -> memref<32x128xf32, #tpu.memory_space<hbm>>
      %dma_start3A_177 = arith.constant 0 : i32
      %dma_start3A_178 = tpu.memref_slice %arg5[%arg0, %add3A_162, %dma_start3A_177] : memref<2x10240x128xf32, #tpu.memory_space<hbm>> -> memref<1x32x128xf32, #tpu.memory_space<hbm>>
      %dma_start3A_179 = tpu.memref_squeeze %dma_start3A_178 : memref<1x32x128xf32, #tpu.memory_space<hbm>> -> memref<32x128xf32, #tpu.memory_space<hbm>>
      tpu.enqueue_dma source(%arg9 : memref<32x128xf32, #tpu.memory_space<vmem>>) target(%dma_start3A_179 : memref<32x128xf32, #tpu.memory_space<hbm>>) target_semaphore(%run_scoped3A : memref<!tpu.dma_semaphore, #tpu.memory_space<semaphore_mem>>)
      %dma_wait3A = arith.constant 0 : i32
      %dma_wait3A_180 = tpu.memref_slice %arg5[%arg0, %add3A_162, %dma_wait3A] : memref<2x10240x128xf32, #tpu.memory_space<hbm>> -> memref<1x32x128xf32, #tpu.memory_space<hbm>>
      %dma_wait3A_181 = tpu.memref_squeeze %dma_wait3A_180 : memref<1x32x128xf32, #tpu.memory_space<hbm>> -> memref<32x128xf32, #tpu.memory_space<hbm>>
      %dma_wait3A_182 = arith.constant 0 : i32
      %dma_wait3A_183 = tpu.memref_slice %arg5[%arg0, %add3A_162, %dma_wait3A_182] : memref<2x10240x128xf32, #tpu.memory_space<hbm>> -> memref<1x32x128xf32, #tpu.memory_space<hbm>>
      %dma_wait3A_184 = tpu.memref_squeeze %dma_wait3A_183 : memref<1x32x128xf32, #tpu.memory_space<hbm>> -> memref<32x128xf32, #tpu.memory_space<hbm>>
      tpu.wait_dma2 semaphore(%run_scoped3A : memref<!tpu.dma_semaphore, #tpu.memory_space<semaphore_mem>>) src(%arg9 : memref<32x128xf32, #tpu.memory_space<vmem>>) dst(%dma_wait3A_184 : memref<32x128xf32, #tpu.memory_space<hbm>>)
      tpu.yield
    }) : () -> ()
    %mul3A_163 = arith.constant 640 : i32
    %mul3A_164 = arith.muli %arg1, %mul3A_163 : i32
    %add3A_165 = arith.constant 544 : i32
    %add3A_166 = arith.addi %mul3A_164, %add3A_165 : i32
    "tpu.region"() ({
      %run_scoped3A = tpu.sem_alloc : memref<!tpu.dma_semaphore, #tpu.memory_space<semaphore_mem>>
      %dma_start3A = arith.constant 0 : i32
      %dma_start3A_175 = tpu.memref_slice %arg10[%add3A_166, %dma_start3A] : memref<10240x128xf32, #tpu.memory_space<vmem_shared>> -> memref<32x128xf32, #tpu.memory_space<vmem_shared>>
      %dma_start3A_176 = arith.constant 0 : i32
      %dma_start3A_177 = tpu.memref_slice %arg10[%add3A_166, %dma_start3A_176] : memref<10240x128xf32, #tpu.memory_space<vmem_shared>> -> memref<32x128xf32, #tpu.memory_space<vmem_shared>>
      tpu.enqueue_dma source(%dma_start3A_177 : memref<32x128xf32, #tpu.memory_space<vmem_shared>>) target(%arg9 : memref<32x128xf32, #tpu.memory_space<vmem>>) target_semaphore(%run_scoped3A : memref<!tpu.dma_semaphore, #tpu.memory_space<semaphore_mem>>)
      %dma_wait3A = arith.constant 0 : i32
      %dma_wait3A_178 = tpu.memref_slice %arg10[%add3A_166, %dma_wait3A] : memref<10240x128xf32, #tpu.memory_space<vmem_shared>> -> memref<32x128xf32, #tpu.memory_space<vmem_shared>>
      %dma_wait3A_179 = arith.constant 0 : i32
      %dma_wait3A_180 = tpu.memref_slice %arg10[%add3A_166, %dma_wait3A_179] : memref<10240x128xf32, #tpu.memory_space<vmem_shared>> -> memref<32x128xf32, #tpu.memory_space<vmem_shared>>
      tpu.wait_dma2 semaphore(%run_scoped3A : memref<!tpu.dma_semaphore, #tpu.memory_space<semaphore_mem>>) src(%dma_wait3A_180 : memref<32x128xf32, #tpu.memory_space<vmem_shared>>) dst(%arg9 : memref<32x128xf32, #tpu.memory_space<vmem>>)
      tpu.yield
    }) : () -> ()
    "tpu.region"() ({
      %run_scoped3A = tpu.sem_alloc : memref<!tpu.dma_semaphore, #tpu.memory_space<semaphore_mem>>
      %dma_start3A = arith.constant 0 : i32
      %dma_start3A_175 = tpu.memref_slice %arg5[%arg0, %add3A_166, %dma_start3A] : memref<2x10240x128xf32, #tpu.memory_space<hbm>> -> memref<1x32x128xf32, #tpu.memory_space<hbm>>
      %dma_start3A_176 = tpu.memref_squeeze %dma_start3A_175 : memref<1x32x128xf32, #tpu.memory_space<hbm>> -> memref<32x128xf32, #tpu.memory_space<hbm>>
      %dma_start3A_177 = arith.constant 0 : i32
      %dma_start3A_178 = tpu.memref_slice %arg5[%arg0, %add3A_166, %dma_start3A_177] : memref<2x10240x128xf32, #tpu.memory_space<hbm>> -> memref<1x32x128xf32, #tpu.memory_space<hbm>>
      %dma_start3A_179 = tpu.memref_squeeze %dma_start3A_178 : memref<1x32x128xf32, #tpu.memory_space<hbm>> -> memref<32x128xf32, #tpu.memory_space<hbm>>
      tpu.enqueue_dma source(%arg9 : memref<32x128xf32, #tpu.memory_space<vmem>>) target(%dma_start3A_179 : memref<32x128xf32, #tpu.memory_space<hbm>>) target_semaphore(%run_scoped3A : memref<!tpu.dma_semaphore, #tpu.memory_space<semaphore_mem>>)
      %dma_wait3A = arith.constant 0 : i32
      %dma_wait3A_180 = tpu.memref_slice %arg5[%arg0, %add3A_166, %dma_wait3A] : memref<2x10240x128xf32, #tpu.memory_space<hbm>> -> memref<1x32x128xf32, #tpu.memory_space<hbm>>
      %dma_wait3A_181 = tpu.memref_squeeze %dma_wait3A_180 : memref<1x32x128xf32, #tpu.memory_space<hbm>> -> memref<32x128xf32, #tpu.memory_space<hbm>>
      %dma_wait3A_182 = arith.constant 0 : i32
      %dma_wait3A_183 = tpu.memref_slice %arg5[%arg0, %add3A_166, %dma_wait3A_182] : memref<2x10240x128xf32, #tpu.memory_space<hbm>> -> memref<1x32x128xf32, #tpu.memory_space<hbm>>
      %dma_wait3A_184 = tpu.memref_squeeze %dma_wait3A_183 : memref<1x32x128xf32, #tpu.memory_space<hbm>> -> memref<32x128xf32, #tpu.memory_space<hbm>>
      tpu.wait_dma2 semaphore(%run_scoped3A : memref<!tpu.dma_semaphore, #tpu.memory_space<semaphore_mem>>) src(%arg9 : memref<32x128xf32, #tpu.memory_space<vmem>>) dst(%dma_wait3A_184 : memref<32x128xf32, #tpu.memory_space<hbm>>)
      tpu.yield
    }) : () -> ()
    %mul3A_167 = arith.constant 640 : i32
    %mul3A_168 = arith.muli %arg1, %mul3A_167 : i32
    %add3A_169 = arith.constant 576 : i32
    %add3A_170 = arith.addi %mul3A_168, %add3A_169 : i32
    "tpu.region"() ({
      %run_scoped3A = tpu.sem_alloc : memref<!tpu.dma_semaphore, #tpu.memory_space<semaphore_mem>>
      %dma_start3A = arith.constant 0 : i32
      %dma_start3A_175 = tpu.memref_slice %arg10[%add3A_170, %dma_start3A] : memref<10240x128xf32, #tpu.memory_space<vmem_shared>> -> memref<32x128xf32, #tpu.memory_space<vmem_shared>>
      %dma_start3A_176 = arith.constant 0 : i32
      %dma_start3A_177 = tpu.memref_slice %arg10[%add3A_170, %dma_start3A_176] : memref<10240x128xf32, #tpu.memory_space<vmem_shared>> -> memref<32x128xf32, #tpu.memory_space<vmem_shared>>
      tpu.enqueue_dma source(%dma_start3A_177 : memref<32x128xf32, #tpu.memory_space<vmem_shared>>) target(%arg9 : memref<32x128xf32, #tpu.memory_space<vmem>>) target_semaphore(%run_scoped3A : memref<!tpu.dma_semaphore, #tpu.memory_space<semaphore_mem>>)
      %dma_wait3A = arith.constant 0 : i32
      %dma_wait3A_178 = tpu.memref_slice %arg10[%add3A_170, %dma_wait3A] : memref<10240x128xf32, #tpu.memory_space<vmem_shared>> -> memref<32x128xf32, #tpu.memory_space<vmem_shared>>
      %dma_wait3A_179 = arith.constant 0 : i32
      %dma_wait3A_180 = tpu.memref_slice %arg10[%add3A_170, %dma_wait3A_179] : memref<10240x128xf32, #tpu.memory_space<vmem_shared>> -> memref<32x128xf32, #tpu.memory_space<vmem_shared>>
      tpu.wait_dma2 semaphore(%run_scoped3A : memref<!tpu.dma_semaphore, #tpu.memory_space<semaphore_mem>>) src(%dma_wait3A_180 : memref<32x128xf32, #tpu.memory_space<vmem_shared>>) dst(%arg9 : memref<32x128xf32, #tpu.memory_space<vmem>>)
      tpu.yield
    }) : () -> ()
    "tpu.region"() ({
      %run_scoped3A = tpu.sem_alloc : memref<!tpu.dma_semaphore, #tpu.memory_space<semaphore_mem>>
      %dma_start3A = arith.constant 0 : i32
      %dma_start3A_175 = tpu.memref_slice %arg5[%arg0, %add3A_170, %dma_start3A] : memref<2x10240x128xf32, #tpu.memory_space<hbm>> -> memref<1x32x128xf32, #tpu.memory_space<hbm>>
      %dma_start3A_176 = tpu.memref_squeeze %dma_start3A_175 : memref<1x32x128xf32, #tpu.memory_space<hbm>> -> memref<32x128xf32, #tpu.memory_space<hbm>>
      %dma_start3A_177 = arith.constant 0 : i32
      %dma_start3A_178 = tpu.memref_slice %arg5[%arg0, %add3A_170, %dma_start3A_177] : memref<2x10240x128xf32, #tpu.memory_space<hbm>> -> memref<1x32x128xf32, #tpu.memory_space<hbm>>
      %dma_start3A_179 = tpu.memref_squeeze %dma_start3A_178 : memref<1x32x128xf32, #tpu.memory_space<hbm>> -> memref<32x128xf32, #tpu.memory_space<hbm>>
      tpu.enqueue_dma source(%arg9 : memref<32x128xf32, #tpu.memory_space<vmem>>) target(%dma_start3A_179 : memref<32x128xf32, #tpu.memory_space<hbm>>) target_semaphore(%run_scoped3A : memref<!tpu.dma_semaphore, #tpu.memory_space<semaphore_mem>>)
      %dma_wait3A = arith.constant 0 : i32
      %dma_wait3A_180 = tpu.memref_slice %arg5[%arg0, %add3A_170, %dma_wait3A] : memref<2x10240x128xf32, #tpu.memory_space<hbm>> -> memref<1x32x128xf32, #tpu.memory_space<hbm>>
      %dma_wait3A_181 = tpu.memref_squeeze %dma_wait3A_180 : memref<1x32x128xf32, #tpu.memory_space<hbm>> -> memref<32x128xf32, #tpu.memory_space<hbm>>
      %dma_wait3A_182 = arith.constant 0 : i32
      %dma_wait3A_183 = tpu.memref_slice %arg5[%arg0, %add3A_170, %dma_wait3A_182] : memref<2x10240x128xf32, #tpu.memory_space<hbm>> -> memref<1x32x128xf32, #tpu.memory_space<hbm>>
      %dma_wait3A_184 = tpu.memref_squeeze %dma_wait3A_183 : memref<1x32x128xf32, #tpu.memory_space<hbm>> -> memref<32x128xf32, #tpu.memory_space<hbm>>
      tpu.wait_dma2 semaphore(%run_scoped3A : memref<!tpu.dma_semaphore, #tpu.memory_space<semaphore_mem>>) src(%arg9 : memref<32x128xf32, #tpu.memory_space<vmem>>) dst(%dma_wait3A_184 : memref<32x128xf32, #tpu.memory_space<hbm>>)
      tpu.yield
    }) : () -> ()
    %mul3A_171 = arith.constant 640 : i32
    %mul3A_172 = arith.muli %arg1, %mul3A_171 : i32
    %add3A_173 = arith.constant 608 : i32
    %add3A_174 = arith.addi %mul3A_172, %add3A_173 : i32
    "tpu.region"() ({
      %run_scoped3A = tpu.sem_alloc : memref<!tpu.dma_semaphore, #tpu.memory_space<semaphore_mem>>
      %dma_start3A = arith.constant 0 : i32
      %dma_start3A_175 = tpu.memref_slice %arg10[%add3A_174, %dma_start3A] : memref<10240x128xf32, #tpu.memory_space<vmem_shared>> -> memref<32x128xf32, #tpu.memory_space<vmem_shared>>
      %dma_start3A_176 = arith.constant 0 : i32
      %dma_start3A_177 = tpu.memref_slice %arg10[%add3A_174, %dma_start3A_176] : memref<10240x128xf32, #tpu.memory_space<vmem_shared>> -> memref<32x128xf32, #tpu.memory_space<vmem_shared>>
      tpu.enqueue_dma source(%dma_start3A_177 : memref<32x128xf32, #tpu.memory_space<vmem_shared>>) target(%arg9 : memref<32x128xf32, #tpu.memory_space<vmem>>) target_semaphore(%run_scoped3A : memref<!tpu.dma_semaphore, #tpu.memory_space<semaphore_mem>>)
      %dma_wait3A = arith.constant 0 : i32
      %dma_wait3A_178 = tpu.memref_slice %arg10[%add3A_174, %dma_wait3A] : memref<10240x128xf32, #tpu.memory_space<vmem_shared>> -> memref<32x128xf32, #tpu.memory_space<vmem_shared>>
      %dma_wait3A_179 = arith.constant 0 : i32
      %dma_wait3A_180 = tpu.memref_slice %arg10[%add3A_174, %dma_wait3A_179] : memref<10240x128xf32, #tpu.memory_space<vmem_shared>> -> memref<32x128xf32, #tpu.memory_space<vmem_shared>>
      tpu.wait_dma2 semaphore(%run_scoped3A : memref<!tpu.dma_semaphore, #tpu.memory_space<semaphore_mem>>) src(%dma_wait3A_180 : memref<32x128xf32, #tpu.memory_space<vmem_shared>>) dst(%arg9 : memref<32x128xf32, #tpu.memory_space<vmem>>)
      tpu.yield
    }) : () -> ()
    "tpu.region"() ({
      %run_scoped3A = tpu.sem_alloc : memref<!tpu.dma_semaphore, #tpu.memory_space<semaphore_mem>>
      %dma_start3A = arith.constant 0 : i32
      %dma_start3A_175 = tpu.memref_slice %arg5[%arg0, %add3A_174, %dma_start3A] : memref<2x10240x128xf32, #tpu.memory_space<hbm>> -> memref<1x32x128xf32, #tpu.memory_space<hbm>>
      %dma_start3A_176 = tpu.memref_squeeze %dma_start3A_175 : memref<1x32x128xf32, #tpu.memory_space<hbm>> -> memref<32x128xf32, #tpu.memory_space<hbm>>
      %dma_start3A_177 = arith.constant 0 : i32
      %dma_start3A_178 = tpu.memref_slice %arg5[%arg0, %add3A_174, %dma_start3A_177] : memref<2x10240x128xf32, #tpu.memory_space<hbm>> -> memref<1x32x128xf32, #tpu.memory_space<hbm>>
      %dma_start3A_179 = tpu.memref_squeeze %dma_start3A_178 : memref<1x32x128xf32, #tpu.memory_space<hbm>> -> memref<32x128xf32, #tpu.memory_space<hbm>>
      tpu.enqueue_dma source(%arg9 : memref<32x128xf32, #tpu.memory_space<vmem>>) target(%dma_start3A_179 : memref<32x128xf32, #tpu.memory_space<hbm>>) target_semaphore(%run_scoped3A : memref<!tpu.dma_semaphore, #tpu.memory_space<semaphore_mem>>)
      %dma_wait3A = arith.constant 0 : i32
      %dma_wait3A_180 = tpu.memref_slice %arg5[%arg0, %add3A_174, %dma_wait3A] : memref<2x10240x128xf32, #tpu.memory_space<hbm>> -> memref<1x32x128xf32, #tpu.memory_space<hbm>>
      %dma_wait3A_181 = tpu.memref_squeeze %dma_wait3A_180 : memref<1x32x128xf32, #tpu.memory_space<hbm>> -> memref<32x128xf32, #tpu.memory_space<hbm>>
      %dma_wait3A_182 = arith.constant 0 : i32
      %dma_wait3A_183 = tpu.memref_slice %arg5[%arg0, %add3A_174, %dma_wait3A_182] : memref<2x10240x128xf32, #tpu.memory_space<hbm>> -> memref<1x32x128xf32, #tpu.memory_space<hbm>>
      %dma_wait3A_184 = tpu.memref_squeeze %dma_wait3A_183 : memref<1x32x128xf32, #tpu.memory_space<hbm>> -> memref<32x128xf32, #tpu.memory_space<hbm>>
      tpu.wait_dma2 semaphore(%run_scoped3A : memref<!tpu.dma_semaphore, #tpu.memory_space<semaphore_mem>>) src(%arg9 : memref<32x128xf32, #tpu.memory_space<vmem>>) dst(%dma_wait3A_184 : memref<32x128xf32, #tpu.memory_space<hbm>>)
      tpu.yield
    }) : () -> ()
    return
  }
}

module attributes {stable_mosaic.version = 14 : i64} {
  func.func @body(%arg0: memref<10240x128xf32, #tpu.memory_space<vmem>>, %arg1: memref<128x128xf32, #tpu.memory_space<vmem>>, %arg2: memref<2x10240x128xf32, #tpu.memory_space<vmem>>, %arg3: memref<10240x128xf32, #tpu.memory_space<vmem>>, %arg4: memref<10240x1xf32, #tpu.memory_space<vmem>>) attributes {dimension_semantics = [], scalar_prefetch = 0 : i64, scratch_operands = 0 : i64, tpu.core_type = #tpu.core_type<tc>} {
    %get3A = arith.constant 0 : index
    %get3A_0 = arith.constant 0 : index
    %get3A_1 = arith.constant 0 : index
    %get3A_2 = vector.load %arg2[%get3A, %get3A_0, %get3A_1] : memref<2x10240x128xf32, #tpu.memory_space<vmem>>, vector<1x10240x1xf32>
    %get3A_3 = vector.shape_cast %get3A_2 : vector<1x10240x1xf32> to vector<10240x1xf32>
    %get3A_4 = arith.constant 1 : index
    %get3A_5 = arith.constant 0 : index
    %get3A_6 = arith.constant 0 : index
    %get3A_7 = vector.load %arg2[%get3A_4, %get3A_5, %get3A_6] : memref<2x10240x128xf32, #tpu.memory_space<vmem>>, vector<1x10240x1xf32>
    %get3A_8 = vector.shape_cast %get3A_7 : vector<1x10240x1xf32> to vector<10240x1xf32>
    %add3A = arith.addf %get3A_3, %get3A_8 : vector<10240x1xf32>
    %add3A_9 = arith.constant 1.000000e+00 : f32
    %add3A_10 = vector.broadcast %add3A_9 : f32 to vector<10240x1xf32>
    %add3A_11 = arith.addf %add3A, %add3A_10 : vector<10240x1xf32>
    %rsqrt3A = math.rsqrt %add3A_11 : vector<10240x1xf32>
    %get3A_12 = arith.constant 0 : index
    %get3A_13 = arith.constant 0 : index
    %get3A_14 = vector.load %arg0[%get3A_12, %get3A_13] : memref<10240x128xf32, #tpu.memory_space<vmem>>, vector<10240x128xf32>
    %get3A_15 = arith.constant 0 : index
    %get3A_16 = arith.constant 0 : index
    %get3A_17 = vector.load %arg1[%get3A_15, %get3A_16] : memref<128x128xf32, #tpu.memory_space<vmem>>, vector<128x128xf32>
    %dot_general3A = arith.constant dense<0.000000e+00> : vector<10240x128xf32>
    %dot_general3A_18 = tpu.matmul %get3A_14, %get3A_17, %dot_general3A {dimension_numbers = #tpu.dot_dimension_numbers<[1], [0], [0], [1], [0, 0, 1, 1], [], []>, transpose_lhs_hint = false} : vector<10240x128xf32>, vector<128x128xf32>, vector<10240x128xf32> -> vector<10240x128xf32>
    %mul3A = vector.broadcast %rsqrt3A : vector<10240x1xf32> to vector<10240x128xf32>
    %mul3A_19 = arith.mulf %mul3A, %dot_general3A_18 : vector<10240x128xf32>
    %swap3A = arith.constant 0 : index
    %swap3A_20 = arith.constant 0 : index
    %swap3A_21 = vector.load %arg3[%swap3A, %swap3A_20] : memref<10240x128xf32, #tpu.memory_space<vmem>>, vector<10240x128xf32>
    tpu.vector_store %arg3[%swap3A, %swap3A_20], %mul3A_19 {strides = array<i32>} : memref<10240x128xf32, #tpu.memory_space<vmem>>, vector<10240x128xf32>,
    %swap3A_22 = arith.constant 0 : index
    %swap3A_23 = arith.constant 0 : index
    %swap3A_24 = vector.load %arg4[%swap3A_22, %swap3A_23] : memref<10240x1xf32, #tpu.memory_space<vmem>>, vector<10240x1xf32>
    tpu.vector_store %arg4[%swap3A_22, %swap3A_23], %rsqrt3A {strides = array<i32>} : memref<10240x1xf32, #tpu.memory_space<vmem>>, vector<10240x1xf32>,
    return
  }
}

module attributes {stable_mosaic.version = 14 : i64} {
  func.func @body(%arg0: memref<2x10240x128xf32, #tpu.memory_space<vmem>>, %arg1: memref<10240x128xf32, #tpu.memory_space<vmem>>, %arg2: memref<10240x1xf32, #tpu.memory_space<vmem>>, %arg3: memref<1x128xf32, #tpu.memory_space<vmem>>, %arg4: memref<128x128xf32, #tpu.memory_space<vmem>>, %arg5: memref<10240x128xf32, #tpu.memory_space<vmem>>) attributes {dimension_semantics = [], scalar_prefetch = 0 : i64, scratch_operands = 0 : i64, tpu.core_type = #tpu.core_type<tc>} {
    %get3A = arith.constant 0 : index
    %get3A_0 = arith.constant 0 : index
    %get3A_1 = arith.constant 0 : index
    %get3A_2 = vector.load %arg0[%get3A, %get3A_0, %get3A_1] : memref<2x10240x128xf32, #tpu.memory_space<vmem>>, vector<1x10240x128xf32>
    %get3A_3 = vector.shape_cast %get3A_2 : vector<1x10240x128xf32> to vector<10240x128xf32>
    %get3A_4 = arith.constant 1 : index
    %get3A_5 = arith.constant 0 : index
    %get3A_6 = arith.constant 0 : index
    %get3A_7 = vector.load %arg0[%get3A_4, %get3A_5, %get3A_6] : memref<2x10240x128xf32, #tpu.memory_space<vmem>>, vector<1x10240x128xf32>
    %get3A_8 = vector.shape_cast %get3A_7 : vector<1x10240x128xf32> to vector<10240x128xf32>
    %add3A = arith.addf %get3A_3, %get3A_8 : vector<10240x128xf32>
    %get3A_9 = arith.constant 0 : index
    %get3A_10 = arith.constant 0 : index
    %get3A_11 = vector.load %arg1[%get3A_9, %get3A_10] : memref<10240x128xf32, #tpu.memory_space<vmem>>, vector<10240x128xf32>
    %add3A_12 = arith.addf %add3A, %get3A_11 : vector<10240x128xf32>
    %get3A_13 = arith.constant 0 : index
    %get3A_14 = arith.constant 0 : index
    %get3A_15 = vector.load %arg2[%get3A_13, %get3A_14] : memref<10240x1xf32, #tpu.memory_space<vmem>>, vector<10240x1xf32>
    %mul3A = vector.broadcast %get3A_15 : vector<10240x1xf32> to vector<10240x128xf32>
    %mul3A_16 = arith.mulf %mul3A, %add3A_12 : vector<10240x128xf32>
    %get3A_17 = arith.constant 0 : index
    %get3A_18 = arith.constant 0 : index
    %get3A_19 = vector.load %arg3[%get3A_17, %get3A_18] : memref<1x128xf32, #tpu.memory_space<vmem>>, vector<1x128xf32>
    %add3A_20 = vector.broadcast %get3A_19 : vector<1x128xf32> to vector<10240x128xf32>
    %add3A_21 = arith.addf %mul3A_16, %add3A_20 : vector<10240x128xf32>
    %max3A = arith.constant 0.000000e+00 : f32
    %max3A_22 = vector.broadcast %max3A : f32 to vector<10240x128xf32>
    %max3A_23 = arith.maximumf %add3A_21, %max3A_22 : vector<10240x128xf32>
    %get3A_24 = arith.constant 0 : index
    %get3A_25 = arith.constant 0 : index
    %get3A_26 = vector.load %arg4[%get3A_24, %get3A_25] : memref<128x128xf32, #tpu.memory_space<vmem>>, vector<128x128xf32>
    %dot_general3A = arith.constant dense<0.000000e+00> : vector<10240x128xf32>
    %dot_general3A_27 = tpu.matmul %max3A_23, %get3A_26, %dot_general3A {dimension_numbers = #tpu.dot_dimension_numbers<[1], [0], [0], [1], [0, 0, 1, 1], [], []>, transpose_lhs_hint = false} : vector<10240x128xf32>, vector<128x128xf32>, vector<10240x128xf32> -> vector<10240x128xf32>
    %get3A_28 = arith.constant 0 : index
    %get3A_29 = arith.constant 0 : index
    %get3A_30 = vector.load %arg2[%get3A_28, %get3A_29] : memref<10240x1xf32, #tpu.memory_space<vmem>>, vector<10240x1xf32>
    %mul3A_31 = vector.broadcast %get3A_30 : vector<10240x1xf32> to vector<10240x128xf32>
    %mul3A_32 = arith.mulf %mul3A_31, %dot_general3A_27 : vector<10240x128xf32>
    %swap3A = arith.constant 0 : index
    %swap3A_33 = arith.constant 0 : index
    %swap3A_34 = vector.load %arg5[%swap3A, %swap3A_33] : memref<10240x128xf32, #tpu.memory_space<vmem>>, vector<10240x128xf32>
    tpu.vector_store %arg5[%swap3A, %swap3A_33], %mul3A_32 {strides = array<i32>} : memref<10240x128xf32, #tpu.memory_space<vmem>>, vector<10240x128xf32>,
    return
  }
}

module attributes {stable_mosaic.version = 14 : i64} {
  func.func @body(%arg0: memref<2x10240x128xf32, #tpu.memory_space<vmem>>, %arg1: memref<10240x128xf32, #tpu.memory_space<vmem>>, %arg2: memref<10240x1xf32, #tpu.memory_space<vmem>>, %arg3: memref<1x128xf32, #tpu.memory_space<vmem>>, %arg4: memref<128x128xf32, #tpu.memory_space<vmem>>, %arg5: memref<1x128xf32, #tpu.memory_space<vmem>>, %arg6: memref<10240x128xf32, #tpu.memory_space<vmem>>) attributes {dimension_semantics = [], scalar_prefetch = 0 : i64, scratch_operands = 0 : i64, tpu.core_type = #tpu.core_type<tc>} {
    %get3A = arith.constant 0 : index
    %get3A_0 = arith.constant 0 : index
    %get3A_1 = arith.constant 0 : index
    %get3A_2 = vector.load %arg0[%get3A, %get3A_0, %get3A_1] : memref<2x10240x128xf32, #tpu.memory_space<vmem>>, vector<1x10240x128xf32>
    %get3A_3 = vector.shape_cast %get3A_2 : vector<1x10240x128xf32> to vector<10240x128xf32>
    %get3A_4 = arith.constant 1 : index
    %get3A_5 = arith.constant 0 : index
    %get3A_6 = arith.constant 0 : index
    %get3A_7 = vector.load %arg0[%get3A_4, %get3A_5, %get3A_6] : memref<2x10240x128xf32, #tpu.memory_space<vmem>>, vector<1x10240x128xf32>
    %get3A_8 = vector.shape_cast %get3A_7 : vector<1x10240x128xf32> to vector<10240x128xf32>
    %add3A = arith.addf %get3A_3, %get3A_8 : vector<10240x128xf32>
    %get3A_9 = arith.constant 0 : index
    %get3A_10 = arith.constant 0 : index
    %get3A_11 = vector.load %arg1[%get3A_9, %get3A_10] : memref<10240x128xf32, #tpu.memory_space<vmem>>, vector<10240x128xf32>
    %add3A_12 = arith.addf %add3A, %get3A_11 : vector<10240x128xf32>
    %get3A_13 = arith.constant 0 : index
    %get3A_14 = arith.constant 0 : index
    %get3A_15 = vector.load %arg2[%get3A_13, %get3A_14] : memref<10240x1xf32, #tpu.memory_space<vmem>>, vector<10240x1xf32>
    %mul3A = vector.broadcast %get3A_15 : vector<10240x1xf32> to vector<10240x128xf32>
    %mul3A_16 = arith.mulf %mul3A, %add3A_12 : vector<10240x128xf32>
    %get3A_17 = arith.constant 0 : index
    %get3A_18 = arith.constant 0 : index
    %get3A_19 = vector.load %arg3[%get3A_17, %get3A_18] : memref<1x128xf32, #tpu.memory_space<vmem>>, vector<1x128xf32>
    %add3A_20 = vector.broadcast %get3A_19 : vector<1x128xf32> to vector<10240x128xf32>
    %add3A_21 = arith.addf %mul3A_16, %add3A_20 : vector<10240x128xf32>
    %max3A = arith.constant 0.000000e+00 : f32
    %max3A_22 = vector.broadcast %max3A : f32 to vector<10240x128xf32>
    %max3A_23 = arith.maximumf %add3A_21, %max3A_22 : vector<10240x128xf32>
    %get3A_24 = arith.constant 0 : index
    %get3A_25 = arith.constant 0 : index
    %get3A_26 = vector.load %arg4[%get3A_24, %get3A_25] : memref<128x128xf32, #tpu.memory_space<vmem>>, vector<128x128xf32>
    %dot_general3A = arith.constant dense<0.000000e+00> : vector<10240x128xf32>
    %dot_general3A_27 = tpu.matmul %max3A_23, %get3A_26, %dot_general3A {dimension_numbers = #tpu.dot_dimension_numbers<[1], [0], [0], [1], [0, 0, 1, 1], [], []>, transpose_lhs_hint = false} : vector<10240x128xf32>, vector<128x128xf32>, vector<10240x128xf32> -> vector<10240x128xf32>
    %get3A_28 = arith.constant 0 : index
    %get3A_29 = arith.constant 0 : index
    %get3A_30 = vector.load %arg5[%get3A_28, %get3A_29] : memref<1x128xf32, #tpu.memory_space<vmem>>, vector<1x128xf32>
    %add3A_31 = vector.broadcast %get3A_30 : vector<1x128xf32> to vector<10240x128xf32>
    %add3A_32 = arith.addf %dot_general3A_27, %add3A_31 : vector<10240x128xf32>
    %swap3A = arith.constant 0 : index
    %swap3A_33 = arith.constant 0 : index
    %swap3A_34 = vector.load %arg6[%swap3A, %swap3A_33] : memref<10240x128xf32, #tpu.memory_space<vmem>>, vector<10240x128xf32>
    tpu.vector_store %arg6[%swap3A, %swap3A_33], %add3A_32 {strides = array<i32>} : memref<10240x128xf32, #tpu.memory_space<vmem>>, vector<10240x128xf32>,
    return
  }
}

</mosaic_0001>

<sc_bundles>
// kernel: kernel.11.cloned.1.call-start
scs
__scs_entry_jumppad:
0x0: {  	(pc) =	sbr.rel $0x88, $3  }
0x1: {  	(tag) =	ssettag $0x0;
	lr =	simm.s32 $0x1  }
0x2: {  	[smem:$0x3F99] =	sst lr;
	_ =	strace $0xD0000000  }
0x3: {  	_ = 	snop  }
0x4: {  	_ = 	snop  }
0x5: {  	_ = 	snop  }
0x6: {  	_ = 	snop  }
0x7: {  	_ = 	snop  }
__scs_overlays_trampoline_lowered:
0x8: {  	[smem:$0x3FA8] =	sst s0  }
0x9: {  	[smem:$0x3FA9] =	sst s1  }
0xa: {  	[smem:$0x3FAA] =	sst s2  }
0xb: {  	[smem:$0x3FAB] =	sst s3  }
0xc: {  	[smem:$0x3FAC] =	sst s4  }
0xd: {  	[smem:$0x3FAD] =	sst s5  }
0xe: {  	[smem:$0x3FAE] =	sst s6  }
0xf: {  	[smem:$0x3FAF] =	sst s7  }
0x10: {  	[smem:$0x3FB0] =	sst s8  }
0x11: {  	[smem:$0x3FB1] =	sst s9;
	s0 =	simm.s32 @!p0 $0x0  }
0x12: {  	s1 =	sld [smem:$0x3F97];
	s0 =	simm.s32 @p0 $0x1  }
0x13: {  	[smem:$0x3FB2] =	sst s0;
	s0 =	simm.s32 @!p1 $0x0  }
0x14: {  	s2 =	sld [smem:$0x3F96];
	s0 =	simm.s32 @p1 $0x1  }
0x15: {  	[smem:$0x3FB3] =	sst s0;
	s0 =	simm.s32 @!p2 $0x0  }
0x16: {  	s3 =	sld [smem:$0x3FDB];
	s0 =	simm.s32 @p2 $0x1  }
0x17: {  	s4 =	simm.s32 $0x1BF5;
	[smem:$0x3FB5] =	sst s0  }
0x18: {  	s0 =	sld [smem:$0x3F98];
	_ =	swait.ge [sflag:s4], $0x0  }
0x19: {  	s7 =	sld [smem:$0x3F99]  }
0x1a: {  	s8 =	sadd.s32 $0xFFFFE003, lr  }
0x1b: {  	s9 =	sadd.s32 $0xFFFFFEF7, lr;
	s5 =	simm.s32 $0xFFFFFFFF;
	p2 =	slt.u32 s8, $0xFFFFF086  }
0x1c: {  	p1 =	slt.u32 s9, $0xF7A;
	s5 =	simm.s32 @!p2 $0x0  }
0x1d: {  	s5 =	simm.s32 @p1 $0x1;
	p0 =	seq.s32 s7, s2  }
0x1e: {  	s7 =	smul.u32 @!p0 $0xF7A, s2;
	p2 =	seq.s32 @!p0 s5, $0x0  }
0x1f: {  	s9 =	smul.u32 $0xF7A, s1;
	s8 =	simm.s32 @!p0 $0x1BF5;
	p2 =	por !p2, p0  }
0x20: {  	[sflag:s8] =	ssyncset.s32 @!p0 $0xFFFFF086;
	s6 =	sadd.s32 @!p0 s3, s7;
	s7 =	simm.s32 @!p0 $0x108  }
0x21: {  	s3 =	sadd.s32 s3, s9;
	s6 =	sadd.s32 @!p0 $0x88, s6;
	s7 =	simm.s32 @p2 $0x1082  }
0x22: {  	[simem:s7], [sflag:s8] =	dma.local @!p0 [hbm:s6], $0xF7A  }
0x23: {  	s9 =	sor.u32 $0xD0000000, s2;
	s6 =	simm.s32 $0x108;
	_ =	swait.ge @!p0 [sflag:s8], $0x0  }
0x24: {  	s3 =	sadd.s32 $0x88, s3;
	s6 =	simm.s32 @!p1 $0x1082;
	[sflag:s4] =	ssyncset.s32 $0xFFFFF086  }
0x25: {  	[simem:s6], [sflag:s4] =	dma.local [hbm:s3], $0xF7A  }
0x26: {  	[smem:$0x3F99] =	sst s1;
	(tag) =	ssettag s2;
	_ =	strace s9  }
0x27: {  	s1 =	sld [smem:$0x3FA9]  }
0x28: {  	s2 =	sld [smem:$0x3FAA]  }
0x29: {  	s4 =	sld [smem:$0x3FAC]  }
0x2a: {  	p0 =	seq.s32 s5, $0x0;
	s5 =	sld [smem:$0x3FAD]  }
0x2b: {  	s6 =	sld [smem:$0x3FAE]  }
0x2c: {  	s7 =	sld [smem:$0x3FAF]  }
0x2d: {  	s3 =	simm.s32 $0x108;
	s8 =	sld [smem:$0x3FB0]  }
0x2e: {  	s3 =	simm.s32 @!p0 $0x1082;
	s9 =	sld [smem:$0x3FB1]  }
0x2f: {  	lr =	sadd.s32 s0, s3;
	s0 =	sld [smem:$0x3FA8]  }
0x30: {  	s3 =	sld [smem:$0x3FAB]  }
0x31: {  	[smem:$0x3FB4] =	sst s10  }
0x32: {  	s10 =	sld [smem:$0x3FB2];
	_ =	sdelay $0x3  }
0x33: {  	p0 =	seq.s32 s10, $0x1;
	s10 =	sld [smem:$0x3FB4];
	_ =	sdelay $0x3  }
0x34: {  	[smem:$0x3FB4] =	sst s10  }
0x35: {  	s10 =	sld [smem:$0x3FB3];
	_ =	sdelay $0x3  }
0x36: {  	p1 =	seq.s32 s10, $0x1;
	s10 =	sld [smem:$0x3FB4];
	_ =	sdelay $0x3  }
0x37: {  	[smem:$0x3FB4] =	sst s10  }
0x38: {  	s10 =	sld [smem:$0x3FB5]  }
0x39: {  	_ = 	snop;
	(pc) =	sbr.ind lr, $3  }
0x3a: {  	_ = 	snop  }
0x3b: {  	_ = 	snop  }
0x3c: {  	p2 =	seq.s32 s10, $0x1;
	s10 =	sld [smem:$0x3FB4]  }
0x3d: {  	_ =	shalt  }
0x3e: {  	_ =	shalt  }
0x3f: {  	_ =	shalt  }
0x40: {  	_ =	shalt  }
0x41: {  	_ =	shalt  }
0x42: {  	_ =	shalt  }
0x43: {  	_ =	shalt  }
0x44: {  	_ =	shalt  }
0x45: {  	_ =	shalt  }
0x46: {  	_ =	shalt  }
0x47: {  	_ =	shalt  }
0x48: {  	_ =	shalt  }
0x49: {  	_ =	shalt  }
0x4a: {  	_ =	shalt  }
0x4b: {  	_ =	shalt  }
0x4c: {  	_ =	shalt  }
0x4d: {  	_ =	shalt  }
0x4e: {  	_ =	shalt  }
0x4f: {  	_ =	shalt  }
0x50: {  	_ =	shalt  }
0x51: {  	_ =	shalt  }
0x52: {  	_ =	shalt  }
0x53: {  	_ =	shalt  }
0x54: {  	_ =	shalt  }
0x55: {  	_ =	shalt  }
0x56: {  	_ =	shalt  }
0x57: {  	_ =	shalt  }
0x58: {  	_ =	shalt  }
0x59: {  	_ =	shalt  }
0x5a: {  	_ =	shalt  }
0x5b: {  	_ =	shalt  }
0x5c: {  	_ =	shalt  }
0x5d: {  	_ =	shalt  }
0x5e: {  	_ =	shalt  }
0x5f: {  	_ =	shalt  }
0x60: {  	_ =	shalt  }
0x61: {  	_ =	shalt  }
0x62: {  	_ =	shalt  }
0x63: {  	_ =	shalt  }
0x64: {  	_ =	shalt  }
0x65: {  	_ =	shalt  }
0x66: {  	_ =	shalt  }
0x67: {  	_ =	shalt  }
0x68: {  	_ =	shalt  }
0x69: {  	_ =	shalt  }
0x6a: {  	_ =	shalt  }
0x6b: {  	_ =	shalt  }
0x6c: {  	_ =	shalt  }
0x6d: {  	_ =	shalt  }
0x6e: {  	_ =	shalt  }
0x6f: {  	_ =	shalt  }
0x70: {  	_ =	shalt  }
0x71: {  	_ =	shalt  }
0x72: {  	_ =	shalt  }
0x73: {  	_ =	shalt  }
0x74: {  	_ =	shalt  }
0x75: {  	_ =	shalt  }
0x76: {  	_ =	shalt  }
0x77: {  	_ =	shalt  }
0x78: {  	_ =	shalt  }
0x79: {  	_ =	shalt  }
0x7a: {  	_ =	shalt  }
0x7b: {  	_ =	shalt  }
0x7c: {  	_ =	shalt  }
0x7d: {  	_ =	shalt  }
0x7e: {  	_ =	shalt  }
0x7f: {  	_ =	shalt  }
0x80: {  	_ =	shalt  }
0x81: {  	_ =	shalt  }
0x82: {  	_ =	shalt  }
0x83: {  	_ =	shalt  }
0x84: {  	_ =	shalt  }
0x85: {  	_ =	shalt  }
0x86: {  	_ =	shalt  }
0x87: {  	_ =	shalt  }
.Lfunc_end0:
.L_simem_size_0:
called_computation.1_lowered:
.L_overlay_start_0:
0x88: {  	s2 =	sld [smem:$0x3FD9]  }
0x89: {  	s3 =	sld [smem:$0x3FFE];
	_ =	sdelay $0x1  }
0x8a: {  	s1 =	srdreg.scid  }
0x8b: {  	s0 =	sand.u32 $0x1, s1  }
0x8c: {  	s17 =	sshll.u32 s0, $0xA;
	s2 =	sadd.s32 s3, s2  }
0x8d: {  	s2 =	sadd.s32 s2, s17  }
0x8e: {  	[smem:$0x3FC0] =	sst s2  }
0x8f: {  	_ = 	snop  }
0x90: {  	s2 =	sld [smem:$0x3FD0];
	(tm) =	ssettm $0x1  }
0x91: {  	s18 =	sld [smem:$0x3FFB];
	_ =	sdelay $0x3  }
0x92: {  	_ =	strace s18  }
0x93: {  	s3 =	sld [smem:$0x3FFC];
	_ =	sdelay $0x3  }
0x94: {  	_ =	strace s3  }
0x95: {  	s3 =	sld [smem:$0x3FFD];
	_ =	sdelay $0x3  }
0x96: {  	_ =	strace s3  }
0x97: {  	_ =	strace $0x8FFFFFFF  }
0x98: {  	s19 =	sld [smem:$0x3FDB];
	_ =	sdelay $0x1  }
0x99: {  	s4 =	simm.s32 $_scs_section_size  }
0x9a: {  	s5 =	simm.s32 $_size__tile_overlayer_lowered;
	s6 =	simm.s32 $_tile_overlayer_lowered  }
0x9b: {  	s22 =	simm.s32 $0x1BFF;
	s21 =	sshll.u32 s6, $0x1;
	s3 =	sadd.s32 s4, s19  }
0x9c: {  	s7 =	simm.s32 $0x0;
	s20 =	sshll.u32 s5, $0x1;
	s5 =	sadd.s32 s21, s3  }
0x9d: {  	[timem:s7], [sflag:s22] =	dma.local [hbm:s5], s20  }
0x9e: {  	_ =	swait.ge [sflag:s22], s20  }
0x9f: {  	s4 =	ssub.s32 $0x0, s20;
	[sflag:s22] =	ssyncset.done $0x0  }
0xa0: {  	[sflag:s22] =	ssyncadd.s32 s4;
	_ =	sdelay $0x1  }
0xa1: {  	s23 =	simm.s32 $0x1B8B  }
0xa2: {  	_ =	swait.ge [sflag:s23], $0x1  }
0xa3: {  	[sflag:s23] =	ssyncset.done $0x0  }
0xa4: {  	s25 =	simm.s32 $0x1B8E;
	s24 =	sld [smem:$0x3FFE];
	[sflag:s23] =	ssyncadd.s32 $0xFFFFFFFF  }
0xa5: {  	s26 =	simm.s32 $execute0_lowered;
	[smem:$0x3FD2] =	sst s25  }
0xa6: {  	s5 =	sshll.u32 s26, $0x1;
	_ =	strace $0x80000049;
	[dreg:$0x1] =	wrdreg $0xFFFFFFFF  }
0xa7: {  	s28 =	simm.s32 $_size_execute0_lowered;
	s3 =	sadd.s32 s3, s5;
	[dreg:$0x0] =	wrdreg $0x0  }
0xa8: {  	s5 =	sshll.u32 s28, $0x1;
	[dreg:$0x2] =	wrdreg s3  }
0xa9: {  	[dreg:$0x3] =	wrdreg s5  }
0xaa: {  	[dreg:$0x4] =	wrdreg $0xC0  }
0xab: {  	_ =	task [dreg:s7], $0x5FFFF  }
0xac: {  	[dreg:$0x1] =	wrdreg $0xFFFFFFFF  }
0xad: {  	[dreg:$0x0] =	wrdreg $0x60  }
0xae: {  	[dreg:$0x2] =	wrdreg s24  }
0xaf: {  	[dreg:$0x3] =	wrdreg s2  }
0xb0: {  	[dreg:$0x4] =	wrdreg $0xA0000  }
0xb1: {  	[dreg:$0x5] =	wrdreg $0x9  }
0xb2: {  	_ =	task.clear_ibuf [dreg:s7], $0x6FFFF;
	_ =	strace $0x90000049  }
0xb3: {  	s29 =	simm.s32 $0x9;
	_ =	strace $0x8000004B  }
0xb4: {  	_ =	swait.ge [sflag:s29], $0x1  }
0xb5: {  	[sflag:s29] =	ssyncadd.s32 $0xFFFFFFFF  }
0xb6: {  	_ =	strace $0x9000004B  }
0xb7: {  	_ =	sfence  }
0xb8: {  	s30 =	sld [smem:$0x0];
	_ =	sdelay $0x2  }
0xb9: {  	s31 =	sshll.u32 s1, $0xD;
	s1 =	sshrl.u32 s1, $0x2  }
0xba: {  	s3 =	sand.u32 $0x4000, s31;
	s1 =	sadd.s32 s1, s30  }
0xbb: {  	s0 =	sor.u32 s3, s0;
	s1 =	sshll.u32 s1, $0x11  }
0xbc: {  	s0 =	sor.u32 s1, s0  }
0xbd: {  	s0 =	sadd.s32 $0x8F2B, s0  }
0xbe: {  	[sflag:s0] =	ssyncadd.remote.s32 $0x1  }
0xbf: {  	_ =	sfence.sel $0xFFFF  }
0xc0: {  	[dreg:$0x0] =	wrdreg $0xFFFFFFFF;
	(pc) =	sbr.abs _section_cstart, $3  }
0xc1: {  	[dreg:$0x1] =	wrdreg $0xFFFFFFFF  }
0xc2: {  	_ =	task.clear_ibuf [dreg:s7], $0x2FFFF;
	_ =	strace $0x9FFFFFFF  }
0xc3: {  	(tm) =	ssettm $0x7FFFFFFF  }
tec
execute0_lowered:
.L_overlay_start_1:
0x0: {  	(tag) =	ssettag $0x1  }
0x1: {  	s1 =	srdreg.scid;
	s0 =	rddreg [dreg:$0x0]  }
0x2: {  	s29 =	stileid.u32;
	s15 =	sand.u32 $0x1, s1;
	s1 =	simm.s32 $0x0  }
0x3: {  	s23 =	smul.u32 $0x14000, s29;
	s26 =	sadd.s32 $0x5CA00, s0;
	s2 =	sshll.u32 s15, $0x4  }
0x4: {  	s3 =	ssub.s32 $0x2, s15;
	[smem:$0x7FF] =	sst s1;
	s21 =	smul.u32 $0x140000, s15  }
0x5: {  	s2 =	sor.u32 s29, s2;
	s24 =	sshrl.u32 s3, $0x1;
	s4 =	sor.u32 $0x3000, s23  }
0x6: {  	s5 =	sadd.s32 $0x4000, s23;
	s6 =	sadd.s32 $0x5000, s23;
	s7 =	sadd.s32 $0x6000, s23  }
0x7: {  	s8 =	sadd.s32 $0x7000, s23;
	s9 =	sadd.s32 $0x8000, s23;
	s10 =	sadd.s32 $0x9000, s23  }
0x8: {  	s11 =	sadd.s32 $0xA000, s23;
	s12 =	sadd.s32 $0xB000, s23;
	s13 =	sadd.s32 $0xC000, s23  }
0x9: {  	s14 =	sadd.s32 $0xD000, s23;
	s15 =	sadd.s32 $0xE000, s23;
	s17 =	sadd.s32 $0xF000, s23  }
0xa: {  	s18 =	sadd.s32 $0x10000, s23;
	s19 =	sadd.s32 $0x11000, s23;
	s20 =	smul.u32 $0x500, s2  }
0xb: {  	s16 =	ssub.s32 s3, s24;
	s2 =	sor.u32 $0x1000, s23;
	s24 =	sadd.s32 s23, s21  }
0xc: {  	s3 =	sor.u32 $0x2000, s23;
	s24 =	sshrl.u32 s24, $0x3;
	s25 =	sadd.s32 s21, s2  }
0xd: {  	s28 =	sadd.s32 s21, s3;
	s25 =	sshrl.u32 s25, $0x3;
	s24 =	sadd.s32 s26, s24  }
0xe: {  	s28 =	sshrl.u32 s28, $0x3;
	[dreg:$0x4] =	wrdreg s24;
	s25 =	sadd.s32 s26, s25  }
0xf: {  	s24 =	sadd.s32 s26, s28;
	[dreg:$0x5] =	wrdreg s25;
	s25 =	sadd.s32 s21, s4  }
0x10: {  	s28 =	sadd.s32 s21, s5;
	[dreg:$0x6] =	wrdreg s24;
	s24 =	sshrl.u32 s25, $0x3  }
0x11: {  	s25 =	sshrl.u32 s28, $0x3;
	s28 =	sadd.s32 s21, s6;
	s24 =	sadd.s32 s26, s24  }
0x12: {  	s25 =	sadd.s32 s26, s25;
	s28 =	sshrl.u32 s28, $0x3;
	[dreg:$0x7] =	wrdreg s24  }
0x13: {  	[dreg:$0x8] =	wrdreg s25;
	s24 =	sadd.s32 s26, s28;
	s25 =	sadd.s32 s21, s7  }
0x14: {  	s28 =	sadd.s32 s21, s8;
	[dreg:$0x9] =	wrdreg s24;
	s24 =	sshrl.u32 s25, $0x3  }
0x15: {  	s25 =	sshrl.u32 s28, $0x3;
	s28 =	sadd.s32 s21, s9;
	s24 =	sadd.s32 s26, s24  }
0x16: {  	s25 =	sadd.s32 s26, s25;
	s28 =	sshrl.u32 s28, $0x3;
	[dreg:$0xa] =	wrdreg s24  }
0x17: {  	[dreg:$0xb] =	wrdreg s25;
	s24 =	sadd.s32 s26, s28;
	s25 =	sadd.s32 s21, s10  }
0x18: {  	s28 =	sadd.s32 s21, s11;
	[dreg:$0xc] =	wrdreg s24;
	s24 =	sshrl.u32 s25, $0x3  }
0x19: {  	s25 =	sshrl.u32 s28, $0x3;
	s28 =	sadd.s32 s21, s12;
	s24 =	sadd.s32 s26, s24  }
0x1a: {  	s25 =	sadd.s32 s26, s25;
	s28 =	sshrl.u32 s28, $0x3;
	[dreg:$0xd] =	wrdreg s24  }
0x1b: {  	[dreg:$0xe] =	wrdreg s25;
	s24 =	sadd.s32 s26, s28;
	s25 =	sadd.s32 s21, s13  }
0x1c: {  	s28 =	sadd.s32 s21, s14;
	[dreg:$0xf] =	wrdreg s24;
	s24 =	sshrl.u32 s25, $0x3  }
0x1d: {  	s22 =	sadd.s32 $0x12000, s23;
	s25 =	sshrl.u32 s28, $0x3;
	s24 =	sadd.s32 s26, s24  }
0x1e: {  	s28 =	sadd.s32 s21, s15;
	s25 =	sadd.s32 s26, s25;
	[dreg:$0x10] =	wrdreg s24  }
0x1f: {  	s29 =	smul.u32 $0x50000, s29;
	s28 =	sshrl.u32 s28, $0x3;
	[dreg:$0x11] =	wrdreg s25  }
0x20: {  	s24 =	sadd.s32 s26, s28;
	s25 =	sadd.s32 s21, s17;
	s28 =	sadd.s32 s21, s18  }
0x21: {  	[dreg:$0x12] =	wrdreg s24;
	s24 =	sshrl.u32 s25, $0x3;
	s25 =	sshrl.u32 s28, $0x3  }
0x22: {  	s23 =	sadd.s32 $0x13000, s23;
	s28 =	sadd.s32 s21, s19;
	s25 =	sadd.s32 s26, s25  }
0x23: {  	s24 =	sadd.s32 s26, s24;
	[dreg:$0x14] =	wrdreg s25;
	s25 =	sshrl.u32 s28, $0x3  }
0x24: {  	[dreg:$0x13] =	wrdreg s24;
	s28 =	sadd.s32 s21, s22;
	s24 =	sadd.s32 s26, s25  }
0x25: {  	s25 =	sshrl.u32 s28, $0x3;
	s28 =	sadd.s32 s21, s23;
	s21 =	rddreg [dreg:$0x2]  }
0x26: {  	s29 =	sshrl.u32 s29, $0x2;
	s16 =	smax.u32 s16, $0x1;
	[dreg:$0x15] =	wrdreg s24  }
0x27: {  	s24 =	rddreg [dreg:$0x1];
	s28 =	sshrl.u32 s28, $0x3;
	s25 =	sadd.s32 s26, s25  }
0x28: {  	s30 =	sadd.s32 s3, s21;
	s31 =	sadd.s32 s4, s21;
	s3 =	sadd.s32 s8, s21  }
0x29: {  	s4 =	sadd.s32 s9, s21;
	s8 =	sadd.s32 s13, s21;
	s9 =	sadd.s32 s14, s21  }
0x2a: {  	s13 =	sadd.s32 s19, s21;
	s14 =	sadd.s32 s22, s21;
	s19 =	simm.s32 $0x7D  }
0x2b: {  	s22 =	simm.s32 $0x5000;
	[dreg:$0x16] =	wrdreg s25;
	s28 =	sadd.s32 s26, s28  }
0x2c: {  	s24 =	sadd.s32 s24, s20;
	s20 =	sadd.s32 s20, s0;
	s25 =	sadd.s32 $0x2A00, s0  }
0x2d: {  	s0 =	sadd.s32 s6, s21;
	s6 =	sadd.s32 s11, s21;
	s11 =	sadd.s32 s17, s21  }
0x2e: {  	s17 =	simm.s32 $0x2;
	[dreg:$0x17] =	wrdreg s28;
	s26 =	sadd.s32 $0x52A00, s20  }
0x2f: {  	s28 =	sadd.s32 s29, s21;
	s29 =	sadd.s32 s2, s21;
	s20 =	sadd.s32 s5, s21  }
0x30: {  	s2 =	sadd.s32 s7, s21;
	_ =	strace $0x8000004A;
	[dreg:$0x18] =	wrdreg s24  }
0x31: {  	s5 =	sadd.s32 s10, s21;
	s7 =	sadd.s32 s12, s21;
	[dreg:$0x19] =	wrdreg s26  }
0x32: {  	s10 =	sadd.s32 s15, s21;
	s12 =	sadd.s32 s18, s21;
	[dreg:$0x1a] =	wrdreg s28  }
0x33: {  	s15 =	sadd.s32 s23, s21;
	s18 =	simm.s32 $0x9000;
	[dreg:$0x1b] =	wrdreg s29  }
0x34: {  	v0 =	vimm.f32 $0.0e+00;
	s23 =	simm.s32 $0x1;
	[dreg:$0x1c] =	wrdreg s16;
	s24 =	simm.s32 $0x0  }
.LBB2_1:
0x35: {  	s16 =	rddreg [dreg:$0x19]  }
0x36: {  	[tilespmem:s1], [sflag:$0x2] =	stream.linear.gather [hbm4b:s16+s1], $0x2800, $0x38;
	[tilespmem:$0x1E000] =	vst v63  }
0x37: {  	_ =	swait.ge [sflag:s17], $0x2800  }
0x38: {  	[sflag:s17] =	ssyncset.done $0x0  }
0x39: {  	s26 =	simm.s32 $0x2800;
	s29 =	rddreg [dreg:$0x18];
	[sflag:s17] =	ssyncadd.s32 $0xFFFFD800  }
0x3a: {  	[tilespmem:s26], [sflag:$0x2] =	stream.linear.gather [hbm4b:s29+s1], $0x2800, $0x38;
	[tilespmem:$0x1E000] =	vst v63  }
0x3b: {  	s28 =	sand.u32 $0x70, s1;
	s29 =	sand.u32 $0x3E00, s1;
	_ =	swait.ge [sflag:s17], $0x2800  }
0x3c: {  	s26 =	simm.s32 $0x40;
	s16 =	sshrl.u32 s29, $0x2;
	[sflag:s17] =	ssyncset.done $0x0  }
0x3d: {  	s28 =	sor.u32 s28, s16;
	s16 =	simm.s32 $0x0;
	[sflag:s17] =	ssyncadd.s32 $0xFFFFD800  }
.LBB2_2:
0x3e: {  	p0 =	sne.s32 s26, $0x3FC0  }
0x3f: {  	[tilespmem:s28+$0x9000] =	vst v0;
	s16 =	sadd.s32 $0x10, s16;
	s28 =	smov.u32 s26;
	s26 =	sadd.s32 $0x40, s26  }
.Ltmp0:
0x40: {  	(pc) =	sbr.rel @p0 .LBB2_2-.Ltmp0, $4  }
0x41: {  	_ = 	snop  }
0x42: {  	s28 =	sand.u32 $0x3E00, s28  }
0x43: {  	s29 =	sand.u32 $0x70, s16;
	s28 =	sshrl.u32 s28, $0x2  }
0x44: {  	s28 =	sor.u32 s29, s28  }
0x45: {  	[tilespmem:s28+$0x9000] =	vst v0;
	s16 =	rddreg [dreg:$0x1a]  }
0x46: {  	[spmem:s16] =	stream.linear.scatter [tilespmem:s18], [sflag:$0x2], $0x1000, $0x38;
	[tilespmem:$0x1E000] =	vst v63  }
0x47: {  	_ =	swait.ge [sflag:s17], $0x1000  }
0x48: {  	[sflag:s17] =	ssyncset.done $0x0  }
0x49: {  	s26 =	rddreg [dreg:$0x1b];
	[sflag:s17] =	ssyncadd.s32 $0xFFFFF000  }
0x4a: {  	[spmem:s26] =	stream.linear.scatter [tilespmem:s18], [sflag:$0x2], $0x1000, $0x38;
	[tilespmem:$0x1E000] =	vst v63  }
0x4b: {  	_ =	swait.ge [sflag:s17], $0x1000  }
0x4c: {  	[sflag:s17] =	ssyncset.done $0x0  }
0x4d: {  	[sflag:s17] =	ssyncadd.s32 $0xFFFFF000  }
0x4e: {  	[spmem:s30] =	stream.linear.scatter [tilespmem:s18], [sflag:$0x2], $0x1000, $0x38;
	[tilespmem:$0x1E000] =	vst v63  }
0x4f: {  	_ =	swait.ge [sflag:s17], $0x1000  }
0x50: {  	[sflag:s17] =	ssyncset.done $0x0  }
0x51: {  	[sflag:s17] =	ssyncadd.s32 $0xFFFFF000  }
0x52: {  	[spmem:s31] =	stream.linear.scatter [tilespmem:s18], [sflag:$0x2], $0x1000, $0x38;
	[tilespmem:$0x1E000] =	vst v63  }
0x53: {  	_ =	swait.ge [sflag:s17], $0x1000  }
0x54: {  	[sflag:s17] =	ssyncset.done $0x0  }
0x55: {  	[sflag:s17] =	ssyncadd.s32 $0xFFFFF000  }
0x56: {  	[spmem:s20] =	stream.linear.scatter [tilespmem:s18], [sflag:$0x2], $0x1000, $0x38;
	[tilespmem:$0x1E000] =	vst v63  }
0x57: {  	_ =	swait.ge [sflag:s17], $0x1000  }
0x58: {  	[sflag:s17] =	ssyncset.done $0x0  }
0x59: {  	[sflag:s17] =	ssyncadd.s32 $0xFFFFF000  }
0x5a: {  	[spmem:s0] =	stream.linear.scatter [tilespmem:s18], [sflag:$0x2], $0x1000, $0x38;
	[tilespmem:$0x1E000] =	vst v63  }
0x5b: {  	_ =	swait.ge [sflag:s17], $0x1000  }
0x5c: {  	[sflag:s17] =	ssyncset.done $0x0  }
0x5d: {  	[sflag:s17] =	ssyncadd.s32 $0xFFFFF000  }
0x5e: {  	[spmem:s2] =	stream.linear.scatter [tilespmem:s18], [sflag:$0x2], $0x1000, $0x38;
	[tilespmem:$0x1E000] =	vst v63  }
0x5f: {  	_ =	swait.ge [sflag:s17], $0x1000  }
0x60: {  	[sflag:s17] =	ssyncset.done $0x0  }
0x61: {  	[sflag:s17] =	ssyncadd.s32 $0xFFFFF000  }
0x62: {  	[spmem:s3] =	stream.linear.scatter [tilespmem:s18], [sflag:$0x2], $0x1000, $0x38;
	[tilespmem:$0x1E000] =	vst v63  }
0x63: {  	_ =	swait.ge [sflag:s17], $0x1000  }
0x64: {  	[sflag:s17] =	ssyncset.done $0x0  }
0x65: {  	[sflag:s17] =	ssyncadd.s32 $0xFFFFF000  }
0x66: {  	[spmem:s4] =	stream.linear.scatter [tilespmem:s18], [sflag:$0x2], $0x1000, $0x38;
	[tilespmem:$0x1E000] =	vst v63  }
0x67: {  	_ =	swait.ge [sflag:s17], $0x1000  }
0x68: {  	[sflag:s17] =	ssyncset.done $0x0  }
0x69: {  	[sflag:s17] =	ssyncadd.s32 $0xFFFFF000  }
0x6a: {  	[spmem:s5] =	stream.linear.scatter [tilespmem:s18], [sflag:$0x2], $0x1000, $0x38;
	[tilespmem:$0x1E000] =	vst v63  }
0x6b: {  	_ =	swait.ge [sflag:s17], $0x1000  }
0x6c: {  	[sflag:s17] =	ssyncset.done $0x0  }
0x6d: {  	[sflag:s17] =	ssyncadd.s32 $0xFFFFF000  }
0x6e: {  	[spmem:s6] =	stream.linear.scatter [tilespmem:s18], [sflag:$0x2], $0x1000, $0x38;
	[tilespmem:$0x1E000] =	vst v63  }
0x6f: {  	_ =	swait.ge [sflag:s17], $0x1000  }
0x70: {  	[sflag:s17] =	ssyncset.done $0x0  }
0x71: {  	[sflag:s17] =	ssyncadd.s32 $0xFFFFF000  }
0x72: {  	[spmem:s7] =	stream.linear.scatter [tilespmem:s18], [sflag:$0x2], $0x1000, $0x38;
	[tilespmem:$0x1E000] =	vst v63  }
0x73: {  	_ =	swait.ge [sflag:s17], $0x1000  }
0x74: {  	[sflag:s17] =	ssyncset.done $0x0  }
0x75: {  	[sflag:s17] =	ssyncadd.s32 $0xFFFFF000  }
0x76: {  	[spmem:s8] =	stream.linear.scatter [tilespmem:s18], [sflag:$0x2], $0x1000, $0x38;
	[tilespmem:$0x1E000] =	vst v63  }
0x77: {  	_ =	swait.ge [sflag:s17], $0x1000  }
0x78: {  	[sflag:s17] =	ssyncset.done $0x0  }
0x79: {  	[sflag:s17] =	ssyncadd.s32 $0xFFFFF000  }
0x7a: {  	[spmem:s9] =	stream.linear.scatter [tilespmem:s18], [sflag:$0x2], $0x1000, $0x38;
	[tilespmem:$0x1E000] =	vst v63  }
0x7b: {  	_ =	swait.ge [sflag:s17], $0x1000  }
0x7c: {  	[sflag:s17] =	ssyncset.done $0x0  }
0x7d: {  	[sflag:s17] =	ssyncadd.s32 $0xFFFFF000  }
0x7e: {  	[spmem:s10] =	stream.linear.scatter [tilespmem:s18], [sflag:$0x2], $0x1000, $0x38;
	[tilespmem:$0x1E000] =	vst v63  }
0x7f: {  	_ =	swait.ge [sflag:s17], $0x1000  }
0x80: {  	[sflag:s17] =	ssyncset.done $0x0  }
0x81: {  	[sflag:s17] =	ssyncadd.s32 $0xFFFFF000  }
0x82: {  	[spmem:s11] =	stream.linear.scatter [tilespmem:s18], [sflag:$0x2], $0x1000, $0x38;
	[tilespmem:$0x1E000] =	vst v63  }
0x83: {  	_ =	swait.ge [sflag:s17], $0x1000  }
0x84: {  	[sflag:s17] =	ssyncset.done $0x0  }
0x85: {  	[sflag:s17] =	ssyncadd.s32 $0xFFFFF000  }
0x86: {  	[spmem:s12] =	stream.linear.scatter [tilespmem:s18], [sflag:$0x2], $0x1000, $0x38;
	[tilespmem:$0x1E000] =	vst v63  }
0x87: {  	_ =	swait.ge [sflag:s17], $0x1000  }
0x88: {  	[sflag:s17] =	ssyncset.done $0x0  }
0x89: {  	[sflag:s17] =	ssyncadd.s32 $0xFFFFF000  }
0x8a: {  	[spmem:s13] =	stream.linear.scatter [tilespmem:s18], [sflag:$0x2], $0x1000, $0x38;
	[tilespmem:$0x1E000] =	vst v63  }
0x8b: {  	_ =	swait.ge [sflag:s17], $0x1000  }
0x8c: {  	[sflag:s17] =	ssyncset.done $0x0  }
0x8d: {  	[sflag:s17] =	ssyncadd.s32 $0xFFFFF000  }
0x8e: {  	[spmem:s14] =	stream.linear.scatter [tilespmem:s18], [sflag:$0x2], $0x1000, $0x38;
	[tilespmem:$0x1E000] =	vst v63  }
0x8f: {  	_ =	swait.ge [sflag:s17], $0x1000  }
0x90: {  	[sflag:s17] =	ssyncset.done $0x0  }
0x91: {  	[sflag:s17] =	ssyncadd.s32 $0xFFFFF000  }
0x92: {  	[spmem:s15] =	stream.linear.scatter [tilespmem:s18], [sflag:$0x2], $0x1000, $0x38;
	[tilespmem:$0x1E000] =	vst v63  }
0x93: {  	_ =	swait.ge [sflag:s17], $0x1000  }
0x94: {  	[sflag:s17] =	ssyncset.done $0x0  }
0x95: {  	[sflag:s17] =	ssyncadd.s32 $0xFFFFF000  }
0x96: {  	s28 =	simm.s32 $0x0;
	[bflag:$0x0] =	sbarrier.arrive $0xFFFF  }
0x97: {  	[tilespmem:s22], [sflag:$0x1] =	stream.indirect.gather [hbm4b:s25+s19], $0x80, s28, s19, $0xb8;
	[tilespmem:$0x1E000] =	vst v63  }
0x98: {  	_ =	swait.ge [sflag:s23], $0x3E80  }
0x99: {  	[sflag:s23] =	ssyncset.done $0x0  }
0x9a: {  	s29 =	simm.s32 $0x2800;
	[sflag:s23] =	ssyncadd.s32 $0xFFFFC180  }
0x9b: {  	[spmem:s21] =	stream.indirect.scatter.add.f32 [tilespmem:s22], [sflag:$0x2], $0x80, s29, s19, $0xb8;
	[tilespmem:$0x1E000] =	vst v63  }
0x9c: {  	_ =	swait.ge [sflag:s17], $0x3E80  }
0x9d: {  	s16 =	simm.s32 $0x400;
	s26 =	simm.s32 $0x200;
	[sflag:s17] =	ssyncset.done $0x0  }
.LBB2_4:
0x9e: {  	s28 =	sshra.s32 s26, $0x2  }
0x9f: {  	[sflag:s17] =	ssyncadd.s32 $0xFFFFC180;
	s26 =	smov.u32 s16;
	s29 =	sadd.s32 $0x200, s16  }
0xa0: {  	[tilespmem:s22], [sflag:$0x1] =	stream.indirect.gather [hbm4b:s25+s19], $0x80, s28, s19, $0xb8;
	[tilespmem:$0x1E000] =	vst v63  }
0xa1: {  	p0 =	sne.s32 s16, $0x9E00;
	_ =	swait.ge [sflag:s23], $0x3E80  }
.Ltmp1:
0xa2: {  	[sflag:s23] =	ssyncset.done $0x0;
	(pc) =	sbr.rel @p0 .LBB2_4-.Ltmp1, $4  }
0xa3: {  	s16 =	sadd.s32 $0x2800, s28;
	[sflag:s23] =	ssyncadd.s32 $0xFFFFC180  }
0xa4: {  	[spmem:s21] =	stream.indirect.scatter.add.f32 [tilespmem:s22], [sflag:$0x2], $0x80, s16, s19, $0xb8;
	[tilespmem:$0x1E000] =	vst v63  }
0xa5: {  	_ =	swait.ge [sflag:s17], $0x3E80  }
0xa6: {  	s16 =	smov.u32 s29;
	[sflag:s17] =	ssyncset.done $0x0  }
0xa7: {  	s16 =	sshra.s32 s26, $0x2;
	[sflag:s17] =	ssyncadd.s32 $0xFFFFC180  }
0xa8: {  	[tilespmem:s22], [sflag:$0x1] =	stream.indirect.gather [hbm4b:s25+s19], $0x80, s16, s19, $0xb8;
	[tilespmem:$0x1E000] =	vst v63  }
0xa9: {  	_ =	swait.ge [sflag:s23], $0x3E80  }
0xaa: {  	[sflag:s23] =	ssyncset.done $0x0  }
0xab: {  	s16 =	sadd.s32 $0x2800, s16;
	[sflag:s23] =	ssyncadd.s32 $0xFFFFC180  }
0xac: {  	[spmem:s21] =	stream.indirect.scatter.add.f32 [tilespmem:s22], [sflag:$0x2], $0x80, s16, s19, $0xb8;
	[tilespmem:$0x1E000] =	vst v63  }
0xad: {  	_ =	swait.ge [sflag:s17], $0x3E80  }
0xae: {  	[sflag:s17] =	ssyncset.done $0x0  }
0xaf: {  	[sflag:s17] =	ssyncadd.s32 $0xFFFFC180  }
0xb0: {  	[bflag:$0x0] =	sbarrier.arrive $0xFFFF  }
0xb1: {  	s28 =	rddreg [dreg:$0x1a]  }
0xb2: {  	[tilespmem:s18], [sflag:$0x2] =	stream.linear.gather [spmem:s28], $0x1000, $0x38;
	[tilespmem:$0x1E000] =	vst v63  }
0xb3: {  	_ =	swait.ge [sflag:s17], $0x1000  }
0xb4: {  	[sflag:s17] =	ssyncset.done $0x0  }
0xb5: {  	s29 =	rddreg [dreg:$0x4];
	[sflag:s17] =	ssyncadd.s32 $0xFFFFF000  }
0xb6: {  	[hbm4b:s29+s1] =	stream.linear.scatter [tilespmem:s18], [sflag:$0x2], $0x1000, $0x38;
	[tilespmem:$0x1E000] =	vst v63  }
0xb7: {  	_ =	swait.ge [sflag:s17], $0x1000  }
0xb8: {  	[sflag:s17] =	ssyncset.done $0x0  }
0xb9: {  	s26 =	rddreg [dreg:$0x1b];
	[sflag:s17] =	ssyncadd.s32 $0xFFFFF000  }
0xba: {  	[tilespmem:s18], [sflag:$0x2] =	stream.linear.gather [spmem:s26], $0x1000, $0x38;
	[tilespmem:$0x1E000] =	vst v63  }
0xbb: {  	_ =	swait.ge [sflag:s17], $0x1000  }
0xbc: {  	[sflag:s17] =	ssyncset.done $0x0  }
0xbd: {  	s28 =	rddreg [dreg:$0x5];
	[sflag:s17] =	ssyncadd.s32 $0xFFFFF000  }
0xbe: {  	[hbm4b:s28+s1] =	stream.linear.scatter [tilespmem:s18], [sflag:$0x2], $0x1000, $0x38;
	[tilespmem:$0x1E000] =	vst v63  }
0xbf: {  	_ =	swait.ge [sflag:s17], $0x1000  }
0xc0: {  	[sflag:s17] =	ssyncset.done $0x0  }
0xc1: {  	[sflag:s17] =	ssyncadd.s32 $0xFFFFF000  }
0xc2: {  	[tilespmem:s18], [sflag:$0x2] =	stream.linear.gather [spmem:s30], $0x1000, $0x38;
	[tilespmem:$0x1E000] =	vst v63  }
0xc3: {  	_ =	swait.ge [sflag:s17], $0x1000  }
0xc4: {  	[sflag:s17] =	ssyncset.done $0x0  }
0xc5: {  	s29 =	rddreg [dreg:$0x6];
	[sflag:s17] =	ssyncadd.s32 $0xFFFFF000  }
0xc6: {  	[hbm4b:s29+s1] =	stream.linear.scatter [tilespmem:s18], [sflag:$0x2], $0x1000, $0x38;
	[tilespmem:$0x1E000] =	vst v63  }
0xc7: {  	_ =	swait.ge [sflag:s17], $0x1000  }
0xc8: {  	[sflag:s17] =	ssyncset.done $0x0  }
0xc9: {  	[sflag:s17] =	ssyncadd.s32 $0xFFFFF000  }
0xca: {  	[tilespmem:s18], [sflag:$0x2] =	stream.linear.gather [spmem:s31], $0x1000, $0x38;
	[tilespmem:$0x1E000] =	vst v63  }
0xcb: {  	_ =	swait.ge [sflag:s17], $0x1000  }
0xcc: {  	[sflag:s17] =	ssyncset.done $0x0  }
0xcd: {  	s26 =	rddreg [dreg:$0x7];
	[sflag:s17] =	ssyncadd.s32 $0xFFFFF000  }
0xce: {  	[hbm4b:s26+s1] =	stream.linear.scatter [tilespmem:s18], [sflag:$0x2], $0x1000, $0x38;
	[tilespmem:$0x1E000] =	vst v63  }
0xcf: {  	_ =	swait.ge [sflag:s17], $0x1000  }
0xd0: {  	[sflag:s17] =	ssyncset.done $0x0  }
0xd1: {  	[sflag:s17] =	ssyncadd.s32 $0xFFFFF000  }
0xd2: {  	[tilespmem:s18], [sflag:$0x2] =	stream.linear.gather [spmem:s20], $0x1000, $0x38;
	[tilespmem:$0x1E000] =	vst v63  }
0xd3: {  	_ =	swait.ge [sflag:s17], $0x1000  }
0xd4: {  	[sflag:s17] =	ssyncset.done $0x0  }
0xd5: {  	s28 =	rddreg [dreg:$0x8];
	[sflag:s17] =	ssyncadd.s32 $0xFFFFF000  }
0xd6: {  	[hbm4b:s28+s1] =	stream.linear.scatter [tilespmem:s18], [sflag:$0x2], $0x1000, $0x38;
	[tilespmem:$0x1E000] =	vst v63  }
0xd7: {  	_ =	swait.ge [sflag:s17], $0x1000  }
0xd8: {  	[sflag:s17] =	ssyncset.done $0x0  }
0xd9: {  	[sflag:s17] =	ssyncadd.s32 $0xFFFFF000  }
0xda: {  	[tilespmem:s18], [sflag:$0x2] =	stream.linear.gather [spmem:s0], $0x1000, $0x38;
	[tilespmem:$0x1E000] =	vst v63  }
0xdb: {  	_ =	swait.ge [sflag:s17], $0x1000  }
0xdc: {  	[sflag:s17] =	ssyncset.done $0x0  }
0xdd: {  	s29 =	rddreg [dreg:$0x9];
	[sflag:s17] =	ssyncadd.s32 $0xFFFFF000  }
0xde: {  	[hbm4b:s29+s1] =	stream.linear.scatter [tilespmem:s18], [sflag:$0x2], $0x1000, $0x38;
	[tilespmem:$0x1E000] =	vst v63  }
0xdf: {  	_ =	swait.ge [sflag:s17], $0x1000  }
0xe0: {  	[sflag:s17] =	ssyncset.done $0x0  }
0xe1: {  	[sflag:s17] =	ssyncadd.s32 $0xFFFFF000  }
0xe2: {  	[tilespmem:s18], [sflag:$0x2] =	stream.linear.gather [spmem:s2], $0x1000, $0x38;
	[tilespmem:$0x1E000] =	vst v63  }
0xe3: {  	_ =	swait.ge [sflag:s17], $0x1000  }
0xe4: {  	[sflag:s17] =	ssyncset.done $0x0  }
0xe5: {  	s26 =	rddreg [dreg:$0xa];
	[sflag:s17] =	ssyncadd.s32 $0xFFFFF000  }
0xe6: {  	[hbm4b:s26+s1] =	stream.linear.scatter [tilespmem:s18], [sflag:$0x2], $0x1000, $0x38;
	[tilespmem:$0x1E000] =	vst v63  }
0xe7: {  	_ =	swait.ge [sflag:s17], $0x1000  }
0xe8: {  	[sflag:s17] =	ssyncset.done $0x0  }
0xe9: {  	[sflag:s17] =	ssyncadd.s32 $0xFFFFF000  }
0xea: {  	[tilespmem:s18], [sflag:$0x2] =	stream.linear.gather [spmem:s3], $0x1000, $0x38;
	[tilespmem:$0x1E000] =	vst v63  }
0xeb: {  	_ =	swait.ge [sflag:s17], $0x1000  }
0xec: {  	[sflag:s17] =	ssyncset.done $0x0  }
0xed: {  	s28 =	rddreg [dreg:$0xb];
	[sflag:s17] =	ssyncadd.s32 $0xFFFFF000  }
0xee: {  	[hbm4b:s28+s1] =	stream.linear.scatter [tilespmem:s18], [sflag:$0x2], $0x1000, $0x38;
	[tilespmem:$0x1E000] =	vst v63  }
0xef: {  	_ =	swait.ge [sflag:s17], $0x1000  }
0xf0: {  	[sflag:s17] =	ssyncset.done $0x0  }
0xf1: {  	[sflag:s17] =	ssyncadd.s32 $0xFFFFF000  }
0xf2: {  	[tilespmem:s18], [sflag:$0x2] =	stream.linear.gather [spmem:s4], $0x1000, $0x38;
	[tilespmem:$0x1E000] =	vst v63  }
0xf3: {  	_ =	swait.ge [sflag:s17], $0x1000  }
0xf4: {  	[sflag:s17] =	ssyncset.done $0x0  }
0xf5: {  	s29 =	rddreg [dreg:$0xc];
	[sflag:s17] =	ssyncadd.s32 $0xFFFFF000  }
0xf6: {  	[hbm4b:s29+s1] =	stream.linear.scatter [tilespmem:s18], [sflag:$0x2], $0x1000, $0x38;
	[tilespmem:$0x1E000] =	vst v63  }
0xf7: {  	_ =	swait.ge [sflag:s17], $0x1000  }
0xf8: {  	[sflag:s17] =	ssyncset.done $0x0  }
0xf9: {  	[sflag:s17] =	ssyncadd.s32 $0xFFFFF000  }
0xfa: {  	[tilespmem:s18], [sflag:$0x2] =	stream.linear.gather [spmem:s5], $0x1000, $0x38;
	[tilespmem:$0x1E000] =	vst v63  }
0xfb: {  	_ =	swait.ge [sflag:s17], $0x1000  }
0xfc: {  	[sflag:s17] =	ssyncset.done $0x0  }
0xfd: {  	s26 =	rddreg [dreg:$0xd];
	[sflag:s17] =	ssyncadd.s32 $0xFFFFF000  }
0xfe: {  	[hbm4b:s26+s1] =	stream.linear.scatter [tilespmem:s18], [sflag:$0x2], $0x1000, $0x38;
	[tilespmem:$0x1E000] =	vst v63  }
0xff: {  	_ =	swait.ge [sflag:s17], $0x1000  }
0x100: {  	[sflag:s17] =	ssyncset.done $0x0  }
0x101: {  	[sflag:s17] =	ssyncadd.s32 $0xFFFFF000  }
0x102: {  	[tilespmem:s18], [sflag:$0x2] =	stream.linear.gather [spmem:s6], $0x1000, $0x38;
	[tilespmem:$0x1E000] =	vst v63  }
0x103: {  	_ =	swait.ge [sflag:s17], $0x1000  }
0x104: {  	[sflag:s17] =	ssyncset.done $0x0  }
0x105: {  	s28 =	rddreg [dreg:$0xe];
	[sflag:s17] =	ssyncadd.s32 $0xFFFFF000  }
0x106: {  	[hbm4b:s28+s1] =	stream.linear.scatter [tilespmem:s18], [sflag:$0x2], $0x1000, $0x38;
	[tilespmem:$0x1E000] =	vst v63  }
0x107: {  	_ =	swait.ge [sflag:s17], $0x1000  }
0x108: {  	[sflag:s17] =	ssyncset.done $0x0  }
0x109: {  	[sflag:s17] =	ssyncadd.s32 $0xFFFFF000  }
0x10a: {  	[tilespmem:s18], [sflag:$0x2] =	stream.linear.gather [spmem:s7], $0x1000, $0x38;
	[tilespmem:$0x1E000] =	vst v63  }
0x10b: {  	_ =	swait.ge [sflag:s17], $0x1000  }
0x10c: {  	[sflag:s17] =	ssyncset.done $0x0  }
0x10d: {  	s29 =	rddreg [dreg:$0xf];
	[sflag:s17] =	ssyncadd.s32 $0xFFFFF000  }
0x10e: {  	[hbm4b:s29+s1] =	stream.linear.scatter [tilespmem:s18], [sflag:$0x2], $0x1000, $0x38;
	[tilespmem:$0x1E000] =	vst v63  }
0x10f: {  	_ =	swait.ge [sflag:s17], $0x1000  }
0x110: {  	[sflag:s17] =	ssyncset.done $0x0  }
0x111: {  	[sflag:s17] =	ssyncadd.s32 $0xFFFFF000  }
0x112: {  	[tilespmem:s18], [sflag:$0x2] =	stream.linear.gather [spmem:s8], $0x1000, $0x38;
	[tilespmem:$0x1E000] =	vst v63  }
0x113: {  	_ =	swait.ge [sflag:s17], $0x1000  }
0x114: {  	[sflag:s17] =	ssyncset.done $0x0  }
0x115: {  	s26 =	rddreg [dreg:$0x10];
	[sflag:s17] =	ssyncadd.s32 $0xFFFFF000  }
0x116: {  	[hbm4b:s26+s1] =	stream.linear.scatter [tilespmem:s18], [sflag:$0x2], $0x1000, $0x38;
	[tilespmem:$0x1E000] =	vst v63  }
0x117: {  	_ =	swait.ge [sflag:s17], $0x1000  }
0x118: {  	[sflag:s17] =	ssyncset.done $0x0  }
0x119: {  	[sflag:s17] =	ssyncadd.s32 $0xFFFFF000  }
0x11a: {  	[tilespmem:s18], [sflag:$0x2] =	stream.linear.gather [spmem:s9], $0x1000, $0x38;
	[tilespmem:$0x1E000] =	vst v63  }
0x11b: {  	_ =	swait.ge [sflag:s17], $0x1000  }
0x11c: {  	[sflag:s17] =	ssyncset.done $0x0  }
0x11d: {  	s28 =	rddreg [dreg:$0x11];
	[sflag:s17] =	ssyncadd.s32 $0xFFFFF000  }
0x11e: {  	[hbm4b:s28+s1] =	stream.linear.scatter [tilespmem:s18], [sflag:$0x2], $0x1000, $0x38;
	[tilespmem:$0x1E000] =	vst v63  }
0x11f: {  	_ =	swait.ge [sflag:s17], $0x1000  }
0x120: {  	[sflag:s17] =	ssyncset.done $0x0  }
0x121: {  	[sflag:s17] =	ssyncadd.s32 $0xFFFFF000  }
0x122: {  	[tilespmem:s18], [sflag:$0x2] =	stream.linear.gather [spmem:s10], $0x1000, $0x38;
	[tilespmem:$0x1E000] =	vst v63  }
0x123: {  	_ =	swait.ge [sflag:s17], $0x1000  }
0x124: {  	[sflag:s17] =	ssyncset.done $0x0  }
0x125: {  	s29 =	rddreg [dreg:$0x12];
	[sflag:s17] =	ssyncadd.s32 $0xFFFFF000  }
0x126: {  	[hbm4b:s29+s1] =	stream.linear.scatter [tilespmem:s18], [sflag:$0x2], $0x1000, $0x38;
	[tilespmem:$0x1E000] =	vst v63  }
0x127: {  	_ =	swait.ge [sflag:s17], $0x1000  }
0x128: {  	[sflag:s17] =	ssyncset.done $0x0  }
0x129: {  	[sflag:s17] =	ssyncadd.s32 $0xFFFFF000  }
0x12a: {  	[tilespmem:s18], [sflag:$0x2] =	stream.linear.gather [spmem:s11], $0x1000, $0x38;
	[tilespmem:$0x1E000] =	vst v63  }
0x12b: {  	_ =	swait.ge [sflag:s17], $0x1000  }
0x12c: {  	[sflag:s17] =	ssyncset.done $0x0  }
0x12d: {  	s26 =	rddreg [dreg:$0x13];
	[sflag:s17] =	ssyncadd.s32 $0xFFFFF000  }
0x12e: {  	[hbm4b:s26+s1] =	stream.linear.scatter [tilespmem:s18], [sflag:$0x2], $0x1000, $0x38;
	[tilespmem:$0x1E000] =	vst v63  }
0x12f: {  	_ =	swait.ge [sflag:s17], $0x1000  }
0x130: {  	[sflag:s17] =	ssyncset.done $0x0  }
0x131: {  	[sflag:s17] =	ssyncadd.s32 $0xFFFFF000  }
0x132: {  	[tilespmem:s18], [sflag:$0x2] =	stream.linear.gather [spmem:s12], $0x1000, $0x38;
	[tilespmem:$0x1E000] =	vst v63  }
0x133: {  	_ =	swait.ge [sflag:s17], $0x1000  }
0x134: {  	[sflag:s17] =	ssyncset.done $0x0  }
0x135: {  	s28 =	rddreg [dreg:$0x14];
	[sflag:s17] =	ssyncadd.s32 $0xFFFFF000  }
0x136: {  	[hbm4b:s28+s1] =	stream.linear.scatter [tilespmem:s18], [sflag:$0x2], $0x1000, $0x38;
	[tilespmem:$0x1E000] =	vst v63  }
0x137: {  	_ =	swait.ge [sflag:s17], $0x1000  }
0x138: {  	[sflag:s17] =	ssyncset.done $0x0  }
0x139: {  	[sflag:s17] =	ssyncadd.s32 $0xFFFFF000  }
0x13a: {  	[tilespmem:s18], [sflag:$0x2] =	stream.linear.gather [spmem:s13], $0x1000, $0x38;
	[tilespmem:$0x1E000] =	vst v63  }
0x13b: {  	_ =	swait.ge [sflag:s17], $0x1000  }
0x13c: {  	[sflag:s17] =	ssyncset.done $0x0  }
0x13d: {  	s29 =	rddreg [dreg:$0x15];
	[sflag:s17] =	ssyncadd.s32 $0xFFFFF000  }
0x13e: {  	[hbm4b:s29+s1] =	stream.linear.scatter [tilespmem:s18], [sflag:$0x2], $0x1000, $0x38;
	[tilespmem:$0x1E000] =	vst v63  }
0x13f: {  	_ =	swait.ge [sflag:s17], $0x1000  }
0x140: {  	[sflag:s17] =	ssyncset.done $0x0  }
0x141: {  	[sflag:s17] =	ssyncadd.s32 $0xFFFFF000  }
0x142: {  	[tilespmem:s18], [sflag:$0x2] =	stream.linear.gather [spmem:s14], $0x1000, $0x38;
	[tilespmem:$0x1E000] =	vst v63  }
0x143: {  	_ =	swait.ge [sflag:s17], $0x1000  }
0x144: {  	[sflag:s17] =	ssyncset.done $0x0  }
0x145: {  	s26 =	rddreg [dreg:$0x16];
	[sflag:s17] =	ssyncadd.s32 $0xFFFFF000  }
0x146: {  	[hbm4b:s26+s1] =	stream.linear.scatter [tilespmem:s18], [sflag:$0x2], $0x1000, $0x38;
	[tilespmem:$0x1E000] =	vst v63  }
0x147: {  	_ =	swait.ge [sflag:s17], $0x1000  }
0x148: {  	[sflag:s17] =	ssyncset.done $0x0  }
0x149: {  	[sflag:s17] =	ssyncadd.s32 $0xFFFFF000  }
0x14a: {  	[tilespmem:s18], [sflag:$0x2] =	stream.linear.gather [spmem:s15], $0x1000, $0x38;
	[tilespmem:$0x1E000] =	vst v63  }
0x14b: {  	_ =	swait.ge [sflag:s17], $0x1000  }
0x14c: {  	[sflag:s17] =	ssyncset.done $0x0  }
0x14d: {  	s28 =	rddreg [dreg:$0x17];
	[sflag:s17] =	ssyncadd.s32 $0xFFFFF000  }
0x14e: {  	[hbm4b:s28+s1] =	stream.linear.scatter [tilespmem:s18], [sflag:$0x2], $0x1000, $0x38;
	[tilespmem:$0x1E000] =	vst v63  }
0x14f: {  	_ =	swait.ge [sflag:s17], $0x1000  }
0x150: {  	s24 =	sadd.s32 $0x1, s24;
	s29 =	rddreg [dreg:$0x1c]  }
0x151: {  	p0 =	sne.s32 s24, s29  }
.Ltmp2:
0x152: {  	_ = 	snop;
	(pc) =	sbr.rel @p0 .LBB2_1-.Ltmp2, $3  }
0x153: {  	_ =	sdelay $0x1  }
0x154: {  	[sflag:s17] =	ssyncset.done $0x0  }
0x155: {  	[sflag:s17] =	ssyncadd.s32 $0xFFFFF000  }
0x156: {  	_ =	sfence.sel $0x180000  }
0x157: {  	[bflag:$0x0] =	sbarrier.arrive $0xFFFF  }
0x158: {  	_ =	strace $0x9000004A  }
0x159: {  	s0 =	stileid.u32;
	[bflag:$0x2] =	sbarrier.arrive $0xFFFF  }
0x15a: {  	p0 =	sne.s32 s0, $0x0;
	s0 =	rddreg [dreg:$0x3]  }
0x15b: {  	s0 =	sadd.s32 @!p0 $0x100000, s0  }
0x15c: {  	[sflag:s0] =	ssyncadd.tile.s32 @!p0 $0x1;
	_ =	shalt  }
.Lfunc_end2:
_tile_overlayer_lowered:
.L_overlay_start_2:
0x15d: {  	(tag) =	ssettag $0x2  }
0x15e: {  	s0 =	rddreg [dreg:$0x0];
	s2 =	stileid.u32  }
0x15f: {  	s1 =	rddreg [dreg:$0x1];
	p0 =	sne.s32 s2, $0x0  }
0x160: {  	s3 =	rddreg [dreg:$0x2];
	[bflag:$0x3] =	sbarrier.arrive $0xFFFF;
	s2 =	simm.s32 @!p0 $0x1C02  }
0x161: {  	[timem:s3], [sflag:s2] =	dma.local @!p0 [hbm:s0], s1  }
0x162: {  	s0 =	simm.s32 @!p0 $0x2  }
0x163: {  	_ =	swait.ge @!p0 [sflag:s0], s1  }
0x164: {  	s1 =	ssub.s32 @!p0 $0x0, s1;
	[sflag:s0] =	ssyncset.done @!p0 $0x0  }
0x165: {  	[sflag:s0] =	ssyncadd.s32 @!p0 s1  }
0x166: {  	[bflag:$0x3] =	sbarrier.arrive $0xFFFF  }
0x167: {  	_ =	shalt  }

// kernel: kernel.14.cloned.1.call-start
scs
__scs_entry_jumppad:
0x0: {  	(pc) =	sbr.rel $0x88, $3  }
0x1: {  	(tag) =	ssettag $0x0;
	lr =	simm.s32 $0x1  }
0x2: {  	[smem:$0x3F99] =	sst lr;
	_ =	strace $0xD0000000  }
0x3: {  	_ = 	snop  }
0x4: {  	_ = 	snop  }
0x5: {  	_ = 	snop  }
0x6: {  	_ = 	snop  }
0x7: {  	_ = 	snop  }
__scs_overlays_trampoline_lowered:
0x8: {  	[smem:$0x3FA8] =	sst s0  }
0x9: {  	[smem:$0x3FA9] =	sst s1  }
0xa: {  	[smem:$0x3FAA] =	sst s2  }
0xb: {  	[smem:$0x3FAB] =	sst s3  }
0xc: {  	[smem:$0x3FAC] =	sst s4  }
0xd: {  	[smem:$0x3FAD] =	sst s5  }
0xe: {  	[smem:$0x3FAE] =	sst s6  }
0xf: {  	[smem:$0x3FAF] =	sst s7  }
0x10: {  	[smem:$0x3FB0] =	sst s8  }
0x11: {  	[smem:$0x3FB1] =	sst s9;
	s0 =	simm.s32 @!p0 $0x0  }
0x12: {  	s1 =	sld [smem:$0x3F97];
	s0 =	simm.s32 @p0 $0x1  }
0x13: {  	[smem:$0x3FB2] =	sst s0;
	s0 =	simm.s32 @!p1 $0x0  }
0x14: {  	s2 =	sld [smem:$0x3F96];
	s0 =	simm.s32 @p1 $0x1  }
0x15: {  	[smem:$0x3FB3] =	sst s0;
	s0 =	simm.s32 @!p2 $0x0  }
0x16: {  	s3 =	sld [smem:$0x3FDB];
	s0 =	simm.s32 @p2 $0x1  }
0x17: {  	s4 =	simm.s32 $0x1BF5;
	[smem:$0x3FB5] =	sst s0  }
0x18: {  	s0 =	sld [smem:$0x3F98];
	_ =	swait.ge [sflag:s4], $0x0  }
0x19: {  	s7 =	sld [smem:$0x3F99]  }
0x1a: {  	s8 =	sadd.s32 $0xFFFFE003, lr  }
0x1b: {  	s9 =	sadd.s32 $0xFFFFFEF7, lr;
	s5 =	simm.s32 $0xFFFFFFFF;
	p2 =	slt.u32 s8, $0xFFFFF086  }
0x1c: {  	p1 =	slt.u32 s9, $0xF7A;
	s5 =	simm.s32 @!p2 $0x0  }
0x1d: {  	s5 =	simm.s32 @p1 $0x1;
	p0 =	seq.s32 s7, s2  }
0x1e: {  	s7 =	smul.u32 @!p0 $0xF7A, s2;
	p2 =	seq.s32 @!p0 s5, $0x0  }
0x1f: {  	s9 =	smul.u32 $0xF7A, s1;
	s8 =	simm.s32 @!p0 $0x1BF5;
	p2 =	por !p2, p0  }
0x20: {  	[sflag:s8] =	ssyncset.s32 @!p0 $0xFFFFF086;
	s6 =	sadd.s32 @!p0 s3, s7;
	s7 =	simm.s32 @!p0 $0x108  }
0x21: {  	s3 =	sadd.s32 s3, s9;
	s6 =	sadd.s32 @!p0 $0x88, s6;
	s7 =	simm.s32 @p2 $0x1082  }
0x22: {  	[simem:s7], [sflag:s8] =	dma.local @!p0 [hbm:s6], $0xF7A  }
0x23: {  	s9 =	sor.u32 $0xD0000000, s2;
	s6 =	simm.s32 $0x108;
	_ =	swait.ge @!p0 [sflag:s8], $0x0  }
0x24: {  	s3 =	sadd.s32 $0x88, s3;
	s6 =	simm.s32 @!p1 $0x1082;
	[sflag:s4] =	ssyncset.s32 $0xFFFFF086  }
0x25: {  	[simem:s6], [sflag:s4] =	dma.local [hbm:s3], $0xF7A  }
0x26: {  	[smem:$0x3F99] =	sst s1;
	(tag) =	ssettag s2;
	_ =	strace s9  }
0x27: {  	s1 =	sld [smem:$0x3FA9]  }
0x28: {  	s2 =	sld [smem:$0x3FAA]  }
0x29: {  	s4 =	sld [smem:$0x3FAC]  }
0x2a: {  	p0 =	seq.s32 s5, $0x0;
	s5 =	sld [smem:$0x3FAD]  }
0x2b: {  	s6 =	sld [smem:$0x3FAE]  }
0x2c: {  	s7 =	sld [smem:$0x3FAF]  }
0x2d: {  	s3 =	simm.s32 $0x108;
	s8 =	sld [smem:$0x3FB0]  }
0x2e: {  	s3 =	simm.s32 @!p0 $0x1082;
	s9 =	sld [smem:$0x3FB1]  }
0x2f: {  	lr =	sadd.s32 s0, s3;
	s0 =	sld [smem:$0x3FA8]  }
0x30: {  	s3 =	sld [smem:$0x3FAB]  }
0x31: {  	[smem:$0x3FB4] =	sst s10  }
0x32: {  	s10 =	sld [smem:$0x3FB2];
	_ =	sdelay $0x3  }
0x33: {  	p0 =	seq.s32 s10, $0x1;
	s10 =	sld [smem:$0x3FB4];
	_ =	sdelay $0x3  }
0x34: {  	[smem:$0x3FB4] =	sst s10  }
0x35: {  	s10 =	sld [smem:$0x3FB3];
	_ =	sdelay $0x3  }
0x36: {  	p1 =	seq.s32 s10, $0x1;
	s10 =	sld [smem:$0x3FB4];
	_ =	sdelay $0x3  }
0x37: {  	[smem:$0x3FB4] =	sst s10  }
0x38: {  	s10 =	sld [smem:$0x3FB5]  }
0x39: {  	_ = 	snop;
	(pc) =	sbr.ind lr, $3  }
0x3a: {  	_ = 	snop  }
0x3b: {  	_ = 	snop  }
0x3c: {  	p2 =	seq.s32 s10, $0x1;
	s10 =	sld [smem:$0x3FB4]  }
0x3d: {  	_ =	shalt  }
0x3e: {  	_ =	shalt  }
0x3f: {  	_ =	shalt  }
0x40: {  	_ =	shalt  }
0x41: {  	_ =	shalt  }
0x42: {  	_ =	shalt  }
0x43: {  	_ =	shalt  }
0x44: {  	_ =	shalt  }
0x45: {  	_ =	shalt  }
0x46: {  	_ =	shalt  }
0x47: {  	_ =	shalt  }
0x48: {  	_ =	shalt  }
0x49: {  	_ =	shalt  }
0x4a: {  	_ =	shalt  }
0x4b: {  	_ =	shalt  }
0x4c: {  	_ =	shalt  }
0x4d: {  	_ =	shalt  }
0x4e: {  	_ =	shalt  }
0x4f: {  	_ =	shalt  }
0x50: {  	_ =	shalt  }
0x51: {  	_ =	shalt  }
0x52: {  	_ =	shalt  }
0x53: {  	_ =	shalt  }
0x54: {  	_ =	shalt  }
0x55: {  	_ =	shalt  }
0x56: {  	_ =	shalt  }
0x57: {  	_ =	shalt  }
0x58: {  	_ =	shalt  }
0x59: {  	_ =	shalt  }
0x5a: {  	_ =	shalt  }
0x5b: {  	_ =	shalt  }
0x5c: {  	_ =	shalt  }
0x5d: {  	_ =	shalt  }
0x5e: {  	_ =	shalt  }
0x5f: {  	_ =	shalt  }
0x60: {  	_ =	shalt  }
0x61: {  	_ =	shalt  }
0x62: {  	_ =	shalt  }
0x63: {  	_ =	shalt  }
0x64: {  	_ =	shalt  }
0x65: {  	_ =	shalt  }
0x66: {  	_ =	shalt  }
0x67: {  	_ =	shalt  }
0x68: {  	_ =	shalt  }
0x69: {  	_ =	shalt  }
0x6a: {  	_ =	shalt  }
0x6b: {  	_ =	shalt  }
0x6c: {  	_ =	shalt  }
0x6d: {  	_ =	shalt  }
0x6e: {  	_ =	shalt  }
0x6f: {  	_ =	shalt  }
0x70: {  	_ =	shalt  }
0x71: {  	_ =	shalt  }
0x72: {  	_ =	shalt  }
0x73: {  	_ =	shalt  }
0x74: {  	_ =	shalt  }
0x75: {  	_ =	shalt  }
0x76: {  	_ =	shalt  }
0x77: {  	_ =	shalt  }
0x78: {  	_ =	shalt  }
0x79: {  	_ =	shalt  }
0x7a: {  	_ =	shalt  }
0x7b: {  	_ =	shalt  }
0x7c: {  	_ =	shalt  }
0x7d: {  	_ =	shalt  }
0x7e: {  	_ =	shalt  }
0x7f: {  	_ =	shalt  }
0x80: {  	_ =	shalt  }
0x81: {  	_ =	shalt  }
0x82: {  	_ =	shalt  }
0x83: {  	_ =	shalt  }
0x84: {  	_ =	shalt  }
0x85: {  	_ =	shalt  }
0x86: {  	_ =	shalt  }
0x87: {  	_ =	shalt  }
.Lfunc_end0:
.L_simem_size_0:
called_computation.2_lowered:
.L_overlay_start_0:
0x88: {  	s2 =	sld [smem:$0x3FD9]  }
0x89: {  	s3 =	sld [smem:$0x3FFE];
	_ =	sdelay $0x1  }
0x8a: {  	s1 =	srdreg.scid  }
0x8b: {  	s0 =	sand.u32 $0x1, s1  }
0x8c: {  	s17 =	sshll.u32 s0, $0xA;
	s2 =	sadd.s32 s3, s2  }
0x8d: {  	s2 =	sadd.s32 s2, s17  }
0x8e: {  	[smem:$0x3FC0] =	sst s2  }
0x8f: {  	_ = 	snop  }
0x90: {  	s2 =	sld [smem:$0x3FD0];
	(tm) =	ssettm $0x1  }
0x91: {  	s18 =	sld [smem:$0x3FFB];
	_ =	sdelay $0x3  }
0x92: {  	_ =	strace s18  }
0x93: {  	s3 =	sld [smem:$0x3FFC];
	_ =	sdelay $0x3  }
0x94: {  	_ =	strace s3  }
0x95: {  	s3 =	sld [smem:$0x3FFD];
	_ =	sdelay $0x3  }
0x96: {  	_ =	strace s3  }
0x97: {  	_ =	strace $0x8FFFFFFF  }
0x98: {  	s19 =	sld [smem:$0x3FDB];
	_ =	sdelay $0x1  }
0x99: {  	s4 =	simm.s32 $_scs_section_size  }
0x9a: {  	s5 =	simm.s32 $_size__tile_overlayer_lowered;
	s6 =	simm.s32 $_tile_overlayer_lowered  }
0x9b: {  	s22 =	simm.s32 $0x1BFF;
	s21 =	sshll.u32 s6, $0x1;
	s3 =	sadd.s32 s4, s19  }
0x9c: {  	s7 =	simm.s32 $0x0;
	s20 =	sshll.u32 s5, $0x1;
	s5 =	sadd.s32 s21, s3  }
0x9d: {  	[timem:s7], [sflag:s22] =	dma.local [hbm:s5], s20  }
0x9e: {  	_ =	swait.ge [sflag:s22], s20  }
0x9f: {  	s4 =	ssub.s32 $0x0, s20;
	[sflag:s22] =	ssyncset.done $0x0  }
0xa0: {  	[sflag:s22] =	ssyncadd.s32 s4;
	_ =	sdelay $0x1  }
0xa1: {  	s23 =	simm.s32 $0x1B8B  }
0xa2: {  	_ =	swait.ge [sflag:s23], $0x1  }
0xa3: {  	[sflag:s23] =	ssyncset.done $0x0  }
0xa4: {  	s25 =	simm.s32 $0x1B8E;
	s24 =	sld [smem:$0x3FFE];
	[sflag:s23] =	ssyncadd.s32 $0xFFFFFFFF  }
0xa5: {  	s26 =	simm.s32 $execute0_lowered;
	[smem:$0x3FD2] =	sst s25  }
0xa6: {  	s5 =	sshll.u32 s26, $0x1;
	_ =	strace $0x8000004C;
	[dreg:$0x1] =	wrdreg $0xFFFFFFFF  }
0xa7: {  	s28 =	simm.s32 $_size_execute0_lowered;
	s3 =	sadd.s32 s3, s5;
	[dreg:$0x0] =	wrdreg $0x0  }
0xa8: {  	s5 =	sshll.u32 s28, $0x1;
	[dreg:$0x2] =	wrdreg s3  }
0xa9: {  	[dreg:$0x3] =	wrdreg s5  }
0xaa: {  	[dreg:$0x4] =	wrdreg $0xC0  }
0xab: {  	_ =	task [dreg:s7], $0x5FFFF  }
0xac: {  	[dreg:$0x1] =	wrdreg $0xFFFFFFFF  }
0xad: {  	[dreg:$0x0] =	wrdreg $0x60  }
0xae: {  	[dreg:$0x2] =	wrdreg s24  }
0xaf: {  	[dreg:$0x3] =	wrdreg s2  }
0xb0: {  	[dreg:$0x4] =	wrdreg $0xA0000  }
0xb1: {  	[dreg:$0x5] =	wrdreg $0x9  }
0xb2: {  	_ =	task.clear_ibuf [dreg:s7], $0x6FFFF;
	_ =	strace $0x9000004C  }
0xb3: {  	s29 =	simm.s32 $0x9;
	_ =	strace $0x8000004E  }
0xb4: {  	_ =	swait.ge [sflag:s29], $0x1  }
0xb5: {  	[sflag:s29] =	ssyncadd.s32 $0xFFFFFFFF  }
0xb6: {  	_ =	strace $0x9000004E  }
0xb7: {  	_ =	sfence  }
0xb8: {  	s30 =	sld [smem:$0x0];
	_ =	sdelay $0x2  }
0xb9: {  	s31 =	sshll.u32 s1, $0xD;
	s1 =	sshrl.u32 s1, $0x2  }
0xba: {  	s3 =	sand.u32 $0x4000, s31;
	s1 =	sadd.s32 s1, s30  }
0xbb: {  	s0 =	sor.u32 s3, s0;
	s1 =	sshll.u32 s1, $0x11  }
0xbc: {  	s0 =	sor.u32 s1, s0  }
0xbd: {  	s0 =	sadd.s32 $0x8F2B, s0  }
0xbe: {  	[sflag:s0] =	ssyncadd.remote.s32 $0x1  }
0xbf: {  	_ =	sfence.sel $0xFFFF  }
0xc0: {  	[dreg:$0x0] =	wrdreg $0xFFFFFFFF;
	(pc) =	sbr.abs _section_cstart, $3  }
0xc1: {  	[dreg:$0x1] =	wrdreg $0xFFFFFFFF  }
0xc2: {  	_ =	task.clear_ibuf [dreg:s7], $0x2FFFF;
	_ =	strace $0x9FFFFFFF  }
0xc3: {  	(tm) =	ssettm $0x7FFFFFFF  }
tec
execute0_lowered:
.L_overlay_start_1:
0x0: {  	(tag) =	ssettag $0x1  }
0x1: {  	s1 =	srdreg.scid;
	s0 =	rddreg [dreg:$0x0]  }
0x2: {  	s29 =	stileid.u32;
	s15 =	sand.u32 $0x1, s1;
	s1 =	simm.s32 $0x0  }
0x3: {  	s23 =	smul.u32 $0x14000, s29;
	s26 =	sadd.s32 $0x5CA00, s0;
	s2 =	sshll.u32 s15, $0x4  }
0x4: {  	s3 =	ssub.s32 $0x2, s15;
	[smem:$0x7FF] =	sst s1;
	s21 =	smul.u32 $0x140000, s15  }
0x5: {  	s2 =	sor.u32 s29, s2;
	s24 =	sshrl.u32 s3, $0x1;
	s4 =	sor.u32 $0x3000, s23  }
0x6: {  	s5 =	sadd.s32 $0x4000, s23;
	s6 =	sadd.s32 $0x5000, s23;
	s7 =	sadd.s32 $0x6000, s23  }
0x7: {  	s8 =	sadd.s32 $0x7000, s23;
	s9 =	sadd.s32 $0x8000, s23;
	s10 =	sadd.s32 $0x9000, s23  }
0x8: {  	s11 =	sadd.s32 $0xA000, s23;
	s12 =	sadd.s32 $0xB000, s23;
	s13 =	sadd.s32 $0xC000, s23  }
0x9: {  	s14 =	sadd.s32 $0xD000, s23;
	s15 =	sadd.s32 $0xE000, s23;
	s17 =	sadd.s32 $0xF000, s23  }
0xa: {  	s18 =	sadd.s32 $0x10000, s23;
	s19 =	sadd.s32 $0x11000, s23;
	s20 =	smul.u32 $0x500, s2  }
0xb: {  	s16 =	ssub.s32 s3, s24;
	s2 =	sor.u32 $0x1000, s23;
	s24 =	sadd.s32 s23, s21  }
0xc: {  	s3 =	sor.u32 $0x2000, s23;
	s24 =	sshrl.u32 s24, $0x3;
	s25 =	sadd.s32 s21, s2  }
0xd: {  	s28 =	sadd.s32 s21, s3;
	s25 =	sshrl.u32 s25, $0x3;
	s24 =	sadd.s32 s26, s24  }
0xe: {  	s28 =	sshrl.u32 s28, $0x3;
	[dreg:$0x4] =	wrdreg s24;
	s25 =	sadd.s32 s26, s25  }
0xf: {  	s24 =	sadd.s32 s26, s28;
	[dreg:$0x5] =	wrdreg s25;
	s25 =	sadd.s32 s21, s4  }
0x10: {  	s28 =	sadd.s32 s21, s5;
	[dreg:$0x6] =	wrdreg s24;
	s24 =	sshrl.u32 s25, $0x3  }
0x11: {  	s25 =	sshrl.u32 s28, $0x3;
	s28 =	sadd.s32 s21, s6;
	s24 =	sadd.s32 s26, s24  }
0x12: {  	s25 =	sadd.s32 s26, s25;
	s28 =	sshrl.u32 s28, $0x3;
	[dreg:$0x7] =	wrdreg s24  }
0x13: {  	[dreg:$0x8] =	wrdreg s25;
	s24 =	sadd.s32 s26, s28;
	s25 =	sadd.s32 s21, s7  }
0x14: {  	s28 =	sadd.s32 s21, s8;
	[dreg:$0x9] =	wrdreg s24;
	s24 =	sshrl.u32 s25, $0x3  }
0x15: {  	s25 =	sshrl.u32 s28, $0x3;
	s28 =	sadd.s32 s21, s9;
	s24 =	sadd.s32 s26, s24  }
0x16: {  	s25 =	sadd.s32 s26, s25;
	s28 =	sshrl.u32 s28, $0x3;
	[dreg:$0xa] =	wrdreg s24  }
0x17: {  	[dreg:$0xb] =	wrdreg s25;
	s24 =	sadd.s32 s26, s28;
	s25 =	sadd.s32 s21, s10  }
0x18: {  	s28 =	sadd.s32 s21, s11;
	[dreg:$0xc] =	wrdreg s24;
	s24 =	sshrl.u32 s25, $0x3  }
0x19: {  	s25 =	sshrl.u32 s28, $0x3;
	s28 =	sadd.s32 s21, s12;
	s24 =	sadd.s32 s26, s24  }
0x1a: {  	s25 =	sadd.s32 s26, s25;
	s28 =	sshrl.u32 s28, $0x3;
	[dreg:$0xd] =	wrdreg s24  }
0x1b: {  	[dreg:$0xe] =	wrdreg s25;
	s24 =	sadd.s32 s26, s28;
	s25 =	sadd.s32 s21, s13  }
0x1c: {  	s28 =	sadd.s32 s21, s14;
	[dreg:$0xf] =	wrdreg s24;
	s24 =	sshrl.u32 s25, $0x3  }
0x1d: {  	s22 =	sadd.s32 $0x12000, s23;
	s25 =	sshrl.u32 s28, $0x3;
	s24 =	sadd.s32 s26, s24  }
0x1e: {  	s28 =	sadd.s32 s21, s15;
	s25 =	sadd.s32 s26, s25;
	[dreg:$0x10] =	wrdreg s24  }
0x1f: {  	s29 =	smul.u32 $0x50000, s29;
	s28 =	sshrl.u32 s28, $0x3;
	[dreg:$0x11] =	wrdreg s25  }
0x20: {  	s24 =	sadd.s32 s26, s28;
	s25 =	sadd.s32 s21, s17;
	s28 =	sadd.s32 s21, s18  }
0x21: {  	[dreg:$0x12] =	wrdreg s24;
	s24 =	sshrl.u32 s25, $0x3;
	s25 =	sshrl.u32 s28, $0x3  }
0x22: {  	s23 =	sadd.s32 $0x13000, s23;
	s28 =	sadd.s32 s21, s19;
	s25 =	sadd.s32 s26, s25  }
0x23: {  	s24 =	sadd.s32 s26, s24;
	[dreg:$0x14] =	wrdreg s25;
	s25 =	sshrl.u32 s28, $0x3  }
0x24: {  	[dreg:$0x13] =	wrdreg s24;
	s28 =	sadd.s32 s21, s22;
	s24 =	sadd.s32 s26, s25  }
0x25: {  	s25 =	sshrl.u32 s28, $0x3;
	s28 =	sadd.s32 s21, s23;
	s21 =	rddreg [dreg:$0x2]  }
0x26: {  	s29 =	sshrl.u32 s29, $0x2;
	s16 =	smax.u32 s16, $0x1;
	[dreg:$0x15] =	wrdreg s24  }
0x27: {  	s24 =	rddreg [dreg:$0x1];
	s28 =	sshrl.u32 s28, $0x3;
	s25 =	sadd.s32 s26, s25  }
0x28: {  	s30 =	sadd.s32 s3, s21;
	s31 =	sadd.s32 s4, s21;
	s3 =	sadd.s32 s8, s21  }
0x29: {  	s4 =	sadd.s32 s9, s21;
	s8 =	sadd.s32 s13, s21;
	s9 =	sadd.s32 s14, s21  }
0x2a: {  	s13 =	sadd.s32 s19, s21;
	s14 =	sadd.s32 s22, s21;
	s19 =	simm.s32 $0x7D  }
0x2b: {  	s22 =	simm.s32 $0x5000;
	[dreg:$0x16] =	wrdreg s25;
	s28 =	sadd.s32 s26, s28  }
0x2c: {  	s24 =	sadd.s32 s24, s20;
	s20 =	sadd.s32 s20, s0;
	s25 =	sadd.s32 $0x2A00, s0  }
0x2d: {  	s0 =	sadd.s32 s6, s21;
	s6 =	sadd.s32 s11, s21;
	s11 =	sadd.s32 s17, s21  }
0x2e: {  	s17 =	simm.s32 $0x2;
	[dreg:$0x17] =	wrdreg s28;
	s26 =	sadd.s32 $0x52A00, s20  }
0x2f: {  	s28 =	sadd.s32 s29, s21;
	s29 =	sadd.s32 s2, s21;
	s20 =	sadd.s32 s5, s21  }
0x30: {  	s2 =	sadd.s32 s7, s21;
	_ =	strace $0x8000004D;
	[dreg:$0x18] =	wrdreg s24  }
0x31: {  	s5 =	sadd.s32 s10, s21;
	s7 =	sadd.s32 s12, s21;
	[dreg:$0x19] =	wrdreg s26  }
0x32: {  	s10 =	sadd.s32 s15, s21;
	s12 =	sadd.s32 s18, s21;
	[dreg:$0x1a] =	wrdreg s28  }
0x33: {  	s15 =	sadd.s32 s23, s21;
	s18 =	simm.s32 $0x9000;
	[dreg:$0x1b] =	wrdreg s29  }
0x34: {  	v0 =	vimm.f32 $0.0e+00;
	s23 =	simm.s32 $0x1;
	[dreg:$0x1c] =	wrdreg s16;
	s24 =	simm.s32 $0x0  }
.LBB2_1:
0x35: {  	s16 =	rddreg [dreg:$0x19]  }
0x36: {  	[tilespmem:s1], [sflag:$0x2] =	stream.linear.gather [hbm4b:s16+s1], $0x2800, $0x38;
	[tilespmem:$0x1E000] =	vst v63  }
0x37: {  	_ =	swait.ge [sflag:s17], $0x2800  }
0x38: {  	[sflag:s17] =	ssyncset.done $0x0  }
0x39: {  	s26 =	simm.s32 $0x2800;
	s29 =	rddreg [dreg:$0x18];
	[sflag:s17] =	ssyncadd.s32 $0xFFFFD800  }
0x3a: {  	[tilespmem:s26], [sflag:$0x2] =	stream.linear.gather [hbm4b:s29+s1], $0x2800, $0x38;
	[tilespmem:$0x1E000] =	vst v63  }
0x3b: {  	s28 =	sand.u32 $0x70, s1;
	s29 =	sand.u32 $0x3E00, s1;
	_ =	swait.ge [sflag:s17], $0x2800  }
0x3c: {  	s26 =	simm.s32 $0x40;
	s16 =	sshrl.u32 s29, $0x2;
	[sflag:s17] =	ssyncset.done $0x0  }
0x3d: {  	s28 =	sor.u32 s28, s16;
	s16 =	simm.s32 $0x0;
	[sflag:s17] =	ssyncadd.s32 $0xFFFFD800  }
.LBB2_2:
0x3e: {  	p0 =	sne.s32 s26, $0x3FC0  }
0x3f: {  	[tilespmem:s28+$0x9000] =	vst v0;
	s16 =	sadd.s32 $0x10, s16;
	s28 =	smov.u32 s26;
	s26 =	sadd.s32 $0x40, s26  }
.Ltmp0:
0x40: {  	(pc) =	sbr.rel @p0 .LBB2_2-.Ltmp0, $4  }
0x41: {  	_ = 	snop  }
0x42: {  	s28 =	sand.u32 $0x3E00, s28  }
0x43: {  	s29 =	sand.u32 $0x70, s16;
	s28 =	sshrl.u32 s28, $0x2  }
0x44: {  	s28 =	sor.u32 s29, s28  }
0x45: {  	[tilespmem:s28+$0x9000] =	vst v0;
	s16 =	rddreg [dreg:$0x1a]  }
0x46: {  	[spmem:s16] =	stream.linear.scatter [tilespmem:s18], [sflag:$0x2], $0x1000, $0x38;
	[tilespmem:$0x1E000] =	vst v63  }
0x47: {  	_ =	swait.ge [sflag:s17], $0x1000  }
0x48: {  	[sflag:s17] =	ssyncset.done $0x0  }
0x49: {  	s26 =	rddreg [dreg:$0x1b];
	[sflag:s17] =	ssyncadd.s32 $0xFFFFF000  }
0x4a: {  	[spmem:s26] =	stream.linear.scatter [tilespmem:s18], [sflag:$0x2], $0x1000, $0x38;
	[tilespmem:$0x1E000] =	vst v63  }
0x4b: {  	_ =	swait.ge [sflag:s17], $0x1000  }
0x4c: {  	[sflag:s17] =	ssyncset.done $0x0  }
0x4d: {  	[sflag:s17] =	ssyncadd.s32 $0xFFFFF000  }
0x4e: {  	[spmem:s30] =	stream.linear.scatter [tilespmem:s18], [sflag:$0x2], $0x1000, $0x38;
	[tilespmem:$0x1E000] =	vst v63  }
0x4f: {  	_ =	swait.ge [sflag:s17], $0x1000  }
0x50: {  	[sflag:s17] =	ssyncset.done $0x0  }
0x51: {  	[sflag:s17] =	ssyncadd.s32 $0xFFFFF000  }
0x52: {  	[spmem:s31] =	stream.linear.scatter [tilespmem:s18], [sflag:$0x2], $0x1000, $0x38;
	[tilespmem:$0x1E000] =	vst v63  }
0x53: {  	_ =	swait.ge [sflag:s17], $0x1000  }
0x54: {  	[sflag:s17] =	ssyncset.done $0x0  }
0x55: {  	[sflag:s17] =	ssyncadd.s32 $0xFFFFF000  }
0x56: {  	[spmem:s20] =	stream.linear.scatter [tilespmem:s18], [sflag:$0x2], $0x1000, $0x38;
	[tilespmem:$0x1E000] =	vst v63  }
0x57: {  	_ =	swait.ge [sflag:s17], $0x1000  }
0x58: {  	[sflag:s17] =	ssyncset.done $0x0  }
0x59: {  	[sflag:s17] =	ssyncadd.s32 $0xFFFFF000  }
0x5a: {  	[spmem:s0] =	stream.linear.scatter [tilespmem:s18], [sflag:$0x2], $0x1000, $0x38;
	[tilespmem:$0x1E000] =	vst v63  }
0x5b: {  	_ =	swait.ge [sflag:s17], $0x1000  }
0x5c: {  	[sflag:s17] =	ssyncset.done $0x0  }
0x5d: {  	[sflag:s17] =	ssyncadd.s32 $0xFFFFF000  }
0x5e: {  	[spmem:s2] =	stream.linear.scatter [tilespmem:s18], [sflag:$0x2], $0x1000, $0x38;
	[tilespmem:$0x1E000] =	vst v63  }
0x5f: {  	_ =	swait.ge [sflag:s17], $0x1000  }
0x60: {  	[sflag:s17] =	ssyncset.done $0x0  }
0x61: {  	[sflag:s17] =	ssyncadd.s32 $0xFFFFF000  }
0x62: {  	[spmem:s3] =	stream.linear.scatter [tilespmem:s18], [sflag:$0x2], $0x1000, $0x38;
	[tilespmem:$0x1E000] =	vst v63  }
0x63: {  	_ =	swait.ge [sflag:s17], $0x1000  }
0x64: {  	[sflag:s17] =	ssyncset.done $0x0  }
0x65: {  	[sflag:s17] =	ssyncadd.s32 $0xFFFFF000  }
0x66: {  	[spmem:s4] =	stream.linear.scatter [tilespmem:s18], [sflag:$0x2], $0x1000, $0x38;
	[tilespmem:$0x1E000] =	vst v63  }
0x67: {  	_ =	swait.ge [sflag:s17], $0x1000  }
0x68: {  	[sflag:s17] =	ssyncset.done $0x0  }
0x69: {  	[sflag:s17] =	ssyncadd.s32 $0xFFFFF000  }
0x6a: {  	[spmem:s5] =	stream.linear.scatter [tilespmem:s18], [sflag:$0x2], $0x1000, $0x38;
	[tilespmem:$0x1E000] =	vst v63  }
0x6b: {  	_ =	swait.ge [sflag:s17], $0x1000  }
0x6c: {  	[sflag:s17] =	ssyncset.done $0x0  }
0x6d: {  	[sflag:s17] =	ssyncadd.s32 $0xFFFFF000  }
0x6e: {  	[spmem:s6] =	stream.linear.scatter [tilespmem:s18], [sflag:$0x2], $0x1000, $0x38;
	[tilespmem:$0x1E000] =	vst v63  }
0x6f: {  	_ =	swait.ge [sflag:s17], $0x1000  }
0x70: {  	[sflag:s17] =	ssyncset.done $0x0  }
0x71: {  	[sflag:s17] =	ssyncadd.s32 $0xFFFFF000  }
0x72: {  	[spmem:s7] =	stream.linear.scatter [tilespmem:s18], [sflag:$0x2], $0x1000, $0x38;
	[tilespmem:$0x1E000] =	vst v63  }
0x73: {  	_ =	swait.ge [sflag:s17], $0x1000  }
0x74: {  	[sflag:s17] =	ssyncset.done $0x0  }
0x75: {  	[sflag:s17] =	ssyncadd.s32 $0xFFFFF000  }
0x76: {  	[spmem:s8] =	stream.linear.scatter [tilespmem:s18], [sflag:$0x2], $0x1000, $0x38;
	[tilespmem:$0x1E000] =	vst v63  }
0x77: {  	_ =	swait.ge [sflag:s17], $0x1000  }
0x78: {  	[sflag:s17] =	ssyncset.done $0x0  }
0x79: {  	[sflag:s17] =	ssyncadd.s32 $0xFFFFF000  }
0x7a: {  	[spmem:s9] =	stream.linear.scatter [tilespmem:s18], [sflag:$0x2], $0x1000, $0x38;
	[tilespmem:$0x1E000] =	vst v63  }
0x7b: {  	_ =	swait.ge [sflag:s17], $0x1000  }
0x7c: {  	[sflag:s17] =	ssyncset.done $0x0  }
0x7d: {  	[sflag:s17] =	ssyncadd.s32 $0xFFFFF000  }
0x7e: {  	[spmem:s10] =	stream.linear.scatter [tilespmem:s18], [sflag:$0x2], $0x1000, $0x38;
	[tilespmem:$0x1E000] =	vst v63  }
0x7f: {  	_ =	swait.ge [sflag:s17], $0x1000  }
0x80: {  	[sflag:s17] =	ssyncset.done $0x0  }
0x81: {  	[sflag:s17] =	ssyncadd.s32 $0xFFFFF000  }
0x82: {  	[spmem:s11] =	stream.linear.scatter [tilespmem:s18], [sflag:$0x2], $0x1000, $0x38;
	[tilespmem:$0x1E000] =	vst v63  }
0x83: {  	_ =	swait.ge [sflag:s17], $0x1000  }
0x84: {  	[sflag:s17] =	ssyncset.done $0x0  }
0x85: {  	[sflag:s17] =	ssyncadd.s32 $0xFFFFF000  }
0x86: {  	[spmem:s12] =	stream.linear.scatter [tilespmem:s18], [sflag:$0x2], $0x1000, $0x38;
	[tilespmem:$0x1E000] =	vst v63  }
0x87: {  	_ =	swait.ge [sflag:s17], $0x1000  }
0x88: {  	[sflag:s17] =	ssyncset.done $0x0  }
0x89: {  	[sflag:s17] =	ssyncadd.s32 $0xFFFFF000  }
0x8a: {  	[spmem:s13] =	stream.linear.scatter [tilespmem:s18], [sflag:$0x2], $0x1000, $0x38;
	[tilespmem:$0x1E000] =	vst v63  }
0x8b: {  	_ =	swait.ge [sflag:s17], $0x1000  }
0x8c: {  	[sflag:s17] =	ssyncset.done $0x0  }
0x8d: {  	[sflag:s17] =	ssyncadd.s32 $0xFFFFF000  }
0x8e: {  	[spmem:s14] =	stream.linear.scatter [tilespmem:s18], [sflag:$0x2], $0x1000, $0x38;
	[tilespmem:$0x1E000] =	vst v63  }
0x8f: {  	_ =	swait.ge [sflag:s17], $0x1000  }
0x90: {  	[sflag:s17] =	ssyncset.done $0x0  }
0x91: {  	[sflag:s17] =	ssyncadd.s32 $0xFFFFF000  }
0x92: {  	[spmem:s15] =	stream.linear.scatter [tilespmem:s18], [sflag:$0x2], $0x1000, $0x38;
	[tilespmem:$0x1E000] =	vst v63  }
0x93: {  	_ =	swait.ge [sflag:s17], $0x1000  }
0x94: {  	[sflag:s17] =	ssyncset.done $0x0  }
0x95: {  	[sflag:s17] =	ssyncadd.s32 $0xFFFFF000  }
0x96: {  	s28 =	simm.s32 $0x0;
	[bflag:$0x0] =	sbarrier.arrive $0xFFFF  }
0x97: {  	[tilespmem:s22], [sflag:$0x1] =	stream.indirect.gather [hbm4b:s25+s19], $0x80, s28, s19, $0xb8;
	[tilespmem:$0x1E000] =	vst v63  }
0x98: {  	_ =	swait.ge [sflag:s23], $0x3E80  }
0x99: {  	[sflag:s23] =	ssyncset.done $0x0  }
0x9a: {  	s29 =	simm.s32 $0x2800;
	[sflag:s23] =	ssyncadd.s32 $0xFFFFC180  }
0x9b: {  	[spmem:s21] =	stream.indirect.scatter.add.f32 [tilespmem:s22], [sflag:$0x2], $0x80, s29, s19, $0xb8;
	[tilespmem:$0x1E000] =	vst v63  }
0x9c: {  	_ =	swait.ge [sflag:s17], $0x3E80  }
0x9d: {  	s16 =	simm.s32 $0x400;
	s26 =	simm.s32 $0x200;
	[sflag:s17] =	ssyncset.done $0x0  }
.LBB2_4:
0x9e: {  	s28 =	sshra.s32 s26, $0x2  }
0x9f: {  	[sflag:s17] =	ssyncadd.s32 $0xFFFFC180;
	s26 =	smov.u32 s16;
	s29 =	sadd.s32 $0x200, s16  }
0xa0: {  	[tilespmem:s22], [sflag:$0x1] =	stream.indirect.gather [hbm4b:s25+s19], $0x80, s28, s19, $0xb8;
	[tilespmem:$0x1E000] =	vst v63  }
0xa1: {  	p0 =	sne.s32 s16, $0x9E00;
	_ =	swait.ge [sflag:s23], $0x3E80  }
.Ltmp1:
0xa2: {  	[sflag:s23] =	ssyncset.done $0x0;
	(pc) =	sbr.rel @p0 .LBB2_4-.Ltmp1, $4  }
0xa3: {  	s16 =	sadd.s32 $0x2800, s28;
	[sflag:s23] =	ssyncadd.s32 $0xFFFFC180  }
0xa4: {  	[spmem:s21] =	stream.indirect.scatter.add.f32 [tilespmem:s22], [sflag:$0x2], $0x80, s16, s19, $0xb8;
	[tilespmem:$0x1E000] =	vst v63  }
0xa5: {  	_ =	swait.ge [sflag:s17], $0x3E80  }
0xa6: {  	s16 =	smov.u32 s29;
	[sflag:s17] =	ssyncset.done $0x0  }
0xa7: {  	s16 =	sshra.s32 s26, $0x2;
	[sflag:s17] =	ssyncadd.s32 $0xFFFFC180  }
0xa8: {  	[tilespmem:s22], [sflag:$0x1] =	stream.indirect.gather [hbm4b:s25+s19], $0x80, s16, s19, $0xb8;
	[tilespmem:$0x1E000] =	vst v63  }
0xa9: {  	_ =	swait.ge [sflag:s23], $0x3E80  }
0xaa: {  	[sflag:s23] =	ssyncset.done $0x0  }
0xab: {  	s16 =	sadd.s32 $0x2800, s16;
	[sflag:s23] =	ssyncadd.s32 $0xFFFFC180  }
0xac: {  	[spmem:s21] =	stream.indirect.scatter.add.f32 [tilespmem:s22], [sflag:$0x2], $0x80, s16, s19, $0xb8;
	[tilespmem:$0x1E000] =	vst v63  }
0xad: {  	_ =	swait.ge [sflag:s17], $0x3E80  }
0xae: {  	[sflag:s17] =	ssyncset.done $0x0  }
0xaf: {  	[sflag:s17] =	ssyncadd.s32 $0xFFFFC180  }
0xb0: {  	[bflag:$0x0] =	sbarrier.arrive $0xFFFF  }
0xb1: {  	s28 =	rddreg [dreg:$0x1a]  }
0xb2: {  	[tilespmem:s18], [sflag:$0x2] =	stream.linear.gather [spmem:s28], $0x1000, $0x38;
	[tilespmem:$0x1E000] =	vst v63  }
0xb3: {  	_ =	swait.ge [sflag:s17], $0x1000  }
0xb4: {  	[sflag:s17] =	ssyncset.done $0x0  }
0xb5: {  	s29 =	rddreg [dreg:$0x4];
	[sflag:s17] =	ssyncadd.s32 $0xFFFFF000  }
0xb6: {  	[hbm4b:s29+s1] =	stream.linear.scatter [tilespmem:s18], [sflag:$0x2], $0x1000, $0x38;
	[tilespmem:$0x1E000] =	vst v63  }
0xb7: {  	_ =	swait.ge [sflag:s17], $0x1000  }
0xb8: {  	[sflag:s17] =	ssyncset.done $0x0  }
0xb9: {  	s26 =	rddreg [dreg:$0x1b];
	[sflag:s17] =	ssyncadd.s32 $0xFFFFF000  }
0xba: {  	[tilespmem:s18], [sflag:$0x2] =	stream.linear.gather [spmem:s26], $0x1000, $0x38;
	[tilespmem:$0x1E000] =	vst v63  }
0xbb: {  	_ =	swait.ge [sflag:s17], $0x1000  }
0xbc: {  	[sflag:s17] =	ssyncset.done $0x0  }
0xbd: {  	s28 =	rddreg [dreg:$0x5];
	[sflag:s17] =	ssyncadd.s32 $0xFFFFF000  }
0xbe: {  	[hbm4b:s28+s1] =	stream.linear.scatter [tilespmem:s18], [sflag:$0x2], $0x1000, $0x38;
	[tilespmem:$0x1E000] =	vst v63  }
0xbf: {  	_ =	swait.ge [sflag:s17], $0x1000  }
0xc0: {  	[sflag:s17] =	ssyncset.done $0x0  }
0xc1: {  	[sflag:s17] =	ssyncadd.s32 $0xFFFFF000  }
0xc2: {  	[tilespmem:s18], [sflag:$0x2] =	stream.linear.gather [spmem:s30], $0x1000, $0x38;
	[tilespmem:$0x1E000] =	vst v63  }
0xc3: {  	_ =	swait.ge [sflag:s17], $0x1000  }
0xc4: {  	[sflag:s17] =	ssyncset.done $0x0  }
0xc5: {  	s29 =	rddreg [dreg:$0x6];
	[sflag:s17] =	ssyncadd.s32 $0xFFFFF000  }
0xc6: {  	[hbm4b:s29+s1] =	stream.linear.scatter [tilespmem:s18], [sflag:$0x2], $0x1000, $0x38;
	[tilespmem:$0x1E000] =	vst v63  }
0xc7: {  	_ =	swait.ge [sflag:s17], $0x1000  }
0xc8: {  	[sflag:s17] =	ssyncset.done $0x0  }
0xc9: {  	[sflag:s17] =	ssyncadd.s32 $0xFFFFF000  }
0xca: {  	[tilespmem:s18], [sflag:$0x2] =	stream.linear.gather [spmem:s31], $0x1000, $0x38;
	[tilespmem:$0x1E000] =	vst v63  }
0xcb: {  	_ =	swait.ge [sflag:s17], $0x1000  }
0xcc: {  	[sflag:s17] =	ssyncset.done $0x0  }
0xcd: {  	s26 =	rddreg [dreg:$0x7];
	[sflag:s17] =	ssyncadd.s32 $0xFFFFF000  }
0xce: {  	[hbm4b:s26+s1] =	stream.linear.scatter [tilespmem:s18], [sflag:$0x2], $0x1000, $0x38;
	[tilespmem:$0x1E000] =	vst v63  }
0xcf: {  	_ =	swait.ge [sflag:s17], $0x1000  }
0xd0: {  	[sflag:s17] =	ssyncset.done $0x0  }
0xd1: {  	[sflag:s17] =	ssyncadd.s32 $0xFFFFF000  }
0xd2: {  	[tilespmem:s18], [sflag:$0x2] =	stream.linear.gather [spmem:s20], $0x1000, $0x38;
	[tilespmem:$0x1E000] =	vst v63  }
0xd3: {  	_ =	swait.ge [sflag:s17], $0x1000  }
0xd4: {  	[sflag:s17] =	ssyncset.done $0x0  }
0xd5: {  	s28 =	rddreg [dreg:$0x8];
	[sflag:s17] =	ssyncadd.s32 $0xFFFFF000  }
0xd6: {  	[hbm4b:s28+s1] =	stream.linear.scatter [tilespmem:s18], [sflag:$0x2], $0x1000, $0x38;
	[tilespmem:$0x1E000] =	vst v63  }
0xd7: {  	_ =	swait.ge [sflag:s17], $0x1000  }
0xd8: {  	[sflag:s17] =	ssyncset.done $0x0  }
0xd9: {  	[sflag:s17] =	ssyncadd.s32 $0xFFFFF000  }
0xda: {  	[tilespmem:s18], [sflag:$0x2] =	stream.linear.gather [spmem:s0], $0x1000, $0x38;
	[tilespmem:$0x1E000] =	vst v63  }
0xdb: {  	_ =	swait.ge [sflag:s17], $0x1000  }
0xdc: {  	[sflag:s17] =	ssyncset.done $0x0  }
0xdd: {  	s29 =	rddreg [dreg:$0x9];
	[sflag:s17] =	ssyncadd.s32 $0xFFFFF000  }
0xde: {  	[hbm4b:s29+s1] =	stream.linear.scatter [tilespmem:s18], [sflag:$0x2], $0x1000, $0x38;
	[tilespmem:$0x1E000] =	vst v63  }
0xdf: {  	_ =	swait.ge [sflag:s17], $0x1000  }
0xe0: {  	[sflag:s17] =	ssyncset.done $0x0  }
0xe1: {  	[sflag:s17] =	ssyncadd.s32 $0xFFFFF000  }
0xe2: {  	[tilespmem:s18], [sflag:$0x2] =	stream.linear.gather [spmem:s2], $0x1000, $0x38;
	[tilespmem:$0x1E000] =	vst v63  }
0xe3: {  	_ =	swait.ge [sflag:s17], $0x1000  }
0xe4: {  	[sflag:s17] =	ssyncset.done $0x0  }
0xe5: {  	s26 =	rddreg [dreg:$0xa];
	[sflag:s17] =	ssyncadd.s32 $0xFFFFF000  }
0xe6: {  	[hbm4b:s26+s1] =	stream.linear.scatter [tilespmem:s18], [sflag:$0x2], $0x1000, $0x38;
	[tilespmem:$0x1E000] =	vst v63  }
0xe7: {  	_ =	swait.ge [sflag:s17], $0x1000  }
0xe8: {  	[sflag:s17] =	ssyncset.done $0x0  }
0xe9: {  	[sflag:s17] =	ssyncadd.s32 $0xFFFFF000  }
0xea: {  	[tilespmem:s18], [sflag:$0x2] =	stream.linear.gather [spmem:s3], $0x1000, $0x38;
	[tilespmem:$0x1E000] =	vst v63  }
0xeb: {  	_ =	swait.ge [sflag:s17], $0x1000  }
0xec: {  	[sflag:s17] =	ssyncset.done $0x0  }
0xed: {  	s28 =	rddreg [dreg:$0xb];
	[sflag:s17] =	ssyncadd.s32 $0xFFFFF000  }
0xee: {  	[hbm4b:s28+s1] =	stream.linear.scatter [tilespmem:s18], [sflag:$0x2], $0x1000, $0x38;
	[tilespmem:$0x1E000] =	vst v63  }
0xef: {  	_ =	swait.ge [sflag:s17], $0x1000  }
0xf0: {  	[sflag:s17] =	ssyncset.done $0x0  }
0xf1: {  	[sflag:s17] =	ssyncadd.s32 $0xFFFFF000  }
0xf2: {  	[tilespmem:s18], [sflag:$0x2] =	stream.linear.gather [spmem:s4], $0x1000, $0x38;
	[tilespmem:$0x1E000] =	vst v63  }
0xf3: {  	_ =	swait.ge [sflag:s17], $0x1000  }
0xf4: {  	[sflag:s17] =	ssyncset.done $0x0  }
0xf5: {  	s29 =	rddreg [dreg:$0xc];
	[sflag:s17] =	ssyncadd.s32 $0xFFFFF000  }
0xf6: {  	[hbm4b:s29+s1] =	stream.linear.scatter [tilespmem:s18], [sflag:$0x2], $0x1000, $0x38;
	[tilespmem:$0x1E000] =	vst v63  }
0xf7: {  	_ =	swait.ge [sflag:s17], $0x1000  }
0xf8: {  	[sflag:s17] =	ssyncset.done $0x0  }
0xf9: {  	[sflag:s17] =	ssyncadd.s32 $0xFFFFF000  }
0xfa: {  	[tilespmem:s18], [sflag:$0x2] =	stream.linear.gather [spmem:s5], $0x1000, $0x38;
	[tilespmem:$0x1E000] =	vst v63  }
0xfb: {  	_ =	swait.ge [sflag:s17], $0x1000  }
0xfc: {  	[sflag:s17] =	ssyncset.done $0x0  }
0xfd: {  	s26 =	rddreg [dreg:$0xd];
	[sflag:s17] =	ssyncadd.s32 $0xFFFFF000  }
0xfe: {  	[hbm4b:s26+s1] =	stream.linear.scatter [tilespmem:s18], [sflag:$0x2], $0x1000, $0x38;
	[tilespmem:$0x1E000] =	vst v63  }
0xff: {  	_ =	swait.ge [sflag:s17], $0x1000  }
0x100: {  	[sflag:s17] =	ssyncset.done $0x0  }
0x101: {  	[sflag:s17] =	ssyncadd.s32 $0xFFFFF000  }
0x102: {  	[tilespmem:s18], [sflag:$0x2] =	stream.linear.gather [spmem:s6], $0x1000, $0x38;
	[tilespmem:$0x1E000] =	vst v63  }
0x103: {  	_ =	swait.ge [sflag:s17], $0x1000  }
0x104: {  	[sflag:s17] =	ssyncset.done $0x0  }
0x105: {  	s28 =	rddreg [dreg:$0xe];
	[sflag:s17] =	ssyncadd.s32 $0xFFFFF000  }
0x106: {  	[hbm4b:s28+s1] =	stream.linear.scatter [tilespmem:s18], [sflag:$0x2], $0x1000, $0x38;
	[tilespmem:$0x1E000] =	vst v63  }
0x107: {  	_ =	swait.ge [sflag:s17], $0x1000  }
0x108: {  	[sflag:s17] =	ssyncset.done $0x0  }
0x109: {  	[sflag:s17] =	ssyncadd.s32 $0xFFFFF000  }
0x10a: {  	[tilespmem:s18], [sflag:$0x2] =	stream.linear.gather [spmem:s7], $0x1000, $0x38;
	[tilespmem:$0x1E000] =	vst v63  }
0x10b: {  	_ =	swait.ge [sflag:s17], $0x1000  }
0x10c: {  	[sflag:s17] =	ssyncset.done $0x0  }
0x10d: {  	s29 =	rddreg [dreg:$0xf];
	[sflag:s17] =	ssyncadd.s32 $0xFFFFF000  }
0x10e: {  	[hbm4b:s29+s1] =	stream.linear.scatter [tilespmem:s18], [sflag:$0x2], $0x1000, $0x38;
	[tilespmem:$0x1E000] =	vst v63  }
0x10f: {  	_ =	swait.ge [sflag:s17], $0x1000  }
0x110: {  	[sflag:s17] =	ssyncset.done $0x0  }
0x111: {  	[sflag:s17] =	ssyncadd.s32 $0xFFFFF000  }
0x112: {  	[tilespmem:s18], [sflag:$0x2] =	stream.linear.gather [spmem:s8], $0x1000, $0x38;
	[tilespmem:$0x1E000] =	vst v63  }
0x113: {  	_ =	swait.ge [sflag:s17], $0x1000  }
0x114: {  	[sflag:s17] =	ssyncset.done $0x0  }
0x115: {  	s26 =	rddreg [dreg:$0x10];
	[sflag:s17] =	ssyncadd.s32 $0xFFFFF000  }
0x116: {  	[hbm4b:s26+s1] =	stream.linear.scatter [tilespmem:s18], [sflag:$0x2], $0x1000, $0x38;
	[tilespmem:$0x1E000] =	vst v63  }
0x117: {  	_ =	swait.ge [sflag:s17], $0x1000  }
0x118: {  	[sflag:s17] =	ssyncset.done $0x0  }
0x119: {  	[sflag:s17] =	ssyncadd.s32 $0xFFFFF000  }
0x11a: {  	[tilespmem:s18], [sflag:$0x2] =	stream.linear.gather [spmem:s9], $0x1000, $0x38;
	[tilespmem:$0x1E000] =	vst v63  }
0x11b: {  	_ =	swait.ge [sflag:s17], $0x1000  }
0x11c: {  	[sflag:s17] =	ssyncset.done $0x0  }
0x11d: {  	s28 =	rddreg [dreg:$0x11];
	[sflag:s17] =	ssyncadd.s32 $0xFFFFF000  }
0x11e: {  	[hbm4b:s28+s1] =	stream.linear.scatter [tilespmem:s18], [sflag:$0x2], $0x1000, $0x38;
	[tilespmem:$0x1E000] =	vst v63  }
0x11f: {  	_ =	swait.ge [sflag:s17], $0x1000  }
0x120: {  	[sflag:s17] =	ssyncset.done $0x0  }
0x121: {  	[sflag:s17] =	ssyncadd.s32 $0xFFFFF000  }
0x122: {  	[tilespmem:s18], [sflag:$0x2] =	stream.linear.gather [spmem:s10], $0x1000, $0x38;
	[tilespmem:$0x1E000] =	vst v63  }
0x123: {  	_ =	swait.ge [sflag:s17], $0x1000  }
0x124: {  	[sflag:s17] =	ssyncset.done $0x0  }
0x125: {  	s29 =	rddreg [dreg:$0x12];
	[sflag:s17] =	ssyncadd.s32 $0xFFFFF000  }
0x126: {  	[hbm4b:s29+s1] =	stream.linear.scatter [tilespmem:s18], [sflag:$0x2], $0x1000, $0x38;
	[tilespmem:$0x1E000] =	vst v63  }
0x127: {  	_ =	swait.ge [sflag:s17], $0x1000  }
0x128: {  	[sflag:s17] =	ssyncset.done $0x0  }
0x129: {  	[sflag:s17] =	ssyncadd.s32 $0xFFFFF000  }
0x12a: {  	[tilespmem:s18], [sflag:$0x2] =	stream.linear.gather [spmem:s11], $0x1000, $0x38;
	[tilespmem:$0x1E000] =	vst v63  }
0x12b: {  	_ =	swait.ge [sflag:s17], $0x1000  }
0x12c: {  	[sflag:s17] =	ssyncset.done $0x0  }
0x12d: {  	s26 =	rddreg [dreg:$0x13];
	[sflag:s17] =	ssyncadd.s32 $0xFFFFF000  }
0x12e: {  	[hbm4b:s26+s1] =	stream.linear.scatter [tilespmem:s18], [sflag:$0x2], $0x1000, $0x38;
	[tilespmem:$0x1E000] =	vst v63  }
0x12f: {  	_ =	swait.ge [sflag:s17], $0x1000  }
0x130: {  	[sflag:s17] =	ssyncset.done $0x0  }
0x131: {  	[sflag:s17] =	ssyncadd.s32 $0xFFFFF000  }
0x132: {  	[tilespmem:s18], [sflag:$0x2] =	stream.linear.gather [spmem:s12], $0x1000, $0x38;
	[tilespmem:$0x1E000] =	vst v63  }
0x133: {  	_ =	swait.ge [sflag:s17], $0x1000  }
0x134: {  	[sflag:s17] =	ssyncset.done $0x0  }
0x135: {  	s28 =	rddreg [dreg:$0x14];
	[sflag:s17] =	ssyncadd.s32 $0xFFFFF000  }
0x136: {  	[hbm4b:s28+s1] =	stream.linear.scatter [tilespmem:s18], [sflag:$0x2], $0x1000, $0x38;
	[tilespmem:$0x1E000] =	vst v63  }
0x137: {  	_ =	swait.ge [sflag:s17], $0x1000  }
0x138: {  	[sflag:s17] =	ssyncset.done $0x0  }
0x139: {  	[sflag:s17] =	ssyncadd.s32 $0xFFFFF000  }
0x13a: {  	[tilespmem:s18], [sflag:$0x2] =	stream.linear.gather [spmem:s13], $0x1000, $0x38;
	[tilespmem:$0x1E000] =	vst v63  }
0x13b: {  	_ =	swait.ge [sflag:s17], $0x1000  }
0x13c: {  	[sflag:s17] =	ssyncset.done $0x0  }
0x13d: {  	s29 =	rddreg [dreg:$0x15];
	[sflag:s17] =	ssyncadd.s32 $0xFFFFF000  }
0x13e: {  	[hbm4b:s29+s1] =	stream.linear.scatter [tilespmem:s18], [sflag:$0x2], $0x1000, $0x38;
	[tilespmem:$0x1E000] =	vst v63  }
0x13f: {  	_ =	swait.ge [sflag:s17], $0x1000  }
0x140: {  	[sflag:s17] =	ssyncset.done $0x0  }
0x141: {  	[sflag:s17] =	ssyncadd.s32 $0xFFFFF000  }
0x142: {  	[tilespmem:s18], [sflag:$0x2] =	stream.linear.gather [spmem:s14], $0x1000, $0x38;
	[tilespmem:$0x1E000] =	vst v63  }
0x143: {  	_ =	swait.ge [sflag:s17], $0x1000  }
0x144: {  	[sflag:s17] =	ssyncset.done $0x0  }
0x145: {  	s26 =	rddreg [dreg:$0x16];
	[sflag:s17] =	ssyncadd.s32 $0xFFFFF000  }
0x146: {  	[hbm4b:s26+s1] =	stream.linear.scatter [tilespmem:s18], [sflag:$0x2], $0x1000, $0x38;
	[tilespmem:$0x1E000] =	vst v63  }
0x147: {  	_ =	swait.ge [sflag:s17], $0x1000  }
0x148: {  	[sflag:s17] =	ssyncset.done $0x0  }
0x149: {  	[sflag:s17] =	ssyncadd.s32 $0xFFFFF000  }
0x14a: {  	[tilespmem:s18], [sflag:$0x2] =	stream.linear.gather [spmem:s15], $0x1000, $0x38;
	[tilespmem:$0x1E000] =	vst v63  }
0x14b: {  	_ =	swait.ge [sflag:s17], $0x1000  }
0x14c: {  	[sflag:s17] =	ssyncset.done $0x0  }
0x14d: {  	s28 =	rddreg [dreg:$0x17];
	[sflag:s17] =	ssyncadd.s32 $0xFFFFF000  }
0x14e: {  	[hbm4b:s28+s1] =	stream.linear.scatter [tilespmem:s18], [sflag:$0x2], $0x1000, $0x38;
	[tilespmem:$0x1E000] =	vst v63  }
0x14f: {  	_ =	swait.ge [sflag:s17], $0x1000  }
0x150: {  	s24 =	sadd.s32 $0x1, s24;
	s29 =	rddreg [dreg:$0x1c]  }
0x151: {  	p0 =	sne.s32 s24, s29  }
.Ltmp2:
0x152: {  	_ = 	snop;
	(pc) =	sbr.rel @p0 .LBB2_1-.Ltmp2, $3  }
0x153: {  	_ =	sdelay $0x1  }
0x154: {  	[sflag:s17] =	ssyncset.done $0x0  }
0x155: {  	[sflag:s17] =	ssyncadd.s32 $0xFFFFF000  }
0x156: {  	_ =	sfence.sel $0x180000  }
0x157: {  	[bflag:$0x0] =	sbarrier.arrive $0xFFFF  }
0x158: {  	_ =	strace $0x9000004D  }
0x159: {  	s0 =	stileid.u32;
	[bflag:$0x2] =	sbarrier.arrive $0xFFFF  }
0x15a: {  	p0 =	sne.s32 s0, $0x0;
	s0 =	rddreg [dreg:$0x3]  }
0x15b: {  	s0 =	sadd.s32 @!p0 $0x100000, s0  }
0x15c: {  	[sflag:s0] =	ssyncadd.tile.s32 @!p0 $0x1;
	_ =	shalt  }
.Lfunc_end2:
_tile_overlayer_lowered:
.L_overlay_start_2:
0x15d: {  	(tag) =	ssettag $0x2  }
0x15e: {  	s0 =	rddreg [dreg:$0x0];
	s2 =	stileid.u32  }
0x15f: {  	s1 =	rddreg [dreg:$0x1];
	p0 =	sne.s32 s2, $0x0  }
0x160: {  	s3 =	rddreg [dreg:$0x2];
	[bflag:$0x3] =	sbarrier.arrive $0xFFFF;
	s2 =	simm.s32 @!p0 $0x1C02  }
0x161: {  	[timem:s3], [sflag:s2] =	dma.local @!p0 [hbm:s0], s1  }
0x162: {  	s0 =	simm.s32 @!p0 $0x2  }
0x163: {  	_ =	swait.ge @!p0 [sflag:s0], s1  }
0x164: {  	s1 =	ssub.s32 @!p0 $0x0, s1;
	[sflag:s0] =	ssyncset.done @!p0 $0x0  }
0x165: {  	[sflag:s0] =	ssyncadd.s32 @!p0 s1  }
0x166: {  	[bflag:$0x3] =	sbarrier.arrive $0xFFFF  }
0x167: {  	_ =	shalt  }

// kernel: kernel.8.cloned.1.call-start
scs
__scs_entry_jumppad:
0x0: {  	(pc) =	sbr.rel $0x88, $3  }
0x1: {  	(tag) =	ssettag $0x0;
	lr =	simm.s32 $0x1  }
0x2: {  	[smem:$0x3F99] =	sst lr;
	_ =	strace $0xD0000000  }
0x3: {  	_ = 	snop  }
0x4: {  	_ = 	snop  }
0x5: {  	_ = 	snop  }
0x6: {  	_ = 	snop  }
0x7: {  	_ = 	snop  }
__scs_overlays_trampoline_lowered:
0x8: {  	[smem:$0x3FA8] =	sst s0  }
0x9: {  	[smem:$0x3FA9] =	sst s1  }
0xa: {  	[smem:$0x3FAA] =	sst s2  }
0xb: {  	[smem:$0x3FAB] =	sst s3  }
0xc: {  	[smem:$0x3FAC] =	sst s4  }
0xd: {  	[smem:$0x3FAD] =	sst s5  }
0xe: {  	[smem:$0x3FAE] =	sst s6  }
0xf: {  	[smem:$0x3FAF] =	sst s7  }
0x10: {  	[smem:$0x3FB0] =	sst s8  }
0x11: {  	[smem:$0x3FB1] =	sst s9;
	s0 =	simm.s32 @!p0 $0x0  }
0x12: {  	s1 =	sld [smem:$0x3F97];
	s0 =	simm.s32 @p0 $0x1  }
0x13: {  	[smem:$0x3FB2] =	sst s0;
	s0 =	simm.s32 @!p1 $0x0  }
0x14: {  	s2 =	sld [smem:$0x3F96];
	s0 =	simm.s32 @p1 $0x1  }
0x15: {  	[smem:$0x3FB3] =	sst s0;
	s0 =	simm.s32 @!p2 $0x0  }
0x16: {  	s3 =	sld [smem:$0x3FDB];
	s0 =	simm.s32 @p2 $0x1  }
0x17: {  	s4 =	simm.s32 $0x1BF5;
	[smem:$0x3FB5] =	sst s0  }
0x18: {  	s0 =	sld [smem:$0x3F98];
	_ =	swait.ge [sflag:s4], $0x0  }
0x19: {  	s7 =	sld [smem:$0x3F99]  }
0x1a: {  	s8 =	sadd.s32 $0xFFFFE003, lr  }
0x1b: {  	s9 =	sadd.s32 $0xFFFFFEF7, lr;
	s5 =	simm.s32 $0xFFFFFFFF;
	p2 =	slt.u32 s8, $0xFFFFF086  }
0x1c: {  	p1 =	slt.u32 s9, $0xF7A;
	s5 =	simm.s32 @!p2 $0x0  }
0x1d: {  	s5 =	simm.s32 @p1 $0x1;
	p0 =	seq.s32 s7, s2  }
0x1e: {  	s7 =	smul.u32 @!p0 $0xF7A, s2;
	p2 =	seq.s32 @!p0 s5, $0x0  }
0x1f: {  	s9 =	smul.u32 $0xF7A, s1;
	s8 =	simm.s32 @!p0 $0x1BF5;
	p2 =	por !p2, p0  }
0x20: {  	[sflag:s8] =	ssyncset.s32 @!p0 $0xFFFFF086;
	s6 =	sadd.s32 @!p0 s3, s7;
	s7 =	simm.s32 @!p0 $0x108  }
0x21: {  	s3 =	sadd.s32 s3, s9;
	s6 =	sadd.s32 @!p0 $0x88, s6;
	s7 =	simm.s32 @p2 $0x1082  }
0x22: {  	[simem:s7], [sflag:s8] =	dma.local @!p0 [hbm:s6], $0xF7A  }
0x23: {  	s9 =	sor.u32 $0xD0000000, s2;
	s6 =	simm.s32 $0x108;
	_ =	swait.ge @!p0 [sflag:s8], $0x0  }
0x24: {  	s3 =	sadd.s32 $0x88, s3;
	s6 =	simm.s32 @!p1 $0x1082;
	[sflag:s4] =	ssyncset.s32 $0xFFFFF086  }
0x25: {  	[simem:s6], [sflag:s4] =	dma.local [hbm:s3], $0xF7A  }
0x26: {  	[smem:$0x3F99] =	sst s1;
	(tag) =	ssettag s2;
	_ =	strace s9  }
0x27: {  	s1 =	sld [smem:$0x3FA9]  }
0x28: {  	s2 =	sld [smem:$0x3FAA]  }
0x29: {  	s4 =	sld [smem:$0x3FAC]  }
0x2a: {  	p0 =	seq.s32 s5, $0x0;
	s5 =	sld [smem:$0x3FAD]  }
0x2b: {  	s6 =	sld [smem:$0x3FAE]  }
0x2c: {  	s7 =	sld [smem:$0x3FAF]  }
0x2d: {  	s3 =	simm.s32 $0x108;
	s8 =	sld [smem:$0x3FB0]  }
0x2e: {  	s3 =	simm.s32 @!p0 $0x1082;
	s9 =	sld [smem:$0x3FB1]  }
0x2f: {  	lr =	sadd.s32 s0, s3;
	s0 =	sld [smem:$0x3FA8]  }
0x30: {  	s3 =	sld [smem:$0x3FAB]  }
0x31: {  	[smem:$0x3FB4] =	sst s10  }
0x32: {  	s10 =	sld [smem:$0x3FB2];
	_ =	sdelay $0x3  }
0x33: {  	p0 =	seq.s32 s10, $0x1;
	s10 =	sld [smem:$0x3FB4];
	_ =	sdelay $0x3  }
0x34: {  	[smem:$0x3FB4] =	sst s10  }
0x35: {  	s10 =	sld [smem:$0x3FB3];
	_ =	sdelay $0x3  }
0x36: {  	p1 =	seq.s32 s10, $0x1;
	s10 =	sld [smem:$0x3FB4];
	_ =	sdelay $0x3  }
0x37: {  	[smem:$0x3FB4] =	sst s10  }
0x38: {  	s10 =	sld [smem:$0x3FB5]  }
0x39: {  	_ = 	snop;
	(pc) =	sbr.ind lr, $3  }
0x3a: {  	_ = 	snop  }
0x3b: {  	_ = 	snop  }
0x3c: {  	p2 =	seq.s32 s10, $0x1;
	s10 =	sld [smem:$0x3FB4]  }
0x3d: {  	_ =	shalt  }
0x3e: {  	_ =	shalt  }
0x3f: {  	_ =	shalt  }
0x40: {  	_ =	shalt  }
0x41: {  	_ =	shalt  }
0x42: {  	_ =	shalt  }
0x43: {  	_ =	shalt  }
0x44: {  	_ =	shalt  }
0x45: {  	_ =	shalt  }
0x46: {  	_ =	shalt  }
0x47: {  	_ =	shalt  }
0x48: {  	_ =	shalt  }
0x49: {  	_ =	shalt  }
0x4a: {  	_ =	shalt  }
0x4b: {  	_ =	shalt  }
0x4c: {  	_ =	shalt  }
0x4d: {  	_ =	shalt  }
0x4e: {  	_ =	shalt  }
0x4f: {  	_ =	shalt  }
0x50: {  	_ =	shalt  }
0x51: {  	_ =	shalt  }
0x52: {  	_ =	shalt  }
0x53: {  	_ =	shalt  }
0x54: {  	_ =	shalt  }
0x55: {  	_ =	shalt  }
0x56: {  	_ =	shalt  }
0x57: {  	_ =	shalt  }
0x58: {  	_ =	shalt  }
0x59: {  	_ =	shalt  }
0x5a: {  	_ =	shalt  }
0x5b: {  	_ =	shalt  }
0x5c: {  	_ =	shalt  }
0x5d: {  	_ =	shalt  }
0x5e: {  	_ =	shalt  }
0x5f: {  	_ =	shalt  }
0x60: {  	_ =	shalt  }
0x61: {  	_ =	shalt  }
0x62: {  	_ =	shalt  }
0x63: {  	_ =	shalt  }
0x64: {  	_ =	shalt  }
0x65: {  	_ =	shalt  }
0x66: {  	_ =	shalt  }
0x67: {  	_ =	shalt  }
0x68: {  	_ =	shalt  }
0x69: {  	_ =	shalt  }
0x6a: {  	_ =	shalt  }
0x6b: {  	_ =	shalt  }
0x6c: {  	_ =	shalt  }
0x6d: {  	_ =	shalt  }
0x6e: {  	_ =	shalt  }
0x6f: {  	_ =	shalt  }
0x70: {  	_ =	shalt  }
0x71: {  	_ =	shalt  }
0x72: {  	_ =	shalt  }
0x73: {  	_ =	shalt  }
0x74: {  	_ =	shalt  }
0x75: {  	_ =	shalt  }
0x76: {  	_ =	shalt  }
0x77: {  	_ =	shalt  }
0x78: {  	_ =	shalt  }
0x79: {  	_ =	shalt  }
0x7a: {  	_ =	shalt  }
0x7b: {  	_ =	shalt  }
0x7c: {  	_ =	shalt  }
0x7d: {  	_ =	shalt  }
0x7e: {  	_ =	shalt  }
0x7f: {  	_ =	shalt  }
0x80: {  	_ =	shalt  }
0x81: {  	_ =	shalt  }
0x82: {  	_ =	shalt  }
0x83: {  	_ =	shalt  }
0x84: {  	_ =	shalt  }
0x85: {  	_ =	shalt  }
0x86: {  	_ =	shalt  }
0x87: {  	_ =	shalt  }
.Lfunc_end0:
.L_simem_size_0:
called_computation_lowered:
.L_overlay_start_0:
0x88: {  	s2 =	sld [smem:$0x3FD9]  }
0x89: {  	s3 =	sld [smem:$0x3FFE];
	_ =	sdelay $0x1  }
0x8a: {  	s1 =	srdreg.scid  }
0x8b: {  	s0 =	sand.u32 $0x1, s1  }
0x8c: {  	s17 =	sshll.u32 s0, $0xA;
	s2 =	sadd.s32 s3, s2  }
0x8d: {  	s2 =	sadd.s32 s2, s17  }
0x8e: {  	[smem:$0x3FC0] =	sst s2  }
0x8f: {  	_ = 	snop  }
0x90: {  	s2 =	sld [smem:$0x3FD0];
	(tm) =	ssettm $0x1  }
0x91: {  	s18 =	sld [smem:$0x3FFB];
	_ =	sdelay $0x3  }
0x92: {  	_ =	strace s18  }
0x93: {  	s3 =	sld [smem:$0x3FFC];
	_ =	sdelay $0x3  }
0x94: {  	_ =	strace s3  }
0x95: {  	s3 =	sld [smem:$0x3FFD];
	_ =	sdelay $0x3  }
0x96: {  	_ =	strace s3  }
0x97: {  	_ =	strace $0x8FFFFFFF  }
0x98: {  	s19 =	sld [smem:$0x3FDB];
	_ =	sdelay $0x1  }
0x99: {  	s4 =	simm.s32 $_scs_section_size  }
0x9a: {  	s5 =	simm.s32 $_size__tile_overlayer_lowered;
	s6 =	simm.s32 $_tile_overlayer_lowered  }
0x9b: {  	s22 =	simm.s32 $0x1BFF;
	s21 =	sshll.u32 s6, $0x1;
	s3 =	sadd.s32 s4, s19  }
0x9c: {  	s7 =	simm.s32 $0x0;
	s20 =	sshll.u32 s5, $0x1;
	s5 =	sadd.s32 s21, s3  }
0x9d: {  	[timem:s7], [sflag:s22] =	dma.local [hbm:s5], s20  }
0x9e: {  	_ =	swait.ge [sflag:s22], s20  }
0x9f: {  	s4 =	ssub.s32 $0x0, s20;
	[sflag:s22] =	ssyncset.done $0x0  }
0xa0: {  	[sflag:s22] =	ssyncadd.s32 s4;
	_ =	sdelay $0x1  }
0xa1: {  	s23 =	simm.s32 $0x1B8B  }
0xa2: {  	_ =	swait.ge [sflag:s23], $0x1  }
0xa3: {  	[sflag:s23] =	ssyncset.done $0x0  }
0xa4: {  	s25 =	simm.s32 $0x1B8E;
	s24 =	sld [smem:$0x3FFE];
	[sflag:s23] =	ssyncadd.s32 $0xFFFFFFFF  }
0xa5: {  	s26 =	simm.s32 $execute0_lowered;
	[smem:$0x3FD2] =	sst s25  }
0xa6: {  	s5 =	sshll.u32 s26, $0x1;
	_ =	strace $0x80000046;
	[dreg:$0x1] =	wrdreg $0xFFFFFFFF  }
0xa7: {  	s28 =	simm.s32 $_size_execute0_lowered;
	s3 =	sadd.s32 s3, s5;
	[dreg:$0x0] =	wrdreg $0x0  }
0xa8: {  	s5 =	sshll.u32 s28, $0x1;
	[dreg:$0x2] =	wrdreg s3  }
0xa9: {  	[dreg:$0x3] =	wrdreg s5  }
0xaa: {  	[dreg:$0x4] =	wrdreg $0xC0  }
0xab: {  	_ =	task [dreg:s7], $0x5FFFF  }
0xac: {  	[dreg:$0x1] =	wrdreg $0xFFFFFFFF  }
0xad: {  	[dreg:$0x0] =	wrdreg $0x60  }
0xae: {  	[dreg:$0x2] =	wrdreg s2  }
0xaf: {  	[dreg:$0x3] =	wrdreg s24  }
0xb0: {  	[dreg:$0x4] =	wrdreg $0x78000  }
0xb1: {  	[dreg:$0x5] =	wrdreg $0x9  }
0xb2: {  	_ =	task.clear_ibuf [dreg:s7], $0x6FFFF;
	_ =	strace $0x90000046  }
0xb3: {  	s29 =	simm.s32 $0x9;
	_ =	strace $0x80000048  }
0xb4: {  	_ =	swait.ge [sflag:s29], $0x1  }
0xb5: {  	[sflag:s29] =	ssyncadd.s32 $0xFFFFFFFF  }
0xb6: {  	_ =	strace $0x90000048  }
0xb7: {  	_ =	sfence  }
0xb8: {  	s30 =	sld [smem:$0x0];
	_ =	sdelay $0x2  }
0xb9: {  	s31 =	sshll.u32 s1, $0xD;
	s1 =	sshrl.u32 s1, $0x2  }
0xba: {  	s3 =	sand.u32 $0x4000, s31;
	s1 =	sadd.s32 s1, s30  }
0xbb: {  	s0 =	sor.u32 s3, s0;
	s1 =	sshll.u32 s1, $0x11  }
0xbc: {  	s0 =	sor.u32 s1, s0  }
0xbd: {  	s0 =	sadd.s32 $0x8F2B, s0  }
0xbe: {  	[sflag:s0] =	ssyncadd.remote.s32 $0x1  }
0xbf: {  	_ =	sfence.sel $0xFFFF  }
0xc0: {  	[dreg:$0x0] =	wrdreg $0xFFFFFFFF;
	(pc) =	sbr.abs _section_cstart, $3  }
0xc1: {  	[dreg:$0x1] =	wrdreg $0xFFFFFFFF  }
0xc2: {  	_ =	task.clear_ibuf [dreg:s7], $0x2FFFF;
	_ =	strace $0x9FFFFFFF  }
0xc3: {  	(tm) =	ssettm $0x7FFFFFFF  }
tec
execute0_lowered:
.L_overlay_start_1:
0x0: {  	(tag) =	ssettag $0x1  }
0x1: {  	s0 =	srdreg.scid  }
0x2: {  	s19 =	rddreg [dreg:$0x0];
	s25 =	stileid.u32;
	s13 =	sand.u32 $0x1, s0  }
0x3: {  	s2 =	rddreg [dreg:$0x1];
	s20 =	smul.u32 $0x14000, s25;
	s1 =	sshll.u32 s13, $0x4  }
0x4: {  	s21 =	sadd.s32 $0x2A00, s2;
	s4 =	ssub.s32 $0x2, s13;
	s3 =	sor.u32 s25, s1  }
0x5: {  	s1 =	simm.s32 $0x0;
	s5 =	sshrl.u32 s4, $0x1;
	s2 =	sor.u32 $0x2000, s20  }
0x6: {  	s6 =	sadd.s32 $0x6000, s20;
	s7 =	sadd.s32 $0x7000, s20;
	s8 =	sadd.s32 $0x8000, s20  }
0x7: {  	s9 =	sadd.s32 $0x9000, s20;
	s10 =	sadd.s32 $0xA000, s20;
	s11 =	sadd.s32 $0xB000, s20  }
0x8: {  	s12 =	sadd.s32 $0xC000, s20;
	s14 =	sadd.s32 $0xD000, s20;
	s15 =	sadd.s32 $0xE000, s20  }
0x9: {  	s16 =	sadd.s32 $0xF000, s20;
	s17 =	sadd.s32 $0x10000, s20;
	s25 =	smul.u32 $0x50000, s25  }
0xa: {  	s18 =	sadd.s32 $0x11000, s20;
	s3 =	smul.u32 $0x500, s3;
	[smem:$0x7FF] =	sst s1  }
0xb: {  	s22 =	ssub.s32 s4, s5;
	s4 =	sadd.s32 $0x4000, s20;
	s5 =	sadd.s32 $0x5000, s20  }
0xc: {  	[dreg:$0x1a] =	wrdreg s22;
	s22 =	smul.u32 $0x140000, s13;
	s13 =	sadd.s32 $0x13000, s20  }
0xd: {  	s0 =	sadd.s32 s19, s3;
	s3 =	sor.u32 $0x3000, s20;
	s19 =	sadd.s32 $0x12000, s20  }
0xe: {  	[dreg:$0x4] =	wrdreg s0;
	s0 =	sor.u32 $0x1000, s20;
	s20 =	sadd.s32 s20, s22  }
0xf: {  	s24 =	sadd.s32 s22, s2;
	s20 =	sshrl.u32 s20, $0x3;
	s23 =	sadd.s32 s22, s0  }
0x10: {  	s24 =	sshrl.u32 s24, $0x3;
	s20 =	sadd.s32 s21, s20;
	s23 =	sshrl.u32 s23, $0x3  }
0x11: {  	s26 =	sadd.s32 s21, s24;
	s24 =	sadd.s32 s22, s4;
	[dreg:$0x5] =	wrdreg s20  }
0x12: {  	s20 =	sadd.s32 s21, s23;
	[dreg:$0x7] =	wrdreg s26;
	s23 =	sadd.s32 s22, s3  }
0x13: {  	s26 =	sadd.s32 s22, s5;
	[dreg:$0x6] =	wrdreg s20;
	s20 =	sshrl.u32 s23, $0x3  }
0x14: {  	s23 =	sshrl.u32 s24, $0x3;
	s24 =	sshrl.u32 s26, $0x3;
	s20 =	sadd.s32 s21, s20  }
0x15: {  	s26 =	sadd.s32 s21, s24;
	s24 =	sadd.s32 s22, s7;
	[dreg:$0x8] =	wrdreg s20  }
0x16: {  	s20 =	sadd.s32 s21, s23;
	[dreg:$0xa] =	wrdreg s26;
	s23 =	sadd.s32 s22, s6  }
0x17: {  	s26 =	sadd.s32 s22, s8;
	[dreg:$0x9] =	wrdreg s20;
	s20 =	sshrl.u32 s23, $0x3  }
0x18: {  	s23 =	sshrl.u32 s24, $0x3;
	s24 =	sshrl.u32 s26, $0x3;
	s20 =	sadd.s32 s21, s20  }
0x19: {  	s26 =	sadd.s32 s21, s24;
	s24 =	sadd.s32 s22, s10;
	[dreg:$0xb] =	wrdreg s20  }
0x1a: {  	s20 =	sadd.s32 s21, s23;
	[dreg:$0xd] =	wrdreg s26;
	s23 =	sadd.s32 s22, s9  }
0x1b: {  	s26 =	sadd.s32 s22, s11;
	[dreg:$0xc] =	wrdreg s20;
	s20 =	sshrl.u32 s23, $0x3  }
0x1c: {  	s23 =	sshrl.u32 s24, $0x3;
	s24 =	sshrl.u32 s26, $0x3;
	s20 =	sadd.s32 s21, s20  }
0x1d: {  	s26 =	sadd.s32 s21, s24;
	s24 =	sadd.s32 s22, s14;
	[dreg:$0xe] =	wrdreg s20  }
0x1e: {  	s20 =	sadd.s32 s21, s23;
	[dreg:$0x10] =	wrdreg s26;
	s23 =	sadd.s32 s22, s12  }
0x1f: {  	s26 =	sadd.s32 s22, s15;
	[dreg:$0xf] =	wrdreg s20;
	s20 =	sshrl.u32 s23, $0x3  }
0x20: {  	s23 =	sshrl.u32 s24, $0x3;
	s24 =	sshrl.u32 s26, $0x3;
	s20 =	sadd.s32 s21, s20  }
0x21: {  	s26 =	sadd.s32 s21, s24;
	s24 =	sadd.s32 s22, s17;
	[dreg:$0x11] =	wrdreg s20  }
0x22: {  	s20 =	sadd.s32 s21, s23;
	[dreg:$0x13] =	wrdreg s26;
	s23 =	sadd.s32 s22, s16  }
0x23: {  	s26 =	sadd.s32 s22, s18;
	[dreg:$0x12] =	wrdreg s20;
	s20 =	sshrl.u32 s23, $0x3  }
0x24: {  	s23 =	sshrl.u32 s24, $0x3;
	s26 =	sshrl.u32 s26, $0x3;
	s20 =	sadd.s32 s21, s20  }
0x25: {  	s24 =	sadd.s32 s22, s19;
	[dreg:$0x14] =	wrdreg s20;
	s20 =	sadd.s32 s21, s23  }
0x26: {  	s22 =	sadd.s32 s22, s13;
	s23 =	sadd.s32 s21, s26;
	[dreg:$0x15] =	wrdreg s20  }
0x27: {  	s26 =	sshrl.u32 s22, $0x3;
	[dreg:$0x16] =	wrdreg s23  }
0x28: {  	s22 =	sshrl.u32 s25, $0x2;
	s20 =	sshrl.u32 s24, $0x3;
	s23 =	rddreg [dreg:$0x2]  }
0x29: {  	s20 =	sadd.s32 s21, s20;
	s25 =	sadd.s32 s22, s23;
	s28 =	sadd.s32 s2, s23  }
0x2a: {  	s29 =	sadd.s32 s3, s23;
	s30 =	sadd.s32 s4, s23;
	s31 =	sadd.s32 s5, s23  }
0x2b: {  	s2 =	sadd.s32 s8, s23;
	s3 =	sadd.s32 s9, s23;
	s4 =	sadd.s32 s10, s23  }
0x2c: {  	s5 =	sadd.s32 s11, s23;
	s8 =	sadd.s32 s15, s23;
	s9 =	sadd.s32 s16, s23  }
0x2d: {  	s10 =	sadd.s32 s17, s23;
	s11 =	sadd.s32 s18, s23;
	s13 =	sadd.s32 s13, s23  }
0x2e: {  	s15 =	simm.s32 $0x1;
	[dreg:$0x17] =	wrdreg s20;
	s20 =	sadd.s32 s21, s26  }
0x2f: {  	s16 =	simm.s32 $0x6800;
	s17 =	simm.s32 $0x7D;
	[dreg:$0x18] =	wrdreg s20  }
0x30: {  	s18 =	simm.s32 $0x2800;
	s26 =	sadd.s32 s0, s23;
	_ =	strace $0x80000047  }
0x31: {  	s21 =	sadd.s32 s6, s23;
	s0 =	sadd.s32 s7, s23;
	s24 =	rddreg [dreg:$0x1a]  }
0x32: {  	s6 =	sadd.s32 s12, s23;
	s7 =	sadd.s32 s14, s23;
	s14 =	smax.u32 s24, $0x1  }
0x33: {  	v0 =	vimm.f32 $1.000000000e+00;
	v1 =	vimm.f32 $0.0e+00;
	s12 =	sadd.s32 s19, s23;
	s19 =	simm.s32 $0x0;
	[dreg:$0x19] =	wrdreg s14  }
.LBB2_1:
0x34: {  	s14 =	rddreg [dreg:$0x4]  }
0x35: {  	[tilespmem:s1], [sflag:$0x1] =	stream.linear.gather [hbm4b:s14+s1], $0x2800, $0x38;
	[tilespmem:$0x1B800] =	vst v63  }
0x36: {  	_ =	swait.ge [sflag:s15], $0x2800  }
0x37: {  	[sflag:s15] =	ssyncset.done $0x0  }
0x38: {  	s20 =	simm.s32 $0x0;
	s22 =	simm.s32 $0x0;
	[sflag:s15] =	ssyncadd.s32 $0xFFFFD800  }
.LBB2_2:
0x39: {  	p0 =	sne.s32 s22, $0xF9C0  }
.Ltmp0:
0x3a: {  	_ = 	snop;
	(pc) =	sbr.rel @p0 .LBB2_2-.Ltmp0, $4  }
0x3b: {  	s24 =	sand.u32 $0xFE00, s22  }
0x3c: {  	s14 =	sand.u32 $0x70, s20;
	s24 =	sshrl.u32 s24, $0x2  }
0x3d: {  	s14 =	sor.u32 s14, s24  }
0x3e: {  	s20 =	sadd.s32 $0x10, s20;
	s22 =	sadd.s32 $0x40, s22;
	[tilespmem:s14+$0x2800] =	vst v0  }
0x3f: {  	s20 =	simm.s32 $0x0  }
0x40: {  	s14 =	sand.u32 $0x3E00, s20  }
0x41: {  	s24 =	sand.u32 $0x70, s20;
	s14 =	sshrl.u32 s14, $0x2  }
0x42: {  	s22 =	simm.s32 $0x40;
	s24 =	sor.u32 s24, s14  }
.LBB2_4:
0x43: {  	p0 =	sne.s32 s22, $0x3FC0  }
0x44: {  	[tilespmem:s24+$0x6800] =	vst v1;
	s20 =	sadd.s32 $0x10, s20;
	s14 =	smov.u32 s22;
	s22 =	sadd.s32 $0x40, s22  }
.Ltmp1:
0x45: {  	(pc) =	sbr.rel @p0 .LBB2_4-.Ltmp1, $4  }
0x46: {  	_ = 	snop  }
0x47: {  	s14 =	sand.u32 $0x3E00, s14  }
0x48: {  	s24 =	sand.u32 $0x70, s20;
	s14 =	sshrl.u32 s14, $0x2  }
0x49: {  	s24 =	sor.u32 s24, s14  }
0x4a: {  	[tilespmem:s24+$0x6800] =	vst v1  }
0x4b: {  	[spmem:s25] =	stream.linear.scatter [tilespmem:s16], [sflag:$0x1], $0x1000, $0x38;
	[tilespmem:$0x1B800] =	vst v63  }
0x4c: {  	_ =	swait.ge [sflag:s15], $0x1000  }
0x4d: {  	[sflag:s15] =	ssyncset.done $0x0  }
0x4e: {  	[sflag:s15] =	ssyncadd.s32 $0xFFFFF000  }
0x4f: {  	[spmem:s26] =	stream.linear.scatter [tilespmem:s16], [sflag:$0x1], $0x1000, $0x38;
	[tilespmem:$0x1B800] =	vst v63  }
0x50: {  	_ =	swait.ge [sflag:s15], $0x1000  }
0x51: {  	[sflag:s15] =	ssyncset.done $0x0  }
0x52: {  	[sflag:s15] =	ssyncadd.s32 $0xFFFFF000  }
0x53: {  	[spmem:s28] =	stream.linear.scatter [tilespmem:s16], [sflag:$0x1], $0x1000, $0x38;
	[tilespmem:$0x1B800] =	vst v63  }
0x54: {  	_ =	swait.ge [sflag:s15], $0x1000  }
0x55: {  	[sflag:s15] =	ssyncset.done $0x0  }
0x56: {  	[sflag:s15] =	ssyncadd.s32 $0xFFFFF000  }
0x57: {  	[spmem:s29] =	stream.linear.scatter [tilespmem:s16], [sflag:$0x1], $0x1000, $0x38;
	[tilespmem:$0x1B800] =	vst v63  }
0x58: {  	_ =	swait.ge [sflag:s15], $0x1000  }
0x59: {  	[sflag:s15] =	ssyncset.done $0x0  }
0x5a: {  	[sflag:s15] =	ssyncadd.s32 $0xFFFFF000  }
0x5b: {  	[spmem:s30] =	stream.linear.scatter [tilespmem:s16], [sflag:$0x1], $0x1000, $0x38;
	[tilespmem:$0x1B800] =	vst v63  }
0x5c: {  	_ =	swait.ge [sflag:s15], $0x1000  }
0x5d: {  	[sflag:s15] =	ssyncset.done $0x0  }
0x5e: {  	[sflag:s15] =	ssyncadd.s32 $0xFFFFF000  }
0x5f: {  	[spmem:s31] =	stream.linear.scatter [tilespmem:s16], [sflag:$0x1], $0x1000, $0x38;
	[tilespmem:$0x1B800] =	vst v63  }
0x60: {  	_ =	swait.ge [sflag:s15], $0x1000  }
0x61: {  	[sflag:s15] =	ssyncset.done $0x0  }
0x62: {  	[sflag:s15] =	ssyncadd.s32 $0xFFFFF000  }
0x63: {  	[spmem:s21] =	stream.linear.scatter [tilespmem:s16], [sflag:$0x1], $0x1000, $0x38;
	[tilespmem:$0x1B800] =	vst v63  }
0x64: {  	_ =	swait.ge [sflag:s15], $0x1000  }
0x65: {  	[sflag:s15] =	ssyncset.done $0x0  }
0x66: {  	[sflag:s15] =	ssyncadd.s32 $0xFFFFF000  }
0x67: {  	[spmem:s0] =	stream.linear.scatter [tilespmem:s16], [sflag:$0x1], $0x1000, $0x38;
	[tilespmem:$0x1B800] =	vst v63  }
0x68: {  	_ =	swait.ge [sflag:s15], $0x1000  }
0x69: {  	[sflag:s15] =	ssyncset.done $0x0  }
0x6a: {  	[sflag:s15] =	ssyncadd.s32 $0xFFFFF000  }
0x6b: {  	[spmem:s2] =	stream.linear.scatter [tilespmem:s16], [sflag:$0x1], $0x1000, $0x38;
	[tilespmem:$0x1B800] =	vst v63  }
0x6c: {  	_ =	swait.ge [sflag:s15], $0x1000  }
0x6d: {  	[sflag:s15] =	ssyncset.done $0x0  }
0x6e: {  	[sflag:s15] =	ssyncadd.s32 $0xFFFFF000  }
0x6f: {  	[spmem:s3] =	stream.linear.scatter [tilespmem:s16], [sflag:$0x1], $0x1000, $0x38;
	[tilespmem:$0x1B800] =	vst v63  }
0x70: {  	_ =	swait.ge [sflag:s15], $0x1000  }
0x71: {  	[sflag:s15] =	ssyncset.done $0x0  }
0x72: {  	[sflag:s15] =	ssyncadd.s32 $0xFFFFF000  }
0x73: {  	[spmem:s4] =	stream.linear.scatter [tilespmem:s16], [sflag:$0x1], $0x1000, $0x38;
	[tilespmem:$0x1B800] =	vst v63  }
0x74: {  	_ =	swait.ge [sflag:s15], $0x1000  }
0x75: {  	[sflag:s15] =	ssyncset.done $0x0  }
0x76: {  	[sflag:s15] =	ssyncadd.s32 $0xFFFFF000  }
0x77: {  	[spmem:s5] =	stream.linear.scatter [tilespmem:s16], [sflag:$0x1], $0x1000, $0x38;
	[tilespmem:$0x1B800] =	vst v63  }
0x78: {  	_ =	swait.ge [sflag:s15], $0x1000  }
0x79: {  	[sflag:s15] =	ssyncset.done $0x0  }
0x7a: {  	[sflag:s15] =	ssyncadd.s32 $0xFFFFF000  }
0x7b: {  	[spmem:s6] =	stream.linear.scatter [tilespmem:s16], [sflag:$0x1], $0x1000, $0x38;
	[tilespmem:$0x1B800] =	vst v63  }
0x7c: {  	_ =	swait.ge [sflag:s15], $0x1000  }
0x7d: {  	[sflag:s15] =	ssyncset.done $0x0  }
0x7e: {  	[sflag:s15] =	ssyncadd.s32 $0xFFFFF000  }
0x7f: {  	[spmem:s7] =	stream.linear.scatter [tilespmem:s16], [sflag:$0x1], $0x1000, $0x38;
	[tilespmem:$0x1B800] =	vst v63  }
0x80: {  	_ =	swait.ge [sflag:s15], $0x1000  }
0x81: {  	[sflag:s15] =	ssyncset.done $0x0  }
0x82: {  	[sflag:s15] =	ssyncadd.s32 $0xFFFFF000  }
0x83: {  	[spmem:s8] =	stream.linear.scatter [tilespmem:s16], [sflag:$0x1], $0x1000, $0x38;
	[tilespmem:$0x1B800] =	vst v63  }
0x84: {  	_ =	swait.ge [sflag:s15], $0x1000  }
0x85: {  	[sflag:s15] =	ssyncset.done $0x0  }
0x86: {  	[sflag:s15] =	ssyncadd.s32 $0xFFFFF000  }
0x87: {  	[spmem:s9] =	stream.linear.scatter [tilespmem:s16], [sflag:$0x1], $0x1000, $0x38;
	[tilespmem:$0x1B800] =	vst v63  }
0x88: {  	_ =	swait.ge [sflag:s15], $0x1000  }
0x89: {  	[sflag:s15] =	ssyncset.done $0x0  }
0x8a: {  	[sflag:s15] =	ssyncadd.s32 $0xFFFFF000  }
0x8b: {  	[spmem:s10] =	stream.linear.scatter [tilespmem:s16], [sflag:$0x1], $0x1000, $0x38;
	[tilespmem:$0x1B800] =	vst v63  }
0x8c: {  	_ =	swait.ge [sflag:s15], $0x1000  }
0x8d: {  	[sflag:s15] =	ssyncset.done $0x0  }
0x8e: {  	[sflag:s15] =	ssyncadd.s32 $0xFFFFF000  }
0x8f: {  	[spmem:s11] =	stream.linear.scatter [tilespmem:s16], [sflag:$0x1], $0x1000, $0x38;
	[tilespmem:$0x1B800] =	vst v63  }
0x90: {  	_ =	swait.ge [sflag:s15], $0x1000  }
0x91: {  	[sflag:s15] =	ssyncset.done $0x0  }
0x92: {  	[sflag:s15] =	ssyncadd.s32 $0xFFFFF000  }
0x93: {  	[spmem:s12] =	stream.linear.scatter [tilespmem:s16], [sflag:$0x1], $0x1000, $0x38;
	[tilespmem:$0x1B800] =	vst v63  }
0x94: {  	_ =	swait.ge [sflag:s15], $0x1000  }
0x95: {  	[sflag:s15] =	ssyncset.done $0x0  }
0x96: {  	[sflag:s15] =	ssyncadd.s32 $0xFFFFF000  }
0x97: {  	[spmem:s13] =	stream.linear.scatter [tilespmem:s16], [sflag:$0x1], $0x1000, $0x38;
	[tilespmem:$0x1B800] =	vst v63  }
0x98: {  	_ =	swait.ge [sflag:s15], $0x1000  }
0x99: {  	[sflag:s15] =	ssyncset.done $0x0  }
0x9a: {  	[sflag:s15] =	ssyncadd.s32 $0xFFFFF000  }
0x9b: {  	s14 =	simm.s32 $0x0;
	[bflag:$0x0] =	sbarrier.arrive $0xFFFF  }
0x9c: {  	[spmem:s23] =	stream.indirect.scatter.add.f32 [tilespmem:s18], [sflag:$0x1], $0x80, s14, s17, $0xb8;
	[tilespmem:$0x1B800] =	vst v63  }
0x9d: {  	_ =	swait.ge [sflag:s15], $0x3E80  }
0x9e: {  	s20 =	simm.s32 $0x200;
	[sflag:s15] =	ssyncset.done $0x0  }
.LBB2_6:
0x9f: {  	s14 =	sshra.s32 s20, $0x2;
	[sflag:s15] =	ssyncadd.s32 $0xFFFFC180;
	p0 =	sne.s32 s20, $0x9E00  }
0xa0: {  	[spmem:s23] =	stream.indirect.scatter.add.f32 [tilespmem:s18], [sflag:$0x1], $0x80, s14, s17, $0xb8;
	[tilespmem:$0x1B800] =	vst v63  }
.Ltmp2:
0xa1: {  	_ = 	snop;
	(pc) =	sbr.rel @p0 .LBB2_6-.Ltmp2, $4  }
0xa2: {  	_ = 	snop  }
0xa3: {  	s20 =	sadd.s32 $0x200, s20  }
0xa4: {  	_ =	swait.ge [sflag:s15], $0x3E80  }
0xa5: {  	[sflag:s15] =	ssyncset.done $0x0  }
0xa6: {  	[sflag:s15] =	ssyncadd.s32 $0xFFFFC180  }
0xa7: {  	[bflag:$0x0] =	sbarrier.arrive $0xFFFF  }
0xa8: {  	[tilespmem:s16], [sflag:$0x1] =	stream.linear.gather [spmem:s25], $0x1000, $0x38;
	[tilespmem:$0x1B800] =	vst v63  }
0xa9: {  	_ =	swait.ge [sflag:s15], $0x1000  }
0xaa: {  	[sflag:s15] =	ssyncset.done $0x0  }
0xab: {  	s14 =	rddreg [dreg:$0x5];
	[sflag:s15] =	ssyncadd.s32 $0xFFFFF000  }
0xac: {  	[hbm4b:s14+s1] =	stream.linear.scatter [tilespmem:s16], [sflag:$0x1], $0x1000, $0x38;
	[tilespmem:$0x1B800] =	vst v63  }
0xad: {  	_ =	swait.ge [sflag:s15], $0x1000  }
0xae: {  	[sflag:s15] =	ssyncset.done $0x0  }
0xaf: {  	[sflag:s15] =	ssyncadd.s32 $0xFFFFF000  }
0xb0: {  	[tilespmem:s16], [sflag:$0x1] =	stream.linear.gather [spmem:s26], $0x1000, $0x38;
	[tilespmem:$0x1B800] =	vst v63  }
0xb1: {  	_ =	swait.ge [sflag:s15], $0x1000  }
0xb2: {  	[sflag:s15] =	ssyncset.done $0x0  }
0xb3: {  	s22 =	rddreg [dreg:$0x6];
	[sflag:s15] =	ssyncadd.s32 $0xFFFFF000  }
0xb4: {  	[hbm4b:s22+s1] =	stream.linear.scatter [tilespmem:s16], [sflag:$0x1], $0x1000, $0x38;
	[tilespmem:$0x1B800] =	vst v63  }
0xb5: {  	_ =	swait.ge [sflag:s15], $0x1000  }
0xb6: {  	[sflag:s15] =	ssyncset.done $0x0  }
0xb7: {  	[sflag:s15] =	ssyncadd.s32 $0xFFFFF000  }
0xb8: {  	[tilespmem:s16], [sflag:$0x1] =	stream.linear.gather [spmem:s28], $0x1000, $0x38;
	[tilespmem:$0x1B800] =	vst v63  }
0xb9: {  	_ =	swait.ge [sflag:s15], $0x1000  }
0xba: {  	[sflag:s15] =	ssyncset.done $0x0  }
0xbb: {  	s24 =	rddreg [dreg:$0x7];
	[sflag:s15] =	ssyncadd.s32 $0xFFFFF000  }
0xbc: {  	[hbm4b:s24+s1] =	stream.linear.scatter [tilespmem:s16], [sflag:$0x1], $0x1000, $0x38;
	[tilespmem:$0x1B800] =	vst v63  }
0xbd: {  	_ =	swait.ge [sflag:s15], $0x1000  }
0xbe: {  	[sflag:s15] =	ssyncset.done $0x0  }
0xbf: {  	[sflag:s15] =	ssyncadd.s32 $0xFFFFF000  }
0xc0: {  	[tilespmem:s16], [sflag:$0x1] =	stream.linear.gather [spmem:s29], $0x1000, $0x38;
	[tilespmem:$0x1B800] =	vst v63  }
0xc1: {  	_ =	swait.ge [sflag:s15], $0x1000  }
0xc2: {  	[sflag:s15] =	ssyncset.done $0x0  }
0xc3: {  	s20 =	rddreg [dreg:$0x8];
	[sflag:s15] =	ssyncadd.s32 $0xFFFFF000  }
0xc4: {  	[hbm4b:s20+s1] =	stream.linear.scatter [tilespmem:s16], [sflag:$0x1], $0x1000, $0x38;
	[tilespmem:$0x1B800] =	vst v63  }
0xc5: {  	_ =	swait.ge [sflag:s15], $0x1000  }
0xc6: {  	[sflag:s15] =	ssyncset.done $0x0  }
0xc7: {  	[sflag:s15] =	ssyncadd.s32 $0xFFFFF000  }
0xc8: {  	[tilespmem:s16], [sflag:$0x1] =	stream.linear.gather [spmem:s30], $0x1000, $0x38;
	[tilespmem:$0x1B800] =	vst v63  }
0xc9: {  	_ =	swait.ge [sflag:s15], $0x1000  }
0xca: {  	[sflag:s15] =	ssyncset.done $0x0  }
0xcb: {  	s22 =	rddreg [dreg:$0x9];
	[sflag:s15] =	ssyncadd.s32 $0xFFFFF000  }
0xcc: {  	[hbm4b:s22+s1] =	stream.linear.scatter [tilespmem:s16], [sflag:$0x1], $0x1000, $0x38;
	[tilespmem:$0x1B800] =	vst v63  }
0xcd: {  	_ =	swait.ge [sflag:s15], $0x1000  }
0xce: {  	[sflag:s15] =	ssyncset.done $0x0  }
0xcf: {  	[sflag:s15] =	ssyncadd.s32 $0xFFFFF000  }
0xd0: {  	[tilespmem:s16], [sflag:$0x1] =	stream.linear.gather [spmem:s31], $0x1000, $0x38;
	[tilespmem:$0x1B800] =	vst v63  }
0xd1: {  	_ =	swait.ge [sflag:s15], $0x1000  }
0xd2: {  	[sflag:s15] =	ssyncset.done $0x0  }
0xd3: {  	s24 =	rddreg [dreg:$0xa];
	[sflag:s15] =	ssyncadd.s32 $0xFFFFF000  }
0xd4: {  	[hbm4b:s24+s1] =	stream.linear.scatter [tilespmem:s16], [sflag:$0x1], $0x1000, $0x38;
	[tilespmem:$0x1B800] =	vst v63  }
0xd5: {  	_ =	swait.ge [sflag:s15], $0x1000  }
0xd6: {  	[sflag:s15] =	ssyncset.done $0x0  }
0xd7: {  	[sflag:s15] =	ssyncadd.s32 $0xFFFFF000  }
0xd8: {  	[tilespmem:s16], [sflag:$0x1] =	stream.linear.gather [spmem:s21], $0x1000, $0x38;
	[tilespmem:$0x1B800] =	vst v63  }
0xd9: {  	_ =	swait.ge [sflag:s15], $0x1000  }
0xda: {  	[sflag:s15] =	ssyncset.done $0x0  }
0xdb: {  	s20 =	rddreg [dreg:$0xb];
	[sflag:s15] =	ssyncadd.s32 $0xFFFFF000  }
0xdc: {  	[hbm4b:s20+s1] =	stream.linear.scatter [tilespmem:s16], [sflag:$0x1], $0x1000, $0x38;
	[tilespmem:$0x1B800] =	vst v63  }
0xdd: {  	_ =	swait.ge [sflag:s15], $0x1000  }
0xde: {  	[sflag:s15] =	ssyncset.done $0x0  }
0xdf: {  	[sflag:s15] =	ssyncadd.s32 $0xFFFFF000  }
0xe0: {  	[tilespmem:s16], [sflag:$0x1] =	stream.linear.gather [spmem:s0], $0x1000, $0x38;
	[tilespmem:$0x1B800] =	vst v63  }
0xe1: {  	_ =	swait.ge [sflag:s15], $0x1000  }
0xe2: {  	[sflag:s15] =	ssyncset.done $0x0  }
0xe3: {  	s22 =	rddreg [dreg:$0xc];
	[sflag:s15] =	ssyncadd.s32 $0xFFFFF000  }
0xe4: {  	[hbm4b:s22+s1] =	stream.linear.scatter [tilespmem:s16], [sflag:$0x1], $0x1000, $0x38;
	[tilespmem:$0x1B800] =	vst v63  }
0xe5: {  	_ =	swait.ge [sflag:s15], $0x1000  }
0xe6: {  	[sflag:s15] =	ssyncset.done $0x0  }
0xe7: {  	[sflag:s15] =	ssyncadd.s32 $0xFFFFF000  }
0xe8: {  	[tilespmem:s16], [sflag:$0x1] =	stream.linear.gather [spmem:s2], $0x1000, $0x38;
	[tilespmem:$0x1B800] =	vst v63  }
0xe9: {  	_ =	swait.ge [sflag:s15], $0x1000  }
0xea: {  	[sflag:s15] =	ssyncset.done $0x0  }
0xeb: {  	s24 =	rddreg [dreg:$0xd];
	[sflag:s15] =	ssyncadd.s32 $0xFFFFF000  }
0xec: {  	[hbm4b:s24+s1] =	stream.linear.scatter [tilespmem:s16], [sflag:$0x1], $0x1000, $0x38;
	[tilespmem:$0x1B800] =	vst v63  }
0xed: {  	_ =	swait.ge [sflag:s15], $0x1000  }
0xee: {  	[sflag:s15] =	ssyncset.done $0x0  }
0xef: {  	[sflag:s15] =	ssyncadd.s32 $0xFFFFF000  }
0xf0: {  	[tilespmem:s16], [sflag:$0x1] =	stream.linear.gather [spmem:s3], $0x1000, $0x38;
	[tilespmem:$0x1B800] =	vst v63  }
0xf1: {  	_ =	swait.ge [sflag:s15], $0x1000  }
0xf2: {  	[sflag:s15] =	ssyncset.done $0x0  }
0xf3: {  	s20 =	rddreg [dreg:$0xe];
	[sflag:s15] =	ssyncadd.s32 $0xFFFFF000  }
0xf4: {  	[hbm4b:s20+s1] =	stream.linear.scatter [tilespmem:s16], [sflag:$0x1], $0x1000, $0x38;
	[tilespmem:$0x1B800] =	vst v63  }
0xf5: {  	_ =	swait.ge [sflag:s15], $0x1000  }
0xf6: {  	[sflag:s15] =	ssyncset.done $0x0  }
0xf7: {  	[sflag:s15] =	ssyncadd.s32 $0xFFFFF000  }
0xf8: {  	[tilespmem:s16], [sflag:$0x1] =	stream.linear.gather [spmem:s4], $0x1000, $0x38;
	[tilespmem:$0x1B800] =	vst v63  }
0xf9: {  	_ =	swait.ge [sflag:s15], $0x1000  }
0xfa: {  	[sflag:s15] =	ssyncset.done $0x0  }
0xfb: {  	s22 =	rddreg [dreg:$0xf];
	[sflag:s15] =	ssyncadd.s32 $0xFFFFF000  }
0xfc: {  	[hbm4b:s22+s1] =	stream.linear.scatter [tilespmem:s16], [sflag:$0x1], $0x1000, $0x38;
	[tilespmem:$0x1B800] =	vst v63  }
0xfd: {  	_ =	swait.ge [sflag:s15], $0x1000  }
0xfe: {  	[sflag:s15] =	ssyncset.done $0x0  }
0xff: {  	[sflag:s15] =	ssyncadd.s32 $0xFFFFF000  }
0x100: {  	[tilespmem:s16], [sflag:$0x1] =	stream.linear.gather [spmem:s5], $0x1000, $0x38;
	[tilespmem:$0x1B800] =	vst v63  }
0x101: {  	_ =	swait.ge [sflag:s15], $0x1000  }
0x102: {  	[sflag:s15] =	ssyncset.done $0x0  }
0x103: {  	s24 =	rddreg [dreg:$0x10];
	[sflag:s15] =	ssyncadd.s32 $0xFFFFF000  }
0x104: {  	[hbm4b:s24+s1] =	stream.linear.scatter [tilespmem:s16], [sflag:$0x1], $0x1000, $0x38;
	[tilespmem:$0x1B800] =	vst v63  }
0x105: {  	_ =	swait.ge [sflag:s15], $0x1000  }
0x106: {  	[sflag:s15] =	ssyncset.done $0x0  }
0x107: {  	[sflag:s15] =	ssyncadd.s32 $0xFFFFF000  }
0x108: {  	[tilespmem:s16], [sflag:$0x1] =	stream.linear.gather [spmem:s6], $0x1000, $0x38;
	[tilespmem:$0x1B800] =	vst v63  }
0x109: {  	_ =	swait.ge [sflag:s15], $0x1000  }
0x10a: {  	[sflag:s15] =	ssyncset.done $0x0  }
0x10b: {  	s20 =	rddreg [dreg:$0x11];
	[sflag:s15] =	ssyncadd.s32 $0xFFFFF000  }
0x10c: {  	[hbm4b:s20+s1] =	stream.linear.scatter [tilespmem:s16], [sflag:$0x1], $0x1000, $0x38;
	[tilespmem:$0x1B800] =	vst v63  }
0x10d: {  	_ =	swait.ge [sflag:s15], $0x1000  }
0x10e: {  	[sflag:s15] =	ssyncset.done $0x0  }
0x10f: {  	[sflag:s15] =	ssyncadd.s32 $0xFFFFF000  }
0x110: {  	[tilespmem:s16], [sflag:$0x1] =	stream.linear.gather [spmem:s7], $0x1000, $0x38;
	[tilespmem:$0x1B800] =	vst v63  }
0x111: {  	_ =	swait.ge [sflag:s15], $0x1000  }
0x112: {  	[sflag:s15] =	ssyncset.done $0x0  }
0x113: {  	s22 =	rddreg [dreg:$0x12];
	[sflag:s15] =	ssyncadd.s32 $0xFFFFF000  }
0x114: {  	[hbm4b:s22+s1] =	stream.linear.scatter [tilespmem:s16], [sflag:$0x1], $0x1000, $0x38;
	[tilespmem:$0x1B800] =	vst v63  }
0x115: {  	_ =	swait.ge [sflag:s15], $0x1000  }
0x116: {  	[sflag:s15] =	ssyncset.done $0x0  }
0x117: {  	[sflag:s15] =	ssyncadd.s32 $0xFFFFF000  }
0x118: {  	[tilespmem:s16], [sflag:$0x1] =	stream.linear.gather [spmem:s8], $0x1000, $0x38;
	[tilespmem:$0x1B800] =	vst v63  }
0x119: {  	_ =	swait.ge [sflag:s15], $0x1000  }
0x11a: {  	[sflag:s15] =	ssyncset.done $0x0  }
0x11b: {  	s24 =	rddreg [dreg:$0x13];
	[sflag:s15] =	ssyncadd.s32 $0xFFFFF000  }
0x11c: {  	[hbm4b:s24+s1] =	stream.linear.scatter [tilespmem:s16], [sflag:$0x1], $0x1000, $0x38;
	[tilespmem:$0x1B800] =	vst v63  }
0x11d: {  	_ =	swait.ge [sflag:s15], $0x1000  }
0x11e: {  	[sflag:s15] =	ssyncset.done $0x0  }
0x11f: {  	[sflag:s15] =	ssyncadd.s32 $0xFFFFF000  }
0x120: {  	[tilespmem:s16], [sflag:$0x1] =	stream.linear.gather [spmem:s9], $0x1000, $0x38;
	[tilespmem:$0x1B800] =	vst v63  }
0x121: {  	_ =	swait.ge [sflag:s15], $0x1000  }
0x122: {  	[sflag:s15] =	ssyncset.done $0x0  }
0x123: {  	s20 =	rddreg [dreg:$0x14];
	[sflag:s15] =	ssyncadd.s32 $0xFFFFF000  }
0x124: {  	[hbm4b:s20+s1] =	stream.linear.scatter [tilespmem:s16], [sflag:$0x1], $0x1000, $0x38;
	[tilespmem:$0x1B800] =	vst v63  }
0x125: {  	_ =	swait.ge [sflag:s15], $0x1000  }
0x126: {  	[sflag:s15] =	ssyncset.done $0x0  }
0x127: {  	[sflag:s15] =	ssyncadd.s32 $0xFFFFF000  }
0x128: {  	[tilespmem:s16], [sflag:$0x1] =	stream.linear.gather [spmem:s10], $0x1000, $0x38;
	[tilespmem:$0x1B800] =	vst v63  }
0x129: {  	_ =	swait.ge [sflag:s15], $0x1000  }
0x12a: {  	[sflag:s15] =	ssyncset.done $0x0  }
0x12b: {  	s22 =	rddreg [dreg:$0x15];
	[sflag:s15] =	ssyncadd.s32 $0xFFFFF000  }
0x12c: {  	[hbm4b:s22+s1] =	stream.linear.scatter [tilespmem:s16], [sflag:$0x1], $0x1000, $0x38;
	[tilespmem:$0x1B800] =	vst v63  }
0x12d: {  	_ =	swait.ge [sflag:s15], $0x1000  }
0x12e: {  	[sflag:s15] =	ssyncset.done $0x0  }
0x12f: {  	[sflag:s15] =	ssyncadd.s32 $0xFFFFF000  }
0x130: {  	[tilespmem:s16], [sflag:$0x1] =	stream.linear.gather [spmem:s11], $0x1000, $0x38;
	[tilespmem:$0x1B800] =	vst v63  }
0x131: {  	_ =	swait.ge [sflag:s15], $0x1000  }
0x132: {  	[sflag:s15] =	ssyncset.done $0x0  }
0x133: {  	s24 =	rddreg [dreg:$0x16];
	[sflag:s15] =	ssyncadd.s32 $0xFFFFF000  }
0x134: {  	[hbm4b:s24+s1] =	stream.linear.scatter [tilespmem:s16], [sflag:$0x1], $0x1000, $0x38;
	[tilespmem:$0x1B800] =	vst v63  }
0x135: {  	_ =	swait.ge [sflag:s15], $0x1000  }
0x136: {  	[sflag:s15] =	ssyncset.done $0x0  }
0x137: {  	[sflag:s15] =	ssyncadd.s32 $0xFFFFF000  }
0x138: {  	[tilespmem:s16], [sflag:$0x1] =	stream.linear.gather [spmem:s12], $0x1000, $0x38;
	[tilespmem:$0x1B800] =	vst v63  }
0x139: {  	_ =	swait.ge [sflag:s15], $0x1000  }
0x13a: {  	[sflag:s15] =	ssyncset.done $0x0  }
0x13b: {  	s20 =	rddreg [dreg:$0x17];
	[sflag:s15] =	ssyncadd.s32 $0xFFFFF000  }
0x13c: {  	[hbm4b:s20+s1] =	stream.linear.scatter [tilespmem:s16], [sflag:$0x1], $0x1000, $0x38;
	[tilespmem:$0x1B800] =	vst v63  }
0x13d: {  	_ =	swait.ge [sflag:s15], $0x1000  }
0x13e: {  	[sflag:s15] =	ssyncset.done $0x0  }
0x13f: {  	[sflag:s15] =	ssyncadd.s32 $0xFFFFF000  }
0x140: {  	[tilespmem:s16], [sflag:$0x1] =	stream.linear.gather [spmem:s13], $0x1000, $0x38;
	[tilespmem:$0x1B800] =	vst v63  }
0x141: {  	_ =	swait.ge [sflag:s15], $0x1000  }
0x142: {  	[sflag:s15] =	ssyncset.done $0x0  }
0x143: {  	s22 =	rddreg [dreg:$0x18];
	[sflag:s15] =	ssyncadd.s32 $0xFFFFF000  }
0x144: {  	[hbm4b:s22+s1] =	stream.linear.scatter [tilespmem:s16], [sflag:$0x1], $0x1000, $0x38;
	[tilespmem:$0x1B800] =	vst v63  }
0x145: {  	_ =	swait.ge [sflag:s15], $0x1000  }
0x146: {  	s19 =	sadd.s32 $0x1, s19;
	s24 =	rddreg [dreg:$0x19]  }
0x147: {  	p0 =	sne.s32 s19, s24  }
.Ltmp3:
0x148: {  	_ = 	snop;
	(pc) =	sbr.rel @p0 .LBB2_1-.Ltmp3, $3  }
0x149: {  	_ =	sdelay $0x1  }
0x14a: {  	[sflag:s15] =	ssyncset.done $0x0  }
0x14b: {  	[sflag:s15] =	ssyncadd.s32 $0xFFFFF000  }
0x14c: {  	_ =	sfence.sel $0x180000  }
0x14d: {  	[bflag:$0x0] =	sbarrier.arrive $0xFFFF  }
0x14e: {  	_ =	strace $0x90000047  }
0x14f: {  	s0 =	stileid.u32;
	[bflag:$0x2] =	sbarrier.arrive $0xFFFF  }
0x150: {  	p0 =	sne.s32 s0, $0x0;
	s0 =	rddreg [dreg:$0x3]  }
0x151: {  	s0 =	sadd.s32 @!p0 $0x100000, s0  }
0x152: {  	[sflag:s0] =	ssyncadd.tile.s32 @!p0 $0x1;
	_ =	shalt  }
.Lfunc_end2:
_tile_overlayer_lowered:
.L_overlay_start_2:
0x153: {  	(tag) =	ssettag $0x2  }
0x154: {  	s0 =	rddreg [dreg:$0x0];
	s2 =	stileid.u32  }
0x155: {  	s1 =	rddreg [dreg:$0x1];
	p0 =	sne.s32 s2, $0x0  }
0x156: {  	s3 =	rddreg [dreg:$0x2];
	[bflag:$0x3] =	sbarrier.arrive $0xFFFF;
	s2 =	simm.s32 @!p0 $0x1C01  }
0x157: {  	[timem:s3], [sflag:s2] =	dma.local @!p0 [hbm:s0], s1  }
0x158: {  	s0 =	simm.s32 @!p0 $0x1  }
0x159: {  	_ =	swait.ge @!p0 [sflag:s0], s1  }
0x15a: {  	s1 =	ssub.s32 @!p0 $0x0, s1;
	[sflag:s0] =	ssyncset.done @!p0 $0x0  }
0x15b: {  	[sflag:s0] =	ssyncadd.s32 @!p0 s1  }
0x15c: {  	[bflag:$0x3] =	sbarrier.arrive $0xFFFF  }
0x15d: {  	_ =	shalt  }

</sc_bundles>
